<compile_context>
chip_gen: v7x
topology: tpu7x:2x2x1
jax: 0.10.2.dev20260603
libtpu: 0.0.44.dev20260713+nightly
codegen_flags: <defaults>
</compile_context>

<pallas_src>
import functools

import jax
import jax.numpy as jnp
from jax import lax
from jax.experimental import pallas as pl
from jax.experimental.pallas import tpu as pltpu
from jax.experimental.pallas import tpu_sc as plsc

_E = 64
_D_IN = 1024
_D_OUT = 1024
_N = 4096
_BM = 128
_NBLK = _N // _BM + _E
_PADN = _NBLK * _BM

_NC = 2
_NS = 16
_NW = _NC * _NS
_CHUNK = _N // _NW
_SUB = 32

_mesh = plsc.VectorSubcoreMesh(core_axis_name="c", subcore_axis_name="s")


_RCH = _N // _NS
_NV = _RCH // 16


def _rank_tot(v, vv_v, iota):
    zero = jnp.zeros((16,), jnp.int32)
    vv_v[pl.ds(0, 16)] = v
    vv_v[pl.ds(16, 16)] = v

    def rot_body(r, carry):
        rank, tot = carry
        prev = vv_v[pl.ds(16 - r, 16)]
        eq = (prev == v).astype(jnp.int32)
        return rank + jnp.where(iota >= r, eq, zero), tot + eq

    rank, tot = jax.lax.fori_loop(1, 16, rot_body, (zero, zero))
    return rank, tot + 1


@functools.partial(
    pl.kernel,
    mesh=_mesh,
    compiler_params=pltpu.CompilerParams(needs_layout_passes=False),
    out_type=[
        jax.ShapeDtypeStruct((_N,), jnp.int32),
        jax.ShapeDtypeStruct((3 * _NBLK + 16,), jnp.int32),
        jax.ShapeDtypeStruct((_PADN, _D_IN), jnp.float32),
    ],
    scratch_types=[
        pltpu.VMEM((_RCH,), jnp.int32),
        pltpu.VMEM((_RCH,), jnp.int32),
        pltpu.VMEM((_RCH,), jnp.int32),
        pltpu.VMEM((_RCH,), jnp.int32),
        pltpu.VMEM((_E,), jnp.int32),
        pltpu.VMEM((_NS * _E,), jnp.int32),
        pltpu.VMEM((_E,), jnp.int32),
        pltpu.VMEM((3 * _NBLK + 16,), jnp.int32),
        pltpu.VMEM((32,), jnp.int32),
        pltpu.VMEM((_E // 16 * 32,), jnp.int32),
        pltpu.VMEM_SHARED((_NS * _E,), jnp.int32),
        pltpu.VMEM((_SUB,), jnp.int32),
        pltpu.VMEM((_SUB,), jnp.int32),
        pltpu.VMEM((_SUB, _D_IN), jnp.float32),
        pltpu.VMEM((_SUB, _D_IN), jnp.float32),
        pltpu.SemaphoreType.DMA,
        pltpu.SemaphoreType.DMA,
    ],
)
def _sc_route(ids_hbm, x_hbm, ppos_hbm, be_hbm, xpad_hbm, ids_v, rank_v,
              tot_v, ppos_v, hist_v, histall_v, base_v, be_v, vv_v, psd_v,
              hist_sh, idx0, idx1, rows0, rows1, sem0, sem1):
    cid = lax.axis_index("c")
    wid = lax.axis_index("s")
    iota = jax.lax.iota(jnp.int32, 16)
    base_tok = wid * _RCH

    pltpu.sync_copy(ids_hbm.at[pl.ds(base_tok, _RCH)], ids_v)
    for g in range(_E // 16):
        hist_v[pl.ds(g * 16, 16)] = jnp.zeros((16,), jnp.int32)

    for k in range(_NV):
        v = ids_v[pl.ds(k * 16, 16)]
        rank, tot = _rank_tot(v, vv_v, iota)
        rank_v[pl.ds(k * 16, 16)] = rank
        tot_v[pl.ds(k * 16, 16)] = tot
        plsc.addupdate_scatter(hist_v, [v], tot, mask=rank == tot - 1)

    pltpu.sync_copy(hist_v, hist_sh.at[pl.ds(wid * _E, _E)])
    plsc.subcore_barrier()
    pltpu.sync_copy(hist_sh, histall_v)

    cnts = []
    parts = []
    for g in range(_E // 16):
        def w_body(w, carry, g=g):
            c, p = carry
            h = histall_v[pl.ds(w * _E + g * 16, 16)]
            return c + h, p + jnp.where(w < wid, h, jnp.zeros((16,), jnp.int32))

        c_g, p_g = jax.lax.fori_loop(
            0, _NS, w_body,
            (jnp.zeros((16,), jnp.int32), jnp.zeros((16,), jnp.int32)))
        cnts.append(c_g)
        parts.append(p_g)

    carry = jnp.int32(0)
    pstarts = []
    for g in range(_E // 16):
        pb = (cnts[g] + _BM - 1) // _BM
        s = plsc.cumsum(pb)
        pstarts.append(s - pb + carry)
        carry = carry + jnp.sum(pb)
    for g in range(_E // 16):
        base_v[pl.ds(g * 16, 16)] = pstarts[g] * _BM + parts[g]

    nreal = carry
    @pl.when((cid == 0) & (wid == 0))
    def _():
        for g in range(_E // 16):
            psd_v[pl.ds(g * 32, 16)] = pstarts[g]
            psd_v[pl.ds(g * 32 + 16, 16)] = pstarts[g]
        for ti in range(_NBLK // 16):
            tvec = iota + ti * 16
            live = tvec < nreal
            tvec2 = jnp.minimum(tvec, nreal - 1)
            bev = jnp.full((16,), -1, jnp.int32)
            for g in range(_E // 16):
                def rot_be(r, acc, g=g, tvec2=tvec2):
                    psr = psd_v[pl.ds(g * 32 + r, 16)]
                    return acc + (psr <= tvec2).astype(jnp.int32)

                bev = jax.lax.fori_loop(0, 16, rot_be, bev)
            be_v[pl.ds(ti * 16, 16)] = bev
            be_v[pl.ds(_NBLK + ti * 16, 16)] = jnp.where(
                live, tvec, jnp.zeros((16,), jnp.int32))
            be_v[pl.ds(2 * _NBLK + ti * 16, 16)] = jnp.where(
                live, tvec, jnp.full((16,), _NBLK - 1, jnp.int32))
        be_v[pl.ds(3 * _NBLK, 16)] = jnp.full((16,), 1, jnp.int32) * nreal
        pltpu.sync_copy(be_v, be_hbm)

    for k in range(_NV):
        v = ids_v[pl.ds(k * 16, 16)]
        rank = rank_v[pl.ds(k * 16, 16)]
        tot = tot_v[pl.ds(k * 16, 16)]
        b = plsc.load_gather(base_v, [v])
        pos = b + rank
        ppos_v[pl.ds(k * 16, 16)] = pos
        plsc.store_scatter(base_v, [v], pos + (tot - rank), mask=rank == tot - 1)

    @pl.when(cid == 0)
    def _():
        pltpu.sync_copy(ppos_v, ppos_hbm.at[pl.ds(base_tok, _RCH)])

    half = _RCH // _NC
    tok0 = base_tok + cid * half
    loc0 = cid * half
    bufs = ((idx0, rows0, sem0), (idx1, rows1, sem1))
    pending = [None, None]
    for c in range(half // _SUB):
        b = c % 2
        idx_v, rows_v, sem = bufs[b]
        if pending[b] is not None:
            pending[b].wait()
        for h in range(_SUB // 16):
            idx_v[pl.ds(h * 16, 16)] = ppos_v[pl.ds(loc0 + c * _SUB + h * 16, 16)]
        pltpu.sync_copy(x_hbm.at[pl.ds(tok0 + c * _SUB, _SUB)], rows_v)
        pending[b] = pltpu.async_copy(rows_v, xpad_hbm.at[idx_v], sem)
    for p in pending:
        p.wait()


@functools.partial(
    pl.kernel,
    mesh=_mesh,
    out_type=jax.ShapeDtypeStruct((_N, _D_OUT), jnp.float32),
    scratch_types=[
        pltpu.VMEM((_SUB,), jnp.int32),
        pltpu.VMEM((_SUB,), jnp.int32),
        pltpu.VMEM((_SUB, _D_OUT), jnp.float32),
        pltpu.VMEM((_SUB, _D_OUT), jnp.float32),
        pltpu.SemaphoreType.DMA,
        pltpu.SemaphoreType.DMA,
    ],
)
def _sc_combine(ypad_hbm, ppos_hbm, out_hbm, idx0, idx1, rows0, rows1,
                sem0, sem1):
    wid = lax.axis_index("s") * _NC + lax.axis_index("c")
    base = wid * _CHUNK
    bufs = ((idx0, rows0, sem0), (idx1, rows1, sem1))
    pending = [None, None]
    offs = [0, 0]
    for c in range(_CHUNK // _SUB):
        b = c % 2
        idx_v, rows_v, sem = bufs[b]
        if pending[b] is not None:
            pending[b].wait()
            pltpu.sync_copy(rows_v, out_hbm.at[pl.ds(offs[b], _SUB)])
        off = base + c * _SUB
        pltpu.sync_copy(ppos_hbm.at[pl.ds(off, _SUB)], idx_v)
        pending[b] = pltpu.async_copy(ypad_hbm.at[idx_v], rows_v, sem)
        offs[b] = off
    for b in (0, 1):
        idx_v, rows_v, sem = bufs[b]
        pending[b].wait()
        pltpu.sync_copy(rows_v, out_hbm.at[pl.ds(offs[b], _SUB)])


_WSPLIT = 1


def _gmm_body(be_ref, x_ref, *rest):
    w_refs = rest[:_WSPLIT]
    b_ref = rest[_WSPLIT]
    o_ref = rest[_WSPLIT + 1]

    @pl.when(pl.program_id(0) < be_ref[3 * _NBLK])
    def _():
        xb = x_ref[...].astype(jnp.bfloat16)
        brow = b_ref[0, 0].astype(jnp.bfloat16)
        piece = _D_OUT // _WSPLIT
        for i, w_ref in enumerate(w_refs):
            wb = w_ref[0, 0].astype(jnp.bfloat16)
            acc = jax.lax.dot_general(
                xb, wb,
                dimension_numbers=(((1,), (1,)), ((), ())),
                preferred_element_type=jnp.float32,
            )
            y = acc.astype(jnp.bfloat16) + brow[i * piece:(i + 1) * piece]
            o_ref[:, i * piece:(i + 1) * piece] = y.astype(jnp.float32)


def _grouped_matmul(block_expert, x_pad, weight, bias):
    w4 = weight.reshape(_E, _WSPLIT, _D_OUT // _WSPLIT, _D_IN)

    def wspec(i):
        return pl.BlockSpec((1, 1, _D_OUT // _WSPLIT, _D_IN),
                            lambda t, m, i=i: (m[t], i, 0, 0))

    grid_spec = pltpu.PrefetchScalarGridSpec(
        num_scalar_prefetch=1,
        grid=(_NBLK,),
        in_specs=[
            pl.BlockSpec((_BM, _D_IN), lambda t, m: (m[_NBLK + t], 0)),
            *[wspec(i) for i in range(_WSPLIT)],
            pl.BlockSpec((1, 1, _D_OUT), lambda t, m: (m[t], 0, 0)),
        ],
        out_specs=pl.BlockSpec((_BM, _D_OUT), lambda t, m: (m[2 * _NBLK + t], 0)),
    )
    return pl.pallas_call(
        _gmm_body,
        grid_spec=grid_spec,
        out_shape=jax.ShapeDtypeStruct((_PADN, _D_OUT), jnp.float32),
    )(block_expert, x_pad, *([w4] * _WSPLIT), bias.reshape(_E, 1, _D_OUT))


def kernel(x, ids, weight, bias):
    ids = ids.reshape(-1).astype(jnp.int32)

    ppos, block_expert, x_pad = _sc_route(ids, x.reshape(-1, _D_IN))
    y_pad = _grouped_matmul(block_expert, x_pad, weight, bias)
    out = _sc_combine(y_pad, ppos)
    return out.reshape(x.shape[:-1] + (_D_OUT,))

# --- scband reference (transcript-rebuilt; emitter-appended) ---
"""Pipeline reference for scband-dmo-elinear-35622458753638 (READ-ONLY COPY).

The authoritative reference and input builder live on the scoring server;
editing this copy changes nothing except your own understanding.
"""

import jax, jax.numpy as jnp
import numpy as np
import math

E = 64
D_IN = 1024
D_OUT = 1024
N = 4096


def setup_inputs(seed: int = 0) -> dict:
    key = jax.random.key(seed)
    k1, k2, k3, k4 = jax.random.split(key, 4)
    x = jax.random.normal(k1, (N, D_IN), dtype=jnp.float32)
    ids = jax.random.randint(k2, (N,), 0, E, dtype=jnp.int32)
    bound = 1.0 / math.sqrt(D_IN)
    weight = jax.random.uniform(k3, (E, D_OUT, D_IN), dtype=jnp.float32, minval=-bound, maxval=bound)
    bias = jax.random.uniform(k4, (E, D_OUT), dtype=jnp.float32, minval=-bound, maxval=bound)
    return {"x": x, "ids": ids, "weight": weight, "bias": bias}


def reference(x, ids, weight, bias):
    # preprocess: sort tokens by expert id
    ids_flat = ids.reshape(-1)
    order = jnp.argsort(ids_flat)  # ids_indices
    ids_sorted = ids_flat[order]
    x_sorted = x.reshape(-1, D_IN)[order]

    # forward: grouped matmul (gmm with trans_b=True) in bfloat16
    xb = x_sorted.astype(jnp.bfloat16)
    wb = weight.astype(jnp.bfloat16)

    def body(carry, inp):
        e, w = inp
        out_e = xb @ w.T
        mask = (ids_sorted == e)[:, None]
        carry = jnp.where(mask, out_e, carry)
        return carry, None

    y0 = jnp.zeros((xb.shape[0], D_OUT), dtype=jnp.bfloat16)
    y, _ = jax.lax.scan(body, y0, (jnp.arange(E, dtype=ids_sorted.dtype), wb))
    y = y + bias[ids_sorted].astype(jnp.bfloat16)

    # postprocess: scatter back to original token order
    out = jnp.zeros_like(y).at[order].set(y)
    out = out.reshape(x.shape[:-1] + (D_OUT,))
    return out.astype(jnp.float32)

if __name__ == "__main__":
    import jax
    _d = setup_inputs()
    print(jax.jit(kernel)(*tuple(_d.values())))

</pallas_src>

<mosaic_0001>
#map = affine_map<(d0, d1) -> (0, 0)>
#map1 = affine_map<(d0, d1) -> (0)>
module attributes {stable_mosaic.version = 14 : i64} {
  func.func @_sc_combine(%arg0: i32, %arg1: i32, %arg2: memref<12288x1024xf32, #tpu.memory_space<hbm>>, %arg3: memref<4096xi32, #tpu.memory_space<hbm>>, %arg4: memref<4096x1024xf32, #tpu.memory_space<hbm>>, %arg5: memref<32xi32, #tpu.memory_space<vmem>>, %arg6: memref<32xi32, #tpu.memory_space<vmem>>, %arg7: memref<32x1024xf32, #tpu.memory_space<vmem>>, %arg8: memref<32x1024xf32, #tpu.memory_space<vmem>>, %arg9: memref<!tpu.dma_semaphore, #tpu.memory_space<semaphore_mem>>, %arg10: memref<!tpu.dma_semaphore, #tpu.memory_space<semaphore_mem>>) attributes {dimension_semantics = [#tpu.dimension_semantics<core_parallel>, #tpu.dimension_semantics<subcore_parallel>], iteration_bounds = array<i64: 2, 16>, scalar_prefetch = 0 : i64, scratch_operands = 6 : i64, tpu.core_type = #tpu.core_type<sc_vector_subcore>, window_params = [{transform_indices = #map}, {transform_indices = #map1}, {transform_indices = #map}]} {
    %mul3A = arith.constant 2 : i32
    %mul3A_0 = arith.muli %arg1, %mul3A : i32
    %add3A = arith.addi %mul3A_0, %arg0 : i32
    %mul3A_1 = arith.constant 128 : i32
    %mul3A_2 = arith.muli %add3A, %mul3A_1 : i32
    %add3A_3 = arith.constant 0 : i32
    %add3A_4 = arith.addi %mul3A_2, %add3A_3 : i32
    "tpu.region"() ({
      %run_scoped3A = tpu.sem_alloc : memref<!tpu.dma_semaphore, #tpu.memory_space<semaphore_mem>>
      %dma_start3A_33 = tpu.memref_slice %arg3[%add3A_4] : memref<4096xi32, #tpu.memory_space<hbm>> -> memref<32xi32, #tpu.memory_space<hbm>>
      %dma_start3A_34 = tpu.memref_slice %arg3[%add3A_4] : memref<4096xi32, #tpu.memory_space<hbm>> -> memref<32xi32, #tpu.memory_space<hbm>>
      tpu.enqueue_dma source(%dma_start3A_34 : memref<32xi32, #tpu.memory_space<hbm>>) target(%arg5 : memref<32xi32, #tpu.memory_space<vmem>>) target_semaphore(%run_scoped3A : memref<!tpu.dma_semaphore, #tpu.memory_space<semaphore_mem>>)
      %dma_wait3A_35 = tpu.memref_slice %arg3[%add3A_4] : memref<4096xi32, #tpu.memory_space<hbm>> -> memref<32xi32, #tpu.memory_space<hbm>>
      %dma_wait3A_36 = tpu.memref_slice %arg3[%add3A_4] : memref<4096xi32, #tpu.memory_space<hbm>> -> memref<32xi32, #tpu.memory_space<hbm>>
      tpu.wait_dma2 semaphore(%run_scoped3A : memref<!tpu.dma_semaphore, #tpu.memory_space<semaphore_mem>>) src(%dma_wait3A_36 : memref<32xi32, #tpu.memory_space<hbm>>) dst(%arg5 : memref<32xi32, #tpu.memory_space<vmem>>)
      tpu.yield
    }) : () -> ()
    %dma_start3A = arith.constant 0 : i32
    %dma_start3A_5 = arith.constant 0 : i32
    %dma_start3A_6 = tpu.memref_slice %arg2[%dma_start3A, %dma_start3A_5] : memref<12288x1024xf32, #tpu.memory_space<hbm>> -> memref<12288x1024xf32, #tpu.memory_space<hbm>>
    tpu.enqueue_indirect_dma source(%dma_start3A_6 : memref<12288x1024xf32, #tpu.memory_space<hbm>>) target(%arg7 : memref<32x1024xf32, #tpu.memory_space<vmem>>) offsets(%arg5 : memref<32xi32, #tpu.memory_space<vmem>>) semaphore(%arg9 : memref<!tpu.dma_semaphore, #tpu.memory_space<semaphore_mem>>)
    %add3A_7 = arith.constant 32 : i32
    %add3A_8 = arith.addi %mul3A_2, %add3A_7 : i32
    "tpu.region"() ({
      %run_scoped3A = tpu.sem_alloc : memref<!tpu.dma_semaphore, #tpu.memory_space<semaphore_mem>>
      %dma_start3A_33 = tpu.memref_slice %arg3[%add3A_8] : memref<4096xi32, #tpu.memory_space<hbm>> -> memref<32xi32, #tpu.memory_space<hbm>>
      %dma_start3A_34 = tpu.memref_slice %arg3[%add3A_8] : memref<4096xi32, #tpu.memory_space<hbm>> -> memref<32xi32, #tpu.memory_space<hbm>>
      tpu.enqueue_dma source(%dma_start3A_34 : memref<32xi32, #tpu.memory_space<hbm>>) target(%arg6 : memref<32xi32, #tpu.memory_space<vmem>>) target_semaphore(%run_scoped3A : memref<!tpu.dma_semaphore, #tpu.memory_space<semaphore_mem>>)
      %dma_wait3A_35 = tpu.memref_slice %arg3[%add3A_8] : memref<4096xi32, #tpu.memory_space<hbm>> -> memref<32xi32, #tpu.memory_space<hbm>>
      %dma_wait3A_36 = tpu.memref_slice %arg3[%add3A_8] : memref<4096xi32, #tpu.memory_space<hbm>> -> memref<32xi32, #tpu.memory_space<hbm>>
      tpu.wait_dma2 semaphore(%run_scoped3A : memref<!tpu.dma_semaphore, #tpu.memory_space<semaphore_mem>>) src(%dma_wait3A_36 : memref<32xi32, #tpu.memory_space<hbm>>) dst(%arg6 : memref<32xi32, #tpu.memory_space<vmem>>)
      tpu.yield
    }) : () -> ()
    %dma_start3A_9 = arith.constant 0 : i32
    %dma_start3A_10 = arith.constant 0 : i32
    %dma_start3A_11 = tpu.memref_slice %arg2[%dma_start3A_9, %dma_start3A_10] : memref<12288x1024xf32, #tpu.memory_space<hbm>> -> memref<12288x1024xf32, #tpu.memory_space<hbm>>
    tpu.enqueue_indirect_dma source(%dma_start3A_11 : memref<12288x1024xf32, #tpu.memory_space<hbm>>) target(%arg8 : memref<32x1024xf32, #tpu.memory_space<vmem>>) offsets(%arg6 : memref<32xi32, #tpu.memory_space<vmem>>) semaphore(%arg10 : memref<!tpu.dma_semaphore, #tpu.memory_space<semaphore_mem>>)
    %dma_wait3A = arith.constant 0 : i32
    %dma_wait3A_12 = arith.constant 0 : i32
    %dma_wait3A_13 = tpu.memref_slice %arg2[%dma_wait3A, %dma_wait3A_12] : memref<12288x1024xf32, #tpu.memory_space<hbm>> -> memref<12288x1024xf32, #tpu.memory_space<hbm>>
    tpu.wait_indirect_dma semaphore(%arg9 : memref<!tpu.dma_semaphore, #tpu.memory_space<semaphore_mem>>) src(%dma_wait3A_13 : memref<12288x1024xf32, #tpu.memory_space<hbm>>) dst(%arg7 : memref<32x1024xf32, #tpu.memory_space<vmem>>)
    "tpu.region"() ({
      %run_scoped3A = tpu.sem_alloc : memref<!tpu.dma_semaphore, #tpu.memory_space<semaphore_mem>>
      %dma_start3A_33 = arith.constant 0 : i32
      %dma_start3A_34 = tpu.memref_slice %arg4[%add3A_4, %dma_start3A_33] : memref<4096x1024xf32, #tpu.memory_space<hbm>> -> memref<32x1024xf32, #tpu.memory_space<hbm>>
      %dma_start3A_35 = arith.constant 0 : i32
      %dma_start3A_36 = tpu.memref_slice %arg4[%add3A_4, %dma_start3A_35] : memref<4096x1024xf32, #tpu.memory_space<hbm>> -> memref<32x1024xf32, #tpu.memory_space<hbm>>
      tpu.enqueue_dma source(%arg7 : memref<32x1024xf32, #tpu.memory_space<vmem>>) target(%dma_start3A_36 : memref<32x1024xf32, #tpu.memory_space<hbm>>) target_semaphore(%run_scoped3A : memref<!tpu.dma_semaphore, #tpu.memory_space<semaphore_mem>>)
      %dma_wait3A_37 = arith.constant 0 : i32
      %dma_wait3A_38 = tpu.memref_slice %arg4[%add3A_4, %dma_wait3A_37] : memref<4096x1024xf32, #tpu.memory_space<hbm>> -> memref<32x1024xf32, #tpu.memory_space<hbm>>
      %dma_wait3A_39 = arith.constant 0 : i32
      %dma_wait3A_40 = tpu.memref_slice %arg4[%add3A_4, %dma_wait3A_39] : memref<4096x1024xf32, #tpu.memory_space<hbm>> -> memref<32x1024xf32, #tpu.memory_space<hbm>>
      tpu.wait_dma2 semaphore(%run_scoped3A : memref<!tpu.dma_semaphore, #tpu.memory_space<semaphore_mem>>) src(%arg7 : memref<32x1024xf32, #tpu.memory_space<vmem>>) dst(%dma_wait3A_40 : memref<32x1024xf32, #tpu.memory_space<hbm>>)
      tpu.yield
    }) : () -> ()
    %add3A_14 = arith.constant 64 : i32
    %add3A_15 = arith.addi %mul3A_2, %add3A_14 : i32
    "tpu.region"() ({
      %run_scoped3A = tpu.sem_alloc : memref<!tpu.dma_semaphore, #tpu.memory_space<semaphore_mem>>
      %dma_start3A_33 = tpu.memref_slice %arg3[%add3A_15] : memref<4096xi32, #tpu.memory_space<hbm>> -> memref<32xi32, #tpu.memory_space<hbm>>
      %dma_start3A_34 = tpu.memref_slice %arg3[%add3A_15] : memref<4096xi32, #tpu.memory_space<hbm>> -> memref<32xi32, #tpu.memory_space<hbm>>
      tpu.enqueue_dma source(%dma_start3A_34 : memref<32xi32, #tpu.memory_space<hbm>>) target(%arg5 : memref<32xi32, #tpu.memory_space<vmem>>) target_semaphore(%run_scoped3A : memref<!tpu.dma_semaphore, #tpu.memory_space<semaphore_mem>>)
      %dma_wait3A_35 = tpu.memref_slice %arg3[%add3A_15] : memref<4096xi32, #tpu.memory_space<hbm>> -> memref<32xi32, #tpu.memory_space<hbm>>
      %dma_wait3A_36 = tpu.memref_slice %arg3[%add3A_15] : memref<4096xi32, #tpu.memory_space<hbm>> -> memref<32xi32, #tpu.memory_space<hbm>>
      tpu.wait_dma2 semaphore(%run_scoped3A : memref<!tpu.dma_semaphore, #tpu.memory_space<semaphore_mem>>) src(%dma_wait3A_36 : memref<32xi32, #tpu.memory_space<hbm>>) dst(%arg5 : memref<32xi32, #tpu.memory_space<vmem>>)
      tpu.yield
    }) : () -> ()
    %dma_start3A_16 = arith.constant 0 : i32
    %dma_start3A_17 = arith.constant 0 : i32
    %dma_start3A_18 = tpu.memref_slice %arg2[%dma_start3A_16, %dma_start3A_17] : memref<12288x1024xf32, #tpu.memory_space<hbm>> -> memref<12288x1024xf32, #tpu.memory_space<hbm>>
    tpu.enqueue_indirect_dma source(%dma_start3A_18 : memref<12288x1024xf32, #tpu.memory_space<hbm>>) target(%arg7 : memref<32x1024xf32, #tpu.memory_space<vmem>>) offsets(%arg5 : memref<32xi32, #tpu.memory_space<vmem>>) semaphore(%arg9 : memref<!tpu.dma_semaphore, #tpu.memory_space<semaphore_mem>>)
    %dma_wait3A_19 = arith.constant 0 : i32
    %dma_wait3A_20 = arith.constant 0 : i32
    %dma_wait3A_21 = tpu.memref_slice %arg2[%dma_wait3A_19, %dma_wait3A_20] : memref<12288x1024xf32, #tpu.memory_space<hbm>> -> memref<12288x1024xf32, #tpu.memory_space<hbm>>
    tpu.wait_indirect_dma semaphore(%arg10 : memref<!tpu.dma_semaphore, #tpu.memory_space<semaphore_mem>>) src(%dma_wait3A_21 : memref<12288x1024xf32, #tpu.memory_space<hbm>>) dst(%arg8 : memref<32x1024xf32, #tpu.memory_space<vmem>>)
    "tpu.region"() ({
      %run_scoped3A = tpu.sem_alloc : memref<!tpu.dma_semaphore, #tpu.memory_space<semaphore_mem>>
      %dma_start3A_33 = arith.constant 0 : i32
      %dma_start3A_34 = tpu.memref_slice %arg4[%add3A_8, %dma_start3A_33] : memref<4096x1024xf32, #tpu.memory_space<hbm>> -> memref<32x1024xf32, #tpu.memory_space<hbm>>
      %dma_start3A_35 = arith.constant 0 : i32
      %dma_start3A_36 = tpu.memref_slice %arg4[%add3A_8, %dma_start3A_35] : memref<4096x1024xf32, #tpu.memory_space<hbm>> -> memref<32x1024xf32, #tpu.memory_space<hbm>>
      tpu.enqueue_dma source(%arg8 : memref<32x1024xf32, #tpu.memory_space<vmem>>) target(%dma_start3A_36 : memref<32x1024xf32, #tpu.memory_space<hbm>>) target_semaphore(%run_scoped3A : memref<!tpu.dma_semaphore, #tpu.memory_space<semaphore_mem>>)
      %dma_wait3A_37 = arith.constant 0 : i32
      %dma_wait3A_38 = tpu.memref_slice %arg4[%add3A_8, %dma_wait3A_37] : memref<4096x1024xf32, #tpu.memory_space<hbm>> -> memref<32x1024xf32, #tpu.memory_space<hbm>>
      %dma_wait3A_39 = arith.constant 0 : i32
      %dma_wait3A_40 = tpu.memref_slice %arg4[%add3A_8, %dma_wait3A_39] : memref<4096x1024xf32, #tpu.memory_space<hbm>> -> memref<32x1024xf32, #tpu.memory_space<hbm>>
      tpu.wait_dma2 semaphore(%run_scoped3A : memref<!tpu.dma_semaphore, #tpu.memory_space<semaphore_mem>>) src(%arg8 : memref<32x1024xf32, #tpu.memory_space<vmem>>) dst(%dma_wait3A_40 : memref<32x1024xf32, #tpu.memory_space<hbm>>)
      tpu.yield
    }) : () -> ()
    %add3A_22 = arith.constant 96 : i32
    %add3A_23 = arith.addi %mul3A_2, %add3A_22 : i32
    "tpu.region"() ({
      %run_scoped3A = tpu.sem_alloc : memref<!tpu.dma_semaphore, #tpu.memory_space<semaphore_mem>>
      %dma_start3A_33 = tpu.memref_slice %arg3[%add3A_23] : memref<4096xi32, #tpu.memory_space<hbm>> -> memref<32xi32, #tpu.memory_space<hbm>>
      %dma_start3A_34 = tpu.memref_slice %arg3[%add3A_23] : memref<4096xi32, #tpu.memory_space<hbm>> -> memref<32xi32, #tpu.memory_space<hbm>>
      tpu.enqueue_dma source(%dma_start3A_34 : memref<32xi32, #tpu.memory_space<hbm>>) target(%arg6 : memref<32xi32, #tpu.memory_space<vmem>>) target_semaphore(%run_scoped3A : memref<!tpu.dma_semaphore, #tpu.memory_space<semaphore_mem>>)
      %dma_wait3A_35 = tpu.memref_slice %arg3[%add3A_23] : memref<4096xi32, #tpu.memory_space<hbm>> -> memref<32xi32, #tpu.memory_space<hbm>>
      %dma_wait3A_36 = tpu.memref_slice %arg3[%add3A_23] : memref<4096xi32, #tpu.memory_space<hbm>> -> memref<32xi32, #tpu.memory_space<hbm>>
      tpu.wait_dma2 semaphore(%run_scoped3A : memref<!tpu.dma_semaphore, #tpu.memory_space<semaphore_mem>>) src(%dma_wait3A_36 : memref<32xi32, #tpu.memory_space<hbm>>) dst(%arg6 : memref<32xi32, #tpu.memory_space<vmem>>)
      tpu.yield
    }) : () -> ()
    %dma_start3A_24 = arith.constant 0 : i32
    %dma_start3A_25 = arith.constant 0 : i32
    %dma_start3A_26 = tpu.memref_slice %arg2[%dma_start3A_24, %dma_start3A_25] : memref<12288x1024xf32, #tpu.memory_space<hbm>> -> memref<12288x1024xf32, #tpu.memory_space<hbm>>
    tpu.enqueue_indirect_dma source(%dma_start3A_26 : memref<12288x1024xf32, #tpu.memory_space<hbm>>) target(%arg8 : memref<32x1024xf32, #tpu.memory_space<vmem>>) offsets(%arg6 : memref<32xi32, #tpu.memory_space<vmem>>) semaphore(%arg10 : memref<!tpu.dma_semaphore, #tpu.memory_space<semaphore_mem>>)
    %dma_wait3A_27 = arith.constant 0 : i32
    %dma_wait3A_28 = arith.constant 0 : i32
    %dma_wait3A_29 = tpu.memref_slice %arg2[%dma_wait3A_27, %dma_wait3A_28] : memref<12288x1024xf32, #tpu.memory_space<hbm>> -> memref<12288x1024xf32, #tpu.memory_space<hbm>>
    tpu.wait_indirect_dma semaphore(%arg9 : memref<!tpu.dma_semaphore, #tpu.memory_space<semaphore_mem>>) src(%dma_wait3A_29 : memref<12288x1024xf32, #tpu.memory_space<hbm>>) dst(%arg7 : memref<32x1024xf32, #tpu.memory_space<vmem>>)
    "tpu.region"() ({
      %run_scoped3A = tpu.sem_alloc : memref<!tpu.dma_semaphore, #tpu.memory_space<semaphore_mem>>
      %dma_start3A_33 = arith.constant 0 : i32
      %dma_start3A_34 = tpu.memref_slice %arg4[%add3A_15, %dma_start3A_33] : memref<4096x1024xf32, #tpu.memory_space<hbm>> -> memref<32x1024xf32, #tpu.memory_space<hbm>>
      %dma_start3A_35 = arith.constant 0 : i32
      %dma_start3A_36 = tpu.memref_slice %arg4[%add3A_15, %dma_start3A_35] : memref<4096x1024xf32, #tpu.memory_space<hbm>> -> memref<32x1024xf32, #tpu.memory_space<hbm>>
      tpu.enqueue_dma source(%arg7 : memref<32x1024xf32, #tpu.memory_space<vmem>>) target(%dma_start3A_36 : memref<32x1024xf32, #tpu.memory_space<hbm>>) target_semaphore(%run_scoped3A : memref<!tpu.dma_semaphore, #tpu.memory_space<semaphore_mem>>)
      %dma_wait3A_37 = arith.constant 0 : i32
      %dma_wait3A_38 = tpu.memref_slice %arg4[%add3A_15, %dma_wait3A_37] : memref<4096x1024xf32, #tpu.memory_space<hbm>> -> memref<32x1024xf32, #tpu.memory_space<hbm>>
      %dma_wait3A_39 = arith.constant 0 : i32
      %dma_wait3A_40 = tpu.memref_slice %arg4[%add3A_15, %dma_wait3A_39] : memref<4096x1024xf32, #tpu.memory_space<hbm>> -> memref<32x1024xf32, #tpu.memory_space<hbm>>
      tpu.wait_dma2 semaphore(%run_scoped3A : memref<!tpu.dma_semaphore, #tpu.memory_space<semaphore_mem>>) src(%arg7 : memref<32x1024xf32, #tpu.memory_space<vmem>>) dst(%dma_wait3A_40 : memref<32x1024xf32, #tpu.memory_space<hbm>>)
      tpu.yield
    }) : () -> ()
    %dma_wait3A_30 = arith.constant 0 : i32
    %dma_wait3A_31 = arith.constant 0 : i32
    %dma_wait3A_32 = tpu.memref_slice %arg2[%dma_wait3A_30, %dma_wait3A_31] : memref<12288x1024xf32, #tpu.memory_space<hbm>> -> memref<12288x1024xf32, #tpu.memory_space<hbm>>
    tpu.wait_indirect_dma semaphore(%arg10 : memref<!tpu.dma_semaphore, #tpu.memory_space<semaphore_mem>>) src(%dma_wait3A_32 : memref<12288x1024xf32, #tpu.memory_space<hbm>>) dst(%arg8 : memref<32x1024xf32, #tpu.memory_space<vmem>>)
    "tpu.region"() ({
      %run_scoped3A = tpu.sem_alloc : memref<!tpu.dma_semaphore, #tpu.memory_space<semaphore_mem>>
      %dma_start3A_33 = arith.constant 0 : i32
      %dma_start3A_34 = tpu.memref_slice %arg4[%add3A_23, %dma_start3A_33] : memref<4096x1024xf32, #tpu.memory_space<hbm>> -> memref<32x1024xf32, #tpu.memory_space<hbm>>
      %dma_start3A_35 = arith.constant 0 : i32
      %dma_start3A_36 = tpu.memref_slice %arg4[%add3A_23, %dma_start3A_35] : memref<4096x1024xf32, #tpu.memory_space<hbm>> -> memref<32x1024xf32, #tpu.memory_space<hbm>>
      tpu.enqueue_dma source(%arg8 : memref<32x1024xf32, #tpu.memory_space<vmem>>) target(%dma_start3A_36 : memref<32x1024xf32, #tpu.memory_space<hbm>>) target_semaphore(%run_scoped3A : memref<!tpu.dma_semaphore, #tpu.memory_space<semaphore_mem>>)
      %dma_wait3A_37 = arith.constant 0 : i32
      %dma_wait3A_38 = tpu.memref_slice %arg4[%add3A_23, %dma_wait3A_37] : memref<4096x1024xf32, #tpu.memory_space<hbm>> -> memref<32x1024xf32, #tpu.memory_space<hbm>>
      %dma_wait3A_39 = arith.constant 0 : i32
      %dma_wait3A_40 = tpu.memref_slice %arg4[%add3A_23, %dma_wait3A_39] : memref<4096x1024xf32, #tpu.memory_space<hbm>> -> memref<32x1024xf32, #tpu.memory_space<hbm>>
      tpu.wait_dma2 semaphore(%run_scoped3A : memref<!tpu.dma_semaphore, #tpu.memory_space<semaphore_mem>>) src(%arg8 : memref<32x1024xf32, #tpu.memory_space<vmem>>) dst(%dma_wait3A_40 : memref<32x1024xf32, #tpu.memory_space<hbm>>)
      tpu.yield
    }) : () -> ()
    return
  }
}

#map = affine_map<(d0, d1) -> (0)>
#map1 = affine_map<(d0, d1) -> (0, 0)>
module attributes {stable_mosaic.version = 14 : i64} {
  func.func @_sc_route(%arg0: i32, %arg1: i32, %arg2: memref<4096xi32, #tpu.memory_space<hbm>>, %arg3: memref<4096x1024xf32, #tpu.memory_space<hbm>>, %arg4: memref<4096xi32, #tpu.memory_space<hbm>>, %arg5: memref<304xi32, #tpu.memory_space<hbm>>, %arg6: memref<12288x1024xf32, #tpu.memory_space<hbm>>, %arg7: memref<256xi32, #tpu.memory_space<vmem>>, %arg8: memref<256xi32, #tpu.memory_space<vmem>>, %arg9: memref<256xi32, #tpu.memory_space<vmem>>, %arg10: memref<256xi32, #tpu.memory_space<vmem>>, %arg11: memref<64xi32, #tpu.memory_space<vmem>>, %arg12: memref<1024xi32, #tpu.memory_space<vmem>>, %arg13: memref<64xi32, #tpu.memory_space<vmem>>, %arg14: memref<304xi32, #tpu.memory_space<vmem>>, %arg15: memref<32xi32, #tpu.memory_space<vmem>>, %arg16: memref<128xi32, #tpu.memory_space<vmem>>, %arg17: memref<1024xi32, #tpu.memory_space<vmem_shared>>, %arg18: memref<32xi32, #tpu.memory_space<vmem>>, %arg19: memref<32xi32, #tpu.memory_space<vmem>>, %arg20: memref<32x1024xf32, #tpu.memory_space<vmem>>, %arg21: memref<32x1024xf32, #tpu.memory_space<vmem>>, %arg22: memref<!tpu.dma_semaphore, #tpu.memory_space<semaphore_mem>>, %arg23: memref<!tpu.dma_semaphore, #tpu.memory_space<semaphore_mem>>) attributes {dimension_semantics = [#tpu.dimension_semantics<core_parallel>, #tpu.dimension_semantics<subcore_parallel>], iteration_bounds = array<i64: 2, 16>, scalar_prefetch = 0 : i64, scratch_operands = 17 : i64, tpu.core_type = #tpu.core_type<sc_vector_subcore>, window_params = [{transform_indices = #map}, {transform_indices = #map1}, {transform_indices = #map}, {transform_indices = #map}, {transform_indices = #map1}]} {
    %iota3A = tpu.iota {dimensions = array<i32: 0>} : vector<16xi32>
    %mul3A = arith.constant 256 : i32
    %mul3A_0 = arith.muli %arg1, %mul3A : i32
    "tpu.region"() ({
      %run_scoped3A = tpu.sem_alloc : memref<!tpu.dma_semaphore, #tpu.memory_space<semaphore_mem>>
      %dma_start3A_1026 = tpu.memref_slice %arg2[%mul3A_0] : memref<4096xi32, #tpu.memory_space<hbm>> -> memref<256xi32, #tpu.memory_space<hbm>>
      %dma_start3A_1027 = tpu.memref_slice %arg2[%mul3A_0] : memref<4096xi32, #tpu.memory_space<hbm>> -> memref<256xi32, #tpu.memory_space<hbm>>
      tpu.enqueue_dma source(%dma_start3A_1027 : memref<256xi32, #tpu.memory_space<hbm>>) target(%arg7 : memref<256xi32, #tpu.memory_space<vmem>>) target_semaphore(%run_scoped3A : memref<!tpu.dma_semaphore, #tpu.memory_space<semaphore_mem>>)
      %dma_wait3A_1028 = tpu.memref_slice %arg2[%mul3A_0] : memref<4096xi32, #tpu.memory_space<hbm>> -> memref<256xi32, #tpu.memory_space<hbm>>
      %dma_wait3A_1029 = tpu.memref_slice %arg2[%mul3A_0] : memref<4096xi32, #tpu.memory_space<hbm>> -> memref<256xi32, #tpu.memory_space<hbm>>
      tpu.wait_dma2 semaphore(%run_scoped3A : memref<!tpu.dma_semaphore, #tpu.memory_space<semaphore_mem>>) src(%dma_wait3A_1029 : memref<256xi32, #tpu.memory_space<hbm>>) dst(%arg7 : memref<256xi32, #tpu.memory_space<vmem>>)
      tpu.yield
    }) : () -> ()
    %broadcast_in_dim3A = arith.constant 0 : i32
    %broadcast_in_dim3A_1 = vector.broadcast %broadcast_in_dim3A : i32 to vector<16xi32>
    %swap3A = arith.constant 0 : index
    %swap3A_2 = tpu.vector_load %arg11[%swap3A] {strides = array<i32>} : memref<64xi32, #tpu.memory_space<vmem>>, vector<16xi32>,
    tpu.vector_store %arg11[%swap3A], %broadcast_in_dim3A_1 {strides = array<i32>} : memref<64xi32, #tpu.memory_space<vmem>>, vector<16xi32>,
    %broadcast_in_dim3A_3 = arith.constant 0 : i32
    %broadcast_in_dim3A_4 = vector.broadcast %broadcast_in_dim3A_3 : i32 to vector<16xi32>
    %swap3A_5 = arith.constant 16 : index
    %swap3A_6 = tpu.vector_load %arg11[%swap3A_5] {strides = array<i32>} : memref<64xi32, #tpu.memory_space<vmem>>, vector<16xi32>,
    tpu.vector_store %arg11[%swap3A_5], %broadcast_in_dim3A_4 {strides = array<i32>} : memref<64xi32, #tpu.memory_space<vmem>>, vector<16xi32>,
    %broadcast_in_dim3A_7 = arith.constant 0 : i32
    %broadcast_in_dim3A_8 = vector.broadcast %broadcast_in_dim3A_7 : i32 to vector<16xi32>
    %swap3A_9 = arith.constant 32 : index
    %swap3A_10 = tpu.vector_load %arg11[%swap3A_9] {strides = array<i32>} : memref<64xi32, #tpu.memory_space<vmem>>, vector<16xi32>,
    tpu.vector_store %arg11[%swap3A_9], %broadcast_in_dim3A_8 {strides = array<i32>} : memref<64xi32, #tpu.memory_space<vmem>>, vector<16xi32>,
    %broadcast_in_dim3A_11 = arith.constant 0 : i32
    %broadcast_in_dim3A_12 = vector.broadcast %broadcast_in_dim3A_11 : i32 to vector<16xi32>
    %swap3A_13 = arith.constant 48 : index
    %swap3A_14 = tpu.vector_load %arg11[%swap3A_13] {strides = array<i32>} : memref<64xi32, #tpu.memory_space<vmem>>, vector<16xi32>,
    tpu.vector_store %arg11[%swap3A_13], %broadcast_in_dim3A_12 {strides = array<i32>} : memref<64xi32, #tpu.memory_space<vmem>>, vector<16xi32>,
    %get3A = arith.constant 0 : index
    %get3A_15 = tpu.vector_load %arg7[%get3A] {strides = array<i32>} : memref<256xi32, #tpu.memory_space<vmem>>, vector<16xi32>,
    %broadcast_in_dim3A_16 = arith.constant 0 : i32
    %broadcast_in_dim3A_17 = vector.broadcast %broadcast_in_dim3A_16 : i32 to vector<16xi32>
    %swap3A_18 = arith.constant 0 : index
    %swap3A_19 = tpu.vector_load %arg15[%swap3A_18] {strides = array<i32>} : memref<32xi32, #tpu.memory_space<vmem>>, vector<16xi32>,
    tpu.vector_store %arg15[%swap3A_18], %get3A_15 {strides = array<i32>} : memref<32xi32, #tpu.memory_space<vmem>>, vector<16xi32>,
    %swap3A_20 = arith.constant 16 : index
    %swap3A_21 = tpu.vector_load %arg15[%swap3A_20] {strides = array<i32>} : memref<32xi32, #tpu.memory_space<vmem>>, vector<16xi32>,
    tpu.vector_store %arg15[%swap3A_20], %get3A_15 {strides = array<i32>} : memref<32xi32, #tpu.memory_space<vmem>>, vector<16xi32>,
    %scan3A = arith.constant 1 : i32
    %scan3A_22 = arith.constant 15 : i32
    %scan3A_23 = arith.addi %scan3A, %scan3A_22 : i32
    %scan3A_24 = arith.constant 1 : i32
    %scan3A_25:2 = scf.for %scan3A_1026 = %scan3A to %scan3A_23 step %scan3A_24 iter_args(%scan3A_1027 = %broadcast_in_dim3A_17, %scan3A_1028 = %broadcast_in_dim3A_17) -> (vector<16xi32>, vector<16xi32>)  : i32 {
      %sub3A_1029 = arith.constant 16 : i32
      %sub3A_1030 = arith.subi %sub3A_1029, %scan3A_1026 : i32
      %get3A_1031 = arith.index_cast %sub3A_1030 : i32 to index
      %get3A_1032 = tpu.vector_load %arg15[%get3A_1031] {strides = array<i32>} : memref<32xi32, #tpu.memory_space<vmem>>, vector<16xi32>,
      %eq3A_1033 = arith.cmpi eq, %get3A_1032, %get3A_15 : vector<16xi32>
      %convert_element_type3A_1034 = arith.extui %eq3A_1033 : vector<16xi1> to vector<16xi32>
      %ge3A = vector.broadcast %scan3A_1026 : i32 to vector<16xi32>
      %ge3A_1035 = arith.cmpi sge, %iota3A, %ge3A : vector<16xi32>
      %select_n3A_1036 = arith.select %ge3A_1035, %convert_element_type3A_1034, %broadcast_in_dim3A_17 : vector<16xi1>, vector<16xi32>
      %add3A_1037 = arith.addi %scan3A_1027, %select_n3A_1036 : vector<16xi32>
      %add3A_1038 = arith.addi %scan3A_1028, %convert_element_type3A_1034 : vector<16xi32>
      scf.yield %add3A_1037, %add3A_1038 : vector<16xi32>, vector<16xi32>
    }
    %scan3A_26 = arith.constant 15 : i32
    %add3A = arith.constant 1 : i32
    %add3A_27 = vector.broadcast %add3A : i32 to vector<16xi32>
    %add3A_28 = arith.addi %scan3A_25#1, %add3A_27 : vector<16xi32>
    %swap3A_29 = arith.constant 0 : index
    %swap3A_30 = tpu.vector_load %arg8[%swap3A_29] {strides = array<i32>} : memref<256xi32, #tpu.memory_space<vmem>>, vector<16xi32>,
    tpu.vector_store %arg8[%swap3A_29], %scan3A_25#0 {strides = array<i32>} : memref<256xi32, #tpu.memory_space<vmem>>, vector<16xi32>,
    %swap3A_31 = arith.constant 0 : index
    %swap3A_32 = tpu.vector_load %arg9[%swap3A_31] {strides = array<i32>} : memref<256xi32, #tpu.memory_space<vmem>>, vector<16xi32>,
    tpu.vector_store %arg9[%swap3A_31], %add3A_28 {strides = array<i32>} : memref<256xi32, #tpu.memory_space<vmem>>, vector<16xi32>,
    %sub3A = arith.constant 1 : i32
    %sub3A_33 = vector.broadcast %sub3A : i32 to vector<16xi32>
    %sub3A_34 = arith.subi %add3A_28, %sub3A_33 : vector<16xi32>
    %eq3A = arith.cmpi eq, %scan3A_25#0, %sub3A_34 : vector<16xi32>
    tpu.vector_store_idx %arg11[%get3A_15], %add3A_28 masked %eq3A {add = true} : memref<64xi32, #tpu.memory_space<vmem>>[vector<16xi32>], vector<16xi32>, vector<16xi1>
    %get3A_35 = arith.constant 16 : index
    %get3A_36 = tpu.vector_load %arg7[%get3A_35] {strides = array<i32>} : memref<256xi32, #tpu.memory_space<vmem>>, vector<16xi32>,
    %broadcast_in_dim3A_37 = arith.constant 0 : i32
    %broadcast_in_dim3A_38 = vector.broadcast %broadcast_in_dim3A_37 : i32 to vector<16xi32>
    %swap3A_39 = arith.constant 0 : index
    %swap3A_40 = tpu.vector_load %arg15[%swap3A_39] {strides = array<i32>} : memref<32xi32, #tpu.memory_space<vmem>>, vector<16xi32>,
    tpu.vector_store %arg15[%swap3A_39], %get3A_36 {strides = array<i32>} : memref<32xi32, #tpu.memory_space<vmem>>, vector<16xi32>,
    %swap3A_41 = arith.constant 16 : index
    %swap3A_42 = tpu.vector_load %arg15[%swap3A_41] {strides = array<i32>} : memref<32xi32, #tpu.memory_space<vmem>>, vector<16xi32>,
    tpu.vector_store %arg15[%swap3A_41], %get3A_36 {strides = array<i32>} : memref<32xi32, #tpu.memory_space<vmem>>, vector<16xi32>,
    %scan3A_43 = arith.constant 1 : i32
    %scan3A_44 = arith.constant 15 : i32
    %scan3A_45 = arith.addi %scan3A_43, %scan3A_44 : i32
    %scan3A_46 = arith.constant 1 : i32
    %scan3A_47:2 = scf.for %scan3A_1026 = %scan3A_43 to %scan3A_45 step %scan3A_46 iter_args(%scan3A_1027 = %broadcast_in_dim3A_38, %scan3A_1028 = %broadcast_in_dim3A_38) -> (vector<16xi32>, vector<16xi32>)  : i32 {
      %sub3A_1029 = arith.constant 16 : i32
      %sub3A_1030 = arith.subi %sub3A_1029, %scan3A_1026 : i32
      %get3A_1031 = arith.index_cast %sub3A_1030 : i32 to index
      %get3A_1032 = tpu.vector_load %arg15[%get3A_1031] {strides = array<i32>} : memref<32xi32, #tpu.memory_space<vmem>>, vector<16xi32>,
      %eq3A_1033 = arith.cmpi eq, %get3A_1032, %get3A_36 : vector<16xi32>
      %convert_element_type3A_1034 = arith.extui %eq3A_1033 : vector<16xi1> to vector<16xi32>
      %ge3A = vector.broadcast %scan3A_1026 : i32 to vector<16xi32>
      %ge3A_1035 = arith.cmpi sge, %iota3A, %ge3A : vector<16xi32>
      %select_n3A_1036 = arith.select %ge3A_1035, %convert_element_type3A_1034, %broadcast_in_dim3A_38 : vector<16xi1>, vector<16xi32>
      %add3A_1037 = arith.addi %scan3A_1027, %select_n3A_1036 : vector<16xi32>
      %add3A_1038 = arith.addi %scan3A_1028, %convert_element_type3A_1034 : vector<16xi32>
      scf.yield %add3A_1037, %add3A_1038 : vector<16xi32>, vector<16xi32>
    }
    %scan3A_48 = arith.constant 15 : i32
    %add3A_49 = arith.constant 1 : i32
    %add3A_50 = vector.broadcast %add3A_49 : i32 to vector<16xi32>
    %add3A_51 = arith.addi %scan3A_47#1, %add3A_50 : vector<16xi32>
    %swap3A_52 = arith.constant 16 : index
    %swap3A_53 = tpu.vector_load %arg8[%swap3A_52] {strides = array<i32>} : memref<256xi32, #tpu.memory_space<vmem>>, vector<16xi32>,
    tpu.vector_store %arg8[%swap3A_52], %scan3A_47#0 {strides = array<i32>} : memref<256xi32, #tpu.memory_space<vmem>>, vector<16xi32>,
    %swap3A_54 = arith.constant 16 : index
    %swap3A_55 = tpu.vector_load %arg9[%swap3A_54] {strides = array<i32>} : memref<256xi32, #tpu.memory_space<vmem>>, vector<16xi32>,
    tpu.vector_store %arg9[%swap3A_54], %add3A_51 {strides = array<i32>} : memref<256xi32, #tpu.memory_space<vmem>>, vector<16xi32>,
    %sub3A_56 = arith.constant 1 : i32
    %sub3A_57 = vector.broadcast %sub3A_56 : i32 to vector<16xi32>
    %sub3A_58 = arith.subi %add3A_51, %sub3A_57 : vector<16xi32>
    %eq3A_59 = arith.cmpi eq, %scan3A_47#0, %sub3A_58 : vector<16xi32>
    tpu.vector_store_idx %arg11[%get3A_36], %add3A_51 masked %eq3A_59 {add = true} : memref<64xi32, #tpu.memory_space<vmem>>[vector<16xi32>], vector<16xi32>, vector<16xi1>
    %get3A_60 = arith.constant 32 : index
    %get3A_61 = tpu.vector_load %arg7[%get3A_60] {strides = array<i32>} : memref<256xi32, #tpu.memory_space<vmem>>, vector<16xi32>,
    %broadcast_in_dim3A_62 = arith.constant 0 : i32
    %broadcast_in_dim3A_63 = vector.broadcast %broadcast_in_dim3A_62 : i32 to vector<16xi32>
    %swap3A_64 = arith.constant 0 : index
    %swap3A_65 = tpu.vector_load %arg15[%swap3A_64] {strides = array<i32>} : memref<32xi32, #tpu.memory_space<vmem>>, vector<16xi32>,
    tpu.vector_store %arg15[%swap3A_64], %get3A_61 {strides = array<i32>} : memref<32xi32, #tpu.memory_space<vmem>>, vector<16xi32>,
    %swap3A_66 = arith.constant 16 : index
    %swap3A_67 = tpu.vector_load %arg15[%swap3A_66] {strides = array<i32>} : memref<32xi32, #tpu.memory_space<vmem>>, vector<16xi32>,
    tpu.vector_store %arg15[%swap3A_66], %get3A_61 {strides = array<i32>} : memref<32xi32, #tpu.memory_space<vmem>>, vector<16xi32>,
    %scan3A_68 = arith.constant 1 : i32
    %scan3A_69 = arith.constant 15 : i32
    %scan3A_70 = arith.addi %scan3A_68, %scan3A_69 : i32
    %scan3A_71 = arith.constant 1 : i32
    %scan3A_72:2 = scf.for %scan3A_1026 = %scan3A_68 to %scan3A_70 step %scan3A_71 iter_args(%scan3A_1027 = %broadcast_in_dim3A_63, %scan3A_1028 = %broadcast_in_dim3A_63) -> (vector<16xi32>, vector<16xi32>)  : i32 {
      %sub3A_1029 = arith.constant 16 : i32
      %sub3A_1030 = arith.subi %sub3A_1029, %scan3A_1026 : i32
      %get3A_1031 = arith.index_cast %sub3A_1030 : i32 to index
      %get3A_1032 = tpu.vector_load %arg15[%get3A_1031] {strides = array<i32>} : memref<32xi32, #tpu.memory_space<vmem>>, vector<16xi32>,
      %eq3A_1033 = arith.cmpi eq, %get3A_1032, %get3A_61 : vector<16xi32>
      %convert_element_type3A_1034 = arith.extui %eq3A_1033 : vector<16xi1> to vector<16xi32>
      %ge3A = vector.broadcast %scan3A_1026 : i32 to vector<16xi32>
      %ge3A_1035 = arith.cmpi sge, %iota3A, %ge3A : vector<16xi32>
      %select_n3A_1036 = arith.select %ge3A_1035, %convert_element_type3A_1034, %broadcast_in_dim3A_63 : vector<16xi1>, vector<16xi32>
      %add3A_1037 = arith.addi %scan3A_1027, %select_n3A_1036 : vector<16xi32>
      %add3A_1038 = arith.addi %scan3A_1028, %convert_element_type3A_1034 : vector<16xi32>
      scf.yield %add3A_1037, %add3A_1038 : vector<16xi32>, vector<16xi32>
    }
    %scan3A_73 = arith.constant 15 : i32
    %add3A_74 = arith.constant 1 : i32
    %add3A_75 = vector.broadcast %add3A_74 : i32 to vector<16xi32>
    %add3A_76 = arith.addi %scan3A_72#1, %add3A_75 : vector<16xi32>
    %swap3A_77 = arith.constant 32 : index
    %swap3A_78 = tpu.vector_load %arg8[%swap3A_77] {strides = array<i32>} : memref<256xi32, #tpu.memory_space<vmem>>, vector<16xi32>,
    tpu.vector_store %arg8[%swap3A_77], %scan3A_72#0 {strides = array<i32>} : memref<256xi32, #tpu.memory_space<vmem>>, vector<16xi32>,
    %swap3A_79 = arith.constant 32 : index
    %swap3A_80 = tpu.vector_load %arg9[%swap3A_79] {strides = array<i32>} : memref<256xi32, #tpu.memory_space<vmem>>, vector<16xi32>,
    tpu.vector_store %arg9[%swap3A_79], %add3A_76 {strides = array<i32>} : memref<256xi32, #tpu.memory_space<vmem>>, vector<16xi32>,
    %sub3A_81 = arith.constant 1 : i32
    %sub3A_82 = vector.broadcast %sub3A_81 : i32 to vector<16xi32>
    %sub3A_83 = arith.subi %add3A_76, %sub3A_82 : vector<16xi32>
    %eq3A_84 = arith.cmpi eq, %scan3A_72#0, %sub3A_83 : vector<16xi32>
    tpu.vector_store_idx %arg11[%get3A_61], %add3A_76 masked %eq3A_84 {add = true} : memref<64xi32, #tpu.memory_space<vmem>>[vector<16xi32>], vector<16xi32>, vector<16xi1>
    %get3A_85 = arith.constant 48 : index
    %get3A_86 = tpu.vector_load %arg7[%get3A_85] {strides = array<i32>} : memref<256xi32, #tpu.memory_space<vmem>>, vector<16xi32>,
    %broadcast_in_dim3A_87 = arith.constant 0 : i32
    %broadcast_in_dim3A_88 = vector.broadcast %broadcast_in_dim3A_87 : i32 to vector<16xi32>
    %swap3A_89 = arith.constant 0 : index
    %swap3A_90 = tpu.vector_load %arg15[%swap3A_89] {strides = array<i32>} : memref<32xi32, #tpu.memory_space<vmem>>, vector<16xi32>,
    tpu.vector_store %arg15[%swap3A_89], %get3A_86 {strides = array<i32>} : memref<32xi32, #tpu.memory_space<vmem>>, vector<16xi32>,
    %swap3A_91 = arith.constant 16 : index
    %swap3A_92 = tpu.vector_load %arg15[%swap3A_91] {strides = array<i32>} : memref<32xi32, #tpu.memory_space<vmem>>, vector<16xi32>,
    tpu.vector_store %arg15[%swap3A_91], %get3A_86 {strides = array<i32>} : memref<32xi32, #tpu.memory_space<vmem>>, vector<16xi32>,
    %scan3A_93 = arith.constant 1 : i32
    %scan3A_94 = arith.constant 15 : i32
    %scan3A_95 = arith.addi %scan3A_93, %scan3A_94 : i32
    %scan3A_96 = arith.constant 1 : i32
    %scan3A_97:2 = scf.for %scan3A_1026 = %scan3A_93 to %scan3A_95 step %scan3A_96 iter_args(%scan3A_1027 = %broadcast_in_dim3A_88, %scan3A_1028 = %broadcast_in_dim3A_88) -> (vector<16xi32>, vector<16xi32>)  : i32 {
      %sub3A_1029 = arith.constant 16 : i32
      %sub3A_1030 = arith.subi %sub3A_1029, %scan3A_1026 : i32
      %get3A_1031 = arith.index_cast %sub3A_1030 : i32 to index
      %get3A_1032 = tpu.vector_load %arg15[%get3A_1031] {strides = array<i32>} : memref<32xi32, #tpu.memory_space<vmem>>, vector<16xi32>,
      %eq3A_1033 = arith.cmpi eq, %get3A_1032, %get3A_86 : vector<16xi32>
      %convert_element_type3A_1034 = arith.extui %eq3A_1033 : vector<16xi1> to vector<16xi32>
      %ge3A = vector.broadcast %scan3A_1026 : i32 to vector<16xi32>
      %ge3A_1035 = arith.cmpi sge, %iota3A, %ge3A : vector<16xi32>
      %select_n3A_1036 = arith.select %ge3A_1035, %convert_element_type3A_1034, %broadcast_in_dim3A_88 : vector<16xi1>, vector<16xi32>
      %add3A_1037 = arith.addi %scan3A_1027, %select_n3A_1036 : vector<16xi32>
      %add3A_1038 = arith.addi %scan3A_1028, %convert_element_type3A_1034 : vector<16xi32>
      scf.yield %add3A_1037, %add3A_1038 : vector<16xi32>, vector<16xi32>
    }
    %scan3A_98 = arith.constant 15 : i32
    %add3A_99 = arith.constant 1 : i32
    %add3A_100 = vector.broadcast %add3A_99 : i32 to vector<16xi32>
    %add3A_101 = arith.addi %scan3A_97#1, %add3A_100 : vector<16xi32>
    %swap3A_102 = arith.constant 48 : index
    %swap3A_103 = tpu.vector_load %arg8[%swap3A_102] {strides = array<i32>} : memref<256xi32, #tpu.memory_space<vmem>>, vector<16xi32>,
    tpu.vector_store %arg8[%swap3A_102], %scan3A_97#0 {strides = array<i32>} : memref<256xi32, #tpu.memory_space<vmem>>, vector<16xi32>,
    %swap3A_104 = arith.constant 48 : index
    %swap3A_105 = tpu.vector_load %arg9[%swap3A_104] {strides = array<i32>} : memref<256xi32, #tpu.memory_space<vmem>>, vector<16xi32>,
    tpu.vector_store %arg9[%swap3A_104], %add3A_101 {strides = array<i32>} : memref<256xi32, #tpu.memory_space<vmem>>, vector<16xi32>,
    %sub3A_106 = arith.constant 1 : i32
    %sub3A_107 = vector.broadcast %sub3A_106 : i32 to vector<16xi32>
    %sub3A_108 = arith.subi %add3A_101, %sub3A_107 : vector<16xi32>
    %eq3A_109 = arith.cmpi eq, %scan3A_97#0, %sub3A_108 : vector<16xi32>
    tpu.vector_store_idx %arg11[%get3A_86], %add3A_101 masked %eq3A_109 {add = true} : memref<64xi32, #tpu.memory_space<vmem>>[vector<16xi32>], vector<16xi32>, vector<16xi1>
    %get3A_110 = arith.constant 64 : index
    %get3A_111 = tpu.vector_load %arg7[%get3A_110] {strides = array<i32>} : memref<256xi32, #tpu.memory_space<vmem>>, vector<16xi32>,
    %broadcast_in_dim3A_112 = arith.constant 0 : i32
    %broadcast_in_dim3A_113 = vector.broadcast %broadcast_in_dim3A_112 : i32 to vector<16xi32>
    %swap3A_114 = arith.constant 0 : index
    %swap3A_115 = tpu.vector_load %arg15[%swap3A_114] {strides = array<i32>} : memref<32xi32, #tpu.memory_space<vmem>>, vector<16xi32>,
    tpu.vector_store %arg15[%swap3A_114], %get3A_111 {strides = array<i32>} : memref<32xi32, #tpu.memory_space<vmem>>, vector<16xi32>,
    %swap3A_116 = arith.constant 16 : index
    %swap3A_117 = tpu.vector_load %arg15[%swap3A_116] {strides = array<i32>} : memref<32xi32, #tpu.memory_space<vmem>>, vector<16xi32>,
    tpu.vector_store %arg15[%swap3A_116], %get3A_111 {strides = array<i32>} : memref<32xi32, #tpu.memory_space<vmem>>, vector<16xi32>,
    %scan3A_118 = arith.constant 1 : i32
    %scan3A_119 = arith.constant 15 : i32
    %scan3A_120 = arith.addi %scan3A_118, %scan3A_119 : i32
    %scan3A_121 = arith.constant 1 : i32
    %scan3A_122:2 = scf.for %scan3A_1026 = %scan3A_118 to %scan3A_120 step %scan3A_121 iter_args(%scan3A_1027 = %broadcast_in_dim3A_113, %scan3A_1028 = %broadcast_in_dim3A_113) -> (vector<16xi32>, vector<16xi32>)  : i32 {
      %sub3A_1029 = arith.constant 16 : i32
      %sub3A_1030 = arith.subi %sub3A_1029, %scan3A_1026 : i32
      %get3A_1031 = arith.index_cast %sub3A_1030 : i32 to index
      %get3A_1032 = tpu.vector_load %arg15[%get3A_1031] {strides = array<i32>} : memref<32xi32, #tpu.memory_space<vmem>>, vector<16xi32>,
      %eq3A_1033 = arith.cmpi eq, %get3A_1032, %get3A_111 : vector<16xi32>
      %convert_element_type3A_1034 = arith.extui %eq3A_1033 : vector<16xi1> to vector<16xi32>
      %ge3A = vector.broadcast %scan3A_1026 : i32 to vector<16xi32>
      %ge3A_1035 = arith.cmpi sge, %iota3A, %ge3A : vector<16xi32>
      %select_n3A_1036 = arith.select %ge3A_1035, %convert_element_type3A_1034, %broadcast_in_dim3A_113 : vector<16xi1>, vector<16xi32>
      %add3A_1037 = arith.addi %scan3A_1027, %select_n3A_1036 : vector<16xi32>
      %add3A_1038 = arith.addi %scan3A_1028, %convert_element_type3A_1034 : vector<16xi32>
      scf.yield %add3A_1037, %add3A_1038 : vector<16xi32>, vector<16xi32>
    }
    %scan3A_123 = arith.constant 15 : i32
    %add3A_124 = arith.constant 1 : i32
    %add3A_125 = vector.broadcast %add3A_124 : i32 to vector<16xi32>
    %add3A_126 = arith.addi %scan3A_122#1, %add3A_125 : vector<16xi32>
    %swap3A_127 = arith.constant 64 : index
    %swap3A_128 = tpu.vector_load %arg8[%swap3A_127] {strides = array<i32>} : memref<256xi32, #tpu.memory_space<vmem>>, vector<16xi32>,
    tpu.vector_store %arg8[%swap3A_127], %scan3A_122#0 {strides = array<i32>} : memref<256xi32, #tpu.memory_space<vmem>>, vector<16xi32>,
    %swap3A_129 = arith.constant 64 : index
    %swap3A_130 = tpu.vector_load %arg9[%swap3A_129] {strides = array<i32>} : memref<256xi32, #tpu.memory_space<vmem>>, vector<16xi32>,
    tpu.vector_store %arg9[%swap3A_129], %add3A_126 {strides = array<i32>} : memref<256xi32, #tpu.memory_space<vmem>>, vector<16xi32>,
    %sub3A_131 = arith.constant 1 : i32
    %sub3A_132 = vector.broadcast %sub3A_131 : i32 to vector<16xi32>
    %sub3A_133 = arith.subi %add3A_126, %sub3A_132 : vector<16xi32>
    %eq3A_134 = arith.cmpi eq, %scan3A_122#0, %sub3A_133 : vector<16xi32>
    tpu.vector_store_idx %arg11[%get3A_111], %add3A_126 masked %eq3A_134 {add = true} : memref<64xi32, #tpu.memory_space<vmem>>[vector<16xi32>], vector<16xi32>, vector<16xi1>
    %get3A_135 = arith.constant 80 : index
    %get3A_136 = tpu.vector_load %arg7[%get3A_135] {strides = array<i32>} : memref<256xi32, #tpu.memory_space<vmem>>, vector<16xi32>,
    %broadcast_in_dim3A_137 = arith.constant 0 : i32
    %broadcast_in_dim3A_138 = vector.broadcast %broadcast_in_dim3A_137 : i32 to vector<16xi32>
    %swap3A_139 = arith.constant 0 : index
    %swap3A_140 = tpu.vector_load %arg15[%swap3A_139] {strides = array<i32>} : memref<32xi32, #tpu.memory_space<vmem>>, vector<16xi32>,
    tpu.vector_store %arg15[%swap3A_139], %get3A_136 {strides = array<i32>} : memref<32xi32, #tpu.memory_space<vmem>>, vector<16xi32>,
    %swap3A_141 = arith.constant 16 : index
    %swap3A_142 = tpu.vector_load %arg15[%swap3A_141] {strides = array<i32>} : memref<32xi32, #tpu.memory_space<vmem>>, vector<16xi32>,
    tpu.vector_store %arg15[%swap3A_141], %get3A_136 {strides = array<i32>} : memref<32xi32, #tpu.memory_space<vmem>>, vector<16xi32>,
    %scan3A_143 = arith.constant 1 : i32
    %scan3A_144 = arith.constant 15 : i32
    %scan3A_145 = arith.addi %scan3A_143, %scan3A_144 : i32
    %scan3A_146 = arith.constant 1 : i32
    %scan3A_147:2 = scf.for %scan3A_1026 = %scan3A_143 to %scan3A_145 step %scan3A_146 iter_args(%scan3A_1027 = %broadcast_in_dim3A_138, %scan3A_1028 = %broadcast_in_dim3A_138) -> (vector<16xi32>, vector<16xi32>)  : i32 {
      %sub3A_1029 = arith.constant 16 : i32
      %sub3A_1030 = arith.subi %sub3A_1029, %scan3A_1026 : i32
      %get3A_1031 = arith.index_cast %sub3A_1030 : i32 to index
      %get3A_1032 = tpu.vector_load %arg15[%get3A_1031] {strides = array<i32>} : memref<32xi32, #tpu.memory_space<vmem>>, vector<16xi32>,
      %eq3A_1033 = arith.cmpi eq, %get3A_1032, %get3A_136 : vector<16xi32>
      %convert_element_type3A_1034 = arith.extui %eq3A_1033 : vector<16xi1> to vector<16xi32>
      %ge3A = vector.broadcast %scan3A_1026 : i32 to vector<16xi32>
      %ge3A_1035 = arith.cmpi sge, %iota3A, %ge3A : vector<16xi32>
      %select_n3A_1036 = arith.select %ge3A_1035, %convert_element_type3A_1034, %broadcast_in_dim3A_138 : vector<16xi1>, vector<16xi32>
      %add3A_1037 = arith.addi %scan3A_1027, %select_n3A_1036 : vector<16xi32>
      %add3A_1038 = arith.addi %scan3A_1028, %convert_element_type3A_1034 : vector<16xi32>
      scf.yield %add3A_1037, %add3A_1038 : vector<16xi32>, vector<16xi32>
    }
    %scan3A_148 = arith.constant 15 : i32
    %add3A_149 = arith.constant 1 : i32
    %add3A_150 = vector.broadcast %add3A_149 : i32 to vector<16xi32>
    %add3A_151 = arith.addi %scan3A_147#1, %add3A_150 : vector<16xi32>
    %swap3A_152 = arith.constant 80 : index
    %swap3A_153 = tpu.vector_load %arg8[%swap3A_152] {strides = array<i32>} : memref<256xi32, #tpu.memory_space<vmem>>, vector<16xi32>,
    tpu.vector_store %arg8[%swap3A_152], %scan3A_147#0 {strides = array<i32>} : memref<256xi32, #tpu.memory_space<vmem>>, vector<16xi32>,
    %swap3A_154 = arith.constant 80 : index
    %swap3A_155 = tpu.vector_load %arg9[%swap3A_154] {strides = array<i32>} : memref<256xi32, #tpu.memory_space<vmem>>, vector<16xi32>,
    tpu.vector_store %arg9[%swap3A_154], %add3A_151 {strides = array<i32>} : memref<256xi32, #tpu.memory_space<vmem>>, vector<16xi32>,
    %sub3A_156 = arith.constant 1 : i32
    %sub3A_157 = vector.broadcast %sub3A_156 : i32 to vector<16xi32>
    %sub3A_158 = arith.subi %add3A_151, %sub3A_157 : vector<16xi32>
    %eq3A_159 = arith.cmpi eq, %scan3A_147#0, %sub3A_158 : vector<16xi32>
    tpu.vector_store_idx %arg11[%get3A_136], %add3A_151 masked %eq3A_159 {add = true} : memref<64xi32, #tpu.memory_space<vmem>>[vector<16xi32>], vector<16xi32>, vector<16xi1>
    %get3A_160 = arith.constant 96 : index
    %get3A_161 = tpu.vector_load %arg7[%get3A_160] {strides = array<i32>} : memref<256xi32, #tpu.memory_space<vmem>>, vector<16xi32>,
    %broadcast_in_dim3A_162 = arith.constant 0 : i32
    %broadcast_in_dim3A_163 = vector.broadcast %broadcast_in_dim3A_162 : i32 to vector<16xi32>
    %swap3A_164 = arith.constant 0 : index
    %swap3A_165 = tpu.vector_load %arg15[%swap3A_164] {strides = array<i32>} : memref<32xi32, #tpu.memory_space<vmem>>, vector<16xi32>,
    tpu.vector_store %arg15[%swap3A_164], %get3A_161 {strides = array<i32>} : memref<32xi32, #tpu.memory_space<vmem>>, vector<16xi32>,
    %swap3A_166 = arith.constant 16 : index
    %swap3A_167 = tpu.vector_load %arg15[%swap3A_166] {strides = array<i32>} : memref<32xi32, #tpu.memory_space<vmem>>, vector<16xi32>,
    tpu.vector_store %arg15[%swap3A_166], %get3A_161 {strides = array<i32>} : memref<32xi32, #tpu.memory_space<vmem>>, vector<16xi32>,
    %scan3A_168 = arith.constant 1 : i32
    %scan3A_169 = arith.constant 15 : i32
    %scan3A_170 = arith.addi %scan3A_168, %scan3A_169 : i32
    %scan3A_171 = arith.constant 1 : i32
    %scan3A_172:2 = scf.for %scan3A_1026 = %scan3A_168 to %scan3A_170 step %scan3A_171 iter_args(%scan3A_1027 = %broadcast_in_dim3A_163, %scan3A_1028 = %broadcast_in_dim3A_163) -> (vector<16xi32>, vector<16xi32>)  : i32 {
      %sub3A_1029 = arith.constant 16 : i32
      %sub3A_1030 = arith.subi %sub3A_1029, %scan3A_1026 : i32
      %get3A_1031 = arith.index_cast %sub3A_1030 : i32 to index
      %get3A_1032 = tpu.vector_load %arg15[%get3A_1031] {strides = array<i32>} : memref<32xi32, #tpu.memory_space<vmem>>, vector<16xi32>,
      %eq3A_1033 = arith.cmpi eq, %get3A_1032, %get3A_161 : vector<16xi32>
      %convert_element_type3A_1034 = arith.extui %eq3A_1033 : vector<16xi1> to vector<16xi32>
      %ge3A = vector.broadcast %scan3A_1026 : i32 to vector<16xi32>
      %ge3A_1035 = arith.cmpi sge, %iota3A, %ge3A : vector<16xi32>
      %select_n3A_1036 = arith.select %ge3A_1035, %convert_element_type3A_1034, %broadcast_in_dim3A_163 : vector<16xi1>, vector<16xi32>
      %add3A_1037 = arith.addi %scan3A_1027, %select_n3A_1036 : vector<16xi32>
      %add3A_1038 = arith.addi %scan3A_1028, %convert_element_type3A_1034 : vector<16xi32>
      scf.yield %add3A_1037, %add3A_1038 : vector<16xi32>, vector<16xi32>
    }
    %scan3A_173 = arith.constant 15 : i32
    %add3A_174 = arith.constant 1 : i32
    %add3A_175 = vector.broadcast %add3A_174 : i32 to vector<16xi32>
    %add3A_176 = arith.addi %scan3A_172#1, %add3A_175 : vector<16xi32>
    %swap3A_177 = arith.constant 96 : index
    %swap3A_178 = tpu.vector_load %arg8[%swap3A_177] {strides = array<i32>} : memref<256xi32, #tpu.memory_space<vmem>>, vector<16xi32>,
    tpu.vector_store %arg8[%swap3A_177], %scan3A_172#0 {strides = array<i32>} : memref<256xi32, #tpu.memory_space<vmem>>, vector<16xi32>,
    %swap3A_179 = arith.constant 96 : index
    %swap3A_180 = tpu.vector_load %arg9[%swap3A_179] {strides = array<i32>} : memref<256xi32, #tpu.memory_space<vmem>>, vector<16xi32>,
    tpu.vector_store %arg9[%swap3A_179], %add3A_176 {strides = array<i32>} : memref<256xi32, #tpu.memory_space<vmem>>, vector<16xi32>,
    %sub3A_181 = arith.constant 1 : i32
    %sub3A_182 = vector.broadcast %sub3A_181 : i32 to vector<16xi32>
    %sub3A_183 = arith.subi %add3A_176, %sub3A_182 : vector<16xi32>
    %eq3A_184 = arith.cmpi eq, %scan3A_172#0, %sub3A_183 : vector<16xi32>
    tpu.vector_store_idx %arg11[%get3A_161], %add3A_176 masked %eq3A_184 {add = true} : memref<64xi32, #tpu.memory_space<vmem>>[vector<16xi32>], vector<16xi32>, vector<16xi1>
    %get3A_185 = arith.constant 112 : index
    %get3A_186 = tpu.vector_load %arg7[%get3A_185] {strides = array<i32>} : memref<256xi32, #tpu.memory_space<vmem>>, vector<16xi32>,
    %broadcast_in_dim3A_187 = arith.constant 0 : i32
    %broadcast_in_dim3A_188 = vector.broadcast %broadcast_in_dim3A_187 : i32 to vector<16xi32>
    %swap3A_189 = arith.constant 0 : index
    %swap3A_190 = tpu.vector_load %arg15[%swap3A_189] {strides = array<i32>} : memref<32xi32, #tpu.memory_space<vmem>>, vector<16xi32>,
    tpu.vector_store %arg15[%swap3A_189], %get3A_186 {strides = array<i32>} : memref<32xi32, #tpu.memory_space<vmem>>, vector<16xi32>,
    %swap3A_191 = arith.constant 16 : index
    %swap3A_192 = tpu.vector_load %arg15[%swap3A_191] {strides = array<i32>} : memref<32xi32, #tpu.memory_space<vmem>>, vector<16xi32>,
    tpu.vector_store %arg15[%swap3A_191], %get3A_186 {strides = array<i32>} : memref<32xi32, #tpu.memory_space<vmem>>, vector<16xi32>,
    %scan3A_193 = arith.constant 1 : i32
    %scan3A_194 = arith.constant 15 : i32
    %scan3A_195 = arith.addi %scan3A_193, %scan3A_194 : i32
    %scan3A_196 = arith.constant 1 : i32
    %scan3A_197:2 = scf.for %scan3A_1026 = %scan3A_193 to %scan3A_195 step %scan3A_196 iter_args(%scan3A_1027 = %broadcast_in_dim3A_188, %scan3A_1028 = %broadcast_in_dim3A_188) -> (vector<16xi32>, vector<16xi32>)  : i32 {
      %sub3A_1029 = arith.constant 16 : i32
      %sub3A_1030 = arith.subi %sub3A_1029, %scan3A_1026 : i32
      %get3A_1031 = arith.index_cast %sub3A_1030 : i32 to index
      %get3A_1032 = tpu.vector_load %arg15[%get3A_1031] {strides = array<i32>} : memref<32xi32, #tpu.memory_space<vmem>>, vector<16xi32>,
      %eq3A_1033 = arith.cmpi eq, %get3A_1032, %get3A_186 : vector<16xi32>
      %convert_element_type3A_1034 = arith.extui %eq3A_1033 : vector<16xi1> to vector<16xi32>
      %ge3A = vector.broadcast %scan3A_1026 : i32 to vector<16xi32>
      %ge3A_1035 = arith.cmpi sge, %iota3A, %ge3A : vector<16xi32>
      %select_n3A_1036 = arith.select %ge3A_1035, %convert_element_type3A_1034, %broadcast_in_dim3A_188 : vector<16xi1>, vector<16xi32>
      %add3A_1037 = arith.addi %scan3A_1027, %select_n3A_1036 : vector<16xi32>
      %add3A_1038 = arith.addi %scan3A_1028, %convert_element_type3A_1034 : vector<16xi32>
      scf.yield %add3A_1037, %add3A_1038 : vector<16xi32>, vector<16xi32>
    }
    %scan3A_198 = arith.constant 15 : i32
    %add3A_199 = arith.constant 1 : i32
    %add3A_200 = vector.broadcast %add3A_199 : i32 to vector<16xi32>
    %add3A_201 = arith.addi %scan3A_197#1, %add3A_200 : vector<16xi32>
    %swap3A_202 = arith.constant 112 : index
    %swap3A_203 = tpu.vector_load %arg8[%swap3A_202] {strides = array<i32>} : memref<256xi32, #tpu.memory_space<vmem>>, vector<16xi32>,
    tpu.vector_store %arg8[%swap3A_202], %scan3A_197#0 {strides = array<i32>} : memref<256xi32, #tpu.memory_space<vmem>>, vector<16xi32>,
    %swap3A_204 = arith.constant 112 : index
    %swap3A_205 = tpu.vector_load %arg9[%swap3A_204] {strides = array<i32>} : memref<256xi32, #tpu.memory_space<vmem>>, vector<16xi32>,
    tpu.vector_store %arg9[%swap3A_204], %add3A_201 {strides = array<i32>} : memref<256xi32, #tpu.memory_space<vmem>>, vector<16xi32>,
    %sub3A_206 = arith.constant 1 : i32
    %sub3A_207 = vector.broadcast %sub3A_206 : i32 to vector<16xi32>
    %sub3A_208 = arith.subi %add3A_201, %sub3A_207 : vector<16xi32>
    %eq3A_209 = arith.cmpi eq, %scan3A_197#0, %sub3A_208 : vector<16xi32>
    tpu.vector_store_idx %arg11[%get3A_186], %add3A_201 masked %eq3A_209 {add = true} : memref<64xi32, #tpu.memory_space<vmem>>[vector<16xi32>], vector<16xi32>, vector<16xi1>
    %get3A_210 = arith.constant 128 : index
    %get3A_211 = tpu.vector_load %arg7[%get3A_210] {strides = array<i32>} : memref<256xi32, #tpu.memory_space<vmem>>, vector<16xi32>,
    %broadcast_in_dim3A_212 = arith.constant 0 : i32
    %broadcast_in_dim3A_213 = vector.broadcast %broadcast_in_dim3A_212 : i32 to vector<16xi32>
    %swap3A_214 = arith.constant 0 : index
    %swap3A_215 = tpu.vector_load %arg15[%swap3A_214] {strides = array<i32>} : memref<32xi32, #tpu.memory_space<vmem>>, vector<16xi32>,
    tpu.vector_store %arg15[%swap3A_214], %get3A_211 {strides = array<i32>} : memref<32xi32, #tpu.memory_space<vmem>>, vector<16xi32>,
    %swap3A_216 = arith.constant 16 : index
    %swap3A_217 = tpu.vector_load %arg15[%swap3A_216] {strides = array<i32>} : memref<32xi32, #tpu.memory_space<vmem>>, vector<16xi32>,
    tpu.vector_store %arg15[%swap3A_216], %get3A_211 {strides = array<i32>} : memref<32xi32, #tpu.memory_space<vmem>>, vector<16xi32>,
    %scan3A_218 = arith.constant 1 : i32
    %scan3A_219 = arith.constant 15 : i32
    %scan3A_220 = arith.addi %scan3A_218, %scan3A_219 : i32
    %scan3A_221 = arith.constant 1 : i32
    %scan3A_222:2 = scf.for %scan3A_1026 = %scan3A_218 to %scan3A_220 step %scan3A_221 iter_args(%scan3A_1027 = %broadcast_in_dim3A_213, %scan3A_1028 = %broadcast_in_dim3A_213) -> (vector<16xi32>, vector<16xi32>)  : i32 {
      %sub3A_1029 = arith.constant 16 : i32
      %sub3A_1030 = arith.subi %sub3A_1029, %scan3A_1026 : i32
      %get3A_1031 = arith.index_cast %sub3A_1030 : i32 to index
      %get3A_1032 = tpu.vector_load %arg15[%get3A_1031] {strides = array<i32>} : memref<32xi32, #tpu.memory_space<vmem>>, vector<16xi32>,
      %eq3A_1033 = arith.cmpi eq, %get3A_1032, %get3A_211 : vector<16xi32>
      %convert_element_type3A_1034 = arith.extui %eq3A_1033 : vector<16xi1> to vector<16xi32>
      %ge3A = vector.broadcast %scan3A_1026 : i32 to vector<16xi32>
      %ge3A_1035 = arith.cmpi sge, %iota3A, %ge3A : vector<16xi32>
      %select_n3A_1036 = arith.select %ge3A_1035, %convert_element_type3A_1034, %broadcast_in_dim3A_213 : vector<16xi1>, vector<16xi32>
      %add3A_1037 = arith.addi %scan3A_1027, %select_n3A_1036 : vector<16xi32>
      %add3A_1038 = arith.addi %scan3A_1028, %convert_element_type3A_1034 : vector<16xi32>
      scf.yield %add3A_1037, %add3A_1038 : vector<16xi32>, vector<16xi32>
    }
    %scan3A_223 = arith.constant 15 : i32
    %add3A_224 = arith.constant 1 : i32
    %add3A_225 = vector.broadcast %add3A_224 : i32 to vector<16xi32>
    %add3A_226 = arith.addi %scan3A_222#1, %add3A_225 : vector<16xi32>
    %swap3A_227 = arith.constant 128 : index
    %swap3A_228 = tpu.vector_load %arg8[%swap3A_227] {strides = array<i32>} : memref<256xi32, #tpu.memory_space<vmem>>, vector<16xi32>,
    tpu.vector_store %arg8[%swap3A_227], %scan3A_222#0 {strides = array<i32>} : memref<256xi32, #tpu.memory_space<vmem>>, vector<16xi32>,
    %swap3A_229 = arith.constant 128 : index
    %swap3A_230 = tpu.vector_load %arg9[%swap3A_229] {strides = array<i32>} : memref<256xi32, #tpu.memory_space<vmem>>, vector<16xi32>,
    tpu.vector_store %arg9[%swap3A_229], %add3A_226 {strides = array<i32>} : memref<256xi32, #tpu.memory_space<vmem>>, vector<16xi32>,
    %sub3A_231 = arith.constant 1 : i32
    %sub3A_232 = vector.broadcast %sub3A_231 : i32 to vector<16xi32>
    %sub3A_233 = arith.subi %add3A_226, %sub3A_232 : vector<16xi32>
    %eq3A_234 = arith.cmpi eq, %scan3A_222#0, %sub3A_233 : vector<16xi32>
    tpu.vector_store_idx %arg11[%get3A_211], %add3A_226 masked %eq3A_234 {add = true} : memref<64xi32, #tpu.memory_space<vmem>>[vector<16xi32>], vector<16xi32>, vector<16xi1>
    %get3A_235 = arith.constant 144 : index
    %get3A_236 = tpu.vector_load %arg7[%get3A_235] {strides = array<i32>} : memref<256xi32, #tpu.memory_space<vmem>>, vector<16xi32>,
    %broadcast_in_dim3A_237 = arith.constant 0 : i32
    %broadcast_in_dim3A_238 = vector.broadcast %broadcast_in_dim3A_237 : i32 to vector<16xi32>
    %swap3A_239 = arith.constant 0 : index
    %swap3A_240 = tpu.vector_load %arg15[%swap3A_239] {strides = array<i32>} : memref<32xi32, #tpu.memory_space<vmem>>, vector<16xi32>,
    tpu.vector_store %arg15[%swap3A_239], %get3A_236 {strides = array<i32>} : memref<32xi32, #tpu.memory_space<vmem>>, vector<16xi32>,
    %swap3A_241 = arith.constant 16 : index
    %swap3A_242 = tpu.vector_load %arg15[%swap3A_241] {strides = array<i32>} : memref<32xi32, #tpu.memory_space<vmem>>, vector<16xi32>,
    tpu.vector_store %arg15[%swap3A_241], %get3A_236 {strides = array<i32>} : memref<32xi32, #tpu.memory_space<vmem>>, vector<16xi32>,
    %scan3A_243 = arith.constant 1 : i32
    %scan3A_244 = arith.constant 15 : i32
    %scan3A_245 = arith.addi %scan3A_243, %scan3A_244 : i32
    %scan3A_246 = arith.constant 1 : i32
    %scan3A_247:2 = scf.for %scan3A_1026 = %scan3A_243 to %scan3A_245 step %scan3A_246 iter_args(%scan3A_1027 = %broadcast_in_dim3A_238, %scan3A_1028 = %broadcast_in_dim3A_238) -> (vector<16xi32>, vector<16xi32>)  : i32 {
      %sub3A_1029 = arith.constant 16 : i32
      %sub3A_1030 = arith.subi %sub3A_1029, %scan3A_1026 : i32
      %get3A_1031 = arith.index_cast %sub3A_1030 : i32 to index
      %get3A_1032 = tpu.vector_load %arg15[%get3A_1031] {strides = array<i32>} : memref<32xi32, #tpu.memory_space<vmem>>, vector<16xi32>,
      %eq3A_1033 = arith.cmpi eq, %get3A_1032, %get3A_236 : vector<16xi32>
      %convert_element_type3A_1034 = arith.extui %eq3A_1033 : vector<16xi1> to vector<16xi32>
      %ge3A = vector.broadcast %scan3A_1026 : i32 to vector<16xi32>
      %ge3A_1035 = arith.cmpi sge, %iota3A, %ge3A : vector<16xi32>
      %select_n3A_1036 = arith.select %ge3A_1035, %convert_element_type3A_1034, %broadcast_in_dim3A_238 : vector<16xi1>, vector<16xi32>
      %add3A_1037 = arith.addi %scan3A_1027, %select_n3A_1036 : vector<16xi32>
      %add3A_1038 = arith.addi %scan3A_1028, %convert_element_type3A_1034 : vector<16xi32>
      scf.yield %add3A_1037, %add3A_1038 : vector<16xi32>, vector<16xi32>
    }
    %scan3A_248 = arith.constant 15 : i32
    %add3A_249 = arith.constant 1 : i32
    %add3A_250 = vector.broadcast %add3A_249 : i32 to vector<16xi32>
    %add3A_251 = arith.addi %scan3A_247#1, %add3A_250 : vector<16xi32>
    %swap3A_252 = arith.constant 144 : index
    %swap3A_253 = tpu.vector_load %arg8[%swap3A_252] {strides = array<i32>} : memref<256xi32, #tpu.memory_space<vmem>>, vector<16xi32>,
    tpu.vector_store %arg8[%swap3A_252], %scan3A_247#0 {strides = array<i32>} : memref<256xi32, #tpu.memory_space<vmem>>, vector<16xi32>,
    %swap3A_254 = arith.constant 144 : index
    %swap3A_255 = tpu.vector_load %arg9[%swap3A_254] {strides = array<i32>} : memref<256xi32, #tpu.memory_space<vmem>>, vector<16xi32>,
    tpu.vector_store %arg9[%swap3A_254], %add3A_251 {strides = array<i32>} : memref<256xi32, #tpu.memory_space<vmem>>, vector<16xi32>,
    %sub3A_256 = arith.constant 1 : i32
    %sub3A_257 = vector.broadcast %sub3A_256 : i32 to vector<16xi32>
    %sub3A_258 = arith.subi %add3A_251, %sub3A_257 : vector<16xi32>
    %eq3A_259 = arith.cmpi eq, %scan3A_247#0, %sub3A_258 : vector<16xi32>
    tpu.vector_store_idx %arg11[%get3A_236], %add3A_251 masked %eq3A_259 {add = true} : memref<64xi32, #tpu.memory_space<vmem>>[vector<16xi32>], vector<16xi32>, vector<16xi1>
    %get3A_260 = arith.constant 160 : index
    %get3A_261 = tpu.vector_load %arg7[%get3A_260] {strides = array<i32>} : memref<256xi32, #tpu.memory_space<vmem>>, vector<16xi32>,
    %broadcast_in_dim3A_262 = arith.constant 0 : i32
    %broadcast_in_dim3A_263 = vector.broadcast %broadcast_in_dim3A_262 : i32 to vector<16xi32>
    %swap3A_264 = arith.constant 0 : index
    %swap3A_265 = tpu.vector_load %arg15[%swap3A_264] {strides = array<i32>} : memref<32xi32, #tpu.memory_space<vmem>>, vector<16xi32>,
    tpu.vector_store %arg15[%swap3A_264], %get3A_261 {strides = array<i32>} : memref<32xi32, #tpu.memory_space<vmem>>, vector<16xi32>,
    %swap3A_266 = arith.constant 16 : index
    %swap3A_267 = tpu.vector_load %arg15[%swap3A_266] {strides = array<i32>} : memref<32xi32, #tpu.memory_space<vmem>>, vector<16xi32>,
    tpu.vector_store %arg15[%swap3A_266], %get3A_261 {strides = array<i32>} : memref<32xi32, #tpu.memory_space<vmem>>, vector<16xi32>,
    %scan3A_268 = arith.constant 1 : i32
    %scan3A_269 = arith.constant 15 : i32
    %scan3A_270 = arith.addi %scan3A_268, %scan3A_269 : i32
    %scan3A_271 = arith.constant 1 : i32
    %scan3A_272:2 = scf.for %scan3A_1026 = %scan3A_268 to %scan3A_270 step %scan3A_271 iter_args(%scan3A_1027 = %broadcast_in_dim3A_263, %scan3A_1028 = %broadcast_in_dim3A_263) -> (vector<16xi32>, vector<16xi32>)  : i32 {
      %sub3A_1029 = arith.constant 16 : i32
      %sub3A_1030 = arith.subi %sub3A_1029, %scan3A_1026 : i32
      %get3A_1031 = arith.index_cast %sub3A_1030 : i32 to index
      %get3A_1032 = tpu.vector_load %arg15[%get3A_1031] {strides = array<i32>} : memref<32xi32, #tpu.memory_space<vmem>>, vector<16xi32>,
      %eq3A_1033 = arith.cmpi eq, %get3A_1032, %get3A_261 : vector<16xi32>
      %convert_element_type3A_1034 = arith.extui %eq3A_1033 : vector<16xi1> to vector<16xi32>
      %ge3A = vector.broadcast %scan3A_1026 : i32 to vector<16xi32>
      %ge3A_1035 = arith.cmpi sge, %iota3A, %ge3A : vector<16xi32>
      %select_n3A_1036 = arith.select %ge3A_1035, %convert_element_type3A_1034, %broadcast_in_dim3A_263 : vector<16xi1>, vector<16xi32>
      %add3A_1037 = arith.addi %scan3A_1027, %select_n3A_1036 : vector<16xi32>
      %add3A_1038 = arith.addi %scan3A_1028, %convert_element_type3A_1034 : vector<16xi32>
      scf.yield %add3A_1037, %add3A_1038 : vector<16xi32>, vector<16xi32>
    }
    %scan3A_273 = arith.constant 15 : i32
    %add3A_274 = arith.constant 1 : i32
    %add3A_275 = vector.broadcast %add3A_274 : i32 to vector<16xi32>
    %add3A_276 = arith.addi %scan3A_272#1, %add3A_275 : vector<16xi32>
    %swap3A_277 = arith.constant 160 : index
    %swap3A_278 = tpu.vector_load %arg8[%swap3A_277] {strides = array<i32>} : memref<256xi32, #tpu.memory_space<vmem>>, vector<16xi32>,
    tpu.vector_store %arg8[%swap3A_277], %scan3A_272#0 {strides = array<i32>} : memref<256xi32, #tpu.memory_space<vmem>>, vector<16xi32>,
    %swap3A_279 = arith.constant 160 : index
    %swap3A_280 = tpu.vector_load %arg9[%swap3A_279] {strides = array<i32>} : memref<256xi32, #tpu.memory_space<vmem>>, vector<16xi32>,
    tpu.vector_store %arg9[%swap3A_279], %add3A_276 {strides = array<i32>} : memref<256xi32, #tpu.memory_space<vmem>>, vector<16xi32>,
    %sub3A_281 = arith.constant 1 : i32
    %sub3A_282 = vector.broadcast %sub3A_281 : i32 to vector<16xi32>
    %sub3A_283 = arith.subi %add3A_276, %sub3A_282 : vector<16xi32>
    %eq3A_284 = arith.cmpi eq, %scan3A_272#0, %sub3A_283 : vector<16xi32>
    tpu.vector_store_idx %arg11[%get3A_261], %add3A_276 masked %eq3A_284 {add = true} : memref<64xi32, #tpu.memory_space<vmem>>[vector<16xi32>], vector<16xi32>, vector<16xi1>
    %get3A_285 = arith.constant 176 : index
    %get3A_286 = tpu.vector_load %arg7[%get3A_285] {strides = array<i32>} : memref<256xi32, #tpu.memory_space<vmem>>, vector<16xi32>,
    %broadcast_in_dim3A_287 = arith.constant 0 : i32
    %broadcast_in_dim3A_288 = vector.broadcast %broadcast_in_dim3A_287 : i32 to vector<16xi32>
    %swap3A_289 = arith.constant 0 : index
    %swap3A_290 = tpu.vector_load %arg15[%swap3A_289] {strides = array<i32>} : memref<32xi32, #tpu.memory_space<vmem>>, vector<16xi32>,
    tpu.vector_store %arg15[%swap3A_289], %get3A_286 {strides = array<i32>} : memref<32xi32, #tpu.memory_space<vmem>>, vector<16xi32>,
    %swap3A_291 = arith.constant 16 : index
    %swap3A_292 = tpu.vector_load %arg15[%swap3A_291] {strides = array<i32>} : memref<32xi32, #tpu.memory_space<vmem>>, vector<16xi32>,
    tpu.vector_store %arg15[%swap3A_291], %get3A_286 {strides = array<i32>} : memref<32xi32, #tpu.memory_space<vmem>>, vector<16xi32>,
    %scan3A_293 = arith.constant 1 : i32
    %scan3A_294 = arith.constant 15 : i32
    %scan3A_295 = arith.addi %scan3A_293, %scan3A_294 : i32
    %scan3A_296 = arith.constant 1 : i32
    %scan3A_297:2 = scf.for %scan3A_1026 = %scan3A_293 to %scan3A_295 step %scan3A_296 iter_args(%scan3A_1027 = %broadcast_in_dim3A_288, %scan3A_1028 = %broadcast_in_dim3A_288) -> (vector<16xi32>, vector<16xi32>)  : i32 {
      %sub3A_1029 = arith.constant 16 : i32
      %sub3A_1030 = arith.subi %sub3A_1029, %scan3A_1026 : i32
      %get3A_1031 = arith.index_cast %sub3A_1030 : i32 to index
      %get3A_1032 = tpu.vector_load %arg15[%get3A_1031] {strides = array<i32>} : memref<32xi32, #tpu.memory_space<vmem>>, vector<16xi32>,
      %eq3A_1033 = arith.cmpi eq, %get3A_1032, %get3A_286 : vector<16xi32>
      %convert_element_type3A_1034 = arith.extui %eq3A_1033 : vector<16xi1> to vector<16xi32>
      %ge3A = vector.broadcast %scan3A_1026 : i32 to vector<16xi32>
      %ge3A_1035 = arith.cmpi sge, %iota3A, %ge3A : vector<16xi32>
      %select_n3A_1036 = arith.select %ge3A_1035, %convert_element_type3A_1034, %broadcast_in_dim3A_288 : vector<16xi1>, vector<16xi32>
      %add3A_1037 = arith.addi %scan3A_1027, %select_n3A_1036 : vector<16xi32>
      %add3A_1038 = arith.addi %scan3A_1028, %convert_element_type3A_1034 : vector<16xi32>
      scf.yield %add3A_1037, %add3A_1038 : vector<16xi32>, vector<16xi32>
    }
    %scan3A_298 = arith.constant 15 : i32
    %add3A_299 = arith.constant 1 : i32
    %add3A_300 = vector.broadcast %add3A_299 : i32 to vector<16xi32>
    %add3A_301 = arith.addi %scan3A_297#1, %add3A_300 : vector<16xi32>
    %swap3A_302 = arith.constant 176 : index
    %swap3A_303 = tpu.vector_load %arg8[%swap3A_302] {strides = array<i32>} : memref<256xi32, #tpu.memory_space<vmem>>, vector<16xi32>,
    tpu.vector_store %arg8[%swap3A_302], %scan3A_297#0 {strides = array<i32>} : memref<256xi32, #tpu.memory_space<vmem>>, vector<16xi32>,
    %swap3A_304 = arith.constant 176 : index
    %swap3A_305 = tpu.vector_load %arg9[%swap3A_304] {strides = array<i32>} : memref<256xi32, #tpu.memory_space<vmem>>, vector<16xi32>,
    tpu.vector_store %arg9[%swap3A_304], %add3A_301 {strides = array<i32>} : memref<256xi32, #tpu.memory_space<vmem>>, vector<16xi32>,
    %sub3A_306 = arith.constant 1 : i32
    %sub3A_307 = vector.broadcast %sub3A_306 : i32 to vector<16xi32>
    %sub3A_308 = arith.subi %add3A_301, %sub3A_307 : vector<16xi32>
    %eq3A_309 = arith.cmpi eq, %scan3A_297#0, %sub3A_308 : vector<16xi32>
    tpu.vector_store_idx %arg11[%get3A_286], %add3A_301 masked %eq3A_309 {add = true} : memref<64xi32, #tpu.memory_space<vmem>>[vector<16xi32>], vector<16xi32>, vector<16xi1>
    %get3A_310 = arith.constant 192 : index
    %get3A_311 = tpu.vector_load %arg7[%get3A_310] {strides = array<i32>} : memref<256xi32, #tpu.memory_space<vmem>>, vector<16xi32>,
    %broadcast_in_dim3A_312 = arith.constant 0 : i32
    %broadcast_in_dim3A_313 = vector.broadcast %broadcast_in_dim3A_312 : i32 to vector<16xi32>
    %swap3A_314 = arith.constant 0 : index
    %swap3A_315 = tpu.vector_load %arg15[%swap3A_314] {strides = array<i32>} : memref<32xi32, #tpu.memory_space<vmem>>, vector<16xi32>,
    tpu.vector_store %arg15[%swap3A_314], %get3A_311 {strides = array<i32>} : memref<32xi32, #tpu.memory_space<vmem>>, vector<16xi32>,
    %swap3A_316 = arith.constant 16 : index
    %swap3A_317 = tpu.vector_load %arg15[%swap3A_316] {strides = array<i32>} : memref<32xi32, #tpu.memory_space<vmem>>, vector<16xi32>,
    tpu.vector_store %arg15[%swap3A_316], %get3A_311 {strides = array<i32>} : memref<32xi32, #tpu.memory_space<vmem>>, vector<16xi32>,
    %scan3A_318 = arith.constant 1 : i32
    %scan3A_319 = arith.constant 15 : i32
    %scan3A_320 = arith.addi %scan3A_318, %scan3A_319 : i32
    %scan3A_321 = arith.constant 1 : i32
    %scan3A_322:2 = scf.for %scan3A_1026 = %scan3A_318 to %scan3A_320 step %scan3A_321 iter_args(%scan3A_1027 = %broadcast_in_dim3A_313, %scan3A_1028 = %broadcast_in_dim3A_313) -> (vector<16xi32>, vector<16xi32>)  : i32 {
      %sub3A_1029 = arith.constant 16 : i32
      %sub3A_1030 = arith.subi %sub3A_1029, %scan3A_1026 : i32
      %get3A_1031 = arith.index_cast %sub3A_1030 : i32 to index
      %get3A_1032 = tpu.vector_load %arg15[%get3A_1031] {strides = array<i32>} : memref<32xi32, #tpu.memory_space<vmem>>, vector<16xi32>,
      %eq3A_1033 = arith.cmpi eq, %get3A_1032, %get3A_311 : vector<16xi32>
      %convert_element_type3A_1034 = arith.extui %eq3A_1033 : vector<16xi1> to vector<16xi32>
      %ge3A = vector.broadcast %scan3A_1026 : i32 to vector<16xi32>
      %ge3A_1035 = arith.cmpi sge, %iota3A, %ge3A : vector<16xi32>
      %select_n3A_1036 = arith.select %ge3A_1035, %convert_element_type3A_1034, %broadcast_in_dim3A_313 : vector<16xi1>, vector<16xi32>
      %add3A_1037 = arith.addi %scan3A_1027, %select_n3A_1036 : vector<16xi32>
      %add3A_1038 = arith.addi %scan3A_1028, %convert_element_type3A_1034 : vector<16xi32>
      scf.yield %add3A_1037, %add3A_1038 : vector<16xi32>, vector<16xi32>
    }
    %scan3A_323 = arith.constant 15 : i32
    %add3A_324 = arith.constant 1 : i32
    %add3A_325 = vector.broadcast %add3A_324 : i32 to vector<16xi32>
    %add3A_326 = arith.addi %scan3A_322#1, %add3A_325 : vector<16xi32>
    %swap3A_327 = arith.constant 192 : index
    %swap3A_328 = tpu.vector_load %arg8[%swap3A_327] {strides = array<i32>} : memref<256xi32, #tpu.memory_space<vmem>>, vector<16xi32>,
    tpu.vector_store %arg8[%swap3A_327], %scan3A_322#0 {strides = array<i32>} : memref<256xi32, #tpu.memory_space<vmem>>, vector<16xi32>,
    %swap3A_329 = arith.constant 192 : index
    %swap3A_330 = tpu.vector_load %arg9[%swap3A_329] {strides = array<i32>} : memref<256xi32, #tpu.memory_space<vmem>>, vector<16xi32>,
    tpu.vector_store %arg9[%swap3A_329], %add3A_326 {strides = array<i32>} : memref<256xi32, #tpu.memory_space<vmem>>, vector<16xi32>,
    %sub3A_331 = arith.constant 1 : i32
    %sub3A_332 = vector.broadcast %sub3A_331 : i32 to vector<16xi32>
    %sub3A_333 = arith.subi %add3A_326, %sub3A_332 : vector<16xi32>
    %eq3A_334 = arith.cmpi eq, %scan3A_322#0, %sub3A_333 : vector<16xi32>
    tpu.vector_store_idx %arg11[%get3A_311], %add3A_326 masked %eq3A_334 {add = true} : memref<64xi32, #tpu.memory_space<vmem>>[vector<16xi32>], vector<16xi32>, vector<16xi1>
    %get3A_335 = arith.constant 208 : index
    %get3A_336 = tpu.vector_load %arg7[%get3A_335] {strides = array<i32>} : memref<256xi32, #tpu.memory_space<vmem>>, vector<16xi32>,
    %broadcast_in_dim3A_337 = arith.constant 0 : i32
    %broadcast_in_dim3A_338 = vector.broadcast %broadcast_in_dim3A_337 : i32 to vector<16xi32>
    %swap3A_339 = arith.constant 0 : index
    %swap3A_340 = tpu.vector_load %arg15[%swap3A_339] {strides = array<i32>} : memref<32xi32, #tpu.memory_space<vmem>>, vector<16xi32>,
    tpu.vector_store %arg15[%swap3A_339], %get3A_336 {strides = array<i32>} : memref<32xi32, #tpu.memory_space<vmem>>, vector<16xi32>,
    %swap3A_341 = arith.constant 16 : index
    %swap3A_342 = tpu.vector_load %arg15[%swap3A_341] {strides = array<i32>} : memref<32xi32, #tpu.memory_space<vmem>>, vector<16xi32>,
    tpu.vector_store %arg15[%swap3A_341], %get3A_336 {strides = array<i32>} : memref<32xi32, #tpu.memory_space<vmem>>, vector<16xi32>,
    %scan3A_343 = arith.constant 1 : i32
    %scan3A_344 = arith.constant 15 : i32
    %scan3A_345 = arith.addi %scan3A_343, %scan3A_344 : i32
    %scan3A_346 = arith.constant 1 : i32
    %scan3A_347:2 = scf.for %scan3A_1026 = %scan3A_343 to %scan3A_345 step %scan3A_346 iter_args(%scan3A_1027 = %broadcast_in_dim3A_338, %scan3A_1028 = %broadcast_in_dim3A_338) -> (vector<16xi32>, vector<16xi32>)  : i32 {
      %sub3A_1029 = arith.constant 16 : i32
      %sub3A_1030 = arith.subi %sub3A_1029, %scan3A_1026 : i32
      %get3A_1031 = arith.index_cast %sub3A_1030 : i32 to index
      %get3A_1032 = tpu.vector_load %arg15[%get3A_1031] {strides = array<i32>} : memref<32xi32, #tpu.memory_space<vmem>>, vector<16xi32>,
      %eq3A_1033 = arith.cmpi eq, %get3A_1032, %get3A_336 : vector<16xi32>
      %convert_element_type3A_1034 = arith.extui %eq3A_1033 : vector<16xi1> to vector<16xi32>
      %ge3A = vector.broadcast %scan3A_1026 : i32 to vector<16xi32>
      %ge3A_1035 = arith.cmpi sge, %iota3A, %ge3A : vector<16xi32>
      %select_n3A_1036 = arith.select %ge3A_1035, %convert_element_type3A_1034, %broadcast_in_dim3A_338 : vector<16xi1>, vector<16xi32>
      %add3A_1037 = arith.addi %scan3A_1027, %select_n3A_1036 : vector<16xi32>
      %add3A_1038 = arith.addi %scan3A_1028, %convert_element_type3A_1034 : vector<16xi32>
      scf.yield %add3A_1037, %add3A_1038 : vector<16xi32>, vector<16xi32>
    }
    %scan3A_348 = arith.constant 15 : i32
    %add3A_349 = arith.constant 1 : i32
    %add3A_350 = vector.broadcast %add3A_349 : i32 to vector<16xi32>
    %add3A_351 = arith.addi %scan3A_347#1, %add3A_350 : vector<16xi32>
    %swap3A_352 = arith.constant 208 : index
    %swap3A_353 = tpu.vector_load %arg8[%swap3A_352] {strides = array<i32>} : memref<256xi32, #tpu.memory_space<vmem>>, vector<16xi32>,
    tpu.vector_store %arg8[%swap3A_352], %scan3A_347#0 {strides = array<i32>} : memref<256xi32, #tpu.memory_space<vmem>>, vector<16xi32>,
    %swap3A_354 = arith.constant 208 : index
    %swap3A_355 = tpu.vector_load %arg9[%swap3A_354] {strides = array<i32>} : memref<256xi32, #tpu.memory_space<vmem>>, vector<16xi32>,
    tpu.vector_store %arg9[%swap3A_354], %add3A_351 {strides = array<i32>} : memref<256xi32, #tpu.memory_space<vmem>>, vector<16xi32>,
    %sub3A_356 = arith.constant 1 : i32
    %sub3A_357 = vector.broadcast %sub3A_356 : i32 to vector<16xi32>
    %sub3A_358 = arith.subi %add3A_351, %sub3A_357 : vector<16xi32>
    %eq3A_359 = arith.cmpi eq, %scan3A_347#0, %sub3A_358 : vector<16xi32>
    tpu.vector_store_idx %arg11[%get3A_336], %add3A_351 masked %eq3A_359 {add = true} : memref<64xi32, #tpu.memory_space<vmem>>[vector<16xi32>], vector<16xi32>, vector<16xi1>
    %get3A_360 = arith.constant 224 : index
    %get3A_361 = tpu.vector_load %arg7[%get3A_360] {strides = array<i32>} : memref<256xi32, #tpu.memory_space<vmem>>, vector<16xi32>,
    %broadcast_in_dim3A_362 = arith.constant 0 : i32
    %broadcast_in_dim3A_363 = vector.broadcast %broadcast_in_dim3A_362 : i32 to vector<16xi32>
    %swap3A_364 = arith.constant 0 : index
    %swap3A_365 = tpu.vector_load %arg15[%swap3A_364] {strides = array<i32>} : memref<32xi32, #tpu.memory_space<vmem>>, vector<16xi32>,
    tpu.vector_store %arg15[%swap3A_364], %get3A_361 {strides = array<i32>} : memref<32xi32, #tpu.memory_space<vmem>>, vector<16xi32>,
    %swap3A_366 = arith.constant 16 : index
    %swap3A_367 = tpu.vector_load %arg15[%swap3A_366] {strides = array<i32>} : memref<32xi32, #tpu.memory_space<vmem>>, vector<16xi32>,
    tpu.vector_store %arg15[%swap3A_366], %get3A_361 {strides = array<i32>} : memref<32xi32, #tpu.memory_space<vmem>>, vector<16xi32>,
    %scan3A_368 = arith.constant 1 : i32
    %scan3A_369 = arith.constant 15 : i32
    %scan3A_370 = arith.addi %scan3A_368, %scan3A_369 : i32
    %scan3A_371 = arith.constant 1 : i32
    %scan3A_372:2 = scf.for %scan3A_1026 = %scan3A_368 to %scan3A_370 step %scan3A_371 iter_args(%scan3A_1027 = %broadcast_in_dim3A_363, %scan3A_1028 = %broadcast_in_dim3A_363) -> (vector<16xi32>, vector<16xi32>)  : i32 {
      %sub3A_1029 = arith.constant 16 : i32
      %sub3A_1030 = arith.subi %sub3A_1029, %scan3A_1026 : i32
      %get3A_1031 = arith.index_cast %sub3A_1030 : i32 to index
      %get3A_1032 = tpu.vector_load %arg15[%get3A_1031] {strides = array<i32>} : memref<32xi32, #tpu.memory_space<vmem>>, vector<16xi32>,
      %eq3A_1033 = arith.cmpi eq, %get3A_1032, %get3A_361 : vector<16xi32>
      %convert_element_type3A_1034 = arith.extui %eq3A_1033 : vector<16xi1> to vector<16xi32>
      %ge3A = vector.broadcast %scan3A_1026 : i32 to vector<16xi32>
      %ge3A_1035 = arith.cmpi sge, %iota3A, %ge3A : vector<16xi32>
      %select_n3A_1036 = arith.select %ge3A_1035, %convert_element_type3A_1034, %broadcast_in_dim3A_363 : vector<16xi1>, vector<16xi32>
      %add3A_1037 = arith.addi %scan3A_1027, %select_n3A_1036 : vector<16xi32>
      %add3A_1038 = arith.addi %scan3A_1028, %convert_element_type3A_1034 : vector<16xi32>
      scf.yield %add3A_1037, %add3A_1038 : vector<16xi32>, vector<16xi32>
    }
    %scan3A_373 = arith.constant 15 : i32
    %add3A_374 = arith.constant 1 : i32
    %add3A_375 = vector.broadcast %add3A_374 : i32 to vector<16xi32>
    %add3A_376 = arith.addi %scan3A_372#1, %add3A_375 : vector<16xi32>
    %swap3A_377 = arith.constant 224 : index
    %swap3A_378 = tpu.vector_load %arg8[%swap3A_377] {strides = array<i32>} : memref<256xi32, #tpu.memory_space<vmem>>, vector<16xi32>,
    tpu.vector_store %arg8[%swap3A_377], %scan3A_372#0 {strides = array<i32>} : memref<256xi32, #tpu.memory_space<vmem>>, vector<16xi32>,
    %swap3A_379 = arith.constant 224 : index
    %swap3A_380 = tpu.vector_load %arg9[%swap3A_379] {strides = array<i32>} : memref<256xi32, #tpu.memory_space<vmem>>, vector<16xi32>,
    tpu.vector_store %arg9[%swap3A_379], %add3A_376 {strides = array<i32>} : memref<256xi32, #tpu.memory_space<vmem>>, vector<16xi32>,
    %sub3A_381 = arith.constant 1 : i32
    %sub3A_382 = vector.broadcast %sub3A_381 : i32 to vector<16xi32>
    %sub3A_383 = arith.subi %add3A_376, %sub3A_382 : vector<16xi32>
    %eq3A_384 = arith.cmpi eq, %scan3A_372#0, %sub3A_383 : vector<16xi32>
    tpu.vector_store_idx %arg11[%get3A_361], %add3A_376 masked %eq3A_384 {add = true} : memref<64xi32, #tpu.memory_space<vmem>>[vector<16xi32>], vector<16xi32>, vector<16xi1>
    %get3A_385 = arith.constant 240 : index
    %get3A_386 = tpu.vector_load %arg7[%get3A_385] {strides = array<i32>} : memref<256xi32, #tpu.memory_space<vmem>>, vector<16xi32>,
    %broadcast_in_dim3A_387 = arith.constant 0 : i32
    %broadcast_in_dim3A_388 = vector.broadcast %broadcast_in_dim3A_387 : i32 to vector<16xi32>
    %swap3A_389 = arith.constant 0 : index
    %swap3A_390 = tpu.vector_load %arg15[%swap3A_389] {strides = array<i32>} : memref<32xi32, #tpu.memory_space<vmem>>, vector<16xi32>,
    tpu.vector_store %arg15[%swap3A_389], %get3A_386 {strides = array<i32>} : memref<32xi32, #tpu.memory_space<vmem>>, vector<16xi32>,
    %swap3A_391 = arith.constant 16 : index
    %swap3A_392 = tpu.vector_load %arg15[%swap3A_391] {strides = array<i32>} : memref<32xi32, #tpu.memory_space<vmem>>, vector<16xi32>,
    tpu.vector_store %arg15[%swap3A_391], %get3A_386 {strides = array<i32>} : memref<32xi32, #tpu.memory_space<vmem>>, vector<16xi32>,
    %scan3A_393 = arith.constant 1 : i32
    %scan3A_394 = arith.constant 15 : i32
    %scan3A_395 = arith.addi %scan3A_393, %scan3A_394 : i32
    %scan3A_396 = arith.constant 1 : i32
    %scan3A_397:2 = scf.for %scan3A_1026 = %scan3A_393 to %scan3A_395 step %scan3A_396 iter_args(%scan3A_1027 = %broadcast_in_dim3A_388, %scan3A_1028 = %broadcast_in_dim3A_388) -> (vector<16xi32>, vector<16xi32>)  : i32 {
      %sub3A_1029 = arith.constant 16 : i32
      %sub3A_1030 = arith.subi %sub3A_1029, %scan3A_1026 : i32
      %get3A_1031 = arith.index_cast %sub3A_1030 : i32 to index
      %get3A_1032 = tpu.vector_load %arg15[%get3A_1031] {strides = array<i32>} : memref<32xi32, #tpu.memory_space<vmem>>, vector<16xi32>,
      %eq3A_1033 = arith.cmpi eq, %get3A_1032, %get3A_386 : vector<16xi32>
      %convert_element_type3A_1034 = arith.extui %eq3A_1033 : vector<16xi1> to vector<16xi32>
      %ge3A = vector.broadcast %scan3A_1026 : i32 to vector<16xi32>
      %ge3A_1035 = arith.cmpi sge, %iota3A, %ge3A : vector<16xi32>
      %select_n3A_1036 = arith.select %ge3A_1035, %convert_element_type3A_1034, %broadcast_in_dim3A_388 : vector<16xi1>, vector<16xi32>
      %add3A_1037 = arith.addi %scan3A_1027, %select_n3A_1036 : vector<16xi32>
      %add3A_1038 = arith.addi %scan3A_1028, %convert_element_type3A_1034 : vector<16xi32>
      scf.yield %add3A_1037, %add3A_1038 : vector<16xi32>, vector<16xi32>
    }
    %scan3A_398 = arith.constant 15 : i32
    %add3A_399 = arith.constant 1 : i32
    %add3A_400 = vector.broadcast %add3A_399 : i32 to vector<16xi32>
    %add3A_401 = arith.addi %scan3A_397#1, %add3A_400 : vector<16xi32>
    %swap3A_402 = arith.constant 240 : index
    %swap3A_403 = tpu.vector_load %arg8[%swap3A_402] {strides = array<i32>} : memref<256xi32, #tpu.memory_space<vmem>>, vector<16xi32>,
    tpu.vector_store %arg8[%swap3A_402], %scan3A_397#0 {strides = array<i32>} : memref<256xi32, #tpu.memory_space<vmem>>, vector<16xi32>,
    %swap3A_404 = arith.constant 240 : index
    %swap3A_405 = tpu.vector_load %arg9[%swap3A_404] {strides = array<i32>} : memref<256xi32, #tpu.memory_space<vmem>>, vector<16xi32>,
    tpu.vector_store %arg9[%swap3A_404], %add3A_401 {strides = array<i32>} : memref<256xi32, #tpu.memory_space<vmem>>, vector<16xi32>,
    %sub3A_406 = arith.constant 1 : i32
    %sub3A_407 = vector.broadcast %sub3A_406 : i32 to vector<16xi32>
    %sub3A_408 = arith.subi %add3A_401, %sub3A_407 : vector<16xi32>
    %eq3A_409 = arith.cmpi eq, %scan3A_397#0, %sub3A_408 : vector<16xi32>
    tpu.vector_store_idx %arg11[%get3A_386], %add3A_401 masked %eq3A_409 {add = true} : memref<64xi32, #tpu.memory_space<vmem>>[vector<16xi32>], vector<16xi32>, vector<16xi1>
    %mul3A_410 = arith.constant 64 : i32
    %mul3A_411 = arith.muli %arg1, %mul3A_410 : i32
    "tpu.region"() ({
      %run_scoped3A = tpu.sem_alloc : memref<!tpu.dma_semaphore, #tpu.memory_space<semaphore_mem>>
      %dma_start3A_1026 = tpu.memref_slice %arg17[%mul3A_411] : memref<1024xi32, #tpu.memory_space<vmem_shared>> -> memref<64xi32, #tpu.memory_space<vmem_shared>>
      %dma_start3A_1027 = tpu.memref_slice %arg17[%mul3A_411] : memref<1024xi32, #tpu.memory_space<vmem_shared>> -> memref<64xi32, #tpu.memory_space<vmem_shared>>
      tpu.enqueue_dma source(%arg11 : memref<64xi32, #tpu.memory_space<vmem>>) target(%dma_start3A_1027 : memref<64xi32, #tpu.memory_space<vmem_shared>>) target_semaphore(%run_scoped3A : memref<!tpu.dma_semaphore, #tpu.memory_space<semaphore_mem>>)
      %dma_wait3A_1028 = tpu.memref_slice %arg17[%mul3A_411] : memref<1024xi32, #tpu.memory_space<vmem_shared>> -> memref<64xi32, #tpu.memory_space<vmem_shared>>
      %dma_wait3A_1029 = tpu.memref_slice %arg17[%mul3A_411] : memref<1024xi32, #tpu.memory_space<vmem_shared>> -> memref<64xi32, #tpu.memory_space<vmem_shared>>
      tpu.wait_dma2 semaphore(%run_scoped3A : memref<!tpu.dma_semaphore, #tpu.memory_space<semaphore_mem>>) src(%arg11 : memref<64xi32, #tpu.memory_space<vmem>>) dst(%dma_wait3A_1029 : memref<64xi32, #tpu.memory_space<vmem_shared>>)
      tpu.yield
    }) : () -> ()
    %barrier3A = arith.constant 0 : index
    tpu.barrier barrier_id(%barrier3A)
    "tpu.region"() ({
      %run_scoped3A = tpu.sem_alloc : memref<!tpu.dma_semaphore, #tpu.memory_space<semaphore_mem>>
      tpu.enqueue_dma source(%arg17 : memref<1024xi32, #tpu.memory_space<vmem_shared>>) target(%arg12 : memref<1024xi32, #tpu.memory_space<vmem>>) target_semaphore(%run_scoped3A : memref<!tpu.dma_semaphore, #tpu.memory_space<semaphore_mem>>)
      tpu.wait_dma2 semaphore(%run_scoped3A : memref<!tpu.dma_semaphore, #tpu.memory_space<semaphore_mem>>) src(%arg17 : memref<1024xi32, #tpu.memory_space<vmem_shared>>) dst(%arg12 : memref<1024xi32, #tpu.memory_space<vmem>>)
      tpu.yield
    }) : () -> ()
    %broadcast_in_dim3A_412 = arith.constant 0 : i32
    %broadcast_in_dim3A_413 = vector.broadcast %broadcast_in_dim3A_412 : i32 to vector<16xi32>
    %broadcast_in_dim3A_414 = arith.constant 0 : i32
    %broadcast_in_dim3A_415 = vector.broadcast %broadcast_in_dim3A_414 : i32 to vector<16xi32>
    %scan3A_416 = arith.constant 0 : i32
    %scan3A_417 = arith.constant 16 : i32
    %scan3A_418 = arith.addi %scan3A_416, %scan3A_417 : i32
    %scan3A_419 = arith.constant 1 : i32
    %scan3A_420:2 = scf.for %scan3A_1026 = %scan3A_416 to %scan3A_418 step %scan3A_419 iter_args(%scan3A_1027 = %broadcast_in_dim3A_413, %scan3A_1028 = %broadcast_in_dim3A_415) -> (vector<16xi32>, vector<16xi32>)  : i32 {
      %mul3A_1029 = arith.constant 64 : i32
      %mul3A_1030 = arith.muli %scan3A_1026, %mul3A_1029 : i32
      %add3A_1031 = arith.constant 0 : i32
      %add3A_1032 = arith.addi %mul3A_1030, %add3A_1031 : i32
      %get3A_1033 = arith.index_cast %add3A_1032 : i32 to index
      %get3A_1034 = tpu.vector_load %arg12[%get3A_1033] {strides = array<i32>} : memref<1024xi32, #tpu.memory_space<vmem>>, vector<16xi32>,
      %add3A_1035 = arith.addi %scan3A_1027, %get3A_1034 : vector<16xi32>
      %lt3A = arith.cmpi slt, %scan3A_1026, %arg1 : i32
      %broadcast_in_dim3A_1036 = arith.constant 0 : i32
      %broadcast_in_dim3A_1037 = vector.broadcast %broadcast_in_dim3A_1036 : i32 to vector<16xi32>
      %select_n3A_1038 = arith.select %lt3A, %get3A_1034, %broadcast_in_dim3A_1037 : vector<16xi32>
      %add3A_1039 = arith.addi %scan3A_1028, %select_n3A_1038 : vector<16xi32>
      scf.yield %add3A_1035, %add3A_1039 : vector<16xi32>, vector<16xi32>
    }
    %scan3A_421 = arith.constant 16 : i32
    %broadcast_in_dim3A_422 = arith.constant 0 : i32
    %broadcast_in_dim3A_423 = vector.broadcast %broadcast_in_dim3A_422 : i32 to vector<16xi32>
    %broadcast_in_dim3A_424 = arith.constant 0 : i32
    %broadcast_in_dim3A_425 = vector.broadcast %broadcast_in_dim3A_424 : i32 to vector<16xi32>
    %scan3A_426 = arith.constant 0 : i32
    %scan3A_427 = arith.constant 16 : i32
    %scan3A_428 = arith.addi %scan3A_426, %scan3A_427 : i32
    %scan3A_429 = arith.constant 1 : i32
    %scan3A_430:2 = scf.for %scan3A_1026 = %scan3A_426 to %scan3A_428 step %scan3A_429 iter_args(%scan3A_1027 = %broadcast_in_dim3A_423, %scan3A_1028 = %broadcast_in_dim3A_425) -> (vector<16xi32>, vector<16xi32>)  : i32 {
      %mul3A_1029 = arith.constant 64 : i32
      %mul3A_1030 = arith.muli %scan3A_1026, %mul3A_1029 : i32
      %add3A_1031 = arith.constant 16 : i32
      %add3A_1032 = arith.addi %mul3A_1030, %add3A_1031 : i32
      %get3A_1033 = arith.index_cast %add3A_1032 : i32 to index
      %get3A_1034 = tpu.vector_load %arg12[%get3A_1033] {strides = array<i32>} : memref<1024xi32, #tpu.memory_space<vmem>>, vector<16xi32>,
      %add3A_1035 = arith.addi %scan3A_1027, %get3A_1034 : vector<16xi32>
      %lt3A = arith.cmpi slt, %scan3A_1026, %arg1 : i32
      %broadcast_in_dim3A_1036 = arith.constant 0 : i32
      %broadcast_in_dim3A_1037 = vector.broadcast %broadcast_in_dim3A_1036 : i32 to vector<16xi32>
      %select_n3A_1038 = arith.select %lt3A, %get3A_1034, %broadcast_in_dim3A_1037 : vector<16xi32>
      %add3A_1039 = arith.addi %scan3A_1028, %select_n3A_1038 : vector<16xi32>
      scf.yield %add3A_1035, %add3A_1039 : vector<16xi32>, vector<16xi32>
    }
    %scan3A_431 = arith.constant 16 : i32
    %broadcast_in_dim3A_432 = arith.constant 0 : i32
    %broadcast_in_dim3A_433 = vector.broadcast %broadcast_in_dim3A_432 : i32 to vector<16xi32>
    %broadcast_in_dim3A_434 = arith.constant 0 : i32
    %broadcast_in_dim3A_435 = vector.broadcast %broadcast_in_dim3A_434 : i32 to vector<16xi32>
    %scan3A_436 = arith.constant 0 : i32
    %scan3A_437 = arith.constant 16 : i32
    %scan3A_438 = arith.addi %scan3A_436, %scan3A_437 : i32
    %scan3A_439 = arith.constant 1 : i32
    %scan3A_440:2 = scf.for %scan3A_1026 = %scan3A_436 to %scan3A_438 step %scan3A_439 iter_args(%scan3A_1027 = %broadcast_in_dim3A_433, %scan3A_1028 = %broadcast_in_dim3A_435) -> (vector<16xi32>, vector<16xi32>)  : i32 {
      %mul3A_1029 = arith.constant 64 : i32
      %mul3A_1030 = arith.muli %scan3A_1026, %mul3A_1029 : i32
      %add3A_1031 = arith.constant 32 : i32
      %add3A_1032 = arith.addi %mul3A_1030, %add3A_1031 : i32
      %get3A_1033 = arith.index_cast %add3A_1032 : i32 to index
      %get3A_1034 = tpu.vector_load %arg12[%get3A_1033] {strides = array<i32>} : memref<1024xi32, #tpu.memory_space<vmem>>, vector<16xi32>,
      %add3A_1035 = arith.addi %scan3A_1027, %get3A_1034 : vector<16xi32>
      %lt3A = arith.cmpi slt, %scan3A_1026, %arg1 : i32
      %broadcast_in_dim3A_1036 = arith.constant 0 : i32
      %broadcast_in_dim3A_1037 = vector.broadcast %broadcast_in_dim3A_1036 : i32 to vector<16xi32>
      %select_n3A_1038 = arith.select %lt3A, %get3A_1034, %broadcast_in_dim3A_1037 : vector<16xi32>
      %add3A_1039 = arith.addi %scan3A_1028, %select_n3A_1038 : vector<16xi32>
      scf.yield %add3A_1035, %add3A_1039 : vector<16xi32>, vector<16xi32>
    }
    %scan3A_441 = arith.constant 16 : i32
    %broadcast_in_dim3A_442 = arith.constant 0 : i32
    %broadcast_in_dim3A_443 = vector.broadcast %broadcast_in_dim3A_442 : i32 to vector<16xi32>
    %broadcast_in_dim3A_444 = arith.constant 0 : i32
    %broadcast_in_dim3A_445 = vector.broadcast %broadcast_in_dim3A_444 : i32 to vector<16xi32>
    %scan3A_446 = arith.constant 0 : i32
    %scan3A_447 = arith.constant 16 : i32
    %scan3A_448 = arith.addi %scan3A_446, %scan3A_447 : i32
    %scan3A_449 = arith.constant 1 : i32
    %scan3A_450:2 = scf.for %scan3A_1026 = %scan3A_446 to %scan3A_448 step %scan3A_449 iter_args(%scan3A_1027 = %broadcast_in_dim3A_443, %scan3A_1028 = %broadcast_in_dim3A_445) -> (vector<16xi32>, vector<16xi32>)  : i32 {
      %mul3A_1029 = arith.constant 64 : i32
      %mul3A_1030 = arith.muli %scan3A_1026, %mul3A_1029 : i32
      %add3A_1031 = arith.constant 48 : i32
      %add3A_1032 = arith.addi %mul3A_1030, %add3A_1031 : i32
      %get3A_1033 = arith.index_cast %add3A_1032 : i32 to index
      %get3A_1034 = tpu.vector_load %arg12[%get3A_1033] {strides = array<i32>} : memref<1024xi32, #tpu.memory_space<vmem>>, vector<16xi32>,
      %add3A_1035 = arith.addi %scan3A_1027, %get3A_1034 : vector<16xi32>
      %lt3A = arith.cmpi slt, %scan3A_1026, %arg1 : i32
      %broadcast_in_dim3A_1036 = arith.constant 0 : i32
      %broadcast_in_dim3A_1037 = vector.broadcast %broadcast_in_dim3A_1036 : i32 to vector<16xi32>
      %select_n3A_1038 = arith.select %lt3A, %get3A_1034, %broadcast_in_dim3A_1037 : vector<16xi32>
      %add3A_1039 = arith.addi %scan3A_1028, %select_n3A_1038 : vector<16xi32>
      scf.yield %add3A_1035, %add3A_1039 : vector<16xi32>, vector<16xi32>
    }
    %scan3A_451 = arith.constant 16 : i32
    %add3A_452 = arith.constant 128 : i32
    %add3A_453 = vector.broadcast %add3A_452 : i32 to vector<16xi32>
    %add3A_454 = arith.addi %scan3A_420#0, %add3A_453 : vector<16xi32>
    %sub3A_455 = arith.constant 1 : i32
    %sub3A_456 = vector.broadcast %sub3A_455 : i32 to vector<16xi32>
    %sub3A_457 = arith.subi %add3A_454, %sub3A_456 : vector<16xi32>
    %jit3A = arith.constant 128 : i32
    %div3A = vector.broadcast %jit3A : i32 to vector<16xi32>
    %div3A_458 = arith.divsi %sub3A_457, %div3A : vector<16xi32>
    %sign3A = arith.constant 0 : i32
    %sign3A_459 = vector.broadcast %sign3A : i32 to vector<16xi32>
    %sign3A_460 = arith.cmpi sgt, %sub3A_457, %sign3A_459 : vector<16xi32>
    %sign3A_461 = arith.extui %sign3A_460 : vector<16xi1> to vector<16xi32>
    %sign3A_462 = arith.constant 0 : i32
    %sign3A_463 = vector.broadcast %sign3A_462 : i32 to vector<16xi32>
    %sign3A_464 = arith.cmpi slt, %sub3A_457, %sign3A_463 : vector<16xi32>
    %sign3A_465 = arith.extui %sign3A_464 : vector<16xi1> to vector<16xi32>
    %sign3A_466 = arith.subi %sign3A_461, %sign3A_465 : vector<16xi32>
    %sign3A_467 = arith.constant 0 : i32
    %sign3A_468 = arith.cmpi sgt, %jit3A, %sign3A_467 : i32
    %sign3A_469 = arith.extui %sign3A_468 : i1 to i32
    %sign3A_470 = arith.constant 0 : i32
    %sign3A_471 = arith.cmpi slt, %jit3A, %sign3A_470 : i32
    %sign3A_472 = arith.extui %sign3A_471 : i1 to i32
    %sign3A_473 = arith.subi %sign3A_469, %sign3A_472 : i32
    %ne3A = vector.broadcast %sign3A_473 : i32 to vector<16xi32>
    %ne3A_474 = arith.cmpi ne, %sign3A_466, %ne3A : vector<16xi32>
    %rem3A = vector.broadcast %jit3A : i32 to vector<16xi32>
    %rem3A_475 = arith.remsi %sub3A_457, %rem3A : vector<16xi32>
    %ne3A_476 = arith.constant 0 : i32
    %ne3A_477 = vector.broadcast %ne3A_476 : i32 to vector<16xi32>
    %ne3A_478 = arith.cmpi ne, %rem3A_475, %ne3A_477 : vector<16xi32>
    %and3A = arith.andi %ne3A_474, %ne3A_478 : vector<16xi1>
    %sub3A_479 = arith.constant 1 : i32
    %sub3A_480 = vector.broadcast %sub3A_479 : i32 to vector<16xi32>
    %sub3A_481 = arith.subi %div3A_458, %sub3A_480 : vector<16xi32>
    %select_n3A = arith.select %and3A, %sub3A_481, %div3A_458 : vector<16xi1>, vector<16xi32>
    %broadcast_in_dim3A_482 = arith.constant true
    %broadcast_in_dim3A_483 = vector.broadcast %broadcast_in_dim3A_482 : i1 to vector<16xi1>
    %masked_cumsum3A = tpu.scan <sum>, %select_n3A masked %broadcast_in_dim3A_483 : vector<16xi32>, vector<16xi1> -> vector<16xi32>
    %sub3A_484 = arith.subi %masked_cumsum3A, %select_n3A : vector<16xi32>
    %add3A_485 = arith.constant 0 : i32
    %add3A_486 = vector.broadcast %add3A_485 : i32 to vector<16xi32>
    %add3A_487 = arith.addi %sub3A_484, %add3A_486 : vector<16xi32>
    %reduce_sum3A = arith.constant true
    %reduce_sum3A_488 = vector.broadcast %reduce_sum3A : i1 to vector<16xi1>
    %reduce_sum3A_489 = tpu.scan <sum>, %select_n3A masked %reduce_sum3A_488 : vector<16xi32>, vector<16xi1> -> vector<16xi32>
    %reduce_sum3A_490 = vector.extract %reduce_sum3A_489[15] : i32 from vector<16xi32>
    %add3A_491 = arith.constant 0 : i32
    %add3A_492 = arith.addi %add3A_491, %reduce_sum3A_490 : i32
    %add3A_493 = arith.constant 128 : i32
    %add3A_494 = vector.broadcast %add3A_493 : i32 to vector<16xi32>
    %add3A_495 = arith.addi %scan3A_430#0, %add3A_494 : vector<16xi32>
    %sub3A_496 = arith.constant 1 : i32
    %sub3A_497 = vector.broadcast %sub3A_496 : i32 to vector<16xi32>
    %sub3A_498 = arith.subi %add3A_495, %sub3A_497 : vector<16xi32>
    %jit3A_499 = arith.constant 128 : i32
    %div3A_500 = vector.broadcast %jit3A_499 : i32 to vector<16xi32>
    %div3A_501 = arith.divsi %sub3A_498, %div3A_500 : vector<16xi32>
    %sign3A_502 = arith.constant 0 : i32
    %sign3A_503 = vector.broadcast %sign3A_502 : i32 to vector<16xi32>
    %sign3A_504 = arith.cmpi sgt, %sub3A_498, %sign3A_503 : vector<16xi32>
    %sign3A_505 = arith.extui %sign3A_504 : vector<16xi1> to vector<16xi32>
    %sign3A_506 = arith.constant 0 : i32
    %sign3A_507 = vector.broadcast %sign3A_506 : i32 to vector<16xi32>
    %sign3A_508 = arith.cmpi slt, %sub3A_498, %sign3A_507 : vector<16xi32>
    %sign3A_509 = arith.extui %sign3A_508 : vector<16xi1> to vector<16xi32>
    %sign3A_510 = arith.subi %sign3A_505, %sign3A_509 : vector<16xi32>
    %sign3A_511 = arith.constant 0 : i32
    %sign3A_512 = arith.cmpi sgt, %jit3A_499, %sign3A_511 : i32
    %sign3A_513 = arith.extui %sign3A_512 : i1 to i32
    %sign3A_514 = arith.constant 0 : i32
    %sign3A_515 = arith.cmpi slt, %jit3A_499, %sign3A_514 : i32
    %sign3A_516 = arith.extui %sign3A_515 : i1 to i32
    %sign3A_517 = arith.subi %sign3A_513, %sign3A_516 : i32
    %ne3A_518 = vector.broadcast %sign3A_517 : i32 to vector<16xi32>
    %ne3A_519 = arith.cmpi ne, %sign3A_510, %ne3A_518 : vector<16xi32>
    %rem3A_520 = vector.broadcast %jit3A_499 : i32 to vector<16xi32>
    %rem3A_521 = arith.remsi %sub3A_498, %rem3A_520 : vector<16xi32>
    %ne3A_522 = arith.constant 0 : i32
    %ne3A_523 = vector.broadcast %ne3A_522 : i32 to vector<16xi32>
    %ne3A_524 = arith.cmpi ne, %rem3A_521, %ne3A_523 : vector<16xi32>
    %and3A_525 = arith.andi %ne3A_519, %ne3A_524 : vector<16xi1>
    %sub3A_526 = arith.constant 1 : i32
    %sub3A_527 = vector.broadcast %sub3A_526 : i32 to vector<16xi32>
    %sub3A_528 = arith.subi %div3A_501, %sub3A_527 : vector<16xi32>
    %select_n3A_529 = arith.select %and3A_525, %sub3A_528, %div3A_501 : vector<16xi1>, vector<16xi32>
    %broadcast_in_dim3A_530 = arith.constant true
    %broadcast_in_dim3A_531 = vector.broadcast %broadcast_in_dim3A_530 : i1 to vector<16xi1>
    %masked_cumsum3A_532 = tpu.scan <sum>, %select_n3A_529 masked %broadcast_in_dim3A_531 : vector<16xi32>, vector<16xi1> -> vector<16xi32>
    %sub3A_533 = arith.subi %masked_cumsum3A_532, %select_n3A_529 : vector<16xi32>
    %add3A_534 = vector.broadcast %add3A_492 : i32 to vector<16xi32>
    %add3A_535 = arith.addi %sub3A_533, %add3A_534 : vector<16xi32>
    %reduce_sum3A_536 = arith.constant true
    %reduce_sum3A_537 = vector.broadcast %reduce_sum3A_536 : i1 to vector<16xi1>
    %reduce_sum3A_538 = tpu.scan <sum>, %select_n3A_529 masked %reduce_sum3A_537 : vector<16xi32>, vector<16xi1> -> vector<16xi32>
    %reduce_sum3A_539 = vector.extract %reduce_sum3A_538[15] : i32 from vector<16xi32>
    %add3A_540 = arith.addi %add3A_492, %reduce_sum3A_539 : i32
    %add3A_541 = arith.constant 128 : i32
    %add3A_542 = vector.broadcast %add3A_541 : i32 to vector<16xi32>
    %add3A_543 = arith.addi %scan3A_440#0, %add3A_542 : vector<16xi32>
    %sub3A_544 = arith.constant 1 : i32
    %sub3A_545 = vector.broadcast %sub3A_544 : i32 to vector<16xi32>
    %sub3A_546 = arith.subi %add3A_543, %sub3A_545 : vector<16xi32>
    %jit3A_547 = arith.constant 128 : i32
    %div3A_548 = vector.broadcast %jit3A_547 : i32 to vector<16xi32>
    %div3A_549 = arith.divsi %sub3A_546, %div3A_548 : vector<16xi32>
    %sign3A_550 = arith.constant 0 : i32
    %sign3A_551 = vector.broadcast %sign3A_550 : i32 to vector<16xi32>
    %sign3A_552 = arith.cmpi sgt, %sub3A_546, %sign3A_551 : vector<16xi32>
    %sign3A_553 = arith.extui %sign3A_552 : vector<16xi1> to vector<16xi32>
    %sign3A_554 = arith.constant 0 : i32
    %sign3A_555 = vector.broadcast %sign3A_554 : i32 to vector<16xi32>
    %sign3A_556 = arith.cmpi slt, %sub3A_546, %sign3A_555 : vector<16xi32>
    %sign3A_557 = arith.extui %sign3A_556 : vector<16xi1> to vector<16xi32>
    %sign3A_558 = arith.subi %sign3A_553, %sign3A_557 : vector<16xi32>
    %sign3A_559 = arith.constant 0 : i32
    %sign3A_560 = arith.cmpi sgt, %jit3A_547, %sign3A_559 : i32
    %sign3A_561 = arith.extui %sign3A_560 : i1 to i32
    %sign3A_562 = arith.constant 0 : i32
    %sign3A_563 = arith.cmpi slt, %jit3A_547, %sign3A_562 : i32
    %sign3A_564 = arith.extui %sign3A_563 : i1 to i32
    %sign3A_565 = arith.subi %sign3A_561, %sign3A_564 : i32
    %ne3A_566 = vector.broadcast %sign3A_565 : i32 to vector<16xi32>
    %ne3A_567 = arith.cmpi ne, %sign3A_558, %ne3A_566 : vector<16xi32>
    %rem3A_568 = vector.broadcast %jit3A_547 : i32 to vector<16xi32>
    %rem3A_569 = arith.remsi %sub3A_546, %rem3A_568 : vector<16xi32>
    %ne3A_570 = arith.constant 0 : i32
    %ne3A_571 = vector.broadcast %ne3A_570 : i32 to vector<16xi32>
    %ne3A_572 = arith.cmpi ne, %rem3A_569, %ne3A_571 : vector<16xi32>
    %and3A_573 = arith.andi %ne3A_567, %ne3A_572 : vector<16xi1>
    %sub3A_574 = arith.constant 1 : i32
    %sub3A_575 = vector.broadcast %sub3A_574 : i32 to vector<16xi32>
    %sub3A_576 = arith.subi %div3A_549, %sub3A_575 : vector<16xi32>
    %select_n3A_577 = arith.select %and3A_573, %sub3A_576, %div3A_549 : vector<16xi1>, vector<16xi32>
    %broadcast_in_dim3A_578 = arith.constant true
    %broadcast_in_dim3A_579 = vector.broadcast %broadcast_in_dim3A_578 : i1 to vector<16xi1>
    %masked_cumsum3A_580 = tpu.scan <sum>, %select_n3A_577 masked %broadcast_in_dim3A_579 : vector<16xi32>, vector<16xi1> -> vector<16xi32>
    %sub3A_581 = arith.subi %masked_cumsum3A_580, %select_n3A_577 : vector<16xi32>
    %add3A_582 = vector.broadcast %add3A_540 : i32 to vector<16xi32>
    %add3A_583 = arith.addi %sub3A_581, %add3A_582 : vector<16xi32>
    %reduce_sum3A_584 = arith.constant true
    %reduce_sum3A_585 = vector.broadcast %reduce_sum3A_584 : i1 to vector<16xi1>
    %reduce_sum3A_586 = tpu.scan <sum>, %select_n3A_577 masked %reduce_sum3A_585 : vector<16xi32>, vector<16xi1> -> vector<16xi32>
    %reduce_sum3A_587 = vector.extract %reduce_sum3A_586[15] : i32 from vector<16xi32>
    %add3A_588 = arith.addi %add3A_540, %reduce_sum3A_587 : i32
    %add3A_589 = arith.constant 128 : i32
    %add3A_590 = vector.broadcast %add3A_589 : i32 to vector<16xi32>
    %add3A_591 = arith.addi %scan3A_450#0, %add3A_590 : vector<16xi32>
    %sub3A_592 = arith.constant 1 : i32
    %sub3A_593 = vector.broadcast %sub3A_592 : i32 to vector<16xi32>
    %sub3A_594 = arith.subi %add3A_591, %sub3A_593 : vector<16xi32>
    %jit3A_595 = arith.constant 128 : i32
    %div3A_596 = vector.broadcast %jit3A_595 : i32 to vector<16xi32>
    %div3A_597 = arith.divsi %sub3A_594, %div3A_596 : vector<16xi32>
    %sign3A_598 = arith.constant 0 : i32
    %sign3A_599 = vector.broadcast %sign3A_598 : i32 to vector<16xi32>
    %sign3A_600 = arith.cmpi sgt, %sub3A_594, %sign3A_599 : vector<16xi32>
    %sign3A_601 = arith.extui %sign3A_600 : vector<16xi1> to vector<16xi32>
    %sign3A_602 = arith.constant 0 : i32
    %sign3A_603 = vector.broadcast %sign3A_602 : i32 to vector<16xi32>
    %sign3A_604 = arith.cmpi slt, %sub3A_594, %sign3A_603 : vector<16xi32>
    %sign3A_605 = arith.extui %sign3A_604 : vector<16xi1> to vector<16xi32>
    %sign3A_606 = arith.subi %sign3A_601, %sign3A_605 : vector<16xi32>
    %sign3A_607 = arith.constant 0 : i32
    %sign3A_608 = arith.cmpi sgt, %jit3A_595, %sign3A_607 : i32
    %sign3A_609 = arith.extui %sign3A_608 : i1 to i32
    %sign3A_610 = arith.constant 0 : i32
    %sign3A_611 = arith.cmpi slt, %jit3A_595, %sign3A_610 : i32
    %sign3A_612 = arith.extui %sign3A_611 : i1 to i32
    %sign3A_613 = arith.subi %sign3A_609, %sign3A_612 : i32
    %ne3A_614 = vector.broadcast %sign3A_613 : i32 to vector<16xi32>
    %ne3A_615 = arith.cmpi ne, %sign3A_606, %ne3A_614 : vector<16xi32>
    %rem3A_616 = vector.broadcast %jit3A_595 : i32 to vector<16xi32>
    %rem3A_617 = arith.remsi %sub3A_594, %rem3A_616 : vector<16xi32>
    %ne3A_618 = arith.constant 0 : i32
    %ne3A_619 = vector.broadcast %ne3A_618 : i32 to vector<16xi32>
    %ne3A_620 = arith.cmpi ne, %rem3A_617, %ne3A_619 : vector<16xi32>
    %and3A_621 = arith.andi %ne3A_615, %ne3A_620 : vector<16xi1>
    %sub3A_622 = arith.constant 1 : i32
    %sub3A_623 = vector.broadcast %sub3A_622 : i32 to vector<16xi32>
    %sub3A_624 = arith.subi %div3A_597, %sub3A_623 : vector<16xi32>
    %select_n3A_625 = arith.select %and3A_621, %sub3A_624, %div3A_597 : vector<16xi1>, vector<16xi32>
    %broadcast_in_dim3A_626 = arith.constant true
    %broadcast_in_dim3A_627 = vector.broadcast %broadcast_in_dim3A_626 : i1 to vector<16xi1>
    %masked_cumsum3A_628 = tpu.scan <sum>, %select_n3A_625 masked %broadcast_in_dim3A_627 : vector<16xi32>, vector<16xi1> -> vector<16xi32>
    %sub3A_629 = arith.subi %masked_cumsum3A_628, %select_n3A_625 : vector<16xi32>
    %add3A_630 = vector.broadcast %add3A_588 : i32 to vector<16xi32>
    %add3A_631 = arith.addi %sub3A_629, %add3A_630 : vector<16xi32>
    %reduce_sum3A_632 = arith.constant true
    %reduce_sum3A_633 = vector.broadcast %reduce_sum3A_632 : i1 to vector<16xi1>
    %reduce_sum3A_634 = tpu.scan <sum>, %select_n3A_625 masked %reduce_sum3A_633 : vector<16xi32>, vector<16xi1> -> vector<16xi32>
    %reduce_sum3A_635 = vector.extract %reduce_sum3A_634[15] : i32 from vector<16xi32>
    %add3A_636 = arith.addi %add3A_588, %reduce_sum3A_635 : i32
    %mul3A_637 = arith.constant 128 : i32
    %mul3A_638 = vector.broadcast %mul3A_637 : i32 to vector<16xi32>
    %mul3A_639 = arith.muli %add3A_487, %mul3A_638 : vector<16xi32>
    %add3A_640 = arith.addi %mul3A_639, %scan3A_420#1 : vector<16xi32>
    %swap3A_641 = arith.constant 0 : index
    %swap3A_642 = tpu.vector_load %arg13[%swap3A_641] {strides = array<i32>} : memref<64xi32, #tpu.memory_space<vmem>>, vector<16xi32>,
    tpu.vector_store %arg13[%swap3A_641], %add3A_640 {strides = array<i32>} : memref<64xi32, #tpu.memory_space<vmem>>, vector<16xi32>,
    %mul3A_643 = arith.constant 128 : i32
    %mul3A_644 = vector.broadcast %mul3A_643 : i32 to vector<16xi32>
    %mul3A_645 = arith.muli %add3A_535, %mul3A_644 : vector<16xi32>
    %add3A_646 = arith.addi %mul3A_645, %scan3A_430#1 : vector<16xi32>
    %swap3A_647 = arith.constant 16 : index
    %swap3A_648 = tpu.vector_load %arg13[%swap3A_647] {strides = array<i32>} : memref<64xi32, #tpu.memory_space<vmem>>, vector<16xi32>,
    tpu.vector_store %arg13[%swap3A_647], %add3A_646 {strides = array<i32>} : memref<64xi32, #tpu.memory_space<vmem>>, vector<16xi32>,
    %mul3A_649 = arith.constant 128 : i32
    %mul3A_650 = vector.broadcast %mul3A_649 : i32 to vector<16xi32>
    %mul3A_651 = arith.muli %add3A_583, %mul3A_650 : vector<16xi32>
    %add3A_652 = arith.addi %mul3A_651, %scan3A_440#1 : vector<16xi32>
    %swap3A_653 = arith.constant 32 : index
    %swap3A_654 = tpu.vector_load %arg13[%swap3A_653] {strides = array<i32>} : memref<64xi32, #tpu.memory_space<vmem>>, vector<16xi32>,
    tpu.vector_store %arg13[%swap3A_653], %add3A_652 {strides = array<i32>} : memref<64xi32, #tpu.memory_space<vmem>>, vector<16xi32>,
    %mul3A_655 = arith.constant 128 : i32
    %mul3A_656 = vector.broadcast %mul3A_655 : i32 to vector<16xi32>
    %mul3A_657 = arith.muli %add3A_631, %mul3A_656 : vector<16xi32>
    %add3A_658 = arith.addi %mul3A_657, %scan3A_450#1 : vector<16xi32>
    %swap3A_659 = arith.constant 48 : index
    %swap3A_660 = tpu.vector_load %arg13[%swap3A_659] {strides = array<i32>} : memref<64xi32, #tpu.memory_space<vmem>>, vector<16xi32>,
    tpu.vector_store %arg13[%swap3A_659], %add3A_658 {strides = array<i32>} : memref<64xi32, #tpu.memory_space<vmem>>, vector<16xi32>,
    %eq3A_661 = arith.constant 0 : i32
    %eq3A_662 = arith.cmpi eq, %arg0, %eq3A_661 : i32
    %eq3A_663 = arith.constant 0 : i32
    %eq3A_664 = arith.cmpi eq, %arg1, %eq3A_663 : i32
    %and3A_665 = arith.andi %eq3A_662, %eq3A_664 : i1
    %convert_element_type3A = arith.extui %and3A_665 : i1 to i32
    %cond3A = arith.constant 0 : i32
    %cond3A_666 = arith.cmpi ne, %convert_element_type3A, %cond3A : i32
    scf.if %cond3A_666 {
      %swap3A_1026 = arith.constant 0 : index
      %swap3A_1027 = tpu.vector_load %arg16[%swap3A_1026] {strides = array<i32>} : memref<128xi32, #tpu.memory_space<vmem>>, vector<16xi32>,
      tpu.vector_store %arg16[%swap3A_1026], %add3A_487 {strides = array<i32>} : memref<128xi32, #tpu.memory_space<vmem>>, vector<16xi32>,
      %swap3A_1028 = arith.constant 16 : index
      %swap3A_1029 = tpu.vector_load %arg16[%swap3A_1028] {strides = array<i32>} : memref<128xi32, #tpu.memory_space<vmem>>, vector<16xi32>,
      tpu.vector_store %arg16[%swap3A_1028], %add3A_487 {strides = array<i32>} : memref<128xi32, #tpu.memory_space<vmem>>, vector<16xi32>,
      %swap3A_1030 = arith.constant 32 : index
      %swap3A_1031 = tpu.vector_load %arg16[%swap3A_1030] {strides = array<i32>} : memref<128xi32, #tpu.memory_space<vmem>>, vector<16xi32>,
      tpu.vector_store %arg16[%swap3A_1030], %add3A_535 {strides = array<i32>} : memref<128xi32, #tpu.memory_space<vmem>>, vector<16xi32>,
      %swap3A_1032 = arith.constant 48 : index
      %swap3A_1033 = tpu.vector_load %arg16[%swap3A_1032] {strides = array<i32>} : memref<128xi32, #tpu.memory_space<vmem>>, vector<16xi32>,
      tpu.vector_store %arg16[%swap3A_1032], %add3A_535 {strides = array<i32>} : memref<128xi32, #tpu.memory_space<vmem>>, vector<16xi32>,
      %swap3A_1034 = arith.constant 64 : index
      %swap3A_1035 = tpu.vector_load %arg16[%swap3A_1034] {strides = array<i32>} : memref<128xi32, #tpu.memory_space<vmem>>, vector<16xi32>,
      tpu.vector_store %arg16[%swap3A_1034], %add3A_583 {strides = array<i32>} : memref<128xi32, #tpu.memory_space<vmem>>, vector<16xi32>,
      %swap3A_1036 = arith.constant 80 : index
      %swap3A_1037 = tpu.vector_load %arg16[%swap3A_1036] {strides = array<i32>} : memref<128xi32, #tpu.memory_space<vmem>>, vector<16xi32>,
      tpu.vector_store %arg16[%swap3A_1036], %add3A_583 {strides = array<i32>} : memref<128xi32, #tpu.memory_space<vmem>>, vector<16xi32>,
      %swap3A_1038 = arith.constant 96 : index
      %swap3A_1039 = tpu.vector_load %arg16[%swap3A_1038] {strides = array<i32>} : memref<128xi32, #tpu.memory_space<vmem>>, vector<16xi32>,
      tpu.vector_store %arg16[%swap3A_1038], %add3A_631 {strides = array<i32>} : memref<128xi32, #tpu.memory_space<vmem>>, vector<16xi32>,
      %swap3A_1040 = arith.constant 112 : index
      %swap3A_1041 = tpu.vector_load %arg16[%swap3A_1040] {strides = array<i32>} : memref<128xi32, #tpu.memory_space<vmem>>, vector<16xi32>,
      tpu.vector_store %arg16[%swap3A_1040], %add3A_631 {strides = array<i32>} : memref<128xi32, #tpu.memory_space<vmem>>, vector<16xi32>,
      %add3A_1042 = arith.constant 0 : i32
      %add3A_1043 = vector.broadcast %add3A_1042 : i32 to vector<16xi32>
      %add3A_1044 = arith.addi %iota3A, %add3A_1043 : vector<16xi32>
      %lt3A = vector.broadcast %add3A_636 : i32 to vector<16xi32>
      %lt3A_1045 = arith.cmpi slt, %add3A_1044, %lt3A : vector<16xi32>
      %sub3A_1046 = arith.constant 1 : i32
      %sub3A_1047 = arith.subi %add3A_636, %sub3A_1046 : i32
      %min3A = vector.broadcast %sub3A_1047 : i32 to vector<16xi32>
      %min3A_1048 = arith.minsi %add3A_1044, %min3A : vector<16xi32>
      %broadcast_in_dim3A_1049 = arith.constant -1 : i32
      %broadcast_in_dim3A_1050 = vector.broadcast %broadcast_in_dim3A_1049 : i32 to vector<16xi32>
      %scan3A_1051 = arith.constant 0 : i32
      %scan3A_1052 = arith.constant 16 : i32
      %scan3A_1053 = arith.addi %scan3A_1051, %scan3A_1052 : i32
      %scan3A_1054 = arith.constant 1 : i32
      %scan3A_1055 = scf.for %scan3A_1328 = %scan3A_1051 to %scan3A_1053 step %scan3A_1054 iter_args(%scan3A_1329 = %broadcast_in_dim3A_1050) -> (vector<16xi32>)  : i32 {
        %add3A_1330 = arith.constant 0 : i32
        %add3A_1331 = arith.addi %add3A_1330, %scan3A_1328 : i32
        %get3A_1332 = arith.index_cast %add3A_1331 : i32 to index
        %get3A_1333 = tpu.vector_load %arg16[%get3A_1332] {strides = array<i32>} : memref<128xi32, #tpu.memory_space<vmem>>, vector<16xi32>,
        %le3A = arith.cmpi sle, %get3A_1333, %min3A_1048 : vector<16xi32>
        %convert_element_type3A_1334 = arith.extui %le3A : vector<16xi1> to vector<16xi32>
        %add3A_1335 = arith.addi %scan3A_1329, %convert_element_type3A_1334 : vector<16xi32>
        scf.yield %add3A_1335 : vector<16xi32>
      }
      %scan3A_1056 = arith.constant 16 : i32
      %scan3A_1057 = arith.constant 0 : i32
      %scan3A_1058 = arith.constant 16 : i32
      %scan3A_1059 = arith.addi %scan3A_1057, %scan3A_1058 : i32
      %scan3A_1060 = arith.constant 1 : i32
      %scan3A_1061 = scf.for %scan3A_1328 = %scan3A_1057 to %scan3A_1059 step %scan3A_1060 iter_args(%scan3A_1329 = %scan3A_1055) -> (vector<16xi32>)  : i32 {
        %add3A_1330 = arith.constant 32 : i32
        %add3A_1331 = arith.addi %add3A_1330, %scan3A_1328 : i32
        %get3A_1332 = arith.index_cast %add3A_1331 : i32 to index
        %get3A_1333 = tpu.vector_load %arg16[%get3A_1332] {strides = array<i32>} : memref<128xi32, #tpu.memory_space<vmem>>, vector<16xi32>,
        %le3A = arith.cmpi sle, %get3A_1333, %min3A_1048 : vector<16xi32>
        %convert_element_type3A_1334 = arith.extui %le3A : vector<16xi1> to vector<16xi32>
        %add3A_1335 = arith.addi %scan3A_1329, %convert_element_type3A_1334 : vector<16xi32>
        scf.yield %add3A_1335 : vector<16xi32>
      }
      %scan3A_1062 = arith.constant 16 : i32
      %scan3A_1063 = arith.constant 0 : i32
      %scan3A_1064 = arith.constant 16 : i32
      %scan3A_1065 = arith.addi %scan3A_1063, %scan3A_1064 : i32
      %scan3A_1066 = arith.constant 1 : i32
      %scan3A_1067 = scf.for %scan3A_1328 = %scan3A_1063 to %scan3A_1065 step %scan3A_1066 iter_args(%scan3A_1329 = %scan3A_1061) -> (vector<16xi32>)  : i32 {
        %add3A_1330 = arith.constant 64 : i32
        %add3A_1331 = arith.addi %add3A_1330, %scan3A_1328 : i32
        %get3A_1332 = arith.index_cast %add3A_1331 : i32 to index
        %get3A_1333 = tpu.vector_load %arg16[%get3A_1332] {strides = array<i32>} : memref<128xi32, #tpu.memory_space<vmem>>, vector<16xi32>,
        %le3A = arith.cmpi sle, %get3A_1333, %min3A_1048 : vector<16xi32>
        %convert_element_type3A_1334 = arith.extui %le3A : vector<16xi1> to vector<16xi32>
        %add3A_1335 = arith.addi %scan3A_1329, %convert_element_type3A_1334 : vector<16xi32>
        scf.yield %add3A_1335 : vector<16xi32>
      }
      %scan3A_1068 = arith.constant 16 : i32
      %scan3A_1069 = arith.constant 0 : i32
      %scan3A_1070 = arith.constant 16 : i32
      %scan3A_1071 = arith.addi %scan3A_1069, %scan3A_1070 : i32
      %scan3A_1072 = arith.constant 1 : i32
      %scan3A_1073 = scf.for %scan3A_1328 = %scan3A_1069 to %scan3A_1071 step %scan3A_1072 iter_args(%scan3A_1329 = %scan3A_1067) -> (vector<16xi32>)  : i32 {
        %add3A_1330 = arith.constant 96 : i32
        %add3A_1331 = arith.addi %add3A_1330, %scan3A_1328 : i32
        %get3A_1332 = arith.index_cast %add3A_1331 : i32 to index
        %get3A_1333 = tpu.vector_load %arg16[%get3A_1332] {strides = array<i32>} : memref<128xi32, #tpu.memory_space<vmem>>, vector<16xi32>,
        %le3A = arith.cmpi sle, %get3A_1333, %min3A_1048 : vector<16xi32>
        %convert_element_type3A_1334 = arith.extui %le3A : vector<16xi1> to vector<16xi32>
        %add3A_1335 = arith.addi %scan3A_1329, %convert_element_type3A_1334 : vector<16xi32>
        scf.yield %add3A_1335 : vector<16xi32>
      }
      %scan3A_1074 = arith.constant 16 : i32
      %swap3A_1075 = arith.constant 0 : index
      %swap3A_1076 = tpu.vector_load %arg14[%swap3A_1075] {strides = array<i32>} : memref<304xi32, #tpu.memory_space<vmem>>, vector<16xi32>,
      tpu.vector_store %arg14[%swap3A_1075], %scan3A_1073 {strides = array<i32>} : memref<304xi32, #tpu.memory_space<vmem>>, vector<16xi32>,
      %broadcast_in_dim3A_1077 = arith.constant 0 : i32
      %broadcast_in_dim3A_1078 = vector.broadcast %broadcast_in_dim3A_1077 : i32 to vector<16xi32>
      %select_n3A_1079 = arith.select %lt3A_1045, %add3A_1044, %broadcast_in_dim3A_1078 : vector<16xi1>, vector<16xi32>
      %swap3A_1080 = arith.constant 96 : index
      %swap3A_1081 = tpu.vector_load %arg14[%swap3A_1080] {strides = array<i32>} : memref<304xi32, #tpu.memory_space<vmem>>, vector<16xi32>,
      tpu.vector_store %arg14[%swap3A_1080], %select_n3A_1079 {strides = array<i32>} : memref<304xi32, #tpu.memory_space<vmem>>, vector<16xi32>,
      %broadcast_in_dim3A_1082 = arith.constant 95 : i32
      %broadcast_in_dim3A_1083 = vector.broadcast %broadcast_in_dim3A_1082 : i32 to vector<16xi32>
      %select_n3A_1084 = arith.select %lt3A_1045, %add3A_1044, %broadcast_in_dim3A_1083 : vector<16xi1>, vector<16xi32>
      %swap3A_1085 = arith.constant 192 : index
      %swap3A_1086 = tpu.vector_load %arg14[%swap3A_1085] {strides = array<i32>} : memref<304xi32, #tpu.memory_space<vmem>>, vector<16xi32>,
      tpu.vector_store %arg14[%swap3A_1085], %select_n3A_1084 {strides = array<i32>} : memref<304xi32, #tpu.memory_space<vmem>>, vector<16xi32>,
      %add3A_1087 = arith.constant 16 : i32
      %add3A_1088 = vector.broadcast %add3A_1087 : i32 to vector<16xi32>
      %add3A_1089 = arith.addi %iota3A, %add3A_1088 : vector<16xi32>
      %lt3A_1090 = vector.broadcast %add3A_636 : i32 to vector<16xi32>
      %lt3A_1091 = arith.cmpi slt, %add3A_1089, %lt3A_1090 : vector<16xi32>
      %sub3A_1092 = arith.constant 1 : i32
      %sub3A_1093 = arith.subi %add3A_636, %sub3A_1092 : i32
      %min3A_1094 = vector.broadcast %sub3A_1093 : i32 to vector<16xi32>
      %min3A_1095 = arith.minsi %add3A_1089, %min3A_1094 : vector<16xi32>
      %broadcast_in_dim3A_1096 = arith.constant -1 : i32
      %broadcast_in_dim3A_1097 = vector.broadcast %broadcast_in_dim3A_1096 : i32 to vector<16xi32>
      %scan3A_1098 = arith.constant 0 : i32
      %scan3A_1099 = arith.constant 16 : i32
      %scan3A_1100 = arith.addi %scan3A_1098, %scan3A_1099 : i32
      %scan3A_1101 = arith.constant 1 : i32
      %scan3A_1102 = scf.for %scan3A_1328 = %scan3A_1098 to %scan3A_1100 step %scan3A_1101 iter_args(%scan3A_1329 = %broadcast_in_dim3A_1097) -> (vector<16xi32>)  : i32 {
        %add3A_1330 = arith.constant 0 : i32
        %add3A_1331 = arith.addi %add3A_1330, %scan3A_1328 : i32
        %get3A_1332 = arith.index_cast %add3A_1331 : i32 to index
        %get3A_1333 = tpu.vector_load %arg16[%get3A_1332] {strides = array<i32>} : memref<128xi32, #tpu.memory_space<vmem>>, vector<16xi32>,
        %le3A = arith.cmpi sle, %get3A_1333, %min3A_1095 : vector<16xi32>
        %convert_element_type3A_1334 = arith.extui %le3A : vector<16xi1> to vector<16xi32>
        %add3A_1335 = arith.addi %scan3A_1329, %convert_element_type3A_1334 : vector<16xi32>
        scf.yield %add3A_1335 : vector<16xi32>
      }
      %scan3A_1103 = arith.constant 16 : i32
      %scan3A_1104 = arith.constant 0 : i32
      %scan3A_1105 = arith.constant 16 : i32
      %scan3A_1106 = arith.addi %scan3A_1104, %scan3A_1105 : i32
      %scan3A_1107 = arith.constant 1 : i32
      %scan3A_1108 = scf.for %scan3A_1328 = %scan3A_1104 to %scan3A_1106 step %scan3A_1107 iter_args(%scan3A_1329 = %scan3A_1102) -> (vector<16xi32>)  : i32 {
        %add3A_1330 = arith.constant 32 : i32
        %add3A_1331 = arith.addi %add3A_1330, %scan3A_1328 : i32
        %get3A_1332 = arith.index_cast %add3A_1331 : i32 to index
        %get3A_1333 = tpu.vector_load %arg16[%get3A_1332] {strides = array<i32>} : memref<128xi32, #tpu.memory_space<vmem>>, vector<16xi32>,
        %le3A = arith.cmpi sle, %get3A_1333, %min3A_1095 : vector<16xi32>
        %convert_element_type3A_1334 = arith.extui %le3A : vector<16xi1> to vector<16xi32>
        %add3A_1335 = arith.addi %scan3A_1329, %convert_element_type3A_1334 : vector<16xi32>
        scf.yield %add3A_1335 : vector<16xi32>
      }
      %scan3A_1109 = arith.constant 16 : i32
      %scan3A_1110 = arith.constant 0 : i32
      %scan3A_1111 = arith.constant 16 : i32
      %scan3A_1112 = arith.addi %scan3A_1110, %scan3A_1111 : i32
      %scan3A_1113 = arith.constant 1 : i32
      %scan3A_1114 = scf.for %scan3A_1328 = %scan3A_1110 to %scan3A_1112 step %scan3A_1113 iter_args(%scan3A_1329 = %scan3A_1108) -> (vector<16xi32>)  : i32 {
        %add3A_1330 = arith.constant 64 : i32
        %add3A_1331 = arith.addi %add3A_1330, %scan3A_1328 : i32
        %get3A_1332 = arith.index_cast %add3A_1331 : i32 to index
        %get3A_1333 = tpu.vector_load %arg16[%get3A_1332] {strides = array<i32>} : memref<128xi32, #tpu.memory_space<vmem>>, vector<16xi32>,
        %le3A = arith.cmpi sle, %get3A_1333, %min3A_1095 : vector<16xi32>
        %convert_element_type3A_1334 = arith.extui %le3A : vector<16xi1> to vector<16xi32>
        %add3A_1335 = arith.addi %scan3A_1329, %convert_element_type3A_1334 : vector<16xi32>
        scf.yield %add3A_1335 : vector<16xi32>
      }
      %scan3A_1115 = arith.constant 16 : i32
      %scan3A_1116 = arith.constant 0 : i32
      %scan3A_1117 = arith.constant 16 : i32
      %scan3A_1118 = arith.addi %scan3A_1116, %scan3A_1117 : i32
      %scan3A_1119 = arith.constant 1 : i32
      %scan3A_1120 = scf.for %scan3A_1328 = %scan3A_1116 to %scan3A_1118 step %scan3A_1119 iter_args(%scan3A_1329 = %scan3A_1114) -> (vector<16xi32>)  : i32 {
        %add3A_1330 = arith.constant 96 : i32
        %add3A_1331 = arith.addi %add3A_1330, %scan3A_1328 : i32
        %get3A_1332 = arith.index_cast %add3A_1331 : i32 to index
        %get3A_1333 = tpu.vector_load %arg16[%get3A_1332] {strides = array<i32>} : memref<128xi32, #tpu.memory_space<vmem>>, vector<16xi32>,
        %le3A = arith.cmpi sle, %get3A_1333, %min3A_1095 : vector<16xi32>
        %convert_element_type3A_1334 = arith.extui %le3A : vector<16xi1> to vector<16xi32>
        %add3A_1335 = arith.addi %scan3A_1329, %convert_element_type3A_1334 : vector<16xi32>
        scf.yield %add3A_1335 : vector<16xi32>
      }
      %scan3A_1121 = arith.constant 16 : i32
      %swap3A_1122 = arith.constant 16 : index
      %swap3A_1123 = tpu.vector_load %arg14[%swap3A_1122] {strides = array<i32>} : memref<304xi32, #tpu.memory_space<vmem>>, vector<16xi32>,
      tpu.vector_store %arg14[%swap3A_1122], %scan3A_1120 {strides = array<i32>} : memref<304xi32, #tpu.memory_space<vmem>>, vector<16xi32>,
      %broadcast_in_dim3A_1124 = arith.constant 0 : i32
      %broadcast_in_dim3A_1125 = vector.broadcast %broadcast_in_dim3A_1124 : i32 to vector<16xi32>
      %select_n3A_1126 = arith.select %lt3A_1091, %add3A_1089, %broadcast_in_dim3A_1125 : vector<16xi1>, vector<16xi32>
      %swap3A_1127 = arith.constant 112 : index
      %swap3A_1128 = tpu.vector_load %arg14[%swap3A_1127] {strides = array<i32>} : memref<304xi32, #tpu.memory_space<vmem>>, vector<16xi32>,
      tpu.vector_store %arg14[%swap3A_1127], %select_n3A_1126 {strides = array<i32>} : memref<304xi32, #tpu.memory_space<vmem>>, vector<16xi32>,
      %broadcast_in_dim3A_1129 = arith.constant 95 : i32
      %broadcast_in_dim3A_1130 = vector.broadcast %broadcast_in_dim3A_1129 : i32 to vector<16xi32>
      %select_n3A_1131 = arith.select %lt3A_1091, %add3A_1089, %broadcast_in_dim3A_1130 : vector<16xi1>, vector<16xi32>
      %swap3A_1132 = arith.constant 208 : index
      %swap3A_1133 = tpu.vector_load %arg14[%swap3A_1132] {strides = array<i32>} : memref<304xi32, #tpu.memory_space<vmem>>, vector<16xi32>,
      tpu.vector_store %arg14[%swap3A_1132], %select_n3A_1131 {strides = array<i32>} : memref<304xi32, #tpu.memory_space<vmem>>, vector<16xi32>,
      %add3A_1134 = arith.constant 32 : i32
      %add3A_1135 = vector.broadcast %add3A_1134 : i32 to vector<16xi32>
      %add3A_1136 = arith.addi %iota3A, %add3A_1135 : vector<16xi32>
      %lt3A_1137 = vector.broadcast %add3A_636 : i32 to vector<16xi32>
      %lt3A_1138 = arith.cmpi slt, %add3A_1136, %lt3A_1137 : vector<16xi32>
      %sub3A_1139 = arith.constant 1 : i32
      %sub3A_1140 = arith.subi %add3A_636, %sub3A_1139 : i32
      %min3A_1141 = vector.broadcast %sub3A_1140 : i32 to vector<16xi32>
      %min3A_1142 = arith.minsi %add3A_1136, %min3A_1141 : vector<16xi32>
      %broadcast_in_dim3A_1143 = arith.constant -1 : i32
      %broadcast_in_dim3A_1144 = vector.broadcast %broadcast_in_dim3A_1143 : i32 to vector<16xi32>
      %scan3A_1145 = arith.constant 0 : i32
      %scan3A_1146 = arith.constant 16 : i32
      %scan3A_1147 = arith.addi %scan3A_1145, %scan3A_1146 : i32
      %scan3A_1148 = arith.constant 1 : i32
      %scan3A_1149 = scf.for %scan3A_1328 = %scan3A_1145 to %scan3A_1147 step %scan3A_1148 iter_args(%scan3A_1329 = %broadcast_in_dim3A_1144) -> (vector<16xi32>)  : i32 {
        %add3A_1330 = arith.constant 0 : i32
        %add3A_1331 = arith.addi %add3A_1330, %scan3A_1328 : i32
        %get3A_1332 = arith.index_cast %add3A_1331 : i32 to index
        %get3A_1333 = tpu.vector_load %arg16[%get3A_1332] {strides = array<i32>} : memref<128xi32, #tpu.memory_space<vmem>>, vector<16xi32>,
        %le3A = arith.cmpi sle, %get3A_1333, %min3A_1142 : vector<16xi32>
        %convert_element_type3A_1334 = arith.extui %le3A : vector<16xi1> to vector<16xi32>
        %add3A_1335 = arith.addi %scan3A_1329, %convert_element_type3A_1334 : vector<16xi32>
        scf.yield %add3A_1335 : vector<16xi32>
      }
      %scan3A_1150 = arith.constant 16 : i32
      %scan3A_1151 = arith.constant 0 : i32
      %scan3A_1152 = arith.constant 16 : i32
      %scan3A_1153 = arith.addi %scan3A_1151, %scan3A_1152 : i32
      %scan3A_1154 = arith.constant 1 : i32
      %scan3A_1155 = scf.for %scan3A_1328 = %scan3A_1151 to %scan3A_1153 step %scan3A_1154 iter_args(%scan3A_1329 = %scan3A_1149) -> (vector<16xi32>)  : i32 {
        %add3A_1330 = arith.constant 32 : i32
        %add3A_1331 = arith.addi %add3A_1330, %scan3A_1328 : i32
        %get3A_1332 = arith.index_cast %add3A_1331 : i32 to index
        %get3A_1333 = tpu.vector_load %arg16[%get3A_1332] {strides = array<i32>} : memref<128xi32, #tpu.memory_space<vmem>>, vector<16xi32>,
        %le3A = arith.cmpi sle, %get3A_1333, %min3A_1142 : vector<16xi32>
        %convert_element_type3A_1334 = arith.extui %le3A : vector<16xi1> to vector<16xi32>
        %add3A_1335 = arith.addi %scan3A_1329, %convert_element_type3A_1334 : vector<16xi32>
        scf.yield %add3A_1335 : vector<16xi32>
      }
      %scan3A_1156 = arith.constant 16 : i32
      %scan3A_1157 = arith.constant 0 : i32
      %scan3A_1158 = arith.constant 16 : i32
      %scan3A_1159 = arith.addi %scan3A_1157, %scan3A_1158 : i32
      %scan3A_1160 = arith.constant 1 : i32
      %scan3A_1161 = scf.for %scan3A_1328 = %scan3A_1157 to %scan3A_1159 step %scan3A_1160 iter_args(%scan3A_1329 = %scan3A_1155) -> (vector<16xi32>)  : i32 {
        %add3A_1330 = arith.constant 64 : i32
        %add3A_1331 = arith.addi %add3A_1330, %scan3A_1328 : i32
        %get3A_1332 = arith.index_cast %add3A_1331 : i32 to index
        %get3A_1333 = tpu.vector_load %arg16[%get3A_1332] {strides = array<i32>} : memref<128xi32, #tpu.memory_space<vmem>>, vector<16xi32>,
        %le3A = arith.cmpi sle, %get3A_1333, %min3A_1142 : vector<16xi32>
        %convert_element_type3A_1334 = arith.extui %le3A : vector<16xi1> to vector<16xi32>
        %add3A_1335 = arith.addi %scan3A_1329, %convert_element_type3A_1334 : vector<16xi32>
        scf.yield %add3A_1335 : vector<16xi32>
      }
      %scan3A_1162 = arith.constant 16 : i32
      %scan3A_1163 = arith.constant 0 : i32
      %scan3A_1164 = arith.constant 16 : i32
      %scan3A_1165 = arith.addi %scan3A_1163, %scan3A_1164 : i32
      %scan3A_1166 = arith.constant 1 : i32
      %scan3A_1167 = scf.for %scan3A_1328 = %scan3A_1163 to %scan3A_1165 step %scan3A_1166 iter_args(%scan3A_1329 = %scan3A_1161) -> (vector<16xi32>)  : i32 {
        %add3A_1330 = arith.constant 96 : i32
        %add3A_1331 = arith.addi %add3A_1330, %scan3A_1328 : i32
        %get3A_1332 = arith.index_cast %add3A_1331 : i32 to index
        %get3A_1333 = tpu.vector_load %arg16[%get3A_1332] {strides = array<i32>} : memref<128xi32, #tpu.memory_space<vmem>>, vector<16xi32>,
        %le3A = arith.cmpi sle, %get3A_1333, %min3A_1142 : vector<16xi32>
        %convert_element_type3A_1334 = arith.extui %le3A : vector<16xi1> to vector<16xi32>
        %add3A_1335 = arith.addi %scan3A_1329, %convert_element_type3A_1334 : vector<16xi32>
        scf.yield %add3A_1335 : vector<16xi32>
      }
      %scan3A_1168 = arith.constant 16 : i32
      %swap3A_1169 = arith.constant 32 : index
      %swap3A_1170 = tpu.vector_load %arg14[%swap3A_1169] {strides = array<i32>} : memref<304xi32, #tpu.memory_space<vmem>>, vector<16xi32>,
      tpu.vector_store %arg14[%swap3A_1169], %scan3A_1167 {strides = array<i32>} : memref<304xi32, #tpu.memory_space<vmem>>, vector<16xi32>,
      %broadcast_in_dim3A_1171 = arith.constant 0 : i32
      %broadcast_in_dim3A_1172 = vector.broadcast %broadcast_in_dim3A_1171 : i32 to vector<16xi32>
      %select_n3A_1173 = arith.select %lt3A_1138, %add3A_1136, %broadcast_in_dim3A_1172 : vector<16xi1>, vector<16xi32>
      %swap3A_1174 = arith.constant 128 : index
      %swap3A_1175 = tpu.vector_load %arg14[%swap3A_1174] {strides = array<i32>} : memref<304xi32, #tpu.memory_space<vmem>>, vector<16xi32>,
      tpu.vector_store %arg14[%swap3A_1174], %select_n3A_1173 {strides = array<i32>} : memref<304xi32, #tpu.memory_space<vmem>>, vector<16xi32>,
      %broadcast_in_dim3A_1176 = arith.constant 95 : i32
      %broadcast_in_dim3A_1177 = vector.broadcast %broadcast_in_dim3A_1176 : i32 to vector<16xi32>
      %select_n3A_1178 = arith.select %lt3A_1138, %add3A_1136, %broadcast_in_dim3A_1177 : vector<16xi1>, vector<16xi32>
      %swap3A_1179 = arith.constant 224 : index
      %swap3A_1180 = tpu.vector_load %arg14[%swap3A_1179] {strides = array<i32>} : memref<304xi32, #tpu.memory_space<vmem>>, vector<16xi32>,
      tpu.vector_store %arg14[%swap3A_1179], %select_n3A_1178 {strides = array<i32>} : memref<304xi32, #tpu.memory_space<vmem>>, vector<16xi32>,
      %add3A_1181 = arith.constant 48 : i32
      %add3A_1182 = vector.broadcast %add3A_1181 : i32 to vector<16xi32>
      %add3A_1183 = arith.addi %iota3A, %add3A_1182 : vector<16xi32>
      %lt3A_1184 = vector.broadcast %add3A_636 : i32 to vector<16xi32>
      %lt3A_1185 = arith.cmpi slt, %add3A_1183, %lt3A_1184 : vector<16xi32>
      %sub3A_1186 = arith.constant 1 : i32
      %sub3A_1187 = arith.subi %add3A_636, %sub3A_1186 : i32
      %min3A_1188 = vector.broadcast %sub3A_1187 : i32 to vector<16xi32>
      %min3A_1189 = arith.minsi %add3A_1183, %min3A_1188 : vector<16xi32>
      %broadcast_in_dim3A_1190 = arith.constant -1 : i32
      %broadcast_in_dim3A_1191 = vector.broadcast %broadcast_in_dim3A_1190 : i32 to vector<16xi32>
      %scan3A_1192 = arith.constant 0 : i32
      %scan3A_1193 = arith.constant 16 : i32
      %scan3A_1194 = arith.addi %scan3A_1192, %scan3A_1193 : i32
      %scan3A_1195 = arith.constant 1 : i32
      %scan3A_1196 = scf.for %scan3A_1328 = %scan3A_1192 to %scan3A_1194 step %scan3A_1195 iter_args(%scan3A_1329 = %broadcast_in_dim3A_1191) -> (vector<16xi32>)  : i32 {
        %add3A_1330 = arith.constant 0 : i32
        %add3A_1331 = arith.addi %add3A_1330, %scan3A_1328 : i32
        %get3A_1332 = arith.index_cast %add3A_1331 : i32 to index
        %get3A_1333 = tpu.vector_load %arg16[%get3A_1332] {strides = array<i32>} : memref<128xi32, #tpu.memory_space<vmem>>, vector<16xi32>,
        %le3A = arith.cmpi sle, %get3A_1333, %min3A_1189 : vector<16xi32>
        %convert_element_type3A_1334 = arith.extui %le3A : vector<16xi1> to vector<16xi32>
        %add3A_1335 = arith.addi %scan3A_1329, %convert_element_type3A_1334 : vector<16xi32>
        scf.yield %add3A_1335 : vector<16xi32>
      }
      %scan3A_1197 = arith.constant 16 : i32
      %scan3A_1198 = arith.constant 0 : i32
      %scan3A_1199 = arith.constant 16 : i32
      %scan3A_1200 = arith.addi %scan3A_1198, %scan3A_1199 : i32
      %scan3A_1201 = arith.constant 1 : i32
      %scan3A_1202 = scf.for %scan3A_1328 = %scan3A_1198 to %scan3A_1200 step %scan3A_1201 iter_args(%scan3A_1329 = %scan3A_1196) -> (vector<16xi32>)  : i32 {
        %add3A_1330 = arith.constant 32 : i32
        %add3A_1331 = arith.addi %add3A_1330, %scan3A_1328 : i32
        %get3A_1332 = arith.index_cast %add3A_1331 : i32 to index
        %get3A_1333 = tpu.vector_load %arg16[%get3A_1332] {strides = array<i32>} : memref<128xi32, #tpu.memory_space<vmem>>, vector<16xi32>,
        %le3A = arith.cmpi sle, %get3A_1333, %min3A_1189 : vector<16xi32>
        %convert_element_type3A_1334 = arith.extui %le3A : vector<16xi1> to vector<16xi32>
        %add3A_1335 = arith.addi %scan3A_1329, %convert_element_type3A_1334 : vector<16xi32>
        scf.yield %add3A_1335 : vector<16xi32>
      }
      %scan3A_1203 = arith.constant 16 : i32
      %scan3A_1204 = arith.constant 0 : i32
      %scan3A_1205 = arith.constant 16 : i32
      %scan3A_1206 = arith.addi %scan3A_1204, %scan3A_1205 : i32
      %scan3A_1207 = arith.constant 1 : i32
      %scan3A_1208 = scf.for %scan3A_1328 = %scan3A_1204 to %scan3A_1206 step %scan3A_1207 iter_args(%scan3A_1329 = %scan3A_1202) -> (vector<16xi32>)  : i32 {
        %add3A_1330 = arith.constant 64 : i32
        %add3A_1331 = arith.addi %add3A_1330, %scan3A_1328 : i32
        %get3A_1332 = arith.index_cast %add3A_1331 : i32 to index
        %get3A_1333 = tpu.vector_load %arg16[%get3A_1332] {strides = array<i32>} : memref<128xi32, #tpu.memory_space<vmem>>, vector<16xi32>,
        %le3A = arith.cmpi sle, %get3A_1333, %min3A_1189 : vector<16xi32>
        %convert_element_type3A_1334 = arith.extui %le3A : vector<16xi1> to vector<16xi32>
        %add3A_1335 = arith.addi %scan3A_1329, %convert_element_type3A_1334 : vector<16xi32>
        scf.yield %add3A_1335 : vector<16xi32>
      }
      %scan3A_1209 = arith.constant 16 : i32
      %scan3A_1210 = arith.constant 0 : i32
      %scan3A_1211 = arith.constant 16 : i32
      %scan3A_1212 = arith.addi %scan3A_1210, %scan3A_1211 : i32
      %scan3A_1213 = arith.constant 1 : i32
      %scan3A_1214 = scf.for %scan3A_1328 = %scan3A_1210 to %scan3A_1212 step %scan3A_1213 iter_args(%scan3A_1329 = %scan3A_1208) -> (vector<16xi32>)  : i32 {
        %add3A_1330 = arith.constant 96 : i32
        %add3A_1331 = arith.addi %add3A_1330, %scan3A_1328 : i32
        %get3A_1332 = arith.index_cast %add3A_1331 : i32 to index
        %get3A_1333 = tpu.vector_load %arg16[%get3A_1332] {strides = array<i32>} : memref<128xi32, #tpu.memory_space<vmem>>, vector<16xi32>,
        %le3A = arith.cmpi sle, %get3A_1333, %min3A_1189 : vector<16xi32>
        %convert_element_type3A_1334 = arith.extui %le3A : vector<16xi1> to vector<16xi32>
        %add3A_1335 = arith.addi %scan3A_1329, %convert_element_type3A_1334 : vector<16xi32>
        scf.yield %add3A_1335 : vector<16xi32>
      }
      %scan3A_1215 = arith.constant 16 : i32
      %swap3A_1216 = arith.constant 48 : index
      %swap3A_1217 = tpu.vector_load %arg14[%swap3A_1216] {strides = array<i32>} : memref<304xi32, #tpu.memory_space<vmem>>, vector<16xi32>,
      tpu.vector_store %arg14[%swap3A_1216], %scan3A_1214 {strides = array<i32>} : memref<304xi32, #tpu.memory_space<vmem>>, vector<16xi32>,
      %broadcast_in_dim3A_1218 = arith.constant 0 : i32
      %broadcast_in_dim3A_1219 = vector.broadcast %broadcast_in_dim3A_1218 : i32 to vector<16xi32>
      %select_n3A_1220 = arith.select %lt3A_1185, %add3A_1183, %broadcast_in_dim3A_1219 : vector<16xi1>, vector<16xi32>
      %swap3A_1221 = arith.constant 144 : index
      %swap3A_1222 = tpu.vector_load %arg14[%swap3A_1221] {strides = array<i32>} : memref<304xi32, #tpu.memory_space<vmem>>, vector<16xi32>,
      tpu.vector_store %arg14[%swap3A_1221], %select_n3A_1220 {strides = array<i32>} : memref<304xi32, #tpu.memory_space<vmem>>, vector<16xi32>,
      %broadcast_in_dim3A_1223 = arith.constant 95 : i32
      %broadcast_in_dim3A_1224 = vector.broadcast %broadcast_in_dim3A_1223 : i32 to vector<16xi32>
      %select_n3A_1225 = arith.select %lt3A_1185, %add3A_1183, %broadcast_in_dim3A_1224 : vector<16xi1>, vector<16xi32>
      %swap3A_1226 = arith.constant 240 : index
      %swap3A_1227 = tpu.vector_load %arg14[%swap3A_1226] {strides = array<i32>} : memref<304xi32, #tpu.memory_space<vmem>>, vector<16xi32>,
      tpu.vector_store %arg14[%swap3A_1226], %select_n3A_1225 {strides = array<i32>} : memref<304xi32, #tpu.memory_space<vmem>>, vector<16xi32>,
      %add3A_1228 = arith.constant 64 : i32
      %add3A_1229 = vector.broadcast %add3A_1228 : i32 to vector<16xi32>
      %add3A_1230 = arith.addi %iota3A, %add3A_1229 : vector<16xi32>
      %lt3A_1231 = vector.broadcast %add3A_636 : i32 to vector<16xi32>
      %lt3A_1232 = arith.cmpi slt, %add3A_1230, %lt3A_1231 : vector<16xi32>
      %sub3A_1233 = arith.constant 1 : i32
      %sub3A_1234 = arith.subi %add3A_636, %sub3A_1233 : i32
      %min3A_1235 = vector.broadcast %sub3A_1234 : i32 to vector<16xi32>
      %min3A_1236 = arith.minsi %add3A_1230, %min3A_1235 : vector<16xi32>
      %broadcast_in_dim3A_1237 = arith.constant -1 : i32
      %broadcast_in_dim3A_1238 = vector.broadcast %broadcast_in_dim3A_1237 : i32 to vector<16xi32>
      %scan3A_1239 = arith.constant 0 : i32
      %scan3A_1240 = arith.constant 16 : i32
      %scan3A_1241 = arith.addi %scan3A_1239, %scan3A_1240 : i32
      %scan3A_1242 = arith.constant 1 : i32
      %scan3A_1243 = scf.for %scan3A_1328 = %scan3A_1239 to %scan3A_1241 step %scan3A_1242 iter_args(%scan3A_1329 = %broadcast_in_dim3A_1238) -> (vector<16xi32>)  : i32 {
        %add3A_1330 = arith.constant 0 : i32
        %add3A_1331 = arith.addi %add3A_1330, %scan3A_1328 : i32
        %get3A_1332 = arith.index_cast %add3A_1331 : i32 to index
        %get3A_1333 = tpu.vector_load %arg16[%get3A_1332] {strides = array<i32>} : memref<128xi32, #tpu.memory_space<vmem>>, vector<16xi32>,
        %le3A = arith.cmpi sle, %get3A_1333, %min3A_1236 : vector<16xi32>
        %convert_element_type3A_1334 = arith.extui %le3A : vector<16xi1> to vector<16xi32>
        %add3A_1335 = arith.addi %scan3A_1329, %convert_element_type3A_1334 : vector<16xi32>
        scf.yield %add3A_1335 : vector<16xi32>
      }
      %scan3A_1244 = arith.constant 16 : i32
      %scan3A_1245 = arith.constant 0 : i32
      %scan3A_1246 = arith.constant 16 : i32
      %scan3A_1247 = arith.addi %scan3A_1245, %scan3A_1246 : i32
      %scan3A_1248 = arith.constant 1 : i32
      %scan3A_1249 = scf.for %scan3A_1328 = %scan3A_1245 to %scan3A_1247 step %scan3A_1248 iter_args(%scan3A_1329 = %scan3A_1243) -> (vector<16xi32>)  : i32 {
        %add3A_1330 = arith.constant 32 : i32
        %add3A_1331 = arith.addi %add3A_1330, %scan3A_1328 : i32
        %get3A_1332 = arith.index_cast %add3A_1331 : i32 to index
        %get3A_1333 = tpu.vector_load %arg16[%get3A_1332] {strides = array<i32>} : memref<128xi32, #tpu.memory_space<vmem>>, vector<16xi32>,
        %le3A = arith.cmpi sle, %get3A_1333, %min3A_1236 : vector<16xi32>
        %convert_element_type3A_1334 = arith.extui %le3A : vector<16xi1> to vector<16xi32>
        %add3A_1335 = arith.addi %scan3A_1329, %convert_element_type3A_1334 : vector<16xi32>
        scf.yield %add3A_1335 : vector<16xi32>
      }
      %scan3A_1250 = arith.constant 16 : i32
      %scan3A_1251 = arith.constant 0 : i32
      %scan3A_1252 = arith.constant 16 : i32
      %scan3A_1253 = arith.addi %scan3A_1251, %scan3A_1252 : i32
      %scan3A_1254 = arith.constant 1 : i32
      %scan3A_1255 = scf.for %scan3A_1328 = %scan3A_1251 to %scan3A_1253 step %scan3A_1254 iter_args(%scan3A_1329 = %scan3A_1249) -> (vector<16xi32>)  : i32 {
        %add3A_1330 = arith.constant 64 : i32
        %add3A_1331 = arith.addi %add3A_1330, %scan3A_1328 : i32
        %get3A_1332 = arith.index_cast %add3A_1331 : i32 to index
        %get3A_1333 = tpu.vector_load %arg16[%get3A_1332] {strides = array<i32>} : memref<128xi32, #tpu.memory_space<vmem>>, vector<16xi32>,
        %le3A = arith.cmpi sle, %get3A_1333, %min3A_1236 : vector<16xi32>
        %convert_element_type3A_1334 = arith.extui %le3A : vector<16xi1> to vector<16xi32>
        %add3A_1335 = arith.addi %scan3A_1329, %convert_element_type3A_1334 : vector<16xi32>
        scf.yield %add3A_1335 : vector<16xi32>
      }
      %scan3A_1256 = arith.constant 16 : i32
      %scan3A_1257 = arith.constant 0 : i32
      %scan3A_1258 = arith.constant 16 : i32
      %scan3A_1259 = arith.addi %scan3A_1257, %scan3A_1258 : i32
      %scan3A_1260 = arith.constant 1 : i32
      %scan3A_1261 = scf.for %scan3A_1328 = %scan3A_1257 to %scan3A_1259 step %scan3A_1260 iter_args(%scan3A_1329 = %scan3A_1255) -> (vector<16xi32>)  : i32 {
        %add3A_1330 = arith.constant 96 : i32
        %add3A_1331 = arith.addi %add3A_1330, %scan3A_1328 : i32
        %get3A_1332 = arith.index_cast %add3A_1331 : i32 to index
        %get3A_1333 = tpu.vector_load %arg16[%get3A_1332] {strides = array<i32>} : memref<128xi32, #tpu.memory_space<vmem>>, vector<16xi32>,
        %le3A = arith.cmpi sle, %get3A_1333, %min3A_1236 : vector<16xi32>
        %convert_element_type3A_1334 = arith.extui %le3A : vector<16xi1> to vector<16xi32>
        %add3A_1335 = arith.addi %scan3A_1329, %convert_element_type3A_1334 : vector<16xi32>
        scf.yield %add3A_1335 : vector<16xi32>
      }
      %scan3A_1262 = arith.constant 16 : i32
      %swap3A_1263 = arith.constant 64 : index
      %swap3A_1264 = tpu.vector_load %arg14[%swap3A_1263] {strides = array<i32>} : memref<304xi32, #tpu.memory_space<vmem>>, vector<16xi32>,
      tpu.vector_store %arg14[%swap3A_1263], %scan3A_1261 {strides = array<i32>} : memref<304xi32, #tpu.memory_space<vmem>>, vector<16xi32>,
      %broadcast_in_dim3A_1265 = arith.constant 0 : i32
      %broadcast_in_dim3A_1266 = vector.broadcast %broadcast_in_dim3A_1265 : i32 to vector<16xi32>
      %select_n3A_1267 = arith.select %lt3A_1232, %add3A_1230, %broadcast_in_dim3A_1266 : vector<16xi1>, vector<16xi32>
      %swap3A_1268 = arith.constant 160 : index
      %swap3A_1269 = tpu.vector_load %arg14[%swap3A_1268] {strides = array<i32>} : memref<304xi32, #tpu.memory_space<vmem>>, vector<16xi32>,
      tpu.vector_store %arg14[%swap3A_1268], %select_n3A_1267 {strides = array<i32>} : memref<304xi32, #tpu.memory_space<vmem>>, vector<16xi32>,
      %broadcast_in_dim3A_1270 = arith.constant 95 : i32
      %broadcast_in_dim3A_1271 = vector.broadcast %broadcast_in_dim3A_1270 : i32 to vector<16xi32>
      %select_n3A_1272 = arith.select %lt3A_1232, %add3A_1230, %broadcast_in_dim3A_1271 : vector<16xi1>, vector<16xi32>
      %swap3A_1273 = arith.constant 256 : index
      %swap3A_1274 = tpu.vector_load %arg14[%swap3A_1273] {strides = array<i32>} : memref<304xi32, #tpu.memory_space<vmem>>, vector<16xi32>,
      tpu.vector_store %arg14[%swap3A_1273], %select_n3A_1272 {strides = array<i32>} : memref<304xi32, #tpu.memory_space<vmem>>, vector<16xi32>,
      %add3A_1275 = arith.constant 80 : i32
      %add3A_1276 = vector.broadcast %add3A_1275 : i32 to vector<16xi32>
      %add3A_1277 = arith.addi %iota3A, %add3A_1276 : vector<16xi32>
      %lt3A_1278 = vector.broadcast %add3A_636 : i32 to vector<16xi32>
      %lt3A_1279 = arith.cmpi slt, %add3A_1277, %lt3A_1278 : vector<16xi32>
      %sub3A_1280 = arith.constant 1 : i32
      %sub3A_1281 = arith.subi %add3A_636, %sub3A_1280 : i32
      %min3A_1282 = vector.broadcast %sub3A_1281 : i32 to vector<16xi32>
      %min3A_1283 = arith.minsi %add3A_1277, %min3A_1282 : vector<16xi32>
      %broadcast_in_dim3A_1284 = arith.constant -1 : i32
      %broadcast_in_dim3A_1285 = vector.broadcast %broadcast_in_dim3A_1284 : i32 to vector<16xi32>
      %scan3A_1286 = arith.constant 0 : i32
      %scan3A_1287 = arith.constant 16 : i32
      %scan3A_1288 = arith.addi %scan3A_1286, %scan3A_1287 : i32
      %scan3A_1289 = arith.constant 1 : i32
      %scan3A_1290 = scf.for %scan3A_1328 = %scan3A_1286 to %scan3A_1288 step %scan3A_1289 iter_args(%scan3A_1329 = %broadcast_in_dim3A_1285) -> (vector<16xi32>)  : i32 {
        %add3A_1330 = arith.constant 0 : i32
        %add3A_1331 = arith.addi %add3A_1330, %scan3A_1328 : i32
        %get3A_1332 = arith.index_cast %add3A_1331 : i32 to index
        %get3A_1333 = tpu.vector_load %arg16[%get3A_1332] {strides = array<i32>} : memref<128xi32, #tpu.memory_space<vmem>>, vector<16xi32>,
        %le3A = arith.cmpi sle, %get3A_1333, %min3A_1283 : vector<16xi32>
        %convert_element_type3A_1334 = arith.extui %le3A : vector<16xi1> to vector<16xi32>
        %add3A_1335 = arith.addi %scan3A_1329, %convert_element_type3A_1334 : vector<16xi32>
        scf.yield %add3A_1335 : vector<16xi32>
      }
      %scan3A_1291 = arith.constant 16 : i32
      %scan3A_1292 = arith.constant 0 : i32
      %scan3A_1293 = arith.constant 16 : i32
      %scan3A_1294 = arith.addi %scan3A_1292, %scan3A_1293 : i32
      %scan3A_1295 = arith.constant 1 : i32
      %scan3A_1296 = scf.for %scan3A_1328 = %scan3A_1292 to %scan3A_1294 step %scan3A_1295 iter_args(%scan3A_1329 = %scan3A_1290) -> (vector<16xi32>)  : i32 {
        %add3A_1330 = arith.constant 32 : i32
        %add3A_1331 = arith.addi %add3A_1330, %scan3A_1328 : i32
        %get3A_1332 = arith.index_cast %add3A_1331 : i32 to index
        %get3A_1333 = tpu.vector_load %arg16[%get3A_1332] {strides = array<i32>} : memref<128xi32, #tpu.memory_space<vmem>>, vector<16xi32>,
        %le3A = arith.cmpi sle, %get3A_1333, %min3A_1283 : vector<16xi32>
        %convert_element_type3A_1334 = arith.extui %le3A : vector<16xi1> to vector<16xi32>
        %add3A_1335 = arith.addi %scan3A_1329, %convert_element_type3A_1334 : vector<16xi32>
        scf.yield %add3A_1335 : vector<16xi32>
      }
      %scan3A_1297 = arith.constant 16 : i32
      %scan3A_1298 = arith.constant 0 : i32
      %scan3A_1299 = arith.constant 16 : i32
      %scan3A_1300 = arith.addi %scan3A_1298, %scan3A_1299 : i32
      %scan3A_1301 = arith.constant 1 : i32
      %scan3A_1302 = scf.for %scan3A_1328 = %scan3A_1298 to %scan3A_1300 step %scan3A_1301 iter_args(%scan3A_1329 = %scan3A_1296) -> (vector<16xi32>)  : i32 {
        %add3A_1330 = arith.constant 64 : i32
        %add3A_1331 = arith.addi %add3A_1330, %scan3A_1328 : i32
        %get3A_1332 = arith.index_cast %add3A_1331 : i32 to index
        %get3A_1333 = tpu.vector_load %arg16[%get3A_1332] {strides = array<i32>} : memref<128xi32, #tpu.memory_space<vmem>>, vector<16xi32>,
        %le3A = arith.cmpi sle, %get3A_1333, %min3A_1283 : vector<16xi32>
        %convert_element_type3A_1334 = arith.extui %le3A : vector<16xi1> to vector<16xi32>
        %add3A_1335 = arith.addi %scan3A_1329, %convert_element_type3A_1334 : vector<16xi32>
        scf.yield %add3A_1335 : vector<16xi32>
      }
      %scan3A_1303 = arith.constant 16 : i32
      %scan3A_1304 = arith.constant 0 : i32
      %scan3A_1305 = arith.constant 16 : i32
      %scan3A_1306 = arith.addi %scan3A_1304, %scan3A_1305 : i32
      %scan3A_1307 = arith.constant 1 : i32
      %scan3A_1308 = scf.for %scan3A_1328 = %scan3A_1304 to %scan3A_1306 step %scan3A_1307 iter_args(%scan3A_1329 = %scan3A_1302) -> (vector<16xi32>)  : i32 {
        %add3A_1330 = arith.constant 96 : i32
        %add3A_1331 = arith.addi %add3A_1330, %scan3A_1328 : i32
        %get3A_1332 = arith.index_cast %add3A_1331 : i32 to index
        %get3A_1333 = tpu.vector_load %arg16[%get3A_1332] {strides = array<i32>} : memref<128xi32, #tpu.memory_space<vmem>>, vector<16xi32>,
        %le3A = arith.cmpi sle, %get3A_1333, %min3A_1283 : vector<16xi32>
        %convert_element_type3A_1334 = arith.extui %le3A : vector<16xi1> to vector<16xi32>
        %add3A_1335 = arith.addi %scan3A_1329, %convert_element_type3A_1334 : vector<16xi32>
        scf.yield %add3A_1335 : vector<16xi32>
      }
      %scan3A_1309 = arith.constant 16 : i32
      %swap3A_1310 = arith.constant 80 : index
      %swap3A_1311 = tpu.vector_load %arg14[%swap3A_1310] {strides = array<i32>} : memref<304xi32, #tpu.memory_space<vmem>>, vector<16xi32>,
      tpu.vector_store %arg14[%swap3A_1310], %scan3A_1308 {strides = array<i32>} : memref<304xi32, #tpu.memory_space<vmem>>, vector<16xi32>,
      %broadcast_in_dim3A_1312 = arith.constant 0 : i32
      %broadcast_in_dim3A_1313 = vector.broadcast %broadcast_in_dim3A_1312 : i32 to vector<16xi32>
      %select_n3A_1314 = arith.select %lt3A_1279, %add3A_1277, %broadcast_in_dim3A_1313 : vector<16xi1>, vector<16xi32>
      %swap3A_1315 = arith.constant 176 : index
      %swap3A_1316 = tpu.vector_load %arg14[%swap3A_1315] {strides = array<i32>} : memref<304xi32, #tpu.memory_space<vmem>>, vector<16xi32>,
      tpu.vector_store %arg14[%swap3A_1315], %select_n3A_1314 {strides = array<i32>} : memref<304xi32, #tpu.memory_space<vmem>>, vector<16xi32>,
      %broadcast_in_dim3A_1317 = arith.constant 95 : i32
      %broadcast_in_dim3A_1318 = vector.broadcast %broadcast_in_dim3A_1317 : i32 to vector<16xi32>
      %select_n3A_1319 = arith.select %lt3A_1279, %add3A_1277, %broadcast_in_dim3A_1318 : vector<16xi1>, vector<16xi32>
      %swap3A_1320 = arith.constant 272 : index
      %swap3A_1321 = tpu.vector_load %arg14[%swap3A_1320] {strides = array<i32>} : memref<304xi32, #tpu.memory_space<vmem>>, vector<16xi32>,
      tpu.vector_store %arg14[%swap3A_1320], %select_n3A_1319 {strides = array<i32>} : memref<304xi32, #tpu.memory_space<vmem>>, vector<16xi32>,
      %broadcast_in_dim3A_1322 = arith.constant 1 : i32
      %broadcast_in_dim3A_1323 = vector.broadcast %broadcast_in_dim3A_1322 : i32 to vector<16xi32>
      %mul3A_1324 = vector.broadcast %add3A_636 : i32 to vector<16xi32>
      %mul3A_1325 = arith.muli %broadcast_in_dim3A_1323, %mul3A_1324 : vector<16xi32>
      %swap3A_1326 = arith.constant 288 : index
      %swap3A_1327 = tpu.vector_load %arg14[%swap3A_1326] {strides = array<i32>} : memref<304xi32, #tpu.memory_space<vmem>>, vector<16xi32>,
      tpu.vector_store %arg14[%swap3A_1326], %mul3A_1325 {strides = array<i32>} : memref<304xi32, #tpu.memory_space<vmem>>, vector<16xi32>,
      "tpu.region"() ({
        %run_scoped3A = tpu.sem_alloc : memref<!tpu.dma_semaphore, #tpu.memory_space<semaphore_mem>>
        tpu.enqueue_dma source(%arg14 : memref<304xi32, #tpu.memory_space<vmem>>) target(%arg5 : memref<304xi32, #tpu.memory_space<hbm>>) target_semaphore(%run_scoped3A : memref<!tpu.dma_semaphore, #tpu.memory_space<semaphore_mem>>)
        tpu.wait_dma2 semaphore(%run_scoped3A : memref<!tpu.dma_semaphore, #tpu.memory_space<semaphore_mem>>) src(%arg14 : memref<304xi32, #tpu.memory_space<vmem>>) dst(%arg5 : memref<304xi32, #tpu.memory_space<hbm>>)
        tpu.yield
      }) : () -> ()
    } else {
    }
    %get3A_667 = arith.constant 0 : index
    %get3A_668 = tpu.vector_load %arg7[%get3A_667] {strides = array<i32>} : memref<256xi32, #tpu.memory_space<vmem>>, vector<16xi32>,
    %get3A_669 = arith.constant 0 : index
    %get3A_670 = tpu.vector_load %arg8[%get3A_669] {strides = array<i32>} : memref<256xi32, #tpu.memory_space<vmem>>, vector<16xi32>,
    %get3A_671 = arith.constant 0 : index
    %get3A_672 = tpu.vector_load %arg9[%get3A_671] {strides = array<i32>} : memref<256xi32, #tpu.memory_space<vmem>>, vector<16xi32>,
    %gather3A = tpu.vector_load_idx %arg13[%get3A_668] : memref<64xi32, #tpu.memory_space<vmem>>[vector<16xi32>], vector<16xi32>,
    %add3A_673 = arith.addi %gather3A, %get3A_670 : vector<16xi32>
    %swap3A_674 = arith.constant 0 : index
    %swap3A_675 = tpu.vector_load %arg10[%swap3A_674] {strides = array<i32>} : memref<256xi32, #tpu.memory_space<vmem>>, vector<16xi32>,
    tpu.vector_store %arg10[%swap3A_674], %add3A_673 {strides = array<i32>} : memref<256xi32, #tpu.memory_space<vmem>>, vector<16xi32>,
    %sub3A_676 = arith.subi %get3A_672, %get3A_670 : vector<16xi32>
    %add3A_677 = arith.addi %add3A_673, %sub3A_676 : vector<16xi32>
    %sub3A_678 = arith.constant 1 : i32
    %sub3A_679 = vector.broadcast %sub3A_678 : i32 to vector<16xi32>
    %sub3A_680 = arith.subi %get3A_672, %sub3A_679 : vector<16xi32>
    %eq3A_681 = arith.cmpi eq, %get3A_670, %sub3A_680 : vector<16xi32>
    tpu.vector_store_idx %arg13[%get3A_668], %add3A_677 masked %eq3A_681 : memref<64xi32, #tpu.memory_space<vmem>>[vector<16xi32>], vector<16xi32>, vector<16xi1>
    %get3A_682 = arith.constant 16 : index
    %get3A_683 = tpu.vector_load %arg7[%get3A_682] {strides = array<i32>} : memref<256xi32, #tpu.memory_space<vmem>>, vector<16xi32>,
    %get3A_684 = arith.constant 16 : index
    %get3A_685 = tpu.vector_load %arg8[%get3A_684] {strides = array<i32>} : memref<256xi32, #tpu.memory_space<vmem>>, vector<16xi32>,
    %get3A_686 = arith.constant 16 : index
    %get3A_687 = tpu.vector_load %arg9[%get3A_686] {strides = array<i32>} : memref<256xi32, #tpu.memory_space<vmem>>, vector<16xi32>,
    %gather3A_688 = tpu.vector_load_idx %arg13[%get3A_683] : memref<64xi32, #tpu.memory_space<vmem>>[vector<16xi32>], vector<16xi32>,
    %add3A_689 = arith.addi %gather3A_688, %get3A_685 : vector<16xi32>
    %swap3A_690 = arith.constant 16 : index
    %swap3A_691 = tpu.vector_load %arg10[%swap3A_690] {strides = array<i32>} : memref<256xi32, #tpu.memory_space<vmem>>, vector<16xi32>,
    tpu.vector_store %arg10[%swap3A_690], %add3A_689 {strides = array<i32>} : memref<256xi32, #tpu.memory_space<vmem>>, vector<16xi32>,
    %sub3A_692 = arith.subi %get3A_687, %get3A_685 : vector<16xi32>
    %add3A_693 = arith.addi %add3A_689, %sub3A_692 : vector<16xi32>
    %sub3A_694 = arith.constant 1 : i32
    %sub3A_695 = vector.broadcast %sub3A_694 : i32 to vector<16xi32>
    %sub3A_696 = arith.subi %get3A_687, %sub3A_695 : vector<16xi32>
    %eq3A_697 = arith.cmpi eq, %get3A_685, %sub3A_696 : vector<16xi32>
    tpu.vector_store_idx %arg13[%get3A_683], %add3A_693 masked %eq3A_697 : memref<64xi32, #tpu.memory_space<vmem>>[vector<16xi32>], vector<16xi32>, vector<16xi1>
    %get3A_698 = arith.constant 32 : index
    %get3A_699 = tpu.vector_load %arg7[%get3A_698] {strides = array<i32>} : memref<256xi32, #tpu.memory_space<vmem>>, vector<16xi32>,
    %get3A_700 = arith.constant 32 : index
    %get3A_701 = tpu.vector_load %arg8[%get3A_700] {strides = array<i32>} : memref<256xi32, #tpu.memory_space<vmem>>, vector<16xi32>,
    %get3A_702 = arith.constant 32 : index
    %get3A_703 = tpu.vector_load %arg9[%get3A_702] {strides = array<i32>} : memref<256xi32, #tpu.memory_space<vmem>>, vector<16xi32>,
    %gather3A_704 = tpu.vector_load_idx %arg13[%get3A_699] : memref<64xi32, #tpu.memory_space<vmem>>[vector<16xi32>], vector<16xi32>,
    %add3A_705 = arith.addi %gather3A_704, %get3A_701 : vector<16xi32>
    %swap3A_706 = arith.constant 32 : index
    %swap3A_707 = tpu.vector_load %arg10[%swap3A_706] {strides = array<i32>} : memref<256xi32, #tpu.memory_space<vmem>>, vector<16xi32>,
    tpu.vector_store %arg10[%swap3A_706], %add3A_705 {strides = array<i32>} : memref<256xi32, #tpu.memory_space<vmem>>, vector<16xi32>,
    %sub3A_708 = arith.subi %get3A_703, %get3A_701 : vector<16xi32>
    %add3A_709 = arith.addi %add3A_705, %sub3A_708 : vector<16xi32>
    %sub3A_710 = arith.constant 1 : i32
    %sub3A_711 = vector.broadcast %sub3A_710 : i32 to vector<16xi32>
    %sub3A_712 = arith.subi %get3A_703, %sub3A_711 : vector<16xi32>
    %eq3A_713 = arith.cmpi eq, %get3A_701, %sub3A_712 : vector<16xi32>
    tpu.vector_store_idx %arg13[%get3A_699], %add3A_709 masked %eq3A_713 : memref<64xi32, #tpu.memory_space<vmem>>[vector<16xi32>], vector<16xi32>, vector<16xi1>
    %get3A_714 = arith.constant 48 : index
    %get3A_715 = tpu.vector_load %arg7[%get3A_714] {strides = array<i32>} : memref<256xi32, #tpu.memory_space<vmem>>, vector<16xi32>,
    %get3A_716 = arith.constant 48 : index
    %get3A_717 = tpu.vector_load %arg8[%get3A_716] {strides = array<i32>} : memref<256xi32, #tpu.memory_space<vmem>>, vector<16xi32>,
    %get3A_718 = arith.constant 48 : index
    %get3A_719 = tpu.vector_load %arg9[%get3A_718] {strides = array<i32>} : memref<256xi32, #tpu.memory_space<vmem>>, vector<16xi32>,
    %gather3A_720 = tpu.vector_load_idx %arg13[%get3A_715] : memref<64xi32, #tpu.memory_space<vmem>>[vector<16xi32>], vector<16xi32>,
    %add3A_721 = arith.addi %gather3A_720, %get3A_717 : vector<16xi32>
    %swap3A_722 = arith.constant 48 : index
    %swap3A_723 = tpu.vector_load %arg10[%swap3A_722] {strides = array<i32>} : memref<256xi32, #tpu.memory_space<vmem>>, vector<16xi32>,
    tpu.vector_store %arg10[%swap3A_722], %add3A_721 {strides = array<i32>} : memref<256xi32, #tpu.memory_space<vmem>>, vector<16xi32>,
    %sub3A_724 = arith.subi %get3A_719, %get3A_717 : vector<16xi32>
    %add3A_725 = arith.addi %add3A_721, %sub3A_724 : vector<16xi32>
    %sub3A_726 = arith.constant 1 : i32
    %sub3A_727 = vector.broadcast %sub3A_726 : i32 to vector<16xi32>
    %sub3A_728 = arith.subi %get3A_719, %sub3A_727 : vector<16xi32>
    %eq3A_729 = arith.cmpi eq, %get3A_717, %sub3A_728 : vector<16xi32>
    tpu.vector_store_idx %arg13[%get3A_715], %add3A_725 masked %eq3A_729 : memref<64xi32, #tpu.memory_space<vmem>>[vector<16xi32>], vector<16xi32>, vector<16xi1>
    %get3A_730 = arith.constant 64 : index
    %get3A_731 = tpu.vector_load %arg7[%get3A_730] {strides = array<i32>} : memref<256xi32, #tpu.memory_space<vmem>>, vector<16xi32>,
    %get3A_732 = arith.constant 64 : index
    %get3A_733 = tpu.vector_load %arg8[%get3A_732] {strides = array<i32>} : memref<256xi32, #tpu.memory_space<vmem>>, vector<16xi32>,
    %get3A_734 = arith.constant 64 : index
    %get3A_735 = tpu.vector_load %arg9[%get3A_734] {strides = array<i32>} : memref<256xi32, #tpu.memory_space<vmem>>, vector<16xi32>,
    %gather3A_736 = tpu.vector_load_idx %arg13[%get3A_731] : memref<64xi32, #tpu.memory_space<vmem>>[vector<16xi32>], vector<16xi32>,
    %add3A_737 = arith.addi %gather3A_736, %get3A_733 : vector<16xi32>
    %swap3A_738 = arith.constant 64 : index
    %swap3A_739 = tpu.vector_load %arg10[%swap3A_738] {strides = array<i32>} : memref<256xi32, #tpu.memory_space<vmem>>, vector<16xi32>,
    tpu.vector_store %arg10[%swap3A_738], %add3A_737 {strides = array<i32>} : memref<256xi32, #tpu.memory_space<vmem>>, vector<16xi32>,
    %sub3A_740 = arith.subi %get3A_735, %get3A_733 : vector<16xi32>
    %add3A_741 = arith.addi %add3A_737, %sub3A_740 : vector<16xi32>
    %sub3A_742 = arith.constant 1 : i32
    %sub3A_743 = vector.broadcast %sub3A_742 : i32 to vector<16xi32>
    %sub3A_744 = arith.subi %get3A_735, %sub3A_743 : vector<16xi32>
    %eq3A_745 = arith.cmpi eq, %get3A_733, %sub3A_744 : vector<16xi32>
    tpu.vector_store_idx %arg13[%get3A_731], %add3A_741 masked %eq3A_745 : memref<64xi32, #tpu.memory_space<vmem>>[vector<16xi32>], vector<16xi32>, vector<16xi1>
    %get3A_746 = arith.constant 80 : index
    %get3A_747 = tpu.vector_load %arg7[%get3A_746] {strides = array<i32>} : memref<256xi32, #tpu.memory_space<vmem>>, vector<16xi32>,
    %get3A_748 = arith.constant 80 : index
    %get3A_749 = tpu.vector_load %arg8[%get3A_748] {strides = array<i32>} : memref<256xi32, #tpu.memory_space<vmem>>, vector<16xi32>,
    %get3A_750 = arith.constant 80 : index
    %get3A_751 = tpu.vector_load %arg9[%get3A_750] {strides = array<i32>} : memref<256xi32, #tpu.memory_space<vmem>>, vector<16xi32>,
    %gather3A_752 = tpu.vector_load_idx %arg13[%get3A_747] : memref<64xi32, #tpu.memory_space<vmem>>[vector<16xi32>], vector<16xi32>,
    %add3A_753 = arith.addi %gather3A_752, %get3A_749 : vector<16xi32>
    %swap3A_754 = arith.constant 80 : index
    %swap3A_755 = tpu.vector_load %arg10[%swap3A_754] {strides = array<i32>} : memref<256xi32, #tpu.memory_space<vmem>>, vector<16xi32>,
    tpu.vector_store %arg10[%swap3A_754], %add3A_753 {strides = array<i32>} : memref<256xi32, #tpu.memory_space<vmem>>, vector<16xi32>,
    %sub3A_756 = arith.subi %get3A_751, %get3A_749 : vector<16xi32>
    %add3A_757 = arith.addi %add3A_753, %sub3A_756 : vector<16xi32>
    %sub3A_758 = arith.constant 1 : i32
    %sub3A_759 = vector.broadcast %sub3A_758 : i32 to vector<16xi32>
    %sub3A_760 = arith.subi %get3A_751, %sub3A_759 : vector<16xi32>
    %eq3A_761 = arith.cmpi eq, %get3A_749, %sub3A_760 : vector<16xi32>
    tpu.vector_store_idx %arg13[%get3A_747], %add3A_757 masked %eq3A_761 : memref<64xi32, #tpu.memory_space<vmem>>[vector<16xi32>], vector<16xi32>, vector<16xi1>
    %get3A_762 = arith.constant 96 : index
    %get3A_763 = tpu.vector_load %arg7[%get3A_762] {strides = array<i32>} : memref<256xi32, #tpu.memory_space<vmem>>, vector<16xi32>,
    %get3A_764 = arith.constant 96 : index
    %get3A_765 = tpu.vector_load %arg8[%get3A_764] {strides = array<i32>} : memref<256xi32, #tpu.memory_space<vmem>>, vector<16xi32>,
    %get3A_766 = arith.constant 96 : index
    %get3A_767 = tpu.vector_load %arg9[%get3A_766] {strides = array<i32>} : memref<256xi32, #tpu.memory_space<vmem>>, vector<16xi32>,
    %gather3A_768 = tpu.vector_load_idx %arg13[%get3A_763] : memref<64xi32, #tpu.memory_space<vmem>>[vector<16xi32>], vector<16xi32>,
    %add3A_769 = arith.addi %gather3A_768, %get3A_765 : vector<16xi32>
    %swap3A_770 = arith.constant 96 : index
    %swap3A_771 = tpu.vector_load %arg10[%swap3A_770] {strides = array<i32>} : memref<256xi32, #tpu.memory_space<vmem>>, vector<16xi32>,
    tpu.vector_store %arg10[%swap3A_770], %add3A_769 {strides = array<i32>} : memref<256xi32, #tpu.memory_space<vmem>>, vector<16xi32>,
    %sub3A_772 = arith.subi %get3A_767, %get3A_765 : vector<16xi32>
    %add3A_773 = arith.addi %add3A_769, %sub3A_772 : vector<16xi32>
    %sub3A_774 = arith.constant 1 : i32
    %sub3A_775 = vector.broadcast %sub3A_774 : i32 to vector<16xi32>
    %sub3A_776 = arith.subi %get3A_767, %sub3A_775 : vector<16xi32>
    %eq3A_777 = arith.cmpi eq, %get3A_765, %sub3A_776 : vector<16xi32>
    tpu.vector_store_idx %arg13[%get3A_763], %add3A_773 masked %eq3A_777 : memref<64xi32, #tpu.memory_space<vmem>>[vector<16xi32>], vector<16xi32>, vector<16xi1>
    %get3A_778 = arith.constant 112 : index
    %get3A_779 = tpu.vector_load %arg7[%get3A_778] {strides = array<i32>} : memref<256xi32, #tpu.memory_space<vmem>>, vector<16xi32>,
    %get3A_780 = arith.constant 112 : index
    %get3A_781 = tpu.vector_load %arg8[%get3A_780] {strides = array<i32>} : memref<256xi32, #tpu.memory_space<vmem>>, vector<16xi32>,
    %get3A_782 = arith.constant 112 : index
    %get3A_783 = tpu.vector_load %arg9[%get3A_782] {strides = array<i32>} : memref<256xi32, #tpu.memory_space<vmem>>, vector<16xi32>,
    %gather3A_784 = tpu.vector_load_idx %arg13[%get3A_779] : memref<64xi32, #tpu.memory_space<vmem>>[vector<16xi32>], vector<16xi32>,
    %add3A_785 = arith.addi %gather3A_784, %get3A_781 : vector<16xi32>
    %swap3A_786 = arith.constant 112 : index
    %swap3A_787 = tpu.vector_load %arg10[%swap3A_786] {strides = array<i32>} : memref<256xi32, #tpu.memory_space<vmem>>, vector<16xi32>,
    tpu.vector_store %arg10[%swap3A_786], %add3A_785 {strides = array<i32>} : memref<256xi32, #tpu.memory_space<vmem>>, vector<16xi32>,
    %sub3A_788 = arith.subi %get3A_783, %get3A_781 : vector<16xi32>
    %add3A_789 = arith.addi %add3A_785, %sub3A_788 : vector<16xi32>
    %sub3A_790 = arith.constant 1 : i32
    %sub3A_791 = vector.broadcast %sub3A_790 : i32 to vector<16xi32>
    %sub3A_792 = arith.subi %get3A_783, %sub3A_791 : vector<16xi32>
    %eq3A_793 = arith.cmpi eq, %get3A_781, %sub3A_792 : vector<16xi32>
    tpu.vector_store_idx %arg13[%get3A_779], %add3A_789 masked %eq3A_793 : memref<64xi32, #tpu.memory_space<vmem>>[vector<16xi32>], vector<16xi32>, vector<16xi1>
    %get3A_794 = arith.constant 128 : index
    %get3A_795 = tpu.vector_load %arg7[%get3A_794] {strides = array<i32>} : memref<256xi32, #tpu.memory_space<vmem>>, vector<16xi32>,
    %get3A_796 = arith.constant 128 : index
    %get3A_797 = tpu.vector_load %arg8[%get3A_796] {strides = array<i32>} : memref<256xi32, #tpu.memory_space<vmem>>, vector<16xi32>,
    %get3A_798 = arith.constant 128 : index
    %get3A_799 = tpu.vector_load %arg9[%get3A_798] {strides = array<i32>} : memref<256xi32, #tpu.memory_space<vmem>>, vector<16xi32>,
    %gather3A_800 = tpu.vector_load_idx %arg13[%get3A_795] : memref<64xi32, #tpu.memory_space<vmem>>[vector<16xi32>], vector<16xi32>,
    %add3A_801 = arith.addi %gather3A_800, %get3A_797 : vector<16xi32>
    %swap3A_802 = arith.constant 128 : index
    %swap3A_803 = tpu.vector_load %arg10[%swap3A_802] {strides = array<i32>} : memref<256xi32, #tpu.memory_space<vmem>>, vector<16xi32>,
    tpu.vector_store %arg10[%swap3A_802], %add3A_801 {strides = array<i32>} : memref<256xi32, #tpu.memory_space<vmem>>, vector<16xi32>,
    %sub3A_804 = arith.subi %get3A_799, %get3A_797 : vector<16xi32>
    %add3A_805 = arith.addi %add3A_801, %sub3A_804 : vector<16xi32>
    %sub3A_806 = arith.constant 1 : i32
    %sub3A_807 = vector.broadcast %sub3A_806 : i32 to vector<16xi32>
    %sub3A_808 = arith.subi %get3A_799, %sub3A_807 : vector<16xi32>
    %eq3A_809 = arith.cmpi eq, %get3A_797, %sub3A_808 : vector<16xi32>
    tpu.vector_store_idx %arg13[%get3A_795], %add3A_805 masked %eq3A_809 : memref<64xi32, #tpu.memory_space<vmem>>[vector<16xi32>], vector<16xi32>, vector<16xi1>
    %get3A_810 = arith.constant 144 : index
    %get3A_811 = tpu.vector_load %arg7[%get3A_810] {strides = array<i32>} : memref<256xi32, #tpu.memory_space<vmem>>, vector<16xi32>,
    %get3A_812 = arith.constant 144 : index
    %get3A_813 = tpu.vector_load %arg8[%get3A_812] {strides = array<i32>} : memref<256xi32, #tpu.memory_space<vmem>>, vector<16xi32>,
    %get3A_814 = arith.constant 144 : index
    %get3A_815 = tpu.vector_load %arg9[%get3A_814] {strides = array<i32>} : memref<256xi32, #tpu.memory_space<vmem>>, vector<16xi32>,
    %gather3A_816 = tpu.vector_load_idx %arg13[%get3A_811] : memref<64xi32, #tpu.memory_space<vmem>>[vector<16xi32>], vector<16xi32>,
    %add3A_817 = arith.addi %gather3A_816, %get3A_813 : vector<16xi32>
    %swap3A_818 = arith.constant 144 : index
    %swap3A_819 = tpu.vector_load %arg10[%swap3A_818] {strides = array<i32>} : memref<256xi32, #tpu.memory_space<vmem>>, vector<16xi32>,
    tpu.vector_store %arg10[%swap3A_818], %add3A_817 {strides = array<i32>} : memref<256xi32, #tpu.memory_space<vmem>>, vector<16xi32>,
    %sub3A_820 = arith.subi %get3A_815, %get3A_813 : vector<16xi32>
    %add3A_821 = arith.addi %add3A_817, %sub3A_820 : vector<16xi32>
    %sub3A_822 = arith.constant 1 : i32
    %sub3A_823 = vector.broadcast %sub3A_822 : i32 to vector<16xi32>
    %sub3A_824 = arith.subi %get3A_815, %sub3A_823 : vector<16xi32>
    %eq3A_825 = arith.cmpi eq, %get3A_813, %sub3A_824 : vector<16xi32>
    tpu.vector_store_idx %arg13[%get3A_811], %add3A_821 masked %eq3A_825 : memref<64xi32, #tpu.memory_space<vmem>>[vector<16xi32>], vector<16xi32>, vector<16xi1>
    %get3A_826 = arith.constant 160 : index
    %get3A_827 = tpu.vector_load %arg7[%get3A_826] {strides = array<i32>} : memref<256xi32, #tpu.memory_space<vmem>>, vector<16xi32>,
    %get3A_828 = arith.constant 160 : index
    %get3A_829 = tpu.vector_load %arg8[%get3A_828] {strides = array<i32>} : memref<256xi32, #tpu.memory_space<vmem>>, vector<16xi32>,
    %get3A_830 = arith.constant 160 : index
    %get3A_831 = tpu.vector_load %arg9[%get3A_830] {strides = array<i32>} : memref<256xi32, #tpu.memory_space<vmem>>, vector<16xi32>,
    %gather3A_832 = tpu.vector_load_idx %arg13[%get3A_827] : memref<64xi32, #tpu.memory_space<vmem>>[vector<16xi32>], vector<16xi32>,
    %add3A_833 = arith.addi %gather3A_832, %get3A_829 : vector<16xi32>
    %swap3A_834 = arith.constant 160 : index
    %swap3A_835 = tpu.vector_load %arg10[%swap3A_834] {strides = array<i32>} : memref<256xi32, #tpu.memory_space<vmem>>, vector<16xi32>,
    tpu.vector_store %arg10[%swap3A_834], %add3A_833 {strides = array<i32>} : memref<256xi32, #tpu.memory_space<vmem>>, vector<16xi32>,
    %sub3A_836 = arith.subi %get3A_831, %get3A_829 : vector<16xi32>
    %add3A_837 = arith.addi %add3A_833, %sub3A_836 : vector<16xi32>
    %sub3A_838 = arith.constant 1 : i32
    %sub3A_839 = vector.broadcast %sub3A_838 : i32 to vector<16xi32>
    %sub3A_840 = arith.subi %get3A_831, %sub3A_839 : vector<16xi32>
    %eq3A_841 = arith.cmpi eq, %get3A_829, %sub3A_840 : vector<16xi32>
    tpu.vector_store_idx %arg13[%get3A_827], %add3A_837 masked %eq3A_841 : memref<64xi32, #tpu.memory_space<vmem>>[vector<16xi32>], vector<16xi32>, vector<16xi1>
    %get3A_842 = arith.constant 176 : index
    %get3A_843 = tpu.vector_load %arg7[%get3A_842] {strides = array<i32>} : memref<256xi32, #tpu.memory_space<vmem>>, vector<16xi32>,
    %get3A_844 = arith.constant 176 : index
    %get3A_845 = tpu.vector_load %arg8[%get3A_844] {strides = array<i32>} : memref<256xi32, #tpu.memory_space<vmem>>, vector<16xi32>,
    %get3A_846 = arith.constant 176 : index
    %get3A_847 = tpu.vector_load %arg9[%get3A_846] {strides = array<i32>} : memref<256xi32, #tpu.memory_space<vmem>>, vector<16xi32>,
    %gather3A_848 = tpu.vector_load_idx %arg13[%get3A_843] : memref<64xi32, #tpu.memory_space<vmem>>[vector<16xi32>], vector<16xi32>,
    %add3A_849 = arith.addi %gather3A_848, %get3A_845 : vector<16xi32>
    %swap3A_850 = arith.constant 176 : index
    %swap3A_851 = tpu.vector_load %arg10[%swap3A_850] {strides = array<i32>} : memref<256xi32, #tpu.memory_space<vmem>>, vector<16xi32>,
    tpu.vector_store %arg10[%swap3A_850], %add3A_849 {strides = array<i32>} : memref<256xi32, #tpu.memory_space<vmem>>, vector<16xi32>,
    %sub3A_852 = arith.subi %get3A_847, %get3A_845 : vector<16xi32>
    %add3A_853 = arith.addi %add3A_849, %sub3A_852 : vector<16xi32>
    %sub3A_854 = arith.constant 1 : i32
    %sub3A_855 = vector.broadcast %sub3A_854 : i32 to vector<16xi32>
    %sub3A_856 = arith.subi %get3A_847, %sub3A_855 : vector<16xi32>
    %eq3A_857 = arith.cmpi eq, %get3A_845, %sub3A_856 : vector<16xi32>
    tpu.vector_store_idx %arg13[%get3A_843], %add3A_853 masked %eq3A_857 : memref<64xi32, #tpu.memory_space<vmem>>[vector<16xi32>], vector<16xi32>, vector<16xi1>
    %get3A_858 = arith.constant 192 : index
    %get3A_859 = tpu.vector_load %arg7[%get3A_858] {strides = array<i32>} : memref<256xi32, #tpu.memory_space<vmem>>, vector<16xi32>,
    %get3A_860 = arith.constant 192 : index
    %get3A_861 = tpu.vector_load %arg8[%get3A_860] {strides = array<i32>} : memref<256xi32, #tpu.memory_space<vmem>>, vector<16xi32>,
    %get3A_862 = arith.constant 192 : index
    %get3A_863 = tpu.vector_load %arg9[%get3A_862] {strides = array<i32>} : memref<256xi32, #tpu.memory_space<vmem>>, vector<16xi32>,
    %gather3A_864 = tpu.vector_load_idx %arg13[%get3A_859] : memref<64xi32, #tpu.memory_space<vmem>>[vector<16xi32>], vector<16xi32>,
    %add3A_865 = arith.addi %gather3A_864, %get3A_861 : vector<16xi32>
    %swap3A_866 = arith.constant 192 : index
    %swap3A_867 = tpu.vector_load %arg10[%swap3A_866] {strides = array<i32>} : memref<256xi32, #tpu.memory_space<vmem>>, vector<16xi32>,
    tpu.vector_store %arg10[%swap3A_866], %add3A_865 {strides = array<i32>} : memref<256xi32, #tpu.memory_space<vmem>>, vector<16xi32>,
    %sub3A_868 = arith.subi %get3A_863, %get3A_861 : vector<16xi32>
    %add3A_869 = arith.addi %add3A_865, %sub3A_868 : vector<16xi32>
    %sub3A_870 = arith.constant 1 : i32
    %sub3A_871 = vector.broadcast %sub3A_870 : i32 to vector<16xi32>
    %sub3A_872 = arith.subi %get3A_863, %sub3A_871 : vector<16xi32>
    %eq3A_873 = arith.cmpi eq, %get3A_861, %sub3A_872 : vector<16xi32>
    tpu.vector_store_idx %arg13[%get3A_859], %add3A_869 masked %eq3A_873 : memref<64xi32, #tpu.memory_space<vmem>>[vector<16xi32>], vector<16xi32>, vector<16xi1>
    %get3A_874 = arith.constant 208 : index
    %get3A_875 = tpu.vector_load %arg7[%get3A_874] {strides = array<i32>} : memref<256xi32, #tpu.memory_space<vmem>>, vector<16xi32>,
    %get3A_876 = arith.constant 208 : index
    %get3A_877 = tpu.vector_load %arg8[%get3A_876] {strides = array<i32>} : memref<256xi32, #tpu.memory_space<vmem>>, vector<16xi32>,
    %get3A_878 = arith.constant 208 : index
    %get3A_879 = tpu.vector_load %arg9[%get3A_878] {strides = array<i32>} : memref<256xi32, #tpu.memory_space<vmem>>, vector<16xi32>,
    %gather3A_880 = tpu.vector_load_idx %arg13[%get3A_875] : memref<64xi32, #tpu.memory_space<vmem>>[vector<16xi32>], vector<16xi32>,
    %add3A_881 = arith.addi %gather3A_880, %get3A_877 : vector<16xi32>
    %swap3A_882 = arith.constant 208 : index
    %swap3A_883 = tpu.vector_load %arg10[%swap3A_882] {strides = array<i32>} : memref<256xi32, #tpu.memory_space<vmem>>, vector<16xi32>,
    tpu.vector_store %arg10[%swap3A_882], %add3A_881 {strides = array<i32>} : memref<256xi32, #tpu.memory_space<vmem>>, vector<16xi32>,
    %sub3A_884 = arith.subi %get3A_879, %get3A_877 : vector<16xi32>
    %add3A_885 = arith.addi %add3A_881, %sub3A_884 : vector<16xi32>
    %sub3A_886 = arith.constant 1 : i32
    %sub3A_887 = vector.broadcast %sub3A_886 : i32 to vector<16xi32>
    %sub3A_888 = arith.subi %get3A_879, %sub3A_887 : vector<16xi32>
    %eq3A_889 = arith.cmpi eq, %get3A_877, %sub3A_888 : vector<16xi32>
    tpu.vector_store_idx %arg13[%get3A_875], %add3A_885 masked %eq3A_889 : memref<64xi32, #tpu.memory_space<vmem>>[vector<16xi32>], vector<16xi32>, vector<16xi1>
    %get3A_890 = arith.constant 224 : index
    %get3A_891 = tpu.vector_load %arg7[%get3A_890] {strides = array<i32>} : memref<256xi32, #tpu.memory_space<vmem>>, vector<16xi32>,
    %get3A_892 = arith.constant 224 : index
    %get3A_893 = tpu.vector_load %arg8[%get3A_892] {strides = array<i32>} : memref<256xi32, #tpu.memory_space<vmem>>, vector<16xi32>,
    %get3A_894 = arith.constant 224 : index
    %get3A_895 = tpu.vector_load %arg9[%get3A_894] {strides = array<i32>} : memref<256xi32, #tpu.memory_space<vmem>>, vector<16xi32>,
    %gather3A_896 = tpu.vector_load_idx %arg13[%get3A_891] : memref<64xi32, #tpu.memory_space<vmem>>[vector<16xi32>], vector<16xi32>,
    %add3A_897 = arith.addi %gather3A_896, %get3A_893 : vector<16xi32>
    %swap3A_898 = arith.constant 224 : index
    %swap3A_899 = tpu.vector_load %arg10[%swap3A_898] {strides = array<i32>} : memref<256xi32, #tpu.memory_space<vmem>>, vector<16xi32>,
    tpu.vector_store %arg10[%swap3A_898], %add3A_897 {strides = array<i32>} : memref<256xi32, #tpu.memory_space<vmem>>, vector<16xi32>,
    %sub3A_900 = arith.subi %get3A_895, %get3A_893 : vector<16xi32>
    %add3A_901 = arith.addi %add3A_897, %sub3A_900 : vector<16xi32>
    %sub3A_902 = arith.constant 1 : i32
    %sub3A_903 = vector.broadcast %sub3A_902 : i32 to vector<16xi32>
    %sub3A_904 = arith.subi %get3A_895, %sub3A_903 : vector<16xi32>
    %eq3A_905 = arith.cmpi eq, %get3A_893, %sub3A_904 : vector<16xi32>
    tpu.vector_store_idx %arg13[%get3A_891], %add3A_901 masked %eq3A_905 : memref<64xi32, #tpu.memory_space<vmem>>[vector<16xi32>], vector<16xi32>, vector<16xi1>
    %get3A_906 = arith.constant 240 : index
    %get3A_907 = tpu.vector_load %arg7[%get3A_906] {strides = array<i32>} : memref<256xi32, #tpu.memory_space<vmem>>, vector<16xi32>,
    %get3A_908 = arith.constant 240 : index
    %get3A_909 = tpu.vector_load %arg8[%get3A_908] {strides = array<i32>} : memref<256xi32, #tpu.memory_space<vmem>>, vector<16xi32>,
    %get3A_910 = arith.constant 240 : index
    %get3A_911 = tpu.vector_load %arg9[%get3A_910] {strides = array<i32>} : memref<256xi32, #tpu.memory_space<vmem>>, vector<16xi32>,
    %gather3A_912 = tpu.vector_load_idx %arg13[%get3A_907] : memref<64xi32, #tpu.memory_space<vmem>>[vector<16xi32>], vector<16xi32>,
    %add3A_913 = arith.addi %gather3A_912, %get3A_909 : vector<16xi32>
    %swap3A_914 = arith.constant 240 : index
    %swap3A_915 = tpu.vector_load %arg10[%swap3A_914] {strides = array<i32>} : memref<256xi32, #tpu.memory_space<vmem>>, vector<16xi32>,
    tpu.vector_store %arg10[%swap3A_914], %add3A_913 {strides = array<i32>} : memref<256xi32, #tpu.memory_space<vmem>>, vector<16xi32>,
    %sub3A_916 = arith.subi %get3A_911, %get3A_909 : vector<16xi32>
    %add3A_917 = arith.addi %add3A_913, %sub3A_916 : vector<16xi32>
    %sub3A_918 = arith.constant 1 : i32
    %sub3A_919 = vector.broadcast %sub3A_918 : i32 to vector<16xi32>
    %sub3A_920 = arith.subi %get3A_911, %sub3A_919 : vector<16xi32>
    %eq3A_921 = arith.cmpi eq, %get3A_909, %sub3A_920 : vector<16xi32>
    tpu.vector_store_idx %arg13[%get3A_907], %add3A_917 masked %eq3A_921 : memref<64xi32, #tpu.memory_space<vmem>>[vector<16xi32>], vector<16xi32>, vector<16xi1>
    %eq3A_922 = arith.constant 0 : i32
    %eq3A_923 = arith.cmpi eq, %arg0, %eq3A_922 : i32
    %convert_element_type3A_924 = arith.extui %eq3A_923 : i1 to i32
    %cond3A_925 = arith.constant 0 : i32
    %cond3A_926 = arith.cmpi ne, %convert_element_type3A_924, %cond3A_925 : i32
    scf.if %cond3A_926 {
      "tpu.region"() ({
        %run_scoped3A = tpu.sem_alloc : memref<!tpu.dma_semaphore, #tpu.memory_space<semaphore_mem>>
        %dma_start3A_1026 = tpu.memref_slice %arg4[%mul3A_0] : memref<4096xi32, #tpu.memory_space<hbm>> -> memref<256xi32, #tpu.memory_space<hbm>>
        %dma_start3A_1027 = tpu.memref_slice %arg4[%mul3A_0] : memref<4096xi32, #tpu.memory_space<hbm>> -> memref<256xi32, #tpu.memory_space<hbm>>
        tpu.enqueue_dma source(%arg10 : memref<256xi32, #tpu.memory_space<vmem>>) target(%dma_start3A_1027 : memref<256xi32, #tpu.memory_space<hbm>>) target_semaphore(%run_scoped3A : memref<!tpu.dma_semaphore, #tpu.memory_space<semaphore_mem>>)
        %dma_wait3A_1028 = tpu.memref_slice %arg4[%mul3A_0] : memref<4096xi32, #tpu.memory_space<hbm>> -> memref<256xi32, #tpu.memory_space<hbm>>
        %dma_wait3A_1029 = tpu.memref_slice %arg4[%mul3A_0] : memref<4096xi32, #tpu.memory_space<hbm>> -> memref<256xi32, #tpu.memory_space<hbm>>
        tpu.wait_dma2 semaphore(%run_scoped3A : memref<!tpu.dma_semaphore, #tpu.memory_space<semaphore_mem>>) src(%arg10 : memref<256xi32, #tpu.memory_space<vmem>>) dst(%dma_wait3A_1029 : memref<256xi32, #tpu.memory_space<hbm>>)
        tpu.yield
      }) : () -> ()
    } else {
    }
    %mul3A_927 = arith.constant 128 : i32
    %mul3A_928 = arith.muli %arg0, %mul3A_927 : i32
    %add3A_929 = arith.addi %mul3A_0, %mul3A_928 : i32
    %mul3A_930 = arith.constant 128 : i32
    %mul3A_931 = arith.muli %arg0, %mul3A_930 : i32
    %add3A_932 = arith.constant 0 : i32
    %add3A_933 = arith.addi %mul3A_931, %add3A_932 : i32
    %add3A_934 = arith.constant 0 : i32
    %add3A_935 = arith.addi %add3A_933, %add3A_934 : i32
    %get3A_936 = arith.index_cast %add3A_935 : i32 to index
    %get3A_937 = tpu.vector_load %arg10[%get3A_936] {strides = array<i32>} : memref<256xi32, #tpu.memory_space<vmem>>, vector<16xi32>,
    %swap3A_938 = arith.constant 0 : index
    %swap3A_939 = tpu.vector_load %arg18[%swap3A_938] {strides = array<i32>} : memref<32xi32, #tpu.memory_space<vmem>>, vector<16xi32>,
    tpu.vector_store %arg18[%swap3A_938], %get3A_937 {strides = array<i32>} : memref<32xi32, #tpu.memory_space<vmem>>, vector<16xi32>,
    %add3A_940 = arith.constant 0 : i32
    %add3A_941 = arith.addi %mul3A_931, %add3A_940 : i32
    %add3A_942 = arith.constant 16 : i32
    %add3A_943 = arith.addi %add3A_941, %add3A_942 : i32
    %get3A_944 = arith.index_cast %add3A_943 : i32 to index
    %get3A_945 = tpu.vector_load %arg10[%get3A_944] {strides = array<i32>} : memref<256xi32, #tpu.memory_space<vmem>>, vector<16xi32>,
    %swap3A_946 = arith.constant 16 : index
    %swap3A_947 = tpu.vector_load %arg18[%swap3A_946] {strides = array<i32>} : memref<32xi32, #tpu.memory_space<vmem>>, vector<16xi32>,
    tpu.vector_store %arg18[%swap3A_946], %get3A_945 {strides = array<i32>} : memref<32xi32, #tpu.memory_space<vmem>>, vector<16xi32>,
    %add3A_948 = arith.constant 0 : i32
    %add3A_949 = arith.addi %add3A_929, %add3A_948 : i32
    "tpu.region"() ({
      %run_scoped3A = tpu.sem_alloc : memref<!tpu.dma_semaphore, #tpu.memory_space<semaphore_mem>>
      %dma_start3A_1026 = arith.constant 0 : i32
      %dma_start3A_1027 = tpu.memref_slice %arg3[%add3A_949, %dma_start3A_1026] : memref<4096x1024xf32, #tpu.memory_space<hbm>> -> memref<32x1024xf32, #tpu.memory_space<hbm>>
      %dma_start3A_1028 = arith.constant 0 : i32
      %dma_start3A_1029 = tpu.memref_slice %arg3[%add3A_949, %dma_start3A_1028] : memref<4096x1024xf32, #tpu.memory_space<hbm>> -> memref<32x1024xf32, #tpu.memory_space<hbm>>
      tpu.enqueue_dma source(%dma_start3A_1029 : memref<32x1024xf32, #tpu.memory_space<hbm>>) target(%arg20 : memref<32x1024xf32, #tpu.memory_space<vmem>>) target_semaphore(%run_scoped3A : memref<!tpu.dma_semaphore, #tpu.memory_space<semaphore_mem>>)
      %dma_wait3A_1030 = arith.constant 0 : i32
      %dma_wait3A_1031 = tpu.memref_slice %arg3[%add3A_949, %dma_wait3A_1030] : memref<4096x1024xf32, #tpu.memory_space<hbm>> -> memref<32x1024xf32, #tpu.memory_space<hbm>>
      %dma_wait3A_1032 = arith.constant 0 : i32
      %dma_wait3A_1033 = tpu.memref_slice %arg3[%add3A_949, %dma_wait3A_1032] : memref<4096x1024xf32, #tpu.memory_space<hbm>> -> memref<32x1024xf32, #tpu.memory_space<hbm>>
      tpu.wait_dma2 semaphore(%run_scoped3A : memref<!tpu.dma_semaphore, #tpu.memory_space<semaphore_mem>>) src(%dma_wait3A_1033 : memref<32x1024xf32, #tpu.memory_space<hbm>>) dst(%arg20 : memref<32x1024xf32, #tpu.memory_space<vmem>>)
      tpu.yield
    }) : () -> ()
    %dma_start3A = arith.constant 0 : i32
    %dma_start3A_950 = arith.constant 0 : i32
    %dma_start3A_951 = tpu.memref_slice %arg6[%dma_start3A, %dma_start3A_950] : memref<12288x1024xf32, #tpu.memory_space<hbm>> -> memref<12288x1024xf32, #tpu.memory_space<hbm>>
    tpu.enqueue_indirect_dma source(%arg20 : memref<32x1024xf32, #tpu.memory_space<vmem>>) target(%dma_start3A_951 : memref<12288x1024xf32, #tpu.memory_space<hbm>>) offsets(%arg18 : memref<32xi32, #tpu.memory_space<vmem>>) semaphore(%arg22 : memref<!tpu.dma_semaphore, #tpu.memory_space<semaphore_mem>>)
    %add3A_952 = arith.constant 32 : i32
    %add3A_953 = arith.addi %mul3A_931, %add3A_952 : i32
    %add3A_954 = arith.constant 0 : i32
    %add3A_955 = arith.addi %add3A_953, %add3A_954 : i32
    %get3A_956 = arith.index_cast %add3A_955 : i32 to index
    %get3A_957 = tpu.vector_load %arg10[%get3A_956] {strides = array<i32>} : memref<256xi32, #tpu.memory_space<vmem>>, vector<16xi32>,
    %swap3A_958 = arith.constant 0 : index
    %swap3A_959 = tpu.vector_load %arg19[%swap3A_958] {strides = array<i32>} : memref<32xi32, #tpu.memory_space<vmem>>, vector<16xi32>,
    tpu.vector_store %arg19[%swap3A_958], %get3A_957 {strides = array<i32>} : memref<32xi32, #tpu.memory_space<vmem>>, vector<16xi32>,
    %add3A_960 = arith.constant 32 : i32
    %add3A_961 = arith.addi %mul3A_931, %add3A_960 : i32
    %add3A_962 = arith.constant 16 : i32
    %add3A_963 = arith.addi %add3A_961, %add3A_962 : i32
    %get3A_964 = arith.index_cast %add3A_963 : i32 to index
    %get3A_965 = tpu.vector_load %arg10[%get3A_964] {strides = array<i32>} : memref<256xi32, #tpu.memory_space<vmem>>, vector<16xi32>,
    %swap3A_966 = arith.constant 16 : index
    %swap3A_967 = tpu.vector_load %arg19[%swap3A_966] {strides = array<i32>} : memref<32xi32, #tpu.memory_space<vmem>>, vector<16xi32>,
    tpu.vector_store %arg19[%swap3A_966], %get3A_965 {strides = array<i32>} : memref<32xi32, #tpu.memory_space<vmem>>, vector<16xi32>,
    %add3A_968 = arith.constant 32 : i32
    %add3A_969 = arith.addi %add3A_929, %add3A_968 : i32
    "tpu.region"() ({
      %run_scoped3A = tpu.sem_alloc : memref<!tpu.dma_semaphore, #tpu.memory_space<semaphore_mem>>
      %dma_start3A_1026 = arith.constant 0 : i32
      %dma_start3A_1027 = tpu.memref_slice %arg3[%add3A_969, %dma_start3A_1026] : memref<4096x1024xf32, #tpu.memory_space<hbm>> -> memref<32x1024xf32, #tpu.memory_space<hbm>>
      %dma_start3A_1028 = arith.constant 0 : i32
      %dma_start3A_1029 = tpu.memref_slice %arg3[%add3A_969, %dma_start3A_1028] : memref<4096x1024xf32, #tpu.memory_space<hbm>> -> memref<32x1024xf32, #tpu.memory_space<hbm>>
      tpu.enqueue_dma source(%dma_start3A_1029 : memref<32x1024xf32, #tpu.memory_space<hbm>>) target(%arg21 : memref<32x1024xf32, #tpu.memory_space<vmem>>) target_semaphore(%run_scoped3A : memref<!tpu.dma_semaphore, #tpu.memory_space<semaphore_mem>>)
      %dma_wait3A_1030 = arith.constant 0 : i32
      %dma_wait3A_1031 = tpu.memref_slice %arg3[%add3A_969, %dma_wait3A_1030] : memref<4096x1024xf32, #tpu.memory_space<hbm>> -> memref<32x1024xf32, #tpu.memory_space<hbm>>
      %dma_wait3A_1032 = arith.constant 0 : i32
      %dma_wait3A_1033 = tpu.memref_slice %arg3[%add3A_969, %dma_wait3A_1032] : memref<4096x1024xf32, #tpu.memory_space<hbm>> -> memref<32x1024xf32, #tpu.memory_space<hbm>>
      tpu.wait_dma2 semaphore(%run_scoped3A : memref<!tpu.dma_semaphore, #tpu.memory_space<semaphore_mem>>) src(%dma_wait3A_1033 : memref<32x1024xf32, #tpu.memory_space<hbm>>) dst(%arg21 : memref<32x1024xf32, #tpu.memory_space<vmem>>)
      tpu.yield
    }) : () -> ()
    %dma_start3A_970 = arith.constant 0 : i32
    %dma_start3A_971 = arith.constant 0 : i32
    %dma_start3A_972 = tpu.memref_slice %arg6[%dma_start3A_970, %dma_start3A_971] : memref<12288x1024xf32, #tpu.memory_space<hbm>> -> memref<12288x1024xf32, #tpu.memory_space<hbm>>
    tpu.enqueue_indirect_dma source(%arg21 : memref<32x1024xf32, #tpu.memory_space<vmem>>) target(%dma_start3A_972 : memref<12288x1024xf32, #tpu.memory_space<hbm>>) offsets(%arg19 : memref<32xi32, #tpu.memory_space<vmem>>) semaphore(%arg23 : memref<!tpu.dma_semaphore, #tpu.memory_space<semaphore_mem>>)
    %dma_wait3A = arith.constant 0 : i32
    %dma_wait3A_973 = arith.constant 0 : i32
    %dma_wait3A_974 = tpu.memref_slice %arg6[%dma_wait3A, %dma_wait3A_973] : memref<12288x1024xf32, #tpu.memory_space<hbm>> -> memref<12288x1024xf32, #tpu.memory_space<hbm>>
    tpu.wait_indirect_dma semaphore(%arg22 : memref<!tpu.dma_semaphore, #tpu.memory_space<semaphore_mem>>) src(%arg20 : memref<32x1024xf32, #tpu.memory_space<vmem>>) dst(%dma_wait3A_974 : memref<12288x1024xf32, #tpu.memory_space<hbm>>)
    %add3A_975 = arith.constant 64 : i32
    %add3A_976 = arith.addi %mul3A_931, %add3A_975 : i32
    %add3A_977 = arith.constant 0 : i32
    %add3A_978 = arith.addi %add3A_976, %add3A_977 : i32
    %get3A_979 = arith.index_cast %add3A_978 : i32 to index
    %get3A_980 = tpu.vector_load %arg10[%get3A_979] {strides = array<i32>} : memref<256xi32, #tpu.memory_space<vmem>>, vector<16xi32>,
    %swap3A_981 = arith.constant 0 : index
    %swap3A_982 = tpu.vector_load %arg18[%swap3A_981] {strides = array<i32>} : memref<32xi32, #tpu.memory_space<vmem>>, vector<16xi32>,
    tpu.vector_store %arg18[%swap3A_981], %get3A_980 {strides = array<i32>} : memref<32xi32, #tpu.memory_space<vmem>>, vector<16xi32>,
    %add3A_983 = arith.constant 64 : i32
    %add3A_984 = arith.addi %mul3A_931, %add3A_983 : i32
    %add3A_985 = arith.constant 16 : i32
    %add3A_986 = arith.addi %add3A_984, %add3A_985 : i32
    %get3A_987 = arith.index_cast %add3A_986 : i32 to index
    %get3A_988 = tpu.vector_load %arg10[%get3A_987] {strides = array<i32>} : memref<256xi32, #tpu.memory_space<vmem>>, vector<16xi32>,
    %swap3A_989 = arith.constant 16 : index
    %swap3A_990 = tpu.vector_load %arg18[%swap3A_989] {strides = array<i32>} : memref<32xi32, #tpu.memory_space<vmem>>, vector<16xi32>,
    tpu.vector_store %arg18[%swap3A_989], %get3A_988 {strides = array<i32>} : memref<32xi32, #tpu.memory_space<vmem>>, vector<16xi32>,
    %add3A_991 = arith.constant 64 : i32
    %add3A_992 = arith.addi %add3A_929, %add3A_991 : i32
    "tpu.region"() ({
      %run_scoped3A = tpu.sem_alloc : memref<!tpu.dma_semaphore, #tpu.memory_space<semaphore_mem>>
      %dma_start3A_1026 = arith.constant 0 : i32
      %dma_start3A_1027 = tpu.memref_slice %arg3[%add3A_992, %dma_start3A_1026] : memref<4096x1024xf32, #tpu.memory_space<hbm>> -> memref<32x1024xf32, #tpu.memory_space<hbm>>
      %dma_start3A_1028 = arith.constant 0 : i32
      %dma_start3A_1029 = tpu.memref_slice %arg3[%add3A_992, %dma_start3A_1028] : memref<4096x1024xf32, #tpu.memory_space<hbm>> -> memref<32x1024xf32, #tpu.memory_space<hbm>>
      tpu.enqueue_dma source(%dma_start3A_1029 : memref<32x1024xf32, #tpu.memory_space<hbm>>) target(%arg20 : memref<32x1024xf32, #tpu.memory_space<vmem>>) target_semaphore(%run_scoped3A : memref<!tpu.dma_semaphore, #tpu.memory_space<semaphore_mem>>)
      %dma_wait3A_1030 = arith.constant 0 : i32
      %dma_wait3A_1031 = tpu.memref_slice %arg3[%add3A_992, %dma_wait3A_1030] : memref<4096x1024xf32, #tpu.memory_space<hbm>> -> memref<32x1024xf32, #tpu.memory_space<hbm>>
      %dma_wait3A_1032 = arith.constant 0 : i32
      %dma_wait3A_1033 = tpu.memref_slice %arg3[%add3A_992, %dma_wait3A_1032] : memref<4096x1024xf32, #tpu.memory_space<hbm>> -> memref<32x1024xf32, #tpu.memory_space<hbm>>
      tpu.wait_dma2 semaphore(%run_scoped3A : memref<!tpu.dma_semaphore, #tpu.memory_space<semaphore_mem>>) src(%dma_wait3A_1033 : memref<32x1024xf32, #tpu.memory_space<hbm>>) dst(%arg20 : memref<32x1024xf32, #tpu.memory_space<vmem>>)
      tpu.yield
    }) : () -> ()
    %dma_start3A_993 = arith.constant 0 : i32
    %dma_start3A_994 = arith.constant 0 : i32
    %dma_start3A_995 = tpu.memref_slice %arg6[%dma_start3A_993, %dma_start3A_994] : memref<12288x1024xf32, #tpu.memory_space<hbm>> -> memref<12288x1024xf32, #tpu.memory_space<hbm>>
    tpu.enqueue_indirect_dma source(%arg20 : memref<32x1024xf32, #tpu.memory_space<vmem>>) target(%dma_start3A_995 : memref<12288x1024xf32, #tpu.memory_space<hbm>>) offsets(%arg18 : memref<32xi32, #tpu.memory_space<vmem>>) semaphore(%arg22 : memref<!tpu.dma_semaphore, #tpu.memory_space<semaphore_mem>>)
    %dma_wait3A_996 = arith.constant 0 : i32
    %dma_wait3A_997 = arith.constant 0 : i32
    %dma_wait3A_998 = tpu.memref_slice %arg6[%dma_wait3A_996, %dma_wait3A_997] : memref<12288x1024xf32, #tpu.memory_space<hbm>> -> memref<12288x1024xf32, #tpu.memory_space<hbm>>
    tpu.wait_indirect_dma semaphore(%arg23 : memref<!tpu.dma_semaphore, #tpu.memory_space<semaphore_mem>>) src(%arg21 : memref<32x1024xf32, #tpu.memory_space<vmem>>) dst(%dma_wait3A_998 : memref<12288x1024xf32, #tpu.memory_space<hbm>>)
    %add3A_999 = arith.constant 96 : i32
    %add3A_1000 = arith.addi %mul3A_931, %add3A_999 : i32
    %add3A_1001 = arith.constant 0 : i32
    %add3A_1002 = arith.addi %add3A_1000, %add3A_1001 : i32
    %get3A_1003 = arith.index_cast %add3A_1002 : i32 to index
    %get3A_1004 = tpu.vector_load %arg10[%get3A_1003] {strides = array<i32>} : memref<256xi32, #tpu.memory_space<vmem>>, vector<16xi32>,
    %swap3A_1005 = arith.constant 0 : index
    %swap3A_1006 = tpu.vector_load %arg19[%swap3A_1005] {strides = array<i32>} : memref<32xi32, #tpu.memory_space<vmem>>, vector<16xi32>,
    tpu.vector_store %arg19[%swap3A_1005], %get3A_1004 {strides = array<i32>} : memref<32xi32, #tpu.memory_space<vmem>>, vector<16xi32>,
    %add3A_1007 = arith.constant 96 : i32
    %add3A_1008 = arith.addi %mul3A_931, %add3A_1007 : i32
    %add3A_1009 = arith.constant 16 : i32
    %add3A_1010 = arith.addi %add3A_1008, %add3A_1009 : i32
    %get3A_1011 = arith.index_cast %add3A_1010 : i32 to index
    %get3A_1012 = tpu.vector_load %arg10[%get3A_1011] {strides = array<i32>} : memref<256xi32, #tpu.memory_space<vmem>>, vector<16xi32>,
    %swap3A_1013 = arith.constant 16 : index
    %swap3A_1014 = tpu.vector_load %arg19[%swap3A_1013] {strides = array<i32>} : memref<32xi32, #tpu.memory_space<vmem>>, vector<16xi32>,
    tpu.vector_store %arg19[%swap3A_1013], %get3A_1012 {strides = array<i32>} : memref<32xi32, #tpu.memory_space<vmem>>, vector<16xi32>,
    %add3A_1015 = arith.constant 96 : i32
    %add3A_1016 = arith.addi %add3A_929, %add3A_1015 : i32
    "tpu.region"() ({
      %run_scoped3A = tpu.sem_alloc : memref<!tpu.dma_semaphore, #tpu.memory_space<semaphore_mem>>
      %dma_start3A_1026 = arith.constant 0 : i32
      %dma_start3A_1027 = tpu.memref_slice %arg3[%add3A_1016, %dma_start3A_1026] : memref<4096x1024xf32, #tpu.memory_space<hbm>> -> memref<32x1024xf32, #tpu.memory_space<hbm>>
      %dma_start3A_1028 = arith.constant 0 : i32
      %dma_start3A_1029 = tpu.memref_slice %arg3[%add3A_1016, %dma_start3A_1028] : memref<4096x1024xf32, #tpu.memory_space<hbm>> -> memref<32x1024xf32, #tpu.memory_space<hbm>>
      tpu.enqueue_dma source(%dma_start3A_1029 : memref<32x1024xf32, #tpu.memory_space<hbm>>) target(%arg21 : memref<32x1024xf32, #tpu.memory_space<vmem>>) target_semaphore(%run_scoped3A : memref<!tpu.dma_semaphore, #tpu.memory_space<semaphore_mem>>)
      %dma_wait3A_1030 = arith.constant 0 : i32
      %dma_wait3A_1031 = tpu.memref_slice %arg3[%add3A_1016, %dma_wait3A_1030] : memref<4096x1024xf32, #tpu.memory_space<hbm>> -> memref<32x1024xf32, #tpu.memory_space<hbm>>
      %dma_wait3A_1032 = arith.constant 0 : i32
      %dma_wait3A_1033 = tpu.memref_slice %arg3[%add3A_1016, %dma_wait3A_1032] : memref<4096x1024xf32, #tpu.memory_space<hbm>> -> memref<32x1024xf32, #tpu.memory_space<hbm>>
      tpu.wait_dma2 semaphore(%run_scoped3A : memref<!tpu.dma_semaphore, #tpu.memory_space<semaphore_mem>>) src(%dma_wait3A_1033 : memref<32x1024xf32, #tpu.memory_space<hbm>>) dst(%arg21 : memref<32x1024xf32, #tpu.memory_space<vmem>>)
      tpu.yield
    }) : () -> ()
    %dma_start3A_1017 = arith.constant 0 : i32
    %dma_start3A_1018 = arith.constant 0 : i32
    %dma_start3A_1019 = tpu.memref_slice %arg6[%dma_start3A_1017, %dma_start3A_1018] : memref<12288x1024xf32, #tpu.memory_space<hbm>> -> memref<12288x1024xf32, #tpu.memory_space<hbm>>
    tpu.enqueue_indirect_dma source(%arg21 : memref<32x1024xf32, #tpu.memory_space<vmem>>) target(%dma_start3A_1019 : memref<12288x1024xf32, #tpu.memory_space<hbm>>) offsets(%arg19 : memref<32xi32, #tpu.memory_space<vmem>>) semaphore(%arg23 : memref<!tpu.dma_semaphore, #tpu.memory_space<semaphore_mem>>)
    %dma_wait3A_1020 = arith.constant 0 : i32
    %dma_wait3A_1021 = arith.constant 0 : i32
    %dma_wait3A_1022 = tpu.memref_slice %arg6[%dma_wait3A_1020, %dma_wait3A_1021] : memref<12288x1024xf32, #tpu.memory_space<hbm>> -> memref<12288x1024xf32, #tpu.memory_space<hbm>>
    tpu.wait_indirect_dma semaphore(%arg22 : memref<!tpu.dma_semaphore, #tpu.memory_space<semaphore_mem>>) src(%arg20 : memref<32x1024xf32, #tpu.memory_space<vmem>>) dst(%dma_wait3A_1022 : memref<12288x1024xf32, #tpu.memory_space<hbm>>)
    %dma_wait3A_1023 = arith.constant 0 : i32
    %dma_wait3A_1024 = arith.constant 0 : i32
    %dma_wait3A_1025 = tpu.memref_slice %arg6[%dma_wait3A_1023, %dma_wait3A_1024] : memref<12288x1024xf32, #tpu.memory_space<hbm>> -> memref<12288x1024xf32, #tpu.memory_space<hbm>>
    tpu.wait_indirect_dma semaphore(%arg23 : memref<!tpu.dma_semaphore, #tpu.memory_space<semaphore_mem>>) src(%arg21 : memref<32x1024xf32, #tpu.memory_space<vmem>>) dst(%dma_wait3A_1025 : memref<12288x1024xf32, #tpu.memory_space<hbm>>)
    return
  }
}

module attributes {stable_mosaic.version = 14 : i64} {
  func.func @_gmm_body(%arg0: i32, %arg1: memref<304xi32, #tpu.memory_space<smem>>, %arg2: memref<128x1024xf32, #tpu.memory_space<vmem>>, %arg3: memref<1x1x1024x1024xf32, #tpu.memory_space<vmem>>, %arg4: memref<1x1x1024xf32, #tpu.memory_space<vmem>>, %arg5: memref<128x1024xf32, #tpu.memory_space<vmem>>) attributes {dimension_semantics = [#tpu.dimension_semantics<arbitrary>], iteration_bounds = array<i64: 96>, scalar_prefetch = 1 : i64, scratch_operands = 0 : i64, tpu.core_type = #tpu.core_type<tc>, window_params = [{transform_indices = @transform_0, window_bounds = array<i64: 128, 1024>}, {transform_indices = @transform_1, window_bounds = array<i64: 1, 1, 1024, 1024>}, {transform_indices = @transform_2, window_bounds = array<i64: 1, 1, 1024>}, {transform_indices = @transform_3, window_bounds = array<i64: 128, 1024>}]} {
    %get3A = arith.constant 288 : index
    %get3A_0 = memref.load %arg1[%get3A] : memref<304xi32, #tpu.memory_space<smem>>
    %lt3A = arith.cmpi slt, %arg0, %get3A_0 : i32
    %convert_element_type3A = arith.extui %lt3A : i1 to i32
    %cond3A = arith.constant 0 : i32
    %cond3A_1 = arith.cmpi ne, %convert_element_type3A, %cond3A : i32
    scf.if %cond3A_1 {
      %get3A_2 = arith.constant 0 : index
      %get3A_3 = arith.constant 0 : index
      %get3A_4 = vector.load %arg2[%get3A_2, %get3A_3] : memref<128x1024xf32, #tpu.memory_space<vmem>>, vector<128x1024xf32>
      %convert_element_type3A_5 = arith.truncf %get3A_4 : vector<128x1024xf32> to vector<128x1024xbf16>
      %get3A_6 = arith.constant 0 : index
      %get3A_7 = arith.constant 0 : index
      %get3A_8 = arith.constant 0 : index
      %get3A_9 = vector.load %arg4[%get3A_6, %get3A_7, %get3A_8] : memref<1x1x1024xf32, #tpu.memory_space<vmem>>, vector<1x1x1024xf32>
      %get3A_10 = vector.shape_cast %get3A_9 : vector<1x1x1024xf32> to vector<1024xf32>
      %convert_element_type3A_11 = arith.truncf %get3A_10 : vector<1024xf32> to vector<1024xbf16>
      %get3A_12 = arith.constant 0 : index
      %get3A_13 = arith.constant 0 : index
      %get3A_14 = arith.constant 0 : index
      %get3A_15 = arith.constant 0 : index
      %get3A_16 = vector.load %arg3[%get3A_12, %get3A_13, %get3A_14, %get3A_15] : memref<1x1x1024x1024xf32, #tpu.memory_space<vmem>>, vector<1x1x1024x1024xf32>
      %get3A_17 = vector.shape_cast %get3A_16 : vector<1x1x1024x1024xf32> to vector<1024x1024xf32>
      %convert_element_type3A_18 = arith.truncf %get3A_17 : vector<1024x1024xf32> to vector<1024x1024xbf16>
      %dot_general3A = arith.constant dense<0.000000e+00> : vector<128x1024xf32>
      %dot_general3A_19 = tpu.matmul %convert_element_type3A_5, %convert_element_type3A_18, %dot_general3A {dimension_numbers = #tpu.dot_dimension_numbers<[1], [1], [0], [0], [0, 0, 1, 0], [], []>, transpose_lhs_hint = false} : vector<128x1024xbf16>, vector<1024x1024xbf16>, vector<128x1024xf32> -> vector<128x1024xf32>
      %convert_element_type3A_20 = arith.truncf %dot_general3A_19 : vector<128x1024xf32> to vector<128x1024xbf16>
      %broadcast_in_dim3A = vector.shape_cast %convert_element_type3A_11 : vector<1024xbf16> to vector<1x1024xbf16>
      %add3A = vector.broadcast %broadcast_in_dim3A : vector<1x1024xbf16> to vector<128x1024xbf16>
      %add3A_21 = arith.addf %convert_element_type3A_20, %add3A : vector<128x1024xbf16>
      %convert_element_type3A_22 = arith.extf %add3A_21 : vector<128x1024xbf16> to vector<128x1024xf32>
      %swap3A = arith.constant 0 : index
      %swap3A_23 = arith.constant 0 : index
      %swap3A_24 = vector.load %arg5[%swap3A, %swap3A_23] : memref<128x1024xf32, #tpu.memory_space<vmem>>, vector<128x1024xf32>
      tpu.vector_store %arg5[%swap3A, %swap3A_23], %convert_element_type3A_22 {strides = array<i32>} : memref<128x1024xf32, #tpu.memory_space<vmem>>, vector<128x1024xf32>,
    } else {
    }
    return
  }
  func.func @transform_0(%arg0: i32, %arg1: memref<304xi32, #tpu.memory_space<smem>>) -> (i32, i32) {
    %add3A = arith.constant 96 : i32
    %add3A_0 = arith.addi %add3A, %arg0 : i32
    %get3A = arith.index_cast %add3A_0 : i32 to index
    %get3A_1 = memref.load %arg1[%get3A] : memref<304xi32, #tpu.memory_space<smem>>
    %c0_i32 = arith.constant 0 : i32
    %c0_i32_2 = arith.constant 0 : i32
    return %get3A_1, %c0_i32 : i32, i32
  }
  func.func @transform_1(%arg0: i32, %arg1: memref<304xi32, #tpu.memory_space<smem>>) -> (i32, i32, i32, i32) {
    %get3A = arith.index_cast %arg0 : i32 to index
    %get3A_0 = memref.load %arg1[%get3A] : memref<304xi32, #tpu.memory_space<smem>>
    %c0_i32 = arith.constant 0 : i32
    %c0_i32_1 = arith.constant 0 : i32
    %c0_i32_2 = arith.constant 0 : i32
    %c0_i32_3 = arith.constant 0 : i32
    return %get3A_0, %c0_i32, %c0_i32_1, %c0_i32_2 : i32, i32, i32, i32
  }
  func.func @transform_2(%arg0: i32, %arg1: memref<304xi32, #tpu.memory_space<smem>>) -> (i32, i32, i32) {
    %get3A = arith.index_cast %arg0 : i32 to index
    %get3A_0 = memref.load %arg1[%get3A] : memref<304xi32, #tpu.memory_space<smem>>
    %c0_i32 = arith.constant 0 : i32
    %c0_i32_1 = arith.constant 0 : i32
    %c0_i32_2 = arith.constant 0 : i32
    return %get3A_0, %c0_i32, %c0_i32_1 : i32, i32, i32
  }
  func.func @transform_3(%arg0: i32, %arg1: memref<304xi32, #tpu.memory_space<smem>>) -> (i32, i32) {
    %add3A = arith.constant 192 : i32
    %add3A_0 = arith.addi %add3A, %arg0 : i32
    %get3A = arith.index_cast %add3A_0 : i32 to index
    %get3A_1 = memref.load %arg1[%get3A] : memref<304xi32, #tpu.memory_space<smem>>
    %c0_i32 = arith.constant 0 : i32
    %c0_i32_2 = arith.constant 0 : i32
    return %get3A_1, %c0_i32 : i32, i32
  }
}

</mosaic_0001>

<sc_bundles>
// kernel: kernel.5.cloned.1.call-start
scs
__scs_entry_jumppad:
0x0: {  	(pc) =	sbr.rel $0x88, $3  }
0x1: {  	(tag) =	ssettag $0x0;
	lr =	simm.s32 $0x1  }
0x2: {  	[smem:$0x3F9D] =	sst lr;
	_ =	strace $0xD0000000  }
0x3: {  	_ = 	snop  }
0x4: {  	_ = 	snop  }
0x5: {  	_ = 	snop  }
0x6: {  	_ = 	snop  }
0x7: {  	_ = 	snop  }
__scs_overlays_trampoline_lowered:
0x8: {  	[smem:$0x3FAC] =	sst s0  }
0x9: {  	[smem:$0x3FAD] =	sst s1  }
0xa: {  	[smem:$0x3FAE] =	sst s2  }
0xb: {  	[smem:$0x3FAF] =	sst s3  }
0xc: {  	[smem:$0x3FB0] =	sst s4  }
0xd: {  	[smem:$0x3FB1] =	sst s5  }
0xe: {  	[smem:$0x3FB2] =	sst s6  }
0xf: {  	[smem:$0x3FB3] =	sst s7  }
0x10: {  	[smem:$0x3FB4] =	sst s8  }
0x11: {  	[smem:$0x3FB5] =	sst s9;
	s0 =	simm.s32 @!p0 $0x0  }
0x12: {  	s1 =	sld [smem:$0x3F9B];
	s0 =	simm.s32 @p0 $0x1  }
0x13: {  	[smem:$0x3FB6] =	sst s0;
	s0 =	simm.s32 @!p1 $0x0  }
0x14: {  	s2 =	sld [smem:$0x3F9A];
	s0 =	simm.s32 @p1 $0x1  }
0x15: {  	[smem:$0x3FB7] =	sst s0;
	s0 =	simm.s32 @!p2 $0x0  }
0x16: {  	s3 =	sld [smem:$0x3FDB];
	s0 =	simm.s32 @p2 $0x1  }
0x17: {  	s4 =	simm.s32 $0x1BF5;
	[smem:$0x3FB9] =	sst s0  }
0x18: {  	s0 =	sld [smem:$0x3F9C];
	_ =	swait.ge [sflag:s4], $0x0  }
0x19: {  	s7 =	sld [smem:$0x3F9D]  }
0x1a: {  	s8 =	sadd.s32 $0xFFFFE003, lr  }
0x1b: {  	s9 =	sadd.s32 $0xFFFFFEF7, lr;
	s5 =	simm.s32 $0xFFFFFFFF;
	p2 =	slt.u32 s8, $0xFFFFF086  }
0x1c: {  	p1 =	slt.u32 s9, $0xF7A;
	s5 =	simm.s32 @!p2 $0x0  }
0x1d: {  	s5 =	simm.s32 @p1 $0x1;
	p0 =	seq.s32 s7, s2  }
0x1e: {  	s7 =	smul.u32 @!p0 $0xF7A, s2;
	p2 =	seq.s32 @!p0 s5, $0x0  }
0x1f: {  	s9 =	smul.u32 $0xF7A, s1;
	s8 =	simm.s32 @!p0 $0x1BF5;
	p2 =	por !p2, p0  }
0x20: {  	[sflag:s8] =	ssyncset.s32 @!p0 $0xFFFFF086;
	s6 =	sadd.s32 @!p0 s3, s7;
	s7 =	simm.s32 @!p0 $0x108  }
0x21: {  	s3 =	sadd.s32 s3, s9;
	s6 =	sadd.s32 @!p0 $0x88, s6;
	s7 =	simm.s32 @p2 $0x1082  }
0x22: {  	[simem:s7], [sflag:s8] =	dma.local @!p0 [hbm:s6], $0xF7A  }
0x23: {  	s9 =	sor.u32 $0xD0000000, s2;
	s6 =	simm.s32 $0x108;
	_ =	swait.ge @!p0 [sflag:s8], $0x0  }
0x24: {  	s3 =	sadd.s32 $0x88, s3;
	s6 =	simm.s32 @!p1 $0x1082;
	[sflag:s4] =	ssyncset.s32 $0xFFFFF086  }
0x25: {  	[simem:s6], [sflag:s4] =	dma.local [hbm:s3], $0xF7A  }
0x26: {  	[smem:$0x3F9D] =	sst s1;
	(tag) =	ssettag s2;
	_ =	strace s9  }
0x27: {  	s1 =	sld [smem:$0x3FAD]  }
0x28: {  	s2 =	sld [smem:$0x3FAE]  }
0x29: {  	s4 =	sld [smem:$0x3FB0]  }
0x2a: {  	p0 =	seq.s32 s5, $0x0;
	s5 =	sld [smem:$0x3FB1]  }
0x2b: {  	s6 =	sld [smem:$0x3FB2]  }
0x2c: {  	s7 =	sld [smem:$0x3FB3]  }
0x2d: {  	s3 =	simm.s32 $0x108;
	s8 =	sld [smem:$0x3FB4]  }
0x2e: {  	s3 =	simm.s32 @!p0 $0x1082;
	s9 =	sld [smem:$0x3FB5]  }
0x2f: {  	lr =	sadd.s32 s0, s3;
	s0 =	sld [smem:$0x3FAC]  }
0x30: {  	s3 =	sld [smem:$0x3FAF]  }
0x31: {  	[smem:$0x3FB8] =	sst s10  }
0x32: {  	s10 =	sld [smem:$0x3FB6];
	_ =	sdelay $0x3  }
0x33: {  	p0 =	seq.s32 s10, $0x1;
	s10 =	sld [smem:$0x3FB8];
	_ =	sdelay $0x3  }
0x34: {  	[smem:$0x3FB8] =	sst s10  }
0x35: {  	s10 =	sld [smem:$0x3FB7];
	_ =	sdelay $0x3  }
0x36: {  	p1 =	seq.s32 s10, $0x1;
	s10 =	sld [smem:$0x3FB8];
	_ =	sdelay $0x3  }
0x37: {  	[smem:$0x3FB8] =	sst s10  }
0x38: {  	s10 =	sld [smem:$0x3FB9]  }
0x39: {  	_ = 	snop;
	(pc) =	sbr.ind lr, $3  }
0x3a: {  	_ = 	snop  }
0x3b: {  	_ = 	snop  }
0x3c: {  	p2 =	seq.s32 s10, $0x1;
	s10 =	sld [smem:$0x3FB8]  }
0x3d: {  	_ =	shalt  }
0x3e: {  	_ =	shalt  }
0x3f: {  	_ =	shalt  }
0x40: {  	_ =	shalt  }
0x41: {  	_ =	shalt  }
0x42: {  	_ =	shalt  }
0x43: {  	_ =	shalt  }
0x44: {  	_ =	shalt  }
0x45: {  	_ =	shalt  }
0x46: {  	_ =	shalt  }
0x47: {  	_ =	shalt  }
0x48: {  	_ =	shalt  }
0x49: {  	_ =	shalt  }
0x4a: {  	_ =	shalt  }
0x4b: {  	_ =	shalt  }
0x4c: {  	_ =	shalt  }
0x4d: {  	_ =	shalt  }
0x4e: {  	_ =	shalt  }
0x4f: {  	_ =	shalt  }
0x50: {  	_ =	shalt  }
0x51: {  	_ =	shalt  }
0x52: {  	_ =	shalt  }
0x53: {  	_ =	shalt  }
0x54: {  	_ =	shalt  }
0x55: {  	_ =	shalt  }
0x56: {  	_ =	shalt  }
0x57: {  	_ =	shalt  }
0x58: {  	_ =	shalt  }
0x59: {  	_ =	shalt  }
0x5a: {  	_ =	shalt  }
0x5b: {  	_ =	shalt  }
0x5c: {  	_ =	shalt  }
0x5d: {  	_ =	shalt  }
0x5e: {  	_ =	shalt  }
0x5f: {  	_ =	shalt  }
0x60: {  	_ =	shalt  }
0x61: {  	_ =	shalt  }
0x62: {  	_ =	shalt  }
0x63: {  	_ =	shalt  }
0x64: {  	_ =	shalt  }
0x65: {  	_ =	shalt  }
0x66: {  	_ =	shalt  }
0x67: {  	_ =	shalt  }
0x68: {  	_ =	shalt  }
0x69: {  	_ =	shalt  }
0x6a: {  	_ =	shalt  }
0x6b: {  	_ =	shalt  }
0x6c: {  	_ =	shalt  }
0x6d: {  	_ =	shalt  }
0x6e: {  	_ =	shalt  }
0x6f: {  	_ =	shalt  }
0x70: {  	_ =	shalt  }
0x71: {  	_ =	shalt  }
0x72: {  	_ =	shalt  }
0x73: {  	_ =	shalt  }
0x74: {  	_ =	shalt  }
0x75: {  	_ =	shalt  }
0x76: {  	_ =	shalt  }
0x77: {  	_ =	shalt  }
0x78: {  	_ =	shalt  }
0x79: {  	_ =	shalt  }
0x7a: {  	_ =	shalt  }
0x7b: {  	_ =	shalt  }
0x7c: {  	_ =	shalt  }
0x7d: {  	_ =	shalt  }
0x7e: {  	_ =	shalt  }
0x7f: {  	_ =	shalt  }
0x80: {  	_ =	shalt  }
0x81: {  	_ =	shalt  }
0x82: {  	_ =	shalt  }
0x83: {  	_ =	shalt  }
0x84: {  	_ =	shalt  }
0x85: {  	_ =	shalt  }
0x86: {  	_ =	shalt  }
0x87: {  	_ =	shalt  }
.Lfunc_end0:
.L_simem_size_0:
called_computation_lowered:
.L_overlay_start_0:
0x88: {  	s2 =	sld [smem:$0x3FD9]  }
0x89: {  	s3 =	sld [smem:$0x3FFE];
	_ =	sdelay $0x1  }
0x8a: {  	s1 =	srdreg.scid  }
0x8b: {  	s0 =	sand.u32 $0x1, s1  }
0x8c: {  	s17 =	sshll.u32 s0, $0xA;
	s2 =	sadd.s32 s3, s2  }
0x8d: {  	s2 =	sadd.s32 s2, s17  }
0x8e: {  	[smem:$0x3FC4] =	sst s2  }
0x8f: {  	_ = 	snop  }
0x90: {  	s2 =	sld [smem:$0x3FC9]  }
0x91: {  	s18 =	sld [smem:$0x3FC8]  }
0x92: {  	s4 =	sld [smem:$0x3FD0];
	(tm) =	ssettm $0x1  }
0x93: {  	s5 =	sld [smem:$0x3FFB];
	_ =	sdelay $0x3  }
0x94: {  	_ =	strace s5  }
0x95: {  	s5 =	sld [smem:$0x3FFC];
	_ =	sdelay $0x3  }
0x96: {  	_ =	strace s5  }
0x97: {  	s5 =	sld [smem:$0x3FFD];
	_ =	sdelay $0x3  }
0x98: {  	_ =	strace s5  }
0x99: {  	_ =	strace $0x8FFFFFFF  }
0x9a: {  	s19 =	sld [smem:$0x3FDB];
	_ =	sdelay $0x1  }
0x9b: {  	s6 =	simm.s32 $_scs_section_size  }
0x9c: {  	s7 =	simm.s32 $_size__tile_overlayer_lowered;
	s8 =	simm.s32 $_tile_overlayer_lowered  }
0x9d: {  	s22 =	simm.s32 $0x1BFF;
	s21 =	sshll.u32 s8, $0x1;
	s5 =	sadd.s32 s6, s19  }
0x9e: {  	s9 =	simm.s32 $0x0;
	s20 =	sshll.u32 s7, $0x1;
	s7 =	sadd.s32 s21, s5  }
0x9f: {  	[timem:s9], [sflag:s22] =	dma.local [hbm:s7], s20  }
0xa0: {  	_ =	swait.ge [sflag:s22], s20  }
0xa1: {  	s6 =	ssub.s32 $0x0, s20;
	[sflag:s22] =	ssyncset.done $0x0  }
0xa2: {  	[sflag:s22] =	ssyncadd.s32 s6;
	_ =	sdelay $0x1  }
0xa3: {  	s23 =	simm.s32 $0x1B8B  }
0xa4: {  	_ =	swait.ge [sflag:s23], $0x1  }
0xa5: {  	[sflag:s23] =	ssyncset.done $0x0  }
0xa6: {  	s25 =	simm.s32 $0x1B8E;
	s24 =	sld [smem:$0x3FFE];
	[sflag:s23] =	ssyncadd.s32 $0xFFFFFFFF  }
0xa7: {  	s26 =	simm.s32 $execute0_lowered;
	[smem:$0x3FD2] =	sst s25  }
0xa8: {  	s7 =	sshll.u32 s26, $0x1;
	_ =	strace $0x80000046;
	[dreg:$0x1] =	wrdreg $0xFFFFFFFF  }
0xa9: {  	s28 =	simm.s32 $_size_execute0_lowered;
	s5 =	sadd.s32 s5, s7;
	[dreg:$0x0] =	wrdreg $0x0  }
0xaa: {  	s7 =	sshll.u32 s28, $0x1;
	[dreg:$0x2] =	wrdreg s5  }
0xab: {  	[dreg:$0x3] =	wrdreg s7  }
0xac: {  	[dreg:$0x4] =	wrdreg $0xC0  }
0xad: {  	_ =	task [dreg:s9], $0x5FFFF  }
0xae: {  	[dreg:$0x1] =	wrdreg $0xFFFFFFFF  }
0xaf: {  	[dreg:$0x0] =	wrdreg $0x60  }
0xb0: {  	[dreg:$0x2] =	wrdreg s18  }
0xb1: {  	[dreg:$0x3] =	wrdreg s2  }
0xb2: {  	[dreg:$0x4] =	wrdreg s24  }
0xb3: {  	[dreg:$0x5] =	wrdreg s4  }
0xb4: {  	[dreg:$0x6] =	wrdreg $0xB800  }
0xb5: {  	[dreg:$0x7] =	wrdreg $0x9  }
0xb6: {  	_ =	task.clear_ibuf [dreg:s9], $0x8FFFF;
	_ =	strace $0x90000046  }
0xb7: {  	s29 =	simm.s32 $0x9;
	_ =	strace $0x80000048  }
0xb8: {  	_ =	swait.ge [sflag:s29], $0x1  }
0xb9: {  	[sflag:s29] =	ssyncadd.s32 $0xFFFFFFFF  }
0xba: {  	_ =	strace $0x90000048  }
0xbb: {  	_ =	sfence  }
0xbc: {  	s30 =	sld [smem:$0x0];
	_ =	sdelay $0x2  }
0xbd: {  	s31 =	sshll.u32 s1, $0xD;
	s1 =	sshrl.u32 s1, $0x2  }
0xbe: {  	s3 =	sand.u32 $0x4000, s31;
	s1 =	sadd.s32 s1, s30  }
0xbf: {  	s0 =	sor.u32 s3, s0;
	s1 =	sshll.u32 s1, $0x11  }
0xc0: {  	s0 =	sor.u32 s1, s0  }
0xc1: {  	s0 =	sadd.s32 $0x8F2B, s0  }
0xc2: {  	[sflag:s0] =	ssyncadd.remote.s32 $0x1  }
0xc3: {  	_ =	sfence.sel $0xFFFF  }
0xc4: {  	[dreg:$0x0] =	wrdreg $0xFFFFFFFF;
	(pc) =	sbr.abs _section_cstart, $3  }
0xc5: {  	[dreg:$0x1] =	wrdreg $0xFFFFFFFF  }
0xc6: {  	_ =	task.clear_ibuf [dreg:s9], $0x2FFFF;
	_ =	strace $0x9FFFFFFF  }
0xc7: {  	(tm) =	ssettm $0x7FFFFFFF  }
tec
execute0_lowered:
.L_overlay_start_1:
0x0: {  	(tag) =	ssettag $0x1  }
0x1: {  	s0 =	rddreg [dreg:$0x0]  }
0x2: {  	s1 =	rddreg [dreg:$0x1]  }
0x3: {  	s2 =	rddreg [dreg:$0x2]  }
0x4: {  	s10 =	rddreg [dreg:$0x4];
	s5 =	simm.s32 $0x0  }
0x5: {  	s3 =	srdreg.scid;
	s4 =	simm.s32 $0x0;
	s20 =	stileid.u32  }
0x6: {  	s29 =	simm.s32 $0x8CC0;
	s28 =	simm.s32 $0xA4C0;
	s30 =	simm.s32 $0xACC0  }
0x7: {  	[smem:$0x7FF] =	sst s5;
	s3 =	sand.u32 $0x1, s3;
	s6 =	sshll.u32 s20, $0x5  }
0x8: {  	s15 =	sadd.s32 $0x1000, s2;
	s16 =	sshll.u32 s20, $0x6;
	s18 =	sshll.u32 s20, $0xF  }
0x9: {  	s21 =	sadd.s32 $0x1100, s2;
	s22 =	sadd.s32 $0x1200, s2;
	s23 =	sadd.s32 $0x1300, s2  }
0xa: {  	p0 =	seq.s32 s20, $0xF;
	s5 =	simm.s32 $0x0;
	_ =	strace $0x80000047  }
0xb: {  	s7 =	ssub.s32 $0x2, s3;
	[dreg:$0xf] =	wrdreg s15;
	s0 =	sadd.s32 s0, s6  }
0xc: {  	s17 =	sshll.u32 s3, $0xE;
	[dreg:$0x6] =	wrdreg s0;
	s0 =	sadd.s32 s16, s10  }
0xd: {  	s8 =	sadd.s32 s6, s2;
	[dreg:$0x7] =	wrdreg s0;
	s0 =	sor.u32 s18, s17  }
0xe: {  	[dreg:$0x10] =	wrdreg s21;
	s1 =	sadd.s32 s1, s0;
	s0 =	simm.s32 @!p0 $0x0  }
0xf: {  	[dreg:$0x11] =	wrdreg s22;
	s0 =	simm.s32 @p0 $0x1;
	p0 =	sgt.u32 s20, $0xD  }
0x10: {  	s14 =	sor.u32 s20, s3;
	[smem:$0x7ED] =	sst s0;
	s0 =	simm.s32 @!p0 $0x0  }
0x11: {  	[dreg:$0x12] =	wrdreg s23;
	s0 =	simm.s32 @p0 $0x1;
	p0 =	sgt.u32 s20, $0xC  }
0x12: {  	s19 =	sshll.u32 s3, $0x7;
	[smem:$0x7EE] =	sst s0;
	s0 =	simm.s32 @!p0 $0x0  }
0x13: {  	s2 =	simm.s32 $0x3;
	s0 =	simm.s32 @p0 $0x1;
	p0 =	sgt.u32 s20, $0xB  }
0x14: {  	s15 =	simm.s32 $0x24C0;
	[smem:$0x7EF] =	sst s0;
	s0 =	simm.s32 @!p0 $0x0  }
0x15: {  	s21 =	simm.s32 $0x54C0;
	s0 =	simm.s32 @p0 $0x1;
	p0 =	sgt.u32 s20, $0xA  }
0x16: {  	s23 =	simm.s32 $0x9CC0;
	[smem:$0x7F0] =	sst s0;
	s0 =	simm.s32 @!p0 $0x0  }
0x17: {  	s9 =	sshrl.u32 s7, $0x1;
	s0 =	simm.s32 @p0 $0x1;
	p0 =	sne.s32 s14, $0x0  }
0x18: {  	s8 =	sadd.s32 $0x181000, s8;
	[smem:$0x7F1] =	sst s0;
	s0 =	simm.s32 @!p0 $0x0  }
0x19: {  	[dreg:$0xe] =	wrdreg s19;
	s0 =	simm.s32 @p0 $0x1;
	p0 =	sne.s32 s3, $0x0  }
0x1a: {  	s16 =	simm.s32 $0x34C0;
	[smem:$0x7F2] =	sst s0;
	s0 =	simm.s32 @!p0 $0x0  }
0x1b: {  	s10 =	simm.s32 $0x94C0;
	s0 =	simm.s32 @p0 $0x1;
	p0 =	sgt.u32 s20, $0x9  }
0x1c: {  	s7 =	ssub.s32 s7, s9;
	[smem:$0x7F3] =	sst s0;
	s0 =	simm.s32 @!p0 $0x0  }
0x1d: {  	[dreg:$0x8] =	wrdreg s8;
	s0 =	simm.s32 @p0 $0x1;
	p0 =	sgt.u32 s20, $0x8  }
0x1e: {  	s17 =	simm.s32 $0x44C0;
	[smem:$0x7F4] =	sst s0;
	s0 =	simm.s32 @!p0 $0x0  }
0x1f: {  	s8 =	simm.s32 $0x74C0;
	s0 =	simm.s32 @p0 $0x1;
	p0 =	sgt.u32 s20, $0x7  }
0x20: {  	s9 =	simm.s32 $0xB4C0;
	[smem:$0x7F5] =	sst s0;
	s0 =	simm.s32 @!p0 $0x0  }
0x21: {  	s18 =	simm.s32 $0xBCC0;
	s0 =	simm.s32 @p0 $0x1;
	p0 =	sgt.u32 s20, $0x6  }
0x22: {  	s31 =	smax.u32 s7, $0x1;
	[smem:$0x7F6] =	sst s0;
	s0 =	simm.s32 @!p0 $0x0  }
0x23: {  	s7 =	simm.s32 $0x4CC0;
	s0 =	simm.s32 @p0 $0x1;
	p0 =	sgt.u32 s20, $0x5  }
0x24: {  	s24 =	sadd.s32 $0x1000, s1;
	[smem:$0x7F7] =	sst s0;
	s0 =	simm.s32 @!p0 $0x0  }
0x25: {  	[dreg:$0xd] =	wrdreg s1;
	s0 =	simm.s32 @p0 $0x1;
	p0 =	sgt.u32 s20, $0x4  }
0x26: {  	s25 =	sadd.s32 $0x2000, s1;
	[smem:$0x7F8] =	sst s0;
	s0 =	simm.s32 @!p0 $0x0  }
0x27: {  	[dreg:$0xc] =	wrdreg s31;
	s0 =	simm.s32 @p0 $0x1;
	p0 =	sgt.u32 s20, $0x3  }
0x28: {  	s26 =	sadd.s32 $0x3000, s1;
	[smem:$0x7F9] =	sst s0;
	s0 =	simm.s32 @!p0 $0x0  }
0x29: {  	[dreg:$0x9] =	wrdreg s24;
	s0 =	simm.s32 @p0 $0x1;
	p0 =	sgt.u32 s20, $0x2  }
0x2a: {  	s1 =	simm.s32 $0x400;
	[smem:$0x7FA] =	sst s0;
	s0 =	simm.s32 @!p0 $0x0  }
0x2b: {  	[dreg:$0xa] =	wrdreg s25;
	s0 =	simm.s32 @p0 $0x1;
	p0 =	sgt.u32 s20, $0x1  }
.Ltmp0:
0x2c: {  	[smem:$0x7FB] =	sst s0;
	s0 =	simm.s32 @!p0 $0x0;
	(pc) =	sbr.rel .LBB2_1-.Ltmp0, $4  }
0x2d: {  	[dreg:$0xb] =	wrdreg s26;
	s0 =	simm.s32 @p0 $0x1;
	p0 =	seq.s32 s20, $0x0  }
0x2e: {  	s26 =	simm.s32 $0xCC0;
	[smem:$0x7FC] =	sst s0;
	s0 =	simm.s32 @!p0 $0x0  }
0x2f: {  	v42 =	vlaneseq.u32;
	s24 =	simm.s32 $0x7CC0;
	s25 =	simm.s32 $0x84C0;
	s0 =	simm.s32 @p0 $0x1  }
0x30: {  	v1 =	vimm.s32 $0x0;
	v2 =	vadd.s32 $0x1, v42;
	s3 =	simm.s32 $0x1;
	s20 =	simm.s32 $0x64C0;
	[smem:$0x7FD] =	sst s0  }
.LBB2_35:
0x31: {  	v0 =	vld [tilespmem:$0x0];
	_ =	sdelay $0x2  }
0x32: {  	v3 =	vld [tilespmem:$0x200]  }
0x33: {  	v4 =	vld [tilespmem:$0x100];
	_ =	sdelay $0x2  }
0x34: {  	s0 =	simm.s32 $0x880  }
0x35: {  	v6 =	vadd.s32 $0xFFFFFFFF, v3;
	v5 =	vld.idx.msk [tilespmem:v0+s0+$0x0], $0xffff  }
0x36: {  	vm0 =	veq.s32 v4, v6;
	_ =	sdelay $0x3  }
0x37: {  	v4 =	vadd.s32 v4, v5  }
0x38: {  	v3 =	vadd.s32 v3, v5;
	[tilespmem:$0x300] =	vst v4  }
0x39: {  	[tilespmem:v0+s0+$0x0] =	vst.idx.msk vm0, v3  }
0x3a: {  	v0 =	vld [tilespmem:$0x10];
	_ =	sdelay $0x2  }
0x3b: {  	v3 =	vld [tilespmem:$0x210]  }
0x3c: {  	v62 =	vld [tilespmem:$0x110];
	_ =	sdelay $0x3  }
0x3d: {  	v9 =	vadd.s32 $0xFFFFFFFF, v3;
	v63 =	vld.idx.msk [tilespmem:v0+s0+$0x0], $0xffff  }
0x3e: {  	vm12 =	veq.s32 v62, v9;
	_ =	sdelay $0x3  }
0x3f: {  	v4 =	vadd.s32 v62, v63  }
0x40: {  	v3 =	vadd.s32 v3, v63;
	[tilespmem:$0x310] =	vst v4  }
0x41: {  	[tilespmem:v0+s0+$0x0] =	vst.idx.msk vm12, v3  }
0x42: {  	v0 =	vld [tilespmem:$0x20];
	_ =	sdelay $0x2  }
0x43: {  	v3 =	vld [tilespmem:$0x220]  }
0x44: {  	v10 =	vld [tilespmem:$0x120];
	_ =	sdelay $0x3  }
0x45: {  	v12 =	vadd.s32 $0xFFFFFFFF, v3;
	v11 =	vld.idx.msk [tilespmem:v0+s0+$0x0], $0xffff  }
0x46: {  	vm13 =	veq.s32 v10, v12;
	_ =	sdelay $0x3  }
0x47: {  	v4 =	vadd.s32 v10, v11  }
0x48: {  	v3 =	vadd.s32 v3, v11;
	[tilespmem:$0x320] =	vst v4  }
0x49: {  	[tilespmem:v0+s0+$0x0] =	vst.idx.msk vm13, v3  }
0x4a: {  	v0 =	vld [tilespmem:$0x30];
	_ =	sdelay $0x2  }
0x4b: {  	v3 =	vld [tilespmem:$0x230]  }
0x4c: {  	v13 =	vld [tilespmem:$0x130];
	_ =	sdelay $0x3  }
0x4d: {  	v15 =	vadd.s32 $0xFFFFFFFF, v3;
	v14 =	vld.idx.msk [tilespmem:v0+s0+$0x0], $0xffff  }
0x4e: {  	vm14 =	veq.s32 v13, v15;
	_ =	sdelay $0x3  }
0x4f: {  	v4 =	vadd.s32 v13, v14  }
0x50: {  	v3 =	vadd.s32 v3, v14;
	[tilespmem:$0x330] =	vst v4  }
0x51: {  	[tilespmem:v0+s0+$0x0] =	vst.idx.msk vm14, v3  }
0x52: {  	v0 =	vld [tilespmem:$0x40];
	_ =	sdelay $0x2  }
0x53: {  	v3 =	vld [tilespmem:$0x240]  }
0x54: {  	v16 =	vld [tilespmem:$0x140];
	_ =	sdelay $0x3  }
0x55: {  	v18 =	vadd.s32 $0xFFFFFFFF, v3;
	v17 =	vld.idx.msk [tilespmem:v0+s0+$0x0], $0xffff  }
0x56: {  	vm15 =	veq.s32 v16, v18;
	_ =	sdelay $0x3  }
0x57: {  	v4 =	vadd.s32 v16, v17  }
0x58: {  	v3 =	vadd.s32 v3, v17;
	[tilespmem:$0x340] =	vst v4  }
0x59: {  	[tilespmem:v0+s0+$0x0] =	vst.idx.msk vm15, v3  }
0x5a: {  	v0 =	vld [tilespmem:$0x50];
	_ =	sdelay $0x2  }
0x5b: {  	v3 =	vld [tilespmem:$0x250]  }
0x5c: {  	v19 =	vld [tilespmem:$0x150];
	_ =	sdelay $0x3  }
0x5d: {  	v21 =	vadd.s32 $0xFFFFFFFF, v3;
	v20 =	vld.idx.msk [tilespmem:v0+s0+$0x0], $0xffff  }
0x5e: {  	vm4 =	veq.s32 v19, v21;
	_ =	sdelay $0x3  }
0x5f: {  	v4 =	vadd.s32 v19, v20  }
0x60: {  	v3 =	vadd.s32 v3, v20;
	[tilespmem:$0x350] =	vst v4  }
0x61: {  	[tilespmem:v0+s0+$0x0] =	vst.idx.msk vm4, v3  }
0x62: {  	v0 =	vld [tilespmem:$0x60];
	_ =	sdelay $0x2  }
0x63: {  	v3 =	vld [tilespmem:$0x260]  }
0x64: {  	v22 =	vld [tilespmem:$0x160];
	_ =	sdelay $0x3  }
0x65: {  	v24 =	vadd.s32 $0xFFFFFFFF, v3;
	v23 =	vld.idx.msk [tilespmem:v0+s0+$0x0], $0xffff  }
0x66: {  	vm5 =	veq.s32 v22, v24;
	_ =	sdelay $0x3  }
0x67: {  	v4 =	vadd.s32 v22, v23  }
0x68: {  	v3 =	vadd.s32 v3, v23;
	[tilespmem:$0x360] =	vst v4  }
0x69: {  	[tilespmem:v0+s0+$0x0] =	vst.idx.msk vm5, v3  }
0x6a: {  	v0 =	vld [tilespmem:$0x70];
	_ =	sdelay $0x2  }
0x6b: {  	v3 =	vld [tilespmem:$0x270]  }
0x6c: {  	v25 =	vld [tilespmem:$0x170];
	_ =	sdelay $0x3  }
0x6d: {  	v27 =	vadd.s32 $0xFFFFFFFF, v3;
	v26 =	vld.idx.msk [tilespmem:v0+s0+$0x0], $0xffff  }
0x6e: {  	vm6 =	veq.s32 v25, v27;
	_ =	sdelay $0x3  }
0x6f: {  	v4 =	vadd.s32 v25, v26  }
0x70: {  	v3 =	vadd.s32 v3, v26;
	[tilespmem:$0x370] =	vst v4  }
0x71: {  	[tilespmem:v0+s0+$0x0] =	vst.idx.msk vm6, v3  }
0x72: {  	v0 =	vld [tilespmem:$0x80];
	_ =	sdelay $0x2  }
0x73: {  	v3 =	vld [tilespmem:$0x280]  }
0x74: {  	v28 =	vld [tilespmem:$0x180];
	_ =	sdelay $0x3  }
0x75: {  	v30 =	vadd.s32 $0xFFFFFFFF, v3;
	v29 =	vld.idx.msk [tilespmem:v0+s0+$0x0], $0xffff  }
0x76: {  	vm7 =	veq.s32 v28, v30;
	_ =	sdelay $0x3  }
0x77: {  	v4 =	vadd.s32 v28, v29  }
0x78: {  	v3 =	vadd.s32 v3, v29;
	[tilespmem:$0x380] =	vst v4  }
0x79: {  	[tilespmem:v0+s0+$0x0] =	vst.idx.msk vm7, v3  }
0x7a: {  	v0 =	vld [tilespmem:$0x90];
	_ =	sdelay $0x2  }
0x7b: {  	v3 =	vld [tilespmem:$0x290]  }
0x7c: {  	v31 =	vld [tilespmem:$0x190];
	_ =	sdelay $0x3  }
0x7d: {  	v33 =	vadd.s32 $0xFFFFFFFF, v3;
	v32 =	vld.idx.msk [tilespmem:v0+s0+$0x0], $0xffff  }
0x7e: {  	vm8 =	veq.s32 v31, v33;
	_ =	sdelay $0x3  }
0x7f: {  	v4 =	vadd.s32 v31, v32  }
0x80: {  	v3 =	vadd.s32 v3, v32;
	[tilespmem:$0x390] =	vst v4  }
0x81: {  	[tilespmem:v0+s0+$0x0] =	vst.idx.msk vm8, v3  }
0x82: {  	v0 =	vld [tilespmem:$0xA0];
	_ =	sdelay $0x2  }
0x83: {  	v3 =	vld [tilespmem:$0x2A0]  }
0x84: {  	v34 =	vld [tilespmem:$0x1A0];
	_ =	sdelay $0x3  }
0x85: {  	v36 =	vadd.s32 $0xFFFFFFFF, v3;
	v35 =	vld.idx.msk [tilespmem:v0+s0+$0x0], $0xffff  }
0x86: {  	vm9 =	veq.s32 v34, v36;
	_ =	sdelay $0x3  }
0x87: {  	v4 =	vadd.s32 v34, v35  }
0x88: {  	v3 =	vadd.s32 v3, v35;
	[tilespmem:$0x3A0] =	vst v4  }
0x89: {  	[tilespmem:v0+s0+$0x0] =	vst.idx.msk vm9, v3  }
0x8a: {  	v0 =	vld [tilespmem:$0xB0];
	_ =	sdelay $0x2  }
0x8b: {  	v3 =	vld [tilespmem:$0x2B0]  }
0x8c: {  	v37 =	vld [tilespmem:$0x1B0];
	_ =	sdelay $0x3  }
0x8d: {  	v39 =	vadd.s32 $0xFFFFFFFF, v3;
	v38 =	vld.idx.msk [tilespmem:v0+s0+$0x0], $0xffff  }
0x8e: {  	vm10 =	veq.s32 v37, v39;
	_ =	sdelay $0x3  }
0x8f: {  	v4 =	vadd.s32 v37, v38  }
0x90: {  	v3 =	vadd.s32 v3, v38;
	[tilespmem:$0x3B0] =	vst v4  }
0x91: {  	[tilespmem:v0+s0+$0x0] =	vst.idx.msk vm10, v3  }
0x92: {  	v0 =	vld [tilespmem:$0xC0];
	_ =	sdelay $0x2  }
0x93: {  	v3 =	vld [tilespmem:$0x2C0]  }
0x94: {  	v40 =	vld [tilespmem:$0x1C0];
	_ =	sdelay $0x3  }
0x95: {  	v43 =	vadd.s32 $0xFFFFFFFF, v3;
	v41 =	vld.idx.msk [tilespmem:v0+s0+$0x0], $0xffff  }
0x96: {  	vm11 =	veq.s32 v40, v43;
	_ =	sdelay $0x3  }
0x97: {  	v4 =	vadd.s32 v40, v41  }
0x98: {  	v3 =	vadd.s32 v3, v41;
	[tilespmem:$0x3C0] =	vst v4  }
0x99: {  	[tilespmem:v0+s0+$0x0] =	vst.idx.msk vm11, v3  }
0x9a: {  	v0 =	vld [tilespmem:$0xD0];
	_ =	sdelay $0x2  }
0x9b: {  	v3 =	vld [tilespmem:$0x2D0]  }
0x9c: {  	v44 =	vld [tilespmem:$0x1D0];
	_ =	sdelay $0x3  }
0x9d: {  	v46 =	vadd.s32 $0xFFFFFFFF, v3;
	v45 =	vld.idx.msk [tilespmem:v0+s0+$0x0], $0xffff  }
0x9e: {  	vm12 =	veq.s32 v44, v46;
	_ =	sdelay $0x3  }
0x9f: {  	v4 =	vadd.s32 v44, v45  }
0xa0: {  	v3 =	vadd.s32 v3, v45;
	[tilespmem:$0x3D0] =	vst v4  }
0xa1: {  	[tilespmem:v0+s0+$0x0] =	vst.idx.msk vm12, v3  }
0xa2: {  	v0 =	vld [tilespmem:$0xE0];
	_ =	sdelay $0x2  }
0xa3: {  	v3 =	vld [tilespmem:$0x2E0]  }
0xa4: {  	v47 =	vld [tilespmem:$0x1E0];
	_ =	sdelay $0x3  }
0xa5: {  	v49 =	vadd.s32 $0xFFFFFFFF, v3;
	v48 =	vld.idx.msk [tilespmem:v0+s0+$0x0], $0xffff  }
0xa6: {  	vm13 =	veq.s32 v47, v49;
	_ =	sdelay $0x3  }
0xa7: {  	v4 =	vadd.s32 v47, v48  }
0xa8: {  	v3 =	vadd.s32 v3, v48;
	[tilespmem:$0x3E0] =	vst v4  }
0xa9: {  	[tilespmem:v0+s0+$0x0] =	vst.idx.msk vm13, v3  }
0xaa: {  	v0 =	vld [tilespmem:$0xF0];
	_ =	sdelay $0x2  }
0xab: {  	v3 =	vld [tilespmem:$0x2F0]  }
0xac: {  	v50 =	vld [tilespmem:$0x1F0];
	_ =	sdelay $0x3  }
0xad: {  	v52 =	vadd.s32 $0xFFFFFFFF, v3;
	v51 =	vld.idx.msk [tilespmem:v0+s0+$0x0], $0xffff  }
0xae: {  	vm14 =	veq.s32 v50, v52;
	_ =	sdelay $0x1  }
0xaf: {  	s1 =	sld [smem:$0x7F3];
	_ =	sdelay $0x1  }
0xb0: {  	v4 =	vadd.s32 v50, v51  }
0xb1: {  	p0 =	seq.s32 s1, $0x1;
	v3 =	vadd.s32 v3, v51;
	[tilespmem:$0x3F0] =	vst v4  }
0xb2: {  	s31 =	rddreg [dreg:$0x8];
	s14 =	simm.s32 @!p0 $0x300;
	[tilespmem:v0+s0+$0x0] =	vst.idx.msk vm14, v3;
	s0 =	simm.s32 @!p0 $0x0  }
0xb3: {  	[hbm4b:s31+s0] =	stream.linear.scatter @!p0 [tilespmem:s14], [sflag:$0x3], $0x100, $0x38;
	[tilespmem:$0x10CC0] =	vst v63  }
0xb4: {  	s0 =	simm.s32 @!p0 $0x3  }
0xb5: {  	_ =	swait.ge @!p0 [sflag:s0], $0x100  }
0xb6: {  	[sflag:s0] =	ssyncset.done @!p0 $0x0  }
0xb7: {  	s19 =	rddreg [dreg:$0xe];
	[sflag:s0] =	ssyncadd.s32 @!p0 $0xFFFFFF00  }
0xb8: {  	v0 =	vld [tilespmem:s19+$0x300];
	_ =	sdelay $0x4  }
0xb9: {  	[tilespmem:$0xBC0] =	vst v0  }
0xba: {  	v0 =	vld [tilespmem:s19+$0x310];
	_ =	sdelay $0x4  }
0xbb: {  	s1 =	simm.s32 $0x0;
	s3 =	rddreg [dreg:$0xd];
	[tilespmem:$0xBD0] =	vst v0  }
0xbc: {  	[tilespmem:s26], [sflag:$0x3] =	stream.linear.gather [hbm4b:s3+s1], $0x8000, $0x38;
	[tilespmem:$0x10CC0] =	vst v63  }
0xbd: {  	_ =	swait.ge [sflag:s2], $0x8000  }
0xbe: {  	[sflag:s2] =	ssyncset.done $0x0  }
0xbf: {  	[sflag:s2] =	ssyncadd.s32 $0xFFFF8000  }
0xc0: {  	v0 =	vld [tilespmem:$0xBC0];
	_ =	sdelay $0x4  }
0xc1: {  	v3 =	vshll.u32 v0, $0x3  }
0xc2: {  	v0 =	vand.u32 $0x7, v0;
	v3 =	vand.u32 $0xFFFFFFC0, v3  }
0xc3: {  	v53 =	vand.u32 $0x7, v42;
	v0 =	vor.u32 v0, v3;
	v3 =	vshrl.u32 v42, $0x3  }
0xc4: {  	v54 =	vperm.xlane v0, v53;
	v3 =	vmul.u32 $0x8, v3;
	_ =	sdelay $0x1  }
0xc5: {  	v55 =	vadd.s32 v3, v54;
	_ =	sdelay $0x3  }
0xc6: {  	vm15 =	vmmov $0xffff;
	s11 =	rddreg [dreg:$0xf]  }
0xc7: {  	v56 =	vor.u32 $0x8, v42;
	[hbm4b:s11+s1] =	stream.indirect_vreg.scatter [tilespmem:s26], [sflag:$0x1], $0x80, v55, vm15, $0xb8;
	[tilespmem:$0x10CC0] =	vst v63  }
0xc8: {  	s14 =	simm.s32 $0x14C0;
	s12 =	rddreg [dreg:$0x10];
	v0 =	vperm.xlane v0, v56  }
0xc9: {  	[hbm4b:s12+s1] =	stream.indirect_vreg.scatter [tilespmem:s14], [sflag:$0x1], $0x80, v55, vm15, $0xb8;
	[tilespmem:$0x10CC0] =	vst v63  }
0xca: {  	s31 =	simm.s32 $0x1CC0;
	s13 =	rddreg [dreg:$0x11];
	v0 =	vadd.s32 v3, v0  }
0xcb: {  	[hbm4b:s13+s1] =	stream.indirect_vreg.scatter [tilespmem:s31], [sflag:$0x1], $0x80, v55, vm15, $0xb8;
	[tilespmem:$0x10CC0] =	vst v63  }
0xcc: {  	s22 =	rddreg [dreg:$0x12]  }
0xcd: {  	[hbm4b:s22+s1] =	stream.indirect_vreg.scatter [tilespmem:s15], [sflag:$0x1], $0x80, v55, vm15, $0xb8;
	[tilespmem:$0x10CC0] =	vst v63  }
0xce: {  	s6 =	simm.s32 $0x2CC0  }
0xcf: {  	[hbm4b:s11+s1] =	stream.indirect_vreg.scatter [tilespmem:s6], [sflag:$0x1], $0x80, v0, vm15, $0xb8;
	[tilespmem:$0x10CC0] =	vst v63  }
0xd0: {  	_ = 	snop  }
0xd1: {  	[hbm4b:s12+s1] =	stream.indirect_vreg.scatter [tilespmem:s16], [sflag:$0x1], $0x80, v0, vm15, $0xb8;
	[tilespmem:$0x10CC0] =	vst v63  }
0xd2: {  	s4 =	simm.s32 $0x3CC0  }
0xd3: {  	[hbm4b:s13+s1] =	stream.indirect_vreg.scatter [tilespmem:s4], [sflag:$0x1], $0x80, v0, vm15, $0xb8;
	[tilespmem:$0x10CC0] =	vst v63  }
0xd4: {  	_ = 	snop  }
0xd5: {  	[hbm4b:s22+s1] =	stream.indirect_vreg.scatter [tilespmem:s17], [sflag:$0x1], $0x80, v0, vm15, $0xb8;
	[tilespmem:$0x10CC0] =	vst v63  }
0xd6: {  	v0 =	vld [tilespmem:$0xBD0];
	_ =	sdelay $0x4  }
0xd7: {  	v57 =	vshll.u32 v0, $0x3  }
0xd8: {  	v0 =	vand.u32 $0x7, v0;
	v6 =	vand.u32 $0xFFFFFFC0, v57  }
0xd9: {  	v0 =	vor.u32 v0, v6  }
0xda: {  	v6 =	vperm.xlane v0, v53;
	_ =	sdelay $0x1  }
0xdb: {  	v6 =	vadd.s32 v3, v6;
	_ =	sdelay $0x4  }
0xdc: {  	[hbm4b:s11+s1] =	stream.indirect_vreg.scatter [tilespmem:s7], [sflag:$0x1], $0x80, v6, vm15, $0xb8;
	[tilespmem:$0x10CC0] =	vst v63  }
0xdd: {  	v0 =	vperm.xlane v0, v56  }
0xde: {  	[hbm4b:s12+s1] =	stream.indirect_vreg.scatter [tilespmem:s21], [sflag:$0x1], $0x80, v6, vm15, $0xb8;
	[tilespmem:$0x10CC0] =	vst v63  }
0xdf: {  	s3 =	simm.s32 $0x5CC0;
	v0 =	vadd.s32 v3, v0  }
0xe0: {  	[hbm4b:s13+s1] =	stream.indirect_vreg.scatter [tilespmem:s3], [sflag:$0x1], $0x80, v6, vm15, $0xb8;
	[tilespmem:$0x10CC0] =	vst v63  }
0xe1: {  	_ = 	snop  }
0xe2: {  	[hbm4b:s22+s1] =	stream.indirect_vreg.scatter [tilespmem:s20], [sflag:$0x1], $0x80, v6, vm15, $0xb8;
	[tilespmem:$0x10CC0] =	vst v63  }
0xe3: {  	s2 =	simm.s32 $0x6CC0  }
0xe4: {  	[hbm4b:s11+s1] =	stream.indirect_vreg.scatter [tilespmem:s2], [sflag:$0x1], $0x80, v0, vm15, $0xb8;
	[tilespmem:$0x10CC0] =	vst v63  }
0xe5: {  	_ = 	snop  }
0xe6: {  	[hbm4b:s12+s1] =	stream.indirect_vreg.scatter [tilespmem:s8], [sflag:$0x1], $0x80, v0, vm15, $0xb8;
	[tilespmem:$0x10CC0] =	vst v63  }
0xe7: {  	_ = 	snop  }
0xe8: {  	[hbm4b:s13+s1] =	stream.indirect_vreg.scatter [tilespmem:s24], [sflag:$0x1], $0x80, v0, vm15, $0xb8;
	[tilespmem:$0x10CC0] =	vst v63  }
0xe9: {  	_ = 	snop  }
0xea: {  	[hbm4b:s22+s1] =	stream.indirect_vreg.scatter [tilespmem:s25], [sflag:$0x1], $0x80, v0, vm15, $0xb8;
	[tilespmem:$0x10CC0] =	vst v63  }
0xeb: {  	v0 =	vld [tilespmem:s19+$0x320];
	_ =	sdelay $0x4  }
0xec: {  	[tilespmem:$0xC40] =	vst v0  }
0xed: {  	v0 =	vld [tilespmem:s19+$0x330];
	_ =	sdelay $0x4  }
0xee: {  	s5 =	simm.s32 $0x3;
	s0 =	rddreg [dreg:$0x9];
	[tilespmem:$0xC50] =	vst v0  }
0xef: {  	[tilespmem:s29], [sflag:$0x3] =	stream.linear.gather [hbm4b:s0+s1], $0x8000, $0x38;
	[tilespmem:$0x10CC0] =	vst v63  }
0xf0: {  	_ =	swait.ge [sflag:s5], $0x8000  }
0xf1: {  	[sflag:s5] =	ssyncset.done $0x0  }
0xf2: {  	[sflag:s5] =	ssyncadd.s32 $0xFFFF8000  }
0xf3: {  	v0 =	vld [tilespmem:$0xC40];
	_ =	sdelay $0x4  }
0xf4: {  	v58 =	vshll.u32 v0, $0x3  }
0xf5: {  	v0 =	vand.u32 $0x7, v0;
	v6 =	vand.u32 $0xFFFFFFC0, v58  }
0xf6: {  	v0 =	vor.u32 v0, v6  }
0xf7: {  	v6 =	vperm.xlane v0, v53;
	_ =	sdelay $0x1  }
0xf8: {  	v6 =	vadd.s32 v3, v6;
	_ =	sdelay $0x4  }
0xf9: {  	[hbm4b:s11+s1] =	stream.indirect_vreg.scatter [tilespmem:s29], [sflag:$0x2], $0x80, v6, vm15, $0xb8;
	[tilespmem:$0x10CC0] =	vst v63  }
0xfa: {  	v0 =	vperm.xlane v0, v56  }
0xfb: {  	[hbm4b:s12+s1] =	stream.indirect_vreg.scatter [tilespmem:s10], [sflag:$0x2], $0x80, v6, vm15, $0xb8;
	[tilespmem:$0x10CC0] =	vst v63  }
0xfc: {  	v0 =	vadd.s32 v3, v0  }
0xfd: {  	[hbm4b:s13+s1] =	stream.indirect_vreg.scatter [tilespmem:s23], [sflag:$0x2], $0x80, v6, vm15, $0xb8;
	[tilespmem:$0x10CC0] =	vst v63  }
0xfe: {  	_ = 	snop  }
0xff: {  	[hbm4b:s22+s1] =	stream.indirect_vreg.scatter [tilespmem:s28], [sflag:$0x2], $0x80, v6, vm15, $0xb8;
	[tilespmem:$0x10CC0] =	vst v63  }
0x100: {  	_ = 	snop  }
0x101: {  	[hbm4b:s11+s1] =	stream.indirect_vreg.scatter [tilespmem:s30], [sflag:$0x2], $0x80, v0, vm15, $0xb8;
	[tilespmem:$0x10CC0] =	vst v63  }
0x102: {  	_ = 	snop  }
0x103: {  	[hbm4b:s12+s1] =	stream.indirect_vreg.scatter [tilespmem:s9], [sflag:$0x2], $0x80, v0, vm15, $0xb8;
	[tilespmem:$0x10CC0] =	vst v63  }
0x104: {  	_ = 	snop  }
0x105: {  	[hbm4b:s13+s1] =	stream.indirect_vreg.scatter [tilespmem:s18], [sflag:$0x2], $0x80, v0, vm15, $0xb8;
	[tilespmem:$0x10CC0] =	vst v63  }
0x106: {  	s0 =	simm.s32 $0xC4C0;
	s1 =	simm.s32 $0x0  }
0x107: {  	[hbm4b:s22+s1] =	stream.indirect_vreg.scatter [tilespmem:s0], [sflag:$0x2], $0x80, v0, vm15, $0xb8;
	[tilespmem:$0x10CC0] =	vst v63  }
0x108: {  	v0 =	vld [tilespmem:$0xC50];
	_ =	sdelay $0x4  }
0x109: {  	v59 =	vshll.u32 v0, $0x3  }
0x10a: {  	v0 =	vand.u32 $0x7, v0;
	v6 =	vand.u32 $0xFFFFFFC0, v59  }
0x10b: {  	v0 =	vor.u32 v0, v6  }
0x10c: {  	v6 =	vperm.xlane v0, v53;
	_ =	sdelay $0x1  }
0x10d: {  	v6 =	vadd.s32 v3, v6;
	_ =	sdelay $0x3  }
0x10e: {  	s0 =	simm.s32 $0xCCC0  }
0x10f: {  	[hbm4b:s11+s1] =	stream.indirect_vreg.scatter [tilespmem:s0], [sflag:$0x2], $0x80, v6, vm15, $0xb8;
	[tilespmem:$0x10CC0] =	vst v63  }
0x110: {  	v0 =	vperm.xlane v0, v56;
	s0 =	simm.s32 $0xD4C0  }
0x111: {  	[hbm4b:s12+s1] =	stream.indirect_vreg.scatter [tilespmem:s0], [sflag:$0x2], $0x80, v6, vm15, $0xb8;
	[tilespmem:$0x10CC0] =	vst v63  }
0x112: {  	v0 =	vadd.s32 v3, v0;
	s0 =	simm.s32 $0xDCC0  }
0x113: {  	[hbm4b:s13+s1] =	stream.indirect_vreg.scatter [tilespmem:s0], [sflag:$0x2], $0x80, v6, vm15, $0xb8;
	[tilespmem:$0x10CC0] =	vst v63  }
0x114: {  	s0 =	simm.s32 $0xE4C0  }
0x115: {  	[hbm4b:s22+s1] =	stream.indirect_vreg.scatter [tilespmem:s0], [sflag:$0x2], $0x80, v6, vm15, $0xb8;
	[tilespmem:$0x10CC0] =	vst v63  }
0x116: {  	s0 =	simm.s32 $0xECC0  }
0x117: {  	[hbm4b:s11+s1] =	stream.indirect_vreg.scatter [tilespmem:s0], [sflag:$0x2], $0x80, v0, vm15, $0xb8;
	[tilespmem:$0x10CC0] =	vst v63  }
0x118: {  	s0 =	simm.s32 $0xF4C0  }
0x119: {  	[hbm4b:s12+s1] =	stream.indirect_vreg.scatter [tilespmem:s0], [sflag:$0x2], $0x80, v0, vm15, $0xb8;
	[tilespmem:$0x10CC0] =	vst v63  }
0x11a: {  	s0 =	simm.s32 $0xFCC0  }
0x11b: {  	[hbm4b:s13+s1] =	stream.indirect_vreg.scatter [tilespmem:s0], [sflag:$0x2], $0x80, v0, vm15, $0xb8;
	[tilespmem:$0x10CC0] =	vst v63  }
0x11c: {  	s0 =	simm.s32 $0x104C0  }
0x11d: {  	[hbm4b:s22+s1] =	stream.indirect_vreg.scatter [tilespmem:s0], [sflag:$0x2], $0x80, v0, vm15, $0xb8;
	[tilespmem:$0x10CC0] =	vst v63  }
0x11e: {  	s0 =	simm.s32 $0x1  }
0x11f: {  	_ =	swait.ge [sflag:s0], $0x8000  }
0x120: {  	[sflag:s0] =	ssyncset.done $0x0  }
0x121: {  	[sflag:s0] =	ssyncadd.s32 $0xFFFF8000  }
0x122: {  	v0 =	vld [tilespmem:s19+$0x340];
	_ =	sdelay $0x4  }
0x123: {  	[tilespmem:$0xBC0] =	vst v0  }
0x124: {  	v0 =	vld [tilespmem:s19+$0x350];
	_ =	sdelay $0x4  }
0x125: {  	s0 =	rddreg [dreg:$0xa];
	[tilespmem:$0xBD0] =	vst v0  }
0x126: {  	[tilespmem:s26], [sflag:$0x3] =	stream.linear.gather [hbm4b:s0+s1], $0x8000, $0x38;
	[tilespmem:$0x10CC0] =	vst v63  }
0x127: {  	_ =	swait.ge [sflag:s5], $0x8000  }
0x128: {  	[sflag:s5] =	ssyncset.done $0x0  }
0x129: {  	[sflag:s5] =	ssyncadd.s32 $0xFFFF8000  }
0x12a: {  	v0 =	vld [tilespmem:$0xBC0];
	_ =	sdelay $0x4  }
0x12b: {  	v60 =	vshll.u32 v0, $0x3  }
0x12c: {  	v0 =	vand.u32 $0x7, v0;
	v6 =	vand.u32 $0xFFFFFFC0, v60  }
0x12d: {  	v0 =	vor.u32 v0, v6  }
0x12e: {  	v6 =	vperm.xlane v0, v53;
	_ =	sdelay $0x1  }
0x12f: {  	v6 =	vadd.s32 v3, v6;
	_ =	sdelay $0x4  }
0x130: {  	[hbm4b:s11+s1] =	stream.indirect_vreg.scatter [tilespmem:s26], [sflag:$0x1], $0x80, v6, vm15, $0xb8;
	[tilespmem:$0x10CC0] =	vst v63  }
0x131: {  	v0 =	vperm.xlane v0, v56  }
0x132: {  	[hbm4b:s12+s1] =	stream.indirect_vreg.scatter [tilespmem:s14], [sflag:$0x1], $0x80, v6, vm15, $0xb8;
	[tilespmem:$0x10CC0] =	vst v63  }
0x133: {  	v0 =	vadd.s32 v3, v0  }
0x134: {  	[hbm4b:s13+s1] =	stream.indirect_vreg.scatter [tilespmem:s31], [sflag:$0x1], $0x80, v6, vm15, $0xb8;
	[tilespmem:$0x10CC0] =	vst v63  }
0x135: {  	_ = 	snop  }
0x136: {  	[hbm4b:s22+s1] =	stream.indirect_vreg.scatter [tilespmem:s15], [sflag:$0x1], $0x80, v6, vm15, $0xb8;
	[tilespmem:$0x10CC0] =	vst v63  }
0x137: {  	_ = 	snop  }
0x138: {  	[hbm4b:s11+s1] =	stream.indirect_vreg.scatter [tilespmem:s6], [sflag:$0x1], $0x80, v0, vm15, $0xb8;
	[tilespmem:$0x10CC0] =	vst v63  }
0x139: {  	_ = 	snop  }
0x13a: {  	[hbm4b:s12+s1] =	stream.indirect_vreg.scatter [tilespmem:s16], [sflag:$0x1], $0x80, v0, vm15, $0xb8;
	[tilespmem:$0x10CC0] =	vst v63  }
0x13b: {  	_ = 	snop  }
0x13c: {  	[hbm4b:s13+s1] =	stream.indirect_vreg.scatter [tilespmem:s4], [sflag:$0x1], $0x80, v0, vm15, $0xb8;
	[tilespmem:$0x10CC0] =	vst v63  }
0x13d: {  	_ = 	snop  }
0x13e: {  	[hbm4b:s22+s1] =	stream.indirect_vreg.scatter [tilespmem:s17], [sflag:$0x1], $0x80, v0, vm15, $0xb8;
	[tilespmem:$0x10CC0] =	vst v63  }
0x13f: {  	v0 =	vld [tilespmem:$0xBD0];
	_ =	sdelay $0x4  }
0x140: {  	v61 =	vshll.u32 v0, $0x3  }
0x141: {  	v0 =	vand.u32 $0x7, v0;
	v6 =	vand.u32 $0xFFFFFFC0, v61  }
0x142: {  	v0 =	vor.u32 v0, v6  }
0x143: {  	v6 =	vperm.xlane v0, v53;
	_ =	sdelay $0x1  }
0x144: {  	v6 =	vadd.s32 v3, v6;
	_ =	sdelay $0x4  }
0x145: {  	[hbm4b:s11+s1] =	stream.indirect_vreg.scatter [tilespmem:s7], [sflag:$0x1], $0x80, v6, vm15, $0xb8;
	[tilespmem:$0x10CC0] =	vst v63  }
0x146: {  	v0 =	vperm.xlane v0, v56  }
0x147: {  	[hbm4b:s12+s1] =	stream.indirect_vreg.scatter [tilespmem:s21], [sflag:$0x1], $0x80, v6, vm15, $0xb8;
	[tilespmem:$0x10CC0] =	vst v63  }
0x148: {  	v0 =	vadd.s32 v3, v0  }
0x149: {  	[hbm4b:s13+s1] =	stream.indirect_vreg.scatter [tilespmem:s3], [sflag:$0x1], $0x80, v6, vm15, $0xb8;
	[tilespmem:$0x10CC0] =	vst v63  }
0x14a: {  	_ = 	snop  }
0x14b: {  	[hbm4b:s22+s1] =	stream.indirect_vreg.scatter [tilespmem:s20], [sflag:$0x1], $0x80, v6, vm15, $0xb8;
	[tilespmem:$0x10CC0] =	vst v63  }
0x14c: {  	_ = 	snop  }
0x14d: {  	[hbm4b:s11+s1] =	stream.indirect_vreg.scatter [tilespmem:s2], [sflag:$0x1], $0x80, v0, vm15, $0xb8;
	[tilespmem:$0x10CC0] =	vst v63  }
0x14e: {  	_ = 	snop  }
0x14f: {  	[hbm4b:s12+s1] =	stream.indirect_vreg.scatter [tilespmem:s8], [sflag:$0x1], $0x80, v0, vm15, $0xb8;
	[tilespmem:$0x10CC0] =	vst v63  }
0x150: {  	_ = 	snop  }
0x151: {  	[hbm4b:s13+s1] =	stream.indirect_vreg.scatter [tilespmem:s24], [sflag:$0x1], $0x80, v0, vm15, $0xb8;
	[tilespmem:$0x10CC0] =	vst v63  }
0x152: {  	s5 =	simm.s32 $0x2  }
0x153: {  	[hbm4b:s22+s1] =	stream.indirect_vreg.scatter [tilespmem:s25], [sflag:$0x1], $0x80, v0, vm15, $0xb8;
	[tilespmem:$0x10CC0] =	vst v63  }
0x154: {  	_ =	swait.ge [sflag:s5], $0x8000  }
0x155: {  	[sflag:s5] =	ssyncset.done $0x0  }
0x156: {  	[sflag:s5] =	ssyncadd.s32 $0xFFFF8000  }
0x157: {  	v0 =	vld [tilespmem:s19+$0x360];
	_ =	sdelay $0x4  }
0x158: {  	[tilespmem:$0xC40] =	vst v0  }
0x159: {  	v0 =	vld [tilespmem:s19+$0x370];
	_ =	sdelay $0x4  }
0x15a: {  	s2 =	simm.s32 $0x3;
	s4 =	rddreg [dreg:$0xb];
	[tilespmem:$0xC50] =	vst v0  }
0x15b: {  	[tilespmem:s29], [sflag:$0x3] =	stream.linear.gather [hbm4b:s4+s1], $0x8000, $0x38;
	[tilespmem:$0x10CC0] =	vst v63  }
0x15c: {  	_ =	swait.ge [sflag:s2], $0x8000  }
0x15d: {  	[sflag:s2] =	ssyncset.done $0x0  }
0x15e: {  	[sflag:s2] =	ssyncadd.s32 $0xFFFF8000  }
0x15f: {  	v0 =	vld [tilespmem:$0xC40];
	_ =	sdelay $0x4  }
0x160: {  	v62 =	vshll.u32 v0, $0x3  }
0x161: {  	v0 =	vand.u32 $0x7, v0;
	v6 =	vand.u32 $0xFFFFFFC0, v62  }
0x162: {  	v0 =	vor.u32 v0, v6  }
0x163: {  	v6 =	vperm.xlane v0, v53;
	_ =	sdelay $0x1  }
0x164: {  	v6 =	vadd.s32 v3, v6;
	_ =	sdelay $0x4  }
0x165: {  	[hbm4b:s11+s1] =	stream.indirect_vreg.scatter [tilespmem:s29], [sflag:$0x2], $0x80, v6, vm15, $0xb8;
	[tilespmem:$0x10CC0] =	vst v63  }
0x166: {  	v0 =	vperm.xlane v0, v56  }
0x167: {  	[hbm4b:s12+s1] =	stream.indirect_vreg.scatter [tilespmem:s10], [sflag:$0x2], $0x80, v6, vm15, $0xb8;
	[tilespmem:$0x10CC0] =	vst v63  }
0x168: {  	v0 =	vadd.s32 v3, v0  }
0x169: {  	[hbm4b:s13+s1] =	stream.indirect_vreg.scatter [tilespmem:s23], [sflag:$0x2], $0x80, v6, vm15, $0xb8;
	[tilespmem:$0x10CC0] =	vst v63  }
0x16a: {  	_ = 	snop  }
0x16b: {  	[hbm4b:s22+s1] =	stream.indirect_vreg.scatter [tilespmem:s28], [sflag:$0x2], $0x80, v6, vm15, $0xb8;
	[tilespmem:$0x10CC0] =	vst v63  }
0x16c: {  	_ = 	snop  }
0x16d: {  	[hbm4b:s11+s1] =	stream.indirect_vreg.scatter [tilespmem:s30], [sflag:$0x2], $0x80, v0, vm15, $0xb8;
	[tilespmem:$0x10CC0] =	vst v63  }
0x16e: {  	_ = 	snop  }
0x16f: {  	[hbm4b:s12+s1] =	stream.indirect_vreg.scatter [tilespmem:s9], [sflag:$0x2], $0x80, v0, vm15, $0xb8;
	[tilespmem:$0x10CC0] =	vst v63  }
0x170: {  	_ = 	snop  }
0x171: {  	[hbm4b:s13+s1] =	stream.indirect_vreg.scatter [tilespmem:s18], [sflag:$0x2], $0x80, v0, vm15, $0xb8;
	[tilespmem:$0x10CC0] =	vst v63  }
0x172: {  	s6 =	simm.s32 $0xC4C0  }
0x173: {  	[hbm4b:s22+s1] =	stream.indirect_vreg.scatter [tilespmem:s6], [sflag:$0x2], $0x80, v0, vm15, $0xb8;
	[tilespmem:$0x10CC0] =	vst v63  }
0x174: {  	v0 =	vld [tilespmem:$0xC50];
	_ =	sdelay $0x4  }
0x175: {  	v63 =	vshll.u32 v0, $0x3  }
0x176: {  	v0 =	vand.u32 $0x7, v0;
	v6 =	vand.u32 $0xFFFFFFC0, v63  }
0x177: {  	v0 =	vor.u32 v0, v6  }
0x178: {  	v4 =	vperm.xlane v0, v53;
	_ =	sdelay $0x1  }
0x179: {  	v4 =	vadd.s32 v3, v4;
	_ =	sdelay $0x3  }
0x17a: {  	s0 =	simm.s32 $0x0;
	s14 =	simm.s32 $0xCCC0  }
0x17b: {  	[hbm4b:s11+s0] =	stream.indirect_vreg.scatter [tilespmem:s14], [sflag:$0x2], $0x80, v4, vm15, $0xb8;
	[tilespmem:$0x10CC0] =	vst v63  }
0x17c: {  	s19 =	simm.s32 $0xD4C0;
	v0 =	vperm.xlane v0, v56  }
0x17d: {  	[hbm4b:s12+s0] =	stream.indirect_vreg.scatter [tilespmem:s19], [sflag:$0x2], $0x80, v4, vm15, $0xb8;
	[tilespmem:$0x10CC0] =	vst v63  }
0x17e: {  	s31 =	simm.s32 $0xDCC0;
	v0 =	vadd.s32 v3, v0  }
0x17f: {  	[hbm4b:s13+s0] =	stream.indirect_vreg.scatter [tilespmem:s31], [sflag:$0x2], $0x80, v4, vm15, $0xb8;
	[tilespmem:$0x10CC0] =	vst v63  }
0x180: {  	s4 =	simm.s32 $0xE4C0  }
0x181: {  	[hbm4b:s22+s0] =	stream.indirect_vreg.scatter [tilespmem:s4], [sflag:$0x2], $0x80, v4, vm15, $0xb8;
	[tilespmem:$0x10CC0] =	vst v63  }
0x182: {  	s6 =	simm.s32 $0xECC0  }
0x183: {  	[hbm4b:s11+s0] =	stream.indirect_vreg.scatter [tilespmem:s6], [sflag:$0x2], $0x80, v0, vm15, $0xb8;
	[tilespmem:$0x10CC0] =	vst v63  }
0x184: {  	s11 =	simm.s32 $0xF4C0  }
0x185: {  	[hbm4b:s12+s0] =	stream.indirect_vreg.scatter [tilespmem:s11], [sflag:$0x2], $0x80, v0, vm15, $0xb8;
	[tilespmem:$0x10CC0] =	vst v63  }
0x186: {  	s14 =	simm.s32 $0xFCC0  }
0x187: {  	[hbm4b:s13+s0] =	stream.indirect_vreg.scatter [tilespmem:s14], [sflag:$0x2], $0x80, v0, vm15, $0xb8;
	[tilespmem:$0x10CC0] =	vst v63  }
0x188: {  	s3 =	simm.s32 $0x1;
	s19 =	simm.s32 $0x104C0  }
0x189: {  	[hbm4b:s22+s0] =	stream.indirect_vreg.scatter [tilespmem:s19], [sflag:$0x2], $0x80, v0, vm15, $0xb8;
	[tilespmem:$0x10CC0] =	vst v63  }
0x18a: {  	_ =	swait.ge [sflag:s3], $0x8000  }
0x18b: {  	[sflag:s3] =	ssyncset.done $0x0  }
0x18c: {  	[sflag:s3] =	ssyncadd.s32 $0xFFFF8000  }
0x18d: {  	_ =	swait.ge [sflag:s5], $0x8000  }
0x18e: {  	s22 =	rddreg [dreg:$0x13]  }
0x18f: {  	s31 =	rddreg [dreg:$0xc];
	s6 =	sadd.s32 $0x1, s22  }
0x190: {  	p3 =	sne.s32 s6, s31  }
.Ltmp1:
0x191: {  	_ = 	snop;
	(pc) =	sbr.rel @!p3 .LBB2_36-.Ltmp1, $3  }
0x192: {  	_ =	sdelay $0x1  }
0x193: {  	s1 =	simm.s32 $0x400;
	[sflag:s5] =	ssyncset.done $0x0  }
0x194: {  	s4 =	simm.s32 $0x0;
	[sflag:s5] =	ssyncadd.s32 $0xFFFF8000;
	s5 =	smov.u32 s6  }
.LBB2_1:
0x195: {  	s0 =	rddreg [dreg:$0x6]  }
0x196: {  	[tilespmem:s4], [sflag:$0x3] =	stream.linear.gather [hbm4b:s0+s4], $0x100, $0x38;
	[tilespmem:$0x10CC0] =	vst v63  }
0x197: {  	_ =	swait.ge [sflag:s2], $0x100  }
0x198: {  	[sflag:s2] =	ssyncset.done $0x0  }
0x199: {  	[sflag:s2] =	ssyncadd.s32 $0xFFFFFF00  }
0x19a: {  	v3 =	vld [tilespmem:$0x0]  }
0x19b: {  	[tilespmem:$0x400] =	vst v1  }
0x19c: {  	[tilespmem:$0x410] =	vst v1  }
0x19d: {  	[tilespmem:$0x420] =	vst v1  }
0x19e: {  	[tilespmem:$0x430] =	vst v1  }
0x19f: {  	[tilespmem:$0xA80] =	vst v3  }
0x1a0: {  	s14 =	simm.s32 $0xA8F;
	[tilespmem:$0xA90] =	vst v3  }
0x1a1: {  	v4 =	vld [tilespmem:s14+$0x0];
	_ =	sdelay $0x3  }
0x1a2: {  	v6 =	vmov s3  }
0x1a3: {  	s31 =	simm.s32 $0xA8E;
	v5 =	vimm.s32 $0x0;
	s14 =	simm.s32 $0x2;
	vm0 =	veq.s32 v4, v3;
	v4 =	vimm.s32 $0x0  }
.LBB2_2:
0x1a4: {  	v7 =	vld [tilespmem:s31+$0x0];
	p3 =	sne.s32 s14, $0xF;
	v8 =	vsel vm0, $0x1, v1;
	vm0 =	vlt.u32 v6, v2;
	s0 =	smov.u32 s14;
	s14 =	sadd.s32 $0x1, s14  }
.Ltmp2:
0x1a5: {  	v6 =	vnsel vm0, $0x0, v8;
	v4 =	vadd.s32 v8, v4;
	(pc) =	sbr.rel @p3 .LBB2_2-.Ltmp2, $2  }
0x1a6: {  	v5 =	vadd.s32 v5, v6;
	_ =	sdelay $0x2  }
0x1a7: {  	s31 =	sadd.s32 $0xFFFFFFFF, s31;
	v6 =	vmov s0;
	vm0 =	veq.s32 v7, v3  }
0x1a8: {  	v7 =	vsel vm0, $0x1, v1;
	vm0 =	vlt.u32 v6, v2  }
0x1a9: {  	v6 =	vnsel vm0, $0x0, v7  }
0x1aa: {  	v4 =	vadd.s32 v7, v4;
	v5 =	vadd.s32 v5, v6  }
0x1ab: {  	vm0 =	veq.s32 v5, v4;
	_ =	sdelay $0x3  }
0x1ac: {  	v4 =	vadd.s32 $0x1, v4;
	[tilespmem:$0x100] =	vst v5  }
0x1ad: {  	[tilespmem:$0x200] =	vst v4  }
0x1ae: {  	[tilespmem:v3+s1+$0x0] =	vst.idx.add.s32.msk vm0, v4  }
0x1af: {  	v3 =	vld [tilespmem:$0x10];
	_ =	sdelay $0x4  }
0x1b0: {  	[tilespmem:$0xA80] =	vst v3  }
0x1b1: {  	s0 =	simm.s32 $0xA8F;
	[tilespmem:$0xA90] =	vst v3  }
0x1b2: {  	v5 =	vld [tilespmem:s0+$0x0];
	_ =	sdelay $0x2  }
0x1b3: {  	s22 =	simm.s32 $0x1  }
0x1b4: {  	v6 =	vmov s22  }
0x1b5: {  	s14 =	simm.s32 $0x2;
	s31 =	simm.s32 $0xA8E;
	v4 =	vimm.s32 $0x0;
	vm0 =	veq.s32 v5, v3;
	v5 =	vimm.s32 $0x0  }
.LBB2_4:
0x1b6: {  	v7 =	vld [tilespmem:s31+$0x0];
	p3 =	sne.s32 s14, $0xF;
	v8 =	vsel vm0, $0x1, v1;
	vm0 =	vlt.u32 v6, v2;
	s0 =	smov.u32 s14;
	s14 =	sadd.s32 $0x1, s14  }
.Ltmp3:
0x1b7: {  	v6 =	vnsel vm0, $0x0, v8;
	v4 =	vadd.s32 v8, v4;
	(pc) =	sbr.rel @p3 .LBB2_4-.Ltmp3, $2  }
0x1b8: {  	v5 =	vadd.s32 v5, v6;
	_ =	sdelay $0x2  }
0x1b9: {  	s31 =	sadd.s32 $0xFFFFFFFF, s31;
	v6 =	vmov s0;
	vm0 =	veq.s32 v7, v3  }
0x1ba: {  	v7 =	vsel vm0, $0x1, v1;
	vm0 =	vlt.u32 v6, v2  }
0x1bb: {  	v6 =	vnsel vm0, $0x0, v7  }
0x1bc: {  	v4 =	vadd.s32 v7, v4;
	v5 =	vadd.s32 v5, v6  }
0x1bd: {  	vm0 =	veq.s32 v5, v4;
	_ =	sdelay $0x3  }
0x1be: {  	v4 =	vadd.s32 $0x1, v4;
	[tilespmem:$0x110] =	vst v5  }
0x1bf: {  	[tilespmem:$0x210] =	vst v4  }
0x1c0: {  	[tilespmem:v3+s1+$0x0] =	vst.idx.add.s32.msk vm0, v4  }
0x1c1: {  	v3 =	vld [tilespmem:$0x20];
	_ =	sdelay $0x4  }
0x1c2: {  	[tilespmem:$0xA80] =	vst v3  }
0x1c3: {  	s0 =	simm.s32 $0xA8F;
	[tilespmem:$0xA90] =	vst v3  }
0x1c4: {  	v5 =	vld [tilespmem:s0+$0x0];
	_ =	sdelay $0x2  }
0x1c5: {  	s22 =	simm.s32 $0x1  }
0x1c6: {  	v6 =	vmov s22  }
0x1c7: {  	s14 =	simm.s32 $0x2;
	s31 =	simm.s32 $0xA8E;
	v4 =	vimm.s32 $0x0;
	vm0 =	veq.s32 v5, v3;
	v5 =	vimm.s32 $0x0  }
.LBB2_6:
0x1c8: {  	v7 =	vld [tilespmem:s31+$0x0];
	p3 =	sne.s32 s14, $0xF;
	v8 =	vsel vm0, $0x1, v1;
	vm0 =	vlt.u32 v6, v2;
	s0 =	smov.u32 s14;
	s14 =	sadd.s32 $0x1, s14  }
.Ltmp4:
0x1c9: {  	v6 =	vnsel vm0, $0x0, v8;
	v4 =	vadd.s32 v8, v4;
	(pc) =	sbr.rel @p3 .LBB2_6-.Ltmp4, $2  }
0x1ca: {  	v5 =	vadd.s32 v5, v6;
	_ =	sdelay $0x2  }
0x1cb: {  	s31 =	sadd.s32 $0xFFFFFFFF, s31;
	v6 =	vmov s0;
	vm0 =	veq.s32 v7, v3  }
0x1cc: {  	v7 =	vsel vm0, $0x1, v1;
	vm0 =	vlt.u32 v6, v2  }
0x1cd: {  	v6 =	vnsel vm0, $0x0, v7  }
0x1ce: {  	v4 =	vadd.s32 v7, v4;
	v5 =	vadd.s32 v5, v6  }
0x1cf: {  	vm0 =	veq.s32 v5, v4;
	_ =	sdelay $0x3  }
0x1d0: {  	v4 =	vadd.s32 $0x1, v4;
	[tilespmem:$0x120] =	vst v5  }
0x1d1: {  	[tilespmem:$0x220] =	vst v4  }
0x1d2: {  	[tilespmem:v3+s1+$0x0] =	vst.idx.add.s32.msk vm0, v4  }
0x1d3: {  	v3 =	vld [tilespmem:$0x30];
	_ =	sdelay $0x4  }
0x1d4: {  	[tilespmem:$0xA80] =	vst v3  }
0x1d5: {  	s0 =	simm.s32 $0xA8F;
	[tilespmem:$0xA90] =	vst v3  }
0x1d6: {  	v5 =	vld [tilespmem:s0+$0x0];
	_ =	sdelay $0x2  }
0x1d7: {  	s22 =	simm.s32 $0x1  }
0x1d8: {  	v6 =	vmov s22  }
0x1d9: {  	s14 =	simm.s32 $0x2;
	s31 =	simm.s32 $0xA8E;
	v4 =	vimm.s32 $0x0;
	vm0 =	veq.s32 v5, v3;
	v5 =	vimm.s32 $0x0  }
.LBB2_8:
0x1da: {  	v7 =	vld [tilespmem:s31+$0x0];
	p3 =	sne.s32 s14, $0xF;
	v8 =	vsel vm0, $0x1, v1;
	vm0 =	vlt.u32 v6, v2;
	s0 =	smov.u32 s14;
	s14 =	sadd.s32 $0x1, s14  }
.Ltmp5:
0x1db: {  	v6 =	vnsel vm0, $0x0, v8;
	v4 =	vadd.s32 v8, v4;
	(pc) =	sbr.rel @p3 .LBB2_8-.Ltmp5, $2  }
0x1dc: {  	v5 =	vadd.s32 v5, v6;
	_ =	sdelay $0x2  }
0x1dd: {  	s31 =	sadd.s32 $0xFFFFFFFF, s31;
	v6 =	vmov s0;
	vm0 =	veq.s32 v7, v3  }
0x1de: {  	v7 =	vsel vm0, $0x1, v1;
	vm0 =	vlt.u32 v6, v2  }
0x1df: {  	v6 =	vnsel vm0, $0x0, v7  }
0x1e0: {  	v4 =	vadd.s32 v7, v4;
	v5 =	vadd.s32 v5, v6  }
0x1e1: {  	vm0 =	veq.s32 v5, v4;
	_ =	sdelay $0x3  }
0x1e2: {  	v4 =	vadd.s32 $0x1, v4;
	[tilespmem:$0x130] =	vst v5  }
0x1e3: {  	[tilespmem:$0x230] =	vst v4  }
0x1e4: {  	[tilespmem:v3+s1+$0x0] =	vst.idx.add.s32.msk vm0, v4  }
0x1e5: {  	v3 =	vld [tilespmem:$0x40];
	_ =	sdelay $0x4  }
0x1e6: {  	[tilespmem:$0xA80] =	vst v3  }
0x1e7: {  	s0 =	simm.s32 $0xA8F;
	[tilespmem:$0xA90] =	vst v3  }
0x1e8: {  	v5 =	vld [tilespmem:s0+$0x0];
	_ =	sdelay $0x2  }
0x1e9: {  	s22 =	simm.s32 $0x1  }
0x1ea: {  	v6 =	vmov s22  }
0x1eb: {  	s14 =	simm.s32 $0x2;
	s31 =	simm.s32 $0xA8E;
	v4 =	vimm.s32 $0x0;
	vm0 =	veq.s32 v5, v3;
	v5 =	vimm.s32 $0x0  }
.LBB2_10:
0x1ec: {  	v7 =	vld [tilespmem:s31+$0x0];
	p3 =	sne.s32 s14, $0xF;
	v8 =	vsel vm0, $0x1, v1;
	vm0 =	vlt.u32 v6, v2;
	s0 =	smov.u32 s14;
	s14 =	sadd.s32 $0x1, s14  }
.Ltmp6:
0x1ed: {  	v6 =	vnsel vm0, $0x0, v8;
	v4 =	vadd.s32 v8, v4;
	(pc) =	sbr.rel @p3 .LBB2_10-.Ltmp6, $2  }
0x1ee: {  	v5 =	vadd.s32 v5, v6;
	_ =	sdelay $0x2  }
0x1ef: {  	s31 =	sadd.s32 $0xFFFFFFFF, s31;
	v6 =	vmov s0;
	vm0 =	veq.s32 v7, v3  }
0x1f0: {  	v7 =	vsel vm0, $0x1, v1;
	vm0 =	vlt.u32 v6, v2  }
0x1f1: {  	v6 =	vnsel vm0, $0x0, v7  }
0x1f2: {  	v4 =	vadd.s32 v7, v4;
	v5 =	vadd.s32 v5, v6  }
0x1f3: {  	vm0 =	veq.s32 v5, v4;
	_ =	sdelay $0x3  }
0x1f4: {  	v4 =	vadd.s32 $0x1, v4;
	[tilespmem:$0x140] =	vst v5  }
0x1f5: {  	[tilespmem:$0x240] =	vst v4  }
0x1f6: {  	[tilespmem:v3+s1+$0x0] =	vst.idx.add.s32.msk vm0, v4  }
0x1f7: {  	v3 =	vld [tilespmem:$0x50];
	_ =	sdelay $0x4  }
0x1f8: {  	[tilespmem:$0xA80] =	vst v3  }
0x1f9: {  	s0 =	simm.s32 $0xA8F;
	[tilespmem:$0xA90] =	vst v3  }
0x1fa: {  	v5 =	vld [tilespmem:s0+$0x0];
	_ =	sdelay $0x2  }
0x1fb: {  	s22 =	simm.s32 $0x1  }
0x1fc: {  	v6 =	vmov s22  }
0x1fd: {  	s14 =	simm.s32 $0x2;
	s31 =	simm.s32 $0xA8E;
	v4 =	vimm.s32 $0x0;
	vm0 =	veq.s32 v5, v3;
	v5 =	vimm.s32 $0x0  }
.LBB2_12:
0x1fe: {  	v7 =	vld [tilespmem:s31+$0x0];
	p3 =	sne.s32 s14, $0xF;
	v8 =	vsel vm0, $0x1, v1;
	vm0 =	vlt.u32 v6, v2;
	s0 =	smov.u32 s14;
	s14 =	sadd.s32 $0x1, s14  }
.Ltmp7:
0x1ff: {  	v6 =	vnsel vm0, $0x0, v8;
	v4 =	vadd.s32 v8, v4;
	(pc) =	sbr.rel @p3 .LBB2_12-.Ltmp7, $2  }
0x200: {  	v5 =	vadd.s32 v5, v6;
	_ =	sdelay $0x2  }
0x201: {  	s31 =	sadd.s32 $0xFFFFFFFF, s31;
	v6 =	vmov s0;
	vm0 =	veq.s32 v7, v3  }
0x202: {  	v7 =	vsel vm0, $0x1, v1;
	vm0 =	vlt.u32 v6, v2  }
0x203: {  	v6 =	vnsel vm0, $0x0, v7  }
0x204: {  	v4 =	vadd.s32 v7, v4;
	v5 =	vadd.s32 v5, v6  }
0x205: {  	vm0 =	veq.s32 v5, v4;
	_ =	sdelay $0x3  }
0x206: {  	v4 =	vadd.s32 $0x1, v4;
	[tilespmem:$0x150] =	vst v5  }
0x207: {  	[tilespmem:$0x250] =	vst v4  }
0x208: {  	[tilespmem:v3+s1+$0x0] =	vst.idx.add.s32.msk vm0, v4  }
0x209: {  	v3 =	vld [tilespmem:$0x60];
	_ =	sdelay $0x4  }
0x20a: {  	[tilespmem:$0xA80] =	vst v3  }
0x20b: {  	s0 =	simm.s32 $0xA8F;
	[tilespmem:$0xA90] =	vst v3  }
0x20c: {  	v5 =	vld [tilespmem:s0+$0x0];
	_ =	sdelay $0x2  }
0x20d: {  	s22 =	simm.s32 $0x1  }
0x20e: {  	v6 =	vmov s22  }
0x20f: {  	s14 =	simm.s32 $0x2;
	s31 =	simm.s32 $0xA8E;
	v4 =	vimm.s32 $0x0;
	vm0 =	veq.s32 v5, v3;
	v5 =	vimm.s32 $0x0  }
.LBB2_14:
0x210: {  	v7 =	vld [tilespmem:s31+$0x0];
	p3 =	sne.s32 s14, $0xF;
	v8 =	vsel vm0, $0x1, v1;
	vm0 =	vlt.u32 v6, v2;
	s0 =	smov.u32 s14;
	s14 =	sadd.s32 $0x1, s14  }
.Ltmp8:
0x211: {  	v6 =	vnsel vm0, $0x0, v8;
	v4 =	vadd.s32 v8, v4;
	(pc) =	sbr.rel @p3 .LBB2_14-.Ltmp8, $2  }
0x212: {  	v5 =	vadd.s32 v5, v6;
	_ =	sdelay $0x2  }
0x213: {  	s31 =	sadd.s32 $0xFFFFFFFF, s31;
	v6 =	vmov s0;
	vm0 =	veq.s32 v7, v3  }
0x214: {  	v7 =	vsel vm0, $0x1, v1;
	vm0 =	vlt.u32 v6, v2  }
0x215: {  	v6 =	vnsel vm0, $0x0, v7  }
0x216: {  	v4 =	vadd.s32 v7, v4;
	v5 =	vadd.s32 v5, v6  }
0x217: {  	vm0 =	veq.s32 v5, v4;
	_ =	sdelay $0x3  }
0x218: {  	v4 =	vadd.s32 $0x1, v4;
	[tilespmem:$0x160] =	vst v5  }
0x219: {  	[tilespmem:$0x260] =	vst v4  }
0x21a: {  	[tilespmem:v3+s1+$0x0] =	vst.idx.add.s32.msk vm0, v4  }
0x21b: {  	v3 =	vld [tilespmem:$0x70];
	_ =	sdelay $0x4  }
0x21c: {  	[tilespmem:$0xA80] =	vst v3  }
0x21d: {  	s0 =	simm.s32 $0xA8F;
	[tilespmem:$0xA90] =	vst v3  }
0x21e: {  	v5 =	vld [tilespmem:s0+$0x0];
	_ =	sdelay $0x2  }
0x21f: {  	s22 =	simm.s32 $0x1  }
0x220: {  	v6 =	vmov s22  }
0x221: {  	s14 =	simm.s32 $0x2;
	s31 =	simm.s32 $0xA8E;
	v4 =	vimm.s32 $0x0;
	vm0 =	veq.s32 v5, v3;
	v5 =	vimm.s32 $0x0  }
.LBB2_16:
0x222: {  	v7 =	vld [tilespmem:s31+$0x0];
	p3 =	sne.s32 s14, $0xF;
	v8 =	vsel vm0, $0x1, v1;
	vm0 =	vlt.u32 v6, v2;
	s0 =	smov.u32 s14;
	s14 =	sadd.s32 $0x1, s14  }
.Ltmp9:
0x223: {  	v6 =	vnsel vm0, $0x0, v8;
	v4 =	vadd.s32 v8, v4;
	(pc) =	sbr.rel @p3 .LBB2_16-.Ltmp9, $2  }
0x224: {  	v5 =	vadd.s32 v5, v6;
	_ =	sdelay $0x2  }
0x225: {  	s31 =	sadd.s32 $0xFFFFFFFF, s31;
	v6 =	vmov s0;
	vm0 =	veq.s32 v7, v3  }
0x226: {  	v7 =	vsel vm0, $0x1, v1;
	vm0 =	vlt.u32 v6, v2  }
0x227: {  	v6 =	vnsel vm0, $0x0, v7  }
0x228: {  	v4 =	vadd.s32 v7, v4;
	v5 =	vadd.s32 v5, v6  }
0x229: {  	vm0 =	veq.s32 v5, v4;
	_ =	sdelay $0x3  }
0x22a: {  	v4 =	vadd.s32 $0x1, v4;
	[tilespmem:$0x170] =	vst v5  }
0x22b: {  	[tilespmem:$0x270] =	vst v4  }
0x22c: {  	[tilespmem:v3+s1+$0x0] =	vst.idx.add.s32.msk vm0, v4  }
0x22d: {  	v3 =	vld [tilespmem:$0x80];
	_ =	sdelay $0x4  }
0x22e: {  	[tilespmem:$0xA80] =	vst v3  }
0x22f: {  	s0 =	simm.s32 $0xA8F;
	[tilespmem:$0xA90] =	vst v3  }
0x230: {  	v5 =	vld [tilespmem:s0+$0x0];
	_ =	sdelay $0x2  }
0x231: {  	s22 =	simm.s32 $0x1  }
0x232: {  	v6 =	vmov s22  }
0x233: {  	s14 =	simm.s32 $0x2;
	s31 =	simm.s32 $0xA8E;
	v4 =	vimm.s32 $0x0;
	vm0 =	veq.s32 v5, v3;
	v5 =	vimm.s32 $0x0  }
.LBB2_18:
0x234: {  	v7 =	vld [tilespmem:s31+$0x0];
	p3 =	sne.s32 s14, $0xF;
	v8 =	vsel vm0, $0x1, v1;
	vm0 =	vlt.u32 v6, v2;
	s0 =	smov.u32 s14;
	s14 =	sadd.s32 $0x1, s14  }
.Ltmp10:
0x235: {  	v6 =	vnsel vm0, $0x0, v8;
	v4 =	vadd.s32 v8, v4;
	(pc) =	sbr.rel @p3 .LBB2_18-.Ltmp10, $2  }
0x236: {  	v5 =	vadd.s32 v5, v6;
	_ =	sdelay $0x2  }
0x237: {  	s31 =	sadd.s32 $0xFFFFFFFF, s31;
	v6 =	vmov s0;
	vm0 =	veq.s32 v7, v3  }
0x238: {  	v7 =	vsel vm0, $0x1, v1;
	vm0 =	vlt.u32 v6, v2  }
0x239: {  	v6 =	vnsel vm0, $0x0, v7  }
0x23a: {  	v4 =	vadd.s32 v7, v4;
	v5 =	vadd.s32 v5, v6  }
0x23b: {  	vm0 =	veq.s32 v5, v4;
	_ =	sdelay $0x3  }
0x23c: {  	v4 =	vadd.s32 $0x1, v4;
	[tilespmem:$0x180] =	vst v5  }
0x23d: {  	[tilespmem:$0x280] =	vst v4  }
0x23e: {  	[tilespmem:v3+s1+$0x0] =	vst.idx.add.s32.msk vm0, v4  }
0x23f: {  	v3 =	vld [tilespmem:$0x90];
	_ =	sdelay $0x4  }
0x240: {  	[tilespmem:$0xA80] =	vst v3  }
0x241: {  	s0 =	simm.s32 $0xA8F;
	[tilespmem:$0xA90] =	vst v3  }
0x242: {  	v5 =	vld [tilespmem:s0+$0x0];
	_ =	sdelay $0x2  }
0x243: {  	s22 =	simm.s32 $0x1  }
0x244: {  	v6 =	vmov s22  }
0x245: {  	s14 =	simm.s32 $0x2;
	s31 =	simm.s32 $0xA8E;
	v4 =	vimm.s32 $0x0;
	vm0 =	veq.s32 v5, v3;
	v5 =	vimm.s32 $0x0  }
.LBB2_20:
0x246: {  	v7 =	vld [tilespmem:s31+$0x0];
	p3 =	sne.s32 s14, $0xF;
	v8 =	vsel vm0, $0x1, v1;
	vm0 =	vlt.u32 v6, v2;
	s0 =	smov.u32 s14;
	s14 =	sadd.s32 $0x1, s14  }
.Ltmp11:
0x247: {  	v6 =	vnsel vm0, $0x0, v8;
	v4 =	vadd.s32 v8, v4;
	(pc) =	sbr.rel @p3 .LBB2_20-.Ltmp11, $2  }
0x248: {  	v5 =	vadd.s32 v5, v6;
	_ =	sdelay $0x2  }
0x249: {  	s31 =	sadd.s32 $0xFFFFFFFF, s31;
	v6 =	vmov s0;
	vm0 =	veq.s32 v7, v3  }
0x24a: {  	v7 =	vsel vm0, $0x1, v1;
	vm0 =	vlt.u32 v6, v2  }
0x24b: {  	v6 =	vnsel vm0, $0x0, v7  }
0x24c: {  	v4 =	vadd.s32 v7, v4;
	v5 =	vadd.s32 v5, v6  }
0x24d: {  	vm0 =	veq.s32 v5, v4;
	_ =	sdelay $0x3  }
0x24e: {  	v4 =	vadd.s32 $0x1, v4;
	[tilespmem:$0x190] =	vst v5  }
0x24f: {  	[tilespmem:$0x290] =	vst v4  }
0x250: {  	[tilespmem:v3+s1+$0x0] =	vst.idx.add.s32.msk vm0, v4  }
0x251: {  	v3 =	vld [tilespmem:$0xA0];
	_ =	sdelay $0x4  }
0x252: {  	[tilespmem:$0xA80] =	vst v3  }
0x253: {  	s0 =	simm.s32 $0xA8F;
	[tilespmem:$0xA90] =	vst v3  }
0x254: {  	v5 =	vld [tilespmem:s0+$0x0];
	_ =	sdelay $0x2  }
0x255: {  	s22 =	simm.s32 $0x1  }
0x256: {  	v6 =	vmov s22  }
0x257: {  	s14 =	simm.s32 $0x2;
	s31 =	simm.s32 $0xA8E;
	v4 =	vimm.s32 $0x0;
	vm0 =	veq.s32 v5, v3;
	v5 =	vimm.s32 $0x0  }
.LBB2_22:
0x258: {  	v7 =	vld [tilespmem:s31+$0x0];
	p3 =	sne.s32 s14, $0xF;
	v8 =	vsel vm0, $0x1, v1;
	vm0 =	vlt.u32 v6, v2;
	s0 =	smov.u32 s14;
	s14 =	sadd.s32 $0x1, s14  }
.Ltmp12:
0x259: {  	v6 =	vnsel vm0, $0x0, v8;
	v4 =	vadd.s32 v8, v4;
	(pc) =	sbr.rel @p3 .LBB2_22-.Ltmp12, $2  }
0x25a: {  	v5 =	vadd.s32 v5, v6;
	_ =	sdelay $0x2  }
0x25b: {  	s31 =	sadd.s32 $0xFFFFFFFF, s31;
	v6 =	vmov s0;
	vm0 =	veq.s32 v7, v3  }
0x25c: {  	v7 =	vsel vm0, $0x1, v1;
	vm0 =	vlt.u32 v6, v2  }
0x25d: {  	v6 =	vnsel vm0, $0x0, v7  }
0x25e: {  	v4 =	vadd.s32 v7, v4;
	v5 =	vadd.s32 v5, v6  }
0x25f: {  	vm0 =	veq.s32 v5, v4;
	_ =	sdelay $0x3  }
0x260: {  	v4 =	vadd.s32 $0x1, v4;
	[tilespmem:$0x1A0] =	vst v5  }
0x261: {  	[tilespmem:$0x2A0] =	vst v4  }
0x262: {  	[tilespmem:v3+s1+$0x0] =	vst.idx.add.s32.msk vm0, v4  }
0x263: {  	v3 =	vld [tilespmem:$0xB0];
	_ =	sdelay $0x4  }
0x264: {  	[tilespmem:$0xA80] =	vst v3  }
0x265: {  	s0 =	simm.s32 $0xA8F;
	[tilespmem:$0xA90] =	vst v3  }
0x266: {  	v5 =	vld [tilespmem:s0+$0x0];
	_ =	sdelay $0x2  }
0x267: {  	s22 =	simm.s32 $0x1  }
0x268: {  	v6 =	vmov s22  }
0x269: {  	s14 =	simm.s32 $0x2;
	s31 =	simm.s32 $0xA8E;
	v4 =	vimm.s32 $0x0;
	vm0 =	veq.s32 v5, v3;
	v5 =	vimm.s32 $0x0  }
.LBB2_24:
0x26a: {  	v7 =	vld [tilespmem:s31+$0x0];
	p3 =	sne.s32 s14, $0xF;
	v8 =	vsel vm0, $0x1, v1;
	vm0 =	vlt.u32 v6, v2;
	s0 =	smov.u32 s14;
	s14 =	sadd.s32 $0x1, s14  }
.Ltmp13:
0x26b: {  	v6 =	vnsel vm0, $0x0, v8;
	v4 =	vadd.s32 v8, v4;
	(pc) =	sbr.rel @p3 .LBB2_24-.Ltmp13, $2  }
0x26c: {  	v5 =	vadd.s32 v5, v6;
	_ =	sdelay $0x2  }
0x26d: {  	s31 =	sadd.s32 $0xFFFFFFFF, s31;
	v6 =	vmov s0;
	vm0 =	veq.s32 v7, v3  }
0x26e: {  	v7 =	vsel vm0, $0x1, v1;
	vm0 =	vlt.u32 v6, v2  }
0x26f: {  	v6 =	vnsel vm0, $0x0, v7  }
0x270: {  	v4 =	vadd.s32 v7, v4;
	v5 =	vadd.s32 v5, v6  }
0x271: {  	vm0 =	veq.s32 v5, v4;
	_ =	sdelay $0x3  }
0x272: {  	v4 =	vadd.s32 $0x1, v4;
	[tilespmem:$0x1B0] =	vst v5  }
0x273: {  	[tilespmem:$0x2B0] =	vst v4  }
0x274: {  	[tilespmem:v3+s1+$0x0] =	vst.idx.add.s32.msk vm0, v4  }
0x275: {  	v3 =	vld [tilespmem:$0xC0];
	_ =	sdelay $0x4  }
0x276: {  	[tilespmem:$0xA80] =	vst v3  }
0x277: {  	s0 =	simm.s32 $0xA8F;
	[tilespmem:$0xA90] =	vst v3  }
0x278: {  	v5 =	vld [tilespmem:s0+$0x0];
	_ =	sdelay $0x2  }
0x279: {  	s22 =	simm.s32 $0x1  }
0x27a: {  	v6 =	vmov s22  }
0x27b: {  	s14 =	simm.s32 $0x2;
	s31 =	simm.s32 $0xA8E;
	v4 =	vimm.s32 $0x0;
	vm0 =	veq.s32 v5, v3;
	v5 =	vimm.s32 $0x0  }
.LBB2_26:
0x27c: {  	v7 =	vld [tilespmem:s31+$0x0];
	p3 =	sne.s32 s14, $0xF;
	v8 =	vsel vm0, $0x1, v1;
	vm0 =	vlt.u32 v6, v2;
	s0 =	smov.u32 s14;
	s14 =	sadd.s32 $0x1, s14  }
.Ltmp14:
0x27d: {  	v6 =	vnsel vm0, $0x0, v8;
	v4 =	vadd.s32 v8, v4;
	(pc) =	sbr.rel @p3 .LBB2_26-.Ltmp14, $2  }
0x27e: {  	v5 =	vadd.s32 v5, v6;
	_ =	sdelay $0x2  }
0x27f: {  	s31 =	sadd.s32 $0xFFFFFFFF, s31;
	v6 =	vmov s0;
	vm0 =	veq.s32 v7, v3  }
0x280: {  	v7 =	vsel vm0, $0x1, v1;
	vm0 =	vlt.u32 v6, v2  }
0x281: {  	v6 =	vnsel vm0, $0x0, v7  }
0x282: {  	v4 =	vadd.s32 v7, v4;
	v5 =	vadd.s32 v5, v6  }
0x283: {  	vm0 =	veq.s32 v5, v4;
	_ =	sdelay $0x3  }
0x284: {  	v4 =	vadd.s32 $0x1, v4;
	[tilespmem:$0x1C0] =	vst v5  }
0x285: {  	[tilespmem:$0x2C0] =	vst v4  }
0x286: {  	[tilespmem:v3+s1+$0x0] =	vst.idx.add.s32.msk vm0, v4  }
0x287: {  	v3 =	vld [tilespmem:$0xD0];
	_ =	sdelay $0x4  }
0x288: {  	[tilespmem:$0xA80] =	vst v3  }
0x289: {  	s0 =	simm.s32 $0xA8F;
	[tilespmem:$0xA90] =	vst v3  }
0x28a: {  	v5 =	vld [tilespmem:s0+$0x0];
	_ =	sdelay $0x2  }
0x28b: {  	s22 =	simm.s32 $0x1  }
0x28c: {  	v6 =	vmov s22  }
0x28d: {  	s14 =	simm.s32 $0x2;
	s31 =	simm.s32 $0xA8E;
	v4 =	vimm.s32 $0x0;
	vm0 =	veq.s32 v5, v3;
	v5 =	vimm.s32 $0x0  }
.LBB2_28:
0x28e: {  	v7 =	vld [tilespmem:s31+$0x0];
	p3 =	sne.s32 s14, $0xF;
	v8 =	vsel vm0, $0x1, v1;
	vm0 =	vlt.u32 v6, v2;
	s0 =	smov.u32 s14;
	s14 =	sadd.s32 $0x1, s14  }
.Ltmp15:
0x28f: {  	v6 =	vnsel vm0, $0x0, v8;
	v4 =	vadd.s32 v8, v4;
	(pc) =	sbr.rel @p3 .LBB2_28-.Ltmp15, $2  }
0x290: {  	v5 =	vadd.s32 v5, v6;
	_ =	sdelay $0x2  }
0x291: {  	s31 =	sadd.s32 $0xFFFFFFFF, s31;
	v6 =	vmov s0;
	vm0 =	veq.s32 v7, v3  }
0x292: {  	v7 =	vsel vm0, $0x1, v1;
	vm0 =	vlt.u32 v6, v2  }
0x293: {  	v6 =	vnsel vm0, $0x0, v7  }
0x294: {  	v4 =	vadd.s32 v7, v4;
	v5 =	vadd.s32 v5, v6  }
0x295: {  	vm0 =	veq.s32 v5, v4;
	_ =	sdelay $0x3  }
0x296: {  	v4 =	vadd.s32 $0x1, v4;
	[tilespmem:$0x1D0] =	vst v5  }
0x297: {  	[tilespmem:$0x2D0] =	vst v4  }
0x298: {  	[tilespmem:v3+s1+$0x0] =	vst.idx.add.s32.msk vm0, v4  }
0x299: {  	v3 =	vld [tilespmem:$0xE0];
	_ =	sdelay $0x4  }
0x29a: {  	[tilespmem:$0xA80] =	vst v3  }
0x29b: {  	s0 =	simm.s32 $0xA8F;
	[tilespmem:$0xA90] =	vst v3  }
0x29c: {  	v5 =	vld [tilespmem:s0+$0x0];
	_ =	sdelay $0x2  }
0x29d: {  	s22 =	simm.s32 $0x1  }
0x29e: {  	v6 =	vmov s22  }
0x29f: {  	s14 =	simm.s32 $0x2;
	s31 =	simm.s32 $0xA8E;
	v4 =	vimm.s32 $0x0;
	vm0 =	veq.s32 v5, v3;
	v5 =	vimm.s32 $0x0  }
.LBB2_30:
0x2a0: {  	v7 =	vld [tilespmem:s31+$0x0];
	p3 =	sne.s32 s14, $0xF;
	v8 =	vsel vm0, $0x1, v1;
	vm0 =	vlt.u32 v6, v2;
	s0 =	smov.u32 s14;
	s14 =	sadd.s32 $0x1, s14  }
.Ltmp16:
0x2a1: {  	v6 =	vnsel vm0, $0x0, v8;
	v4 =	vadd.s32 v8, v4;
	(pc) =	sbr.rel @p3 .LBB2_30-.Ltmp16, $2  }
0x2a2: {  	v5 =	vadd.s32 v5, v6;
	_ =	sdelay $0x2  }
0x2a3: {  	s31 =	sadd.s32 $0xFFFFFFFF, s31;
	v6 =	vmov s0;
	vm0 =	veq.s32 v7, v3  }
0x2a4: {  	v7 =	vsel vm0, $0x1, v1;
	vm0 =	vlt.u32 v6, v2  }
0x2a5: {  	v6 =	vnsel vm0, $0x0, v7  }
0x2a6: {  	v4 =	vadd.s32 v7, v4;
	v5 =	vadd.s32 v5, v6  }
0x2a7: {  	vm0 =	veq.s32 v5, v4;
	_ =	sdelay $0x3  }
0x2a8: {  	v4 =	vadd.s32 $0x1, v4;
	[tilespmem:$0x1E0] =	vst v5  }
0x2a9: {  	[tilespmem:$0x2E0] =	vst v4  }
0x2aa: {  	[tilespmem:v3+s1+$0x0] =	vst.idx.add.s32.msk vm0, v4  }
0x2ab: {  	v3 =	vld [tilespmem:$0xF0];
	_ =	sdelay $0x4  }
0x2ac: {  	[tilespmem:$0xA80] =	vst v3  }
0x2ad: {  	s0 =	simm.s32 $0xA8F;
	[tilespmem:$0xA90] =	vst v3  }
0x2ae: {  	v5 =	vld [tilespmem:s0+$0x0];
	_ =	sdelay $0x2  }
0x2af: {  	s22 =	simm.s32 $0x1  }
0x2b0: {  	v6 =	vmov s22  }
0x2b1: {  	s14 =	simm.s32 $0x2;
	s31 =	simm.s32 $0xA8E;
	v4 =	vimm.s32 $0x0;
	vm0 =	veq.s32 v5, v3;
	v5 =	vimm.s32 $0x0  }
.LBB2_32:
0x2b2: {  	v7 =	vld [tilespmem:s31+$0x0];
	p3 =	sne.s32 s14, $0xF;
	v8 =	vsel vm0, $0x1, v1;
	vm0 =	vlt.u32 v6, v2;
	s0 =	smov.u32 s14;
	s14 =	sadd.s32 $0x1, s14  }
.Ltmp17:
0x2b3: {  	v6 =	vnsel vm0, $0x0, v8;
	v4 =	vadd.s32 v8, v4;
	(pc) =	sbr.rel @p3 .LBB2_32-.Ltmp17, $2  }
0x2b4: {  	v5 =	vadd.s32 v5, v6;
	_ =	sdelay $0x2  }
0x2b5: {  	s31 =	sadd.s32 $0xFFFFFFFF, s31;
	v6 =	vmov s0;
	vm0 =	veq.s32 v7, v3  }
0x2b6: {  	v7 =	vsel vm0, $0x1, v1;
	vm7 =	vlt.u32 v6, v2  }
0x2b7: {  	v6 =	vnsel vm7, $0x0, v7  }
0x2b8: {  	v4 =	vadd.s32 v7, v4;
	v5 =	vadd.s32 v5, v6  }
0x2b9: {  	vm8 =	veq.s32 v5, v4;
	_ =	sdelay $0x3  }
0x2ba: {  	v4 =	vadd.s32 $0x1, v4;
	[tilespmem:$0x1F0] =	vst v5  }
0x2bb: {  	[tilespmem:$0x2F0] =	vst v4  }
0x2bc: {  	s0 =	rddreg [dreg:$0x7];
	[tilespmem:v3+s1+$0x0] =	vst.idx.add.s32.msk vm8, v4  }
0x2bd: {  	[spmem:s0] =	stream.linear.scatter [tilespmem:s1], [sflag:$0x3], $0x40, $0x38;
	[tilespmem:$0x10CC0] =	vst v63  }
0x2be: {  	_ =	swait.ge [sflag:s2], $0x40  }
0x2bf: {  	[sflag:s2] =	ssyncset.done $0x0  }
0x2c0: {  	[sflag:s2] =	ssyncadd.s32 $0xFFFFFFC0  }
0x2c1: {  	[bflag:$0x0] =	sbarrier.arrive $0xFFFF  }
0x2c2: {  	s14 =	simm.s32 $0x480;
	s13 =	rddreg [dreg:$0x4]  }
0x2c3: {  	[tilespmem:s14], [sflag:$0x3] =	stream.linear.gather [spmem:s13], $0x400, $0x38;
	[tilespmem:$0x10CC0] =	vst v63  }
0x2c4: {  	_ =	swait.ge [sflag:s2], $0x400  }
0x2c5: {  	[sflag:s2] =	ssyncset.done $0x0  }
0x2c6: {  	[sflag:s2] =	ssyncadd.s32 $0xFFFFFC00  }
0x2c7: {  	v16 =	vld [tilespmem:$0x480]  }
0x2c8: {  	v17 =	vld [tilespmem:$0x4C0]  }
0x2c9: {  	v15 =	vld [tilespmem:$0x500]  }
0x2ca: {  	v14 =	vld [tilespmem:$0x540]  }
0x2cb: {  	v13 =	vld [tilespmem:$0x580]  }
0x2cc: {  	v12 =	vld [tilespmem:$0x5C0]  }
0x2cd: {  	v11 =	vld [tilespmem:$0x600]  }
0x2ce: {  	v10 =	vld [tilespmem:$0x640]  }
0x2cf: {  	v9 =	vld [tilespmem:$0x680]  }
0x2d0: {  	v8 =	vld [tilespmem:$0x6C0]  }
0x2d1: {  	v7 =	vld [tilespmem:$0x700]  }
0x2d2: {  	v19 =	vld [tilespmem:$0x4A0]  }
0x2d3: {  	v18 =	vld [tilespmem:$0x4B0]  }
0x2d4: {  	v21 =	vld [tilespmem:$0x4F0]  }
0x2d5: {  	v24 =	vld [tilespmem:$0x530]  }
0x2d6: {  	s19 =	sld [smem:$0x7FD];
	v25 =	vld [tilespmem:$0x570]  }
0x2d7: {  	s22 =	sld [smem:$0x7FC];
	v26 =	vld [tilespmem:$0x5B0]  }
0x2d8: {  	s31 =	sld [smem:$0x7FB];
	v27 =	vld [tilespmem:$0x5F0]  }
0x2d9: {  	s1 =	sld [smem:$0x7FA];
	v30 =	vld [tilespmem:$0x630]  }
0x2da: {  	s3 =	sld [smem:$0x7F9];
	v54 =	vld [tilespmem:$0x670]  }
0x2db: {  	s6 =	sld [smem:$0x7F8];
	v56 =	vld [tilespmem:$0x6B0]  }
0x2dc: {  	s11 =	sld [smem:$0x7F7];
	v31 =	vld [tilespmem:$0x4E0]  }
0x2dd: {  	s12 =	sld [smem:$0x7F6];
	v58 =	vld [tilespmem:$0x6F0];
	p1 =	seq.s32 s19, $0x1  }
0x2de: {  	s13 =	sld [smem:$0x7F5];
	v43 =	vld [tilespmem:$0x520];
	p4 =	seq.s32 s22, $0x1;
	p5 =	seq.s32 s31, $0x1;
	v28 =	vpsel p1, $0x0, v18  }
0x2df: {  	v60 =	vld [tilespmem:$0x730];
	p0 =	seq.s32 s1, $0x1;
	p6 =	seq.s32 s3, $0x1;
	p3 =	seq.s32 s6, $0x1;
	v29 =	vpsel !p4, $0x0, v21;
	v18 =	vadd.s32 v18, v21;
	v53 =	vpsel !p5, $0x0, v24  }
0x2e0: {  	s14 =	sld [smem:$0x7F4];
	v45 =	vld [tilespmem:$0x560];
	p2 =	seq.s32 s11, $0x1;
	v55 =	vpsel !p0, $0x0, v25;
	v57 =	vpsel !p6, $0x0, v26;
	v59 =	vpsel !p3, $0x0, v27  }
0x2e1: {  	v62 =	vld [tilespmem:$0x770];
	s19 =	sld [smem:$0x7F1];
	v61 =	vpsel !p2, $0x0, v30;
	v51 =	vpsel p1, $0x0, v19;
	v32 =	vpsel !p4, $0x0, v31  }
0x2e2: {  	v33 =	vld [tilespmem:$0x7B0];
	s22 =	sld [smem:$0x7F0];
	p3 =	seq.s32 s12, $0x1;
	p2 =	seq.s32 s13, $0x1;
	v19 =	vadd.s32 v19, v31;
	v52 =	vadd.s32 v28, v29;
	v18 =	vadd.s32 v18, v24  }
0x2e3: {  	v6 =	vld [tilespmem:$0x740];
	s31 =	sld [smem:$0x7EF];
	v63 =	vpsel !p3, $0x0, v54;
	v34 =	vpsel !p2, $0x0, v56;
	p3 =	seq.s32 s14, $0x1;
	v19 =	vadd.s32 v19, v43  }
0x2e4: {  	v47 =	vld [tilespmem:$0x5A0];
	s3 =	sld [smem:$0x7FA];
	p2 =	seq.s32 s19, $0x1;
	v21 =	vadd.s32 v52, v53;
	v18 =	vadd.s32 v18, v25;
	v36 =	vpsel !p3, $0x0, v58  }
0x2e5: {  	v35 =	vld [tilespmem:$0x7F0];
	v37 =	vpsel !p2, $0x0, v60;
	p2 =	seq.s32 s22, $0x1;
	v52 =	vpsel !p5, $0x0, v43;
	v19 =	vadd.s32 v19, v45  }
0x2e6: {  	v49 =	vld [tilespmem:$0x5E0];
	s1 =	sld [smem:$0x7EE];
	p3 =	seq.s32 s31, $0x1;
	v21 =	vadd.s32 v21, v55;
	v18 =	vadd.s32 v18, v26;
	v44 =	vpsel !p2, $0x0, v62  }
0x2e7: {  	v50 =	vld [tilespmem:$0x620];
	p0 =	seq.s32 s3, $0x1;
	v46 =	vpsel !p3, $0x0, v33;
	v21 =	vadd.s32 v21, v57;
	v18 =	vadd.s32 v18, v27  }
0x2e8: {  	v5 =	vld [tilespmem:$0x780];
	v55 =	vpsel !p0, $0x0, v45;
	v21 =	vadd.s32 v21, v59;
	v18 =	vadd.s32 v18, v30  }
0x2e9: {  	v23 =	vld [tilespmem:$0x490];
	p3 =	seq.s32 s1, $0x1;
	v19 =	vadd.s32 v19, v47;
	v21 =	vadd.s32 v21, v61;
	v18 =	vadd.s32 v18, v54  }
0x2ea: {  	v22 =	vld [tilespmem:$0x4D0];
	s6 =	sld [smem:$0x7F8];
	v48 =	vpsel !p3, $0x0, v35;
	v21 =	vadd.s32 v21, v63;
	v18 =	vadd.s32 v18, v56  }
0x2eb: {  	v38 =	vld [tilespmem:$0x830];
	s11 =	sld [smem:$0x7F7];
	v19 =	vadd.s32 v19, v49;
	v21 =	vadd.s32 v21, v34;
	v18 =	vadd.s32 v18, v58  }
0x2ec: {  	v19 =	vadd.s32 v19, v50;
	v63 =	vld [tilespmem:$0x510];
	v21 =	vadd.s32 v21, v36;
	v18 =	vadd.s32 v18, v60  }
0x2ed: {  	p3 =	seq.s32 s6, $0x1;
	v61 =	vld [tilespmem:$0x760];
	v58 =	vpsel !p6, $0x0, v47;
	v21 =	vadd.s32 v21, v37;
	v18 =	vadd.s32 v18, v62  }
0x2ee: {  	v41 =	vld [tilespmem:$0x7A0];
	v60 =	vpsel !p3, $0x0, v49;
	p3 =	seq.s32 s11, $0x1;
	v21 =	vadd.s32 v21, v44;
	v18 =	vadd.s32 v18, v33  }
0x2ef: {  	s12 =	sld [smem:$0x7F6];
	v53 =	vld [tilespmem:$0x6A0];
	v62 =	vpsel !p3, $0x0, v50;
	v21 =	vadd.s32 v21, v46;
	v29 =	vadd.s32 v18, v35  }
0x2f0: {  	s31 =	sld [smem:$0x7EF];
	v33 =	vld [tilespmem:$0x660];
	v35 =	vadd.s32 v23, v22;
	v23 =	vpsel p1, $0x0, v23;
	v22 =	vpsel !p4, $0x0, v22  }
0x2f1: {  	s13 =	sld [smem:$0x7F5];
	v44 =	vld [tilespmem:$0x7E0];
	v30 =	vpsel !p5, $0x0, v63;
	v18 =	vadd.s32 v21, v48;
	v21 =	vadd.s32 v29, v38  }
0x2f2: {  	s1 =	sld [smem:$0x7EE];
	v56 =	vld [tilespmem:$0x6E0];
	v29 =	vadd.s32 v51, v32;
	v48 =	vpsel !p2, $0x0, v61;
	v51 =	vadd.s32 v16, v17  }
0x2f3: {  	v46 =	vld [tilespmem:$0x550];
	p2 =	seq.s32 s31, $0x1;
	v35 =	vadd.s32 v35, v63;
	v22 =	vadd.s32 v23, v22;
	v54 =	vadd.s32 v29, v52  }
0x2f4: {  	v59 =	vld [tilespmem:$0x720];
	p3 =	seq.s32 s12, $0x1;
	v27 =	vpsel !p2, $0x0, v41;
	v22 =	vadd.s32 v22, v30;
	v57 =	vadd.s32 v54, v55  }
0x2f5: {  	v4 =	vld [tilespmem:$0x7C0];
	s14 =	sld [smem:$0x7F4];
	p2 =	seq.s32 s1, $0x1;
	v26 =	vadd.s32 v57, v58;
	v40 =	vpsel !p3, $0x0, v33;
	v19 =	vadd.s32 v19, v33;
	p3 =	seq.s32 s13, $0x1  }
0x2f6: {  	v31 =	vld [tilespmem:$0x820];
	s19 =	sld [smem:$0x7F1];
	v33 =	vpsel !p2, $0x0, v44;
	v26 =	vadd.s32 v26, v60;
	v43 =	vpsel !p3, $0x0, v53  }
0x2f7: {  	v34 =	vld [tilespmem:$0x860];
	v19 =	vadd.s32 v19, v53;
	v53 =	vadd.s32 v51, v15;
	v39 =	vadd.s32 v26, v62  }
0x2f8: {  	v50 =	vld [tilespmem:$0x590];
	p3 =	seq.s32 s14, $0x1;
	v55 =	vadd.s32 v35, v46;
	v19 =	vadd.s32 v19, v56;
	v24 =	vadd.s32 v39, v40  }
0x2f9: {  	v37 =	vld [tilespmem:$0x690];
	v45 =	vpsel !p3, $0x0, v56;
	p3 =	seq.s32 s19, $0x1;
	v29 =	vadd.s32 v19, v59;
	v24 =	vadd.s32 v24, v43  }
0x2fa: {  	v52 =	vld [tilespmem:$0x5D0];
	v47 =	vpsel !p3, $0x0, v59;
	v49 =	vadd.s32 v29, v61;
	v24 =	vadd.s32 v24, v45  }
0x2fb: {  	s22 =	sld [smem:$0x7ED];
	v54 =	vld [tilespmem:$0x610];
	v32 =	vpsel !p0, $0x0, v46;
	v25 =	vadd.s32 v49, v41;
	v24 =	vadd.s32 v24, v47  }
0x2fc: {  	v36 =	vld [tilespmem:$0x650];
	s12 =	sld [smem:$0x7F5];
	v22 =	vadd.s32 v22, v32;
	v25 =	vadd.s32 v25, v44;
	v24 =	vadd.s32 v24, v48  }
0x2fd: {  	v3 =	vld [tilespmem:$0x800];
	v26 =	vpsel !p6, $0x0, v50;
	v25 =	vadd.s32 v25, v31;
	v24 =	vadd.s32 v24, v27  }
0x2fe: {  	s3 =	sld [smem:$0x7F8];
	v56 =	vld [tilespmem:$0x6D0];
	p3 =	seq.s32 s22, $0x1;
	v27 =	vadd.s32 v53, v14;
	v25 =	vadd.s32 v25, v34;
	v34 =	vadd.s32 v55, v50  }
0x2ff: {  	p0 =	seq.s32 s12, $0x1;
	v19 =	vpsel !p3, $0x0, v38;
	v38 =	vld [tilespmem:$0x710];
	v27 =	vadd.s32 v27, v13;
	v34 =	vadd.s32 v34, v52  }
0x300: {  	v51 =	vpsel !p0, $0x0, v37;
	v39 =	vld [tilespmem:$0x750];
	v27 =	vadd.s32 v27, v12;
	v57 =	vadd.s32 v34, v54  }
0x301: {  	p1 =	seq.s32 s3, $0x1;
	v22 =	vadd.s32 v22, v26;
	v34 =	vld [tilespmem:$0x790];
	v27 =	vadd.s32 v27, v11;
	v23 =	vadd.s32 v57, v36  }
0x302: {  	v40 =	vld [tilespmem:$0x7D0];
	v59 =	vpsel !p1, $0x0, v52;
	v27 =	vadd.s32 v27, v10;
	v23 =	vadd.s32 v23, v37  }
0x303: {  	v30 =	vld [tilespmem:$0x810];
	v22 =	vadd.s32 v22, v59;
	v27 =	vadd.s32 v27, v9;
	v23 =	vadd.s32 v23, v56  }
0x304: {  	v41 =	vld [tilespmem:$0x850];
	v25 =	vadd.s32 $0x7F, v25;
	v27 =	vadd.s32 v27, v8;
	v23 =	vadd.s32 v23, v38  }
0x305: {  	v20 =	vld [tilespmem:$0x840];
	v45 =	vshra.s32 v25, $0x1F;
	v27 =	vadd.s32 v27, v7;
	v23 =	vadd.s32 v23, v39  }
0x306: {  	v46 =	vand.u32 $0x7F, v25;
	v27 =	vadd.s32 v27, v6;
	v23 =	vadd.s32 v23, v34  }
0x307: {  	vm12 =	vlt.s32 v25, $0x1;
	v27 =	vadd.s32 v27, v5;
	v23 =	vadd.s32 v23, v40  }
0x308: {  	vm13 =	vne.s32 v46, $0x0;
	v27 =	vadd.s32 v27, v4;
	v23 =	vadd.s32 v23, v30  }
0x309: {  	v58 =	vadd.s32 v27, v3;
	v23 =	vadd.s32 v23, v41;
	v27 =	vshrl.u32 v45, $0x19  }
0x30a: {  	v20 =	vadd.s32 v58, v20;
	v23 =	vadd.s32 $0x7F, v23;
	v25 =	vadd.s32 v27, v25  }
0x30b: {  	v20 =	vadd.s32 $0x7F, v20;
	v63 =	vshra.s32 v23, $0x1F;
	v41 =	vand.u32 $0x7F, v23  }
0x30c: {  	s6 =	sld [smem:$0x7F7];
	vm10 =	vlt.s32 v23, $0x1;
	v60 =	vshra.s32 v20, $0x1F;
	v61 =	vand.u32 $0x7F, v20  }
0x30d: {  	s11 =	sld [smem:$0x7F6];
	vm9 =	vlt.s32 v20, $0x1;
	v32 =	vshrl.u32 v63, $0x19;
	v26 =	vshrl.u32 v60, $0x19  }
0x30e: {  	s31 =	sld [smem:$0x7FB];
	vm11 =	vne.s32 v41, $0x0;
	vm1 =	vne.s32 v61, $0x0;
	v20 =	vadd.s32 v26, v20  }
0x30f: {  	s19 =	sld [smem:$0x7FD];
	vm0 =	vmand vm9, vm1;
	v26 =	vadd.s32 v32, v23;
	v20 =	vshra.s32 v20, $0x7  }
0x310: {  	s22 =	sld [smem:$0x7FC];
	v62 =	vsel vm0, $0xFFFFFFFF, v1;
	v43 =	vshra.s32 v26, $0x7;
	vm0 =	vmand vm10, vm11  }
0x311: {  	s13 =	sld [smem:$0x7F4];
	v20 =	vadd.s32 v62, v20;
	v44 =	vsel vm0, $0xFFFFFFFF, v1;
	vm0 =	vmand vm12, vm13  }
0x312: {  	s1 =	sld [smem:$0x7FA];
	p2 =	seq.s32 s6, $0x1;
	p5 =	seq.s32 s19, $0x1;
	v25 =	vshra.s32 v25, $0x7;
	(xrf0) =	vadd.scan.msk.s32 $0xffff, v20;
	v23 =	vadd.s32 v44, v43;
	v49 =	vsel vm0, $0xFFFFFFFF, v1  }
0x313: {  	s14 =	sld [smem:$0x7F1];
	p1 =	seq.s32 s11, $0x1;
	v47 =	vld [tilespmem:$0x870];
	v16 =	vpsel p5, $0x0, v16;
	p5 =	seq.s32 s22, $0x1;
	v48 =	vpsel !p2, $0x0, v54;
	(xrf0) =	vadd.scan.msk.s32 $0xffff, v23;
	v25 =	vadd.s32 v49, v25  }
0x314: {  	s3 =	sld [smem:$0x7F9];
	p4 =	seq.s32 s13, $0x1;
	v17 =	vpsel !p5, $0x0, v17;
	p5 =	seq.s32 s31, $0x1;
	v22 =	vadd.s32 v22, v48;
	v50 =	vpsel !p1, $0x0, v36;
	(xrf0) =	vadd.scan.msk.s32 $0xffff, v25  }
0x315: {  	s6 =	sld [smem:$0x7F8];
	v53 =	vpsel !p4, $0x0, v56;
	v16 =	vadd.s32 v16, v17;
	v15 =	vpsel !p5, $0x0, v15  }
0x316: {  	p6 =	por p3, p3;
	p5 =	seq.s32 s1, $0x1;
	v22 =	vadd.s32 v22, v50;
	v52 =	vpsel !p3, $0x0, v31;
	p3 =	seq.s32 s14, $0x1;
	v15 =	vadd.s32 v16, v15  }
0x317: {  	v14 =	vpsel !p5, $0x0, v14;
	p5 =	seq.s32 s3, $0x1;
	v22 =	vadd.s32 v22, v51;
	v55 =	vpsel !p3, $0x0, v38  }
0x318: {  	s11 =	sld [smem:$0x7F0];
	v14 =	vadd.s32 v15, v14;
	v13 =	vpsel !p5, $0x0, v13;
	p5 =	seq.s32 s6, $0x1;
	v21 =	vadd.s32 v21, v47;
	v54, _, _ =	vpop (xrf0)  }
0x319: {  	v13 =	vadd.s32 v14, v13;
	v12 =	vpsel !p5, $0x0, v12;
	v56, _, _ =	vpop (xrf0);
	(v2sf) =	vpush v54, $0xF  }
0x31a: {  	v11 =	vpsel !p2, $0x0, v11;
	v12 =	vadd.s32 v13, v12;
	(v2sf) =	vpush v56, $0xF;
	v58, _, _ =	vpop (xrf0)  }
0x31b: {  	p5 =	seq.s32 s11, $0x1;
	v10 =	vpsel !p1, $0x0, v10;
	v11 =	vadd.s32 v12, v11;
	(v2sf) =	vpush v58, $0xF  }
0x31c: {  	v59 =	vpsel !p5, $0x0, v39;
	v9 =	vpsel !p0, $0x0, v9;
	v10 =	vadd.s32 v11, v10  }
0x31d: {  	s12 =	sld [smem:$0x7EF];
	v11 =	vadd.s32 $0x7F, v21;
	v8 =	vpsel !p4, $0x0, v8;
	v9 =	vadd.s32 v10, v9  }
0x31e: {  	vm14 =	vlt.s32 v11, $0x1;
	v7 =	vpsel !p3, $0x0, v7;
	v8 =	vadd.s32 v9, v8  }
0x31f: {  	s13 =	sld [smem:$0x7EE];
	v6 =	vpsel !p5, $0x0, v6;
	v63 =	vand.u32 $0x7F, v11;
	v62 =	vshra.s32 v11, $0x1F  }
0x320: {  	p2 =	seq.s32 s12, $0x1;
	v7 =	vadd.s32 v8, v7;
	vm15 =	vne.s32 v63, $0x0;
	v14 =	vshrl.u32 v62, $0x19  }
0x321: {  	v5 =	vpsel !p2, $0x0, v5;
	vm0 =	vmand vm14, vm15;
	v10 =	vadd.s32 v14, v11  }
0x322: {  	p5 =	seq.s32 s13, $0x1;
	v6 =	vadd.s32 v7, v6;
	v11 =	vsel vm0, $0xFFFFFFFF, v1;
	v10 =	vshra.s32 v10, $0x7  }
0x323: {  	v4 =	vpsel !p5, $0x0, v4;
	v5 =	vadd.s32 v6, v5;
	v9 =	vadd.s32 v11, v10  }
0x324: {  	v22 =	vadd.s32 v22, v53;
	v3 =	vpsel !p6, $0x0, v3;
	v4 =	vadd.s32 v5, v4;
	(xrf0) =	vadd.scan.msk.s32 $0xffff, v9  }
0x325: {  	v24 =	vadd.s32 v24, v33;
	v57 =	vadd.s32 v22, v55;
	v4 =	vadd.s32 v4, v3  }
0x326: {  	v60 =	vadd.s32 v57, v59;
	v61 =	vpsel !p2, $0x0, v34;
	v3 =	vbroadcast v54, $0xF  }
0x327: {  	s31 =	sld [smem:$0x7F2];
	v24 =	vadd.s32 v24, v52;
	v8 =	vpsel !p5, $0x0, v40;
	v10 =	vadd.s32 v60, v61  }
0x328: {  	v6 =	vpsel !p6, $0x0, v30;
	v7 =	vadd.s32 v10, v8;
	v8 =	vsub.s32 v54, v20;
	s14 =	spop (v2sf)  }
0x329: {  	v6 =	vadd.s32 v7, v6;
	v5 =	vsub.s32 v56, v23;
	v10 =	vshll.u32 v8, $0x7;
	s19 =	spop (v2sf)  }
0x32a: {  	p0 =	seq.s32 s31, $0x1;
	v7 =	vsub.s32 v58, v25;
	v5 =	vadd.s32 v3, v5;
	v10 =	vadd.s32 v4, v10;
	v3, _, _ =	vpop (xrf0);
	s0 =	sadd.s32 s14, s19;
	s22 =	spop (v2sf)  }
.Ltmp18:
0x32b: {  	v11 =	vshll.u32 v5, $0x7;
	v9 =	vsub.s32 v3, v9;
	v7 =	vadd.s32 s0, v7;
	s14 =	sadd.s32 s0, s22;
	(pc) =	sbr.rel @p0 .LBB2_35-.Ltmp18, $4  }
0x32c: {  	[tilespmem:$0x880] =	vst v10;
	v6 =	vadd.s32 v6, v11;
	v4 =	vadd.s32 s14, v9;
	v9 =	vshll.u32 v7, $0x7  }
0x32d: {  	v10 =	vadd.s32 v18, v19;
	[tilespmem:$0x890] =	vst v6;
	v6 =	vadd.s32 v24, v9;
	v9 =	vshll.u32 v4, $0x7  }
0x32e: {  	[tilespmem:$0x8A0] =	vst v6;
	v6 =	vadd.s32 v10, v9  }
0x32f: {  	[dreg:$0x13] =	wrdreg s5;
	[tilespmem:$0x8B0] =	vst v6  }
0x330: {  	(v2sf) =	vpush v3, $0xF;
	_ =	sdelay $0x1  }
0x331: {  	[tilespmem:$0xB00] =	vst v8  }
0x332: {  	[tilespmem:$0xB10] =	vst v8  }
0x333: {  	v9 =	vld [tilespmem:$0xB01]  }
0x334: {  	v10 =	vld [tilespmem:$0xB02]  }
0x335: {  	v11 =	vld [tilespmem:$0xB03]  }
0x336: {  	v12 =	vld [tilespmem:$0xB04]  }
0x337: {  	v13 =	vld [tilespmem:$0xB05]  }
0x338: {  	v14 =	vld [tilespmem:$0xB06]  }
0x339: {  	v15 =	vld [tilespmem:$0xB07]  }
0x33a: {  	v16 =	vld [tilespmem:$0xB08]  }
0x33b: {  	v17 =	vld [tilespmem:$0xB09]  }
0x33c: {  	v18 =	vld [tilespmem:$0xB0A]  }
0x33d: {  	v19 =	vld [tilespmem:$0xB0B]  }
0x33e: {  	v20 =	vld [tilespmem:$0xB0C];
	s0 =	spop (v2sf)  }
0x33f: {  	v21 =	vld [tilespmem:$0xB0D];
	s14 =	sadd.s32 s14, s0  }
0x340: {  	[tilespmem:$0xB20] =	vst v5;
	v22 =	vld [tilespmem:$0xB0E];
	s31 =	sadd.s32 $0xFFFFFFFF, s14  }
0x341: {  	[tilespmem:$0xB30] =	vst v5;
	v23 =	vld [tilespmem:$0xB0F];
	v6 =	vmov s31  }
0x342: {  	v24 =	vld [tilespmem:$0xB21];
	vm0 =	vlt.s32 v6, v42  }
0x343: {  	v0 =	vor.u32 $0x10, v42;
	v25 =	vld [tilespmem:$0xB22];
	v3 =	vsel vm0, s31, v42  }
0x344: {  	v41 =	vld [tilespmem:$0xB24];
	vm0 =	vgt.s32 v8, v3;
	vm1 =	vle.s32 v9, v3;
	vm15 =	vle.s32 v10, v3  }
0x345: {  	v44 =	vld [tilespmem:$0xB25];
	vm4 =	vle.s32 v11, v3;
	vm5 =	vle.s32 v12, v3;
	vm6 =	vle.s32 v13, v3  }
0x346: {  	v46 =	vld [tilespmem:$0xB26];
	vm7 =	vle.s32 v14, v3;
	vm8 =	vle.s32 v15, v3;
	vm9 =	vle.s32 v16, v3  }
0x347: {  	v48 =	vld [tilespmem:$0xB27];
	vm10 =	vle.s32 v17, v3;
	vm11 =	vle.s32 v18, v3;
	vm12 =	vle.s32 v19, v3  }
0x348: {  	v50 =	vld [tilespmem:$0xB28];
	vm13 =	vle.s32 v20, v3;
	vm14 =	vle.s32 v21, v3;
	v40 =	vsel vm0, $0xFFFFFFFF, v1  }
0x349: {  	v29 =	vld [tilespmem:$0xB29];
	v26 =	vsel vm1, $0x1, v1;
	v43 =	vsel vm15, $0x1, v1;
	v45 =	vsel vm4, $0x1, v1  }
0x34a: {  	v37 =	vld [tilespmem:$0xB2B];
	v47 =	vsel vm5, $0x1, v1;
	v49 =	vsel vm6, $0x1, v1;
	v28 =	vsel vm7, $0x1, v1  }
0x34b: {  	v39 =	vld [tilespmem:$0xB2C];
	v35 =	vsel vm8, $0x1, v1;
	v36 =	vsel vm9, $0x1, v1;
	v38 =	vsel vm10, $0x1, v1  }
0x34c: {  	v52 =	vld [tilespmem:$0xB2D];
	v51 =	vsel vm11, $0x1, v1;
	v53 =	vsel vm12, $0x1, v1;
	v55 =	vsel vm13, $0x1, v1  }
0x34d: {  	v54 =	vld [tilespmem:$0xB2E];
	v58 =	vsel vm14, $0x1, v1;
	vm15 =	vle.s32 v22, v3;
	vm4 =	vle.s32 v23, v3  }
0x34e: {  	[tilespmem:$0xB40] =	vst v7;
	v56 =	vld [tilespmem:$0xB2F];
	vm5 =	vle.s32 v5, v3;
	vm6 =	vle.s32 v24, v3;
	vm7 =	vle.s32 v25, v3  }
0x34f: {  	[tilespmem:$0xB50] =	vst v7;
	v59 =	vld [tilespmem:$0xB40];
	vm9 =	vle.s32 v41, v3;
	vm10 =	vle.s32 v44, v3;
	vm11 =	vle.s32 v46, v3  }
0x350: {  	v33 =	vld [tilespmem:$0xB44];
	vm12 =	vle.s32 v48, v3;
	vm13 =	vle.s32 v50, v3;
	vm14 =	vle.s32 v29, v3  }
0x351: {  	v61 =	vld [tilespmem:$0xB41];
	v9 =	vadd.s32 v26, v40;
	v60 =	vsel vm15, $0x1, v1;
	v62 =	vsel vm4, $0x1, v1  }
0x352: {  	v63 =	vld [tilespmem:$0xB42];
	v30 =	vsel vm5, $0x1, v1;
	v32 =	vsel vm6, $0x1, v1;
	v34 =	vsel vm7, $0x1, v1  }
0x353: {  	v31 =	vld [tilespmem:$0xB43];
	v27 =	vsel vm13, $0x1, v1;
	v29 =	vsel vm14, $0x1, v1;
	vm4 =	vle.s32 v37, v3  }
0x354: {  	v8 =	vld [tilespmem:$0xB23];
	vm5 =	vle.s32 v39, v3;
	vm6 =	vle.s32 v52, v3;
	vm7 =	vle.s32 v54, v3  }
0x355: {  	v16 =	vld [tilespmem:$0xB2A];
	vm13 =	vle.s32 v33, v3;
	v9 =	vadd.s32 v43, v9;
	v43 =	vsel vm9, $0x1, v1  }
0x356: {  	v44 =	vld [tilespmem:$0xB47];
	v37 =	vsel vm4, $0x1, v1;
	v39 =	vsel vm5, $0x1, v1;
	v52 =	vsel vm6, $0x1, v1  }
0x357: {  	v46 =	vld [tilespmem:$0xB48];
	v54 =	vsel vm7, $0x1, v1;
	vm9 =	vle.s32 v59, v3;
	v33 =	vsel vm13, $0x1, v1  }
0x358: {  	v48 =	vld [tilespmem:$0xB49];
	v9 =	vadd.s32 v45, v9;
	v45 =	vsel vm10, $0x1, v1;
	vm10 =	vle.s32 v61, v3  }
0x359: {  	v50 =	vld [tilespmem:$0xB4A];
	v9 =	vadd.s32 v47, v9;
	vm8 =	vle.s32 v8, v3;
	v47 =	vsel vm11, $0x1, v1  }
0x35a: {  	v17 =	vld [tilespmem:$0xB4D];
	vm15 =	vle.s32 v16, v3;
	vm11 =	vle.s32 v63, v3;
	v9 =	vadd.s32 v49, v9  }
0x35b: {  	[tilespmem:$0xB60] =	vst v4;
	v18 =	vld [tilespmem:$0xB00];
	v40 =	vsel vm8, $0x1, v1;
	v49 =	vsel vm12, $0x1, v1;
	v9 =	vadd.s32 v28, v9  }
0x35c: {  	[tilespmem:$0xB70] =	vst v4;
	v41 =	vld [tilespmem:$0xB46];
	vm8 =	vle.s32 v56, v3;
	vm12 =	vle.s32 v31, v3;
	v9 =	vadd.s32 v35, v9  }
0x35d: {  	v59 =	vld [tilespmem:$0xB63];
	vm4 =	vle.s32 v44, v3;
	vm5 =	vle.s32 v46, v3;
	v9 =	vadd.s32 v36, v9  }
0x35e: {  	v61 =	vld [tilespmem:$0xB64];
	vm6 =	vle.s32 v48, v3;
	vm7 =	vle.s32 v50, v3;
	v9 =	vadd.s32 v38, v9  }
0x35f: {  	v20 =	vld [tilespmem:$0xB03];
	v56 =	vsel vm8, $0x1, v1;
	v31 =	vsel vm12, $0x1, v1;
	v9 =	vadd.s32 v51, v9  }
0x360: {  	v63 =	vld [tilespmem:$0xB65];
	v44 =	vsel vm4, $0x1, v1;
	v46 =	vsel vm5, $0x1, v1;
	v9 =	vadd.s32 v53, v9  }
0x361: {  	v28 =	vld [tilespmem:$0xB4B];
	v48 =	vsel vm6, $0x1, v1;
	v50 =	vsel vm7, $0x1, v1;
	v57 =	vadd.s32 v55, v9  }
0x362: {  	v35 =	vld [tilespmem:$0xB45];
	vm4 =	vle.s32 v59, v3;
	v36 =	vsel vm15, $0x1, v1;
	v7 =	vadd.s32 v58, v57  }
0x363: {  	vm15 =	vle.s32 v41, v3;
	vm5 =	vle.s32 v61, v3;
	v53 =	vld [tilespmem:$0xB60];
	v7 =	vadd.s32 v60, v7  }
0x364: {  	v38 =	vld [tilespmem:$0xB4E];
	v41 =	vsel vm15, $0x1, v1;
	v5 =	vsel vm5, $0x1, v1;
	v7 =	vadd.s32 v62, v7  }
0x365: {  	vm6 =	vle.s32 v63, v3;
	vm5 =	vlt.s32 v6, v0;
	v55 =	vld [tilespmem:$0xB61];
	v7 =	vadd.s32 v30, v7  }
0x366: {  	v10 =	vsel vm5, s31, v0;
	vm8 =	vle.s32 v28, v3;
	v57 =	vld [tilespmem:$0xB62];
	v7 =	vadd.s32 v32, v7  }
0x367: {  	vm14 =	vle.s32 v35, v3;
	v28 =	vsel vm8, $0x1, v1;
	v30 =	vld [tilespmem:$0xB4C];
	v7 =	vadd.s32 v34, v7  }
0x368: {  	v58 =	vsel vm9, $0x1, v1;
	vm13 =	vle.s32 v53, v3;
	v53 =	vld [tilespmem:$0xB02];
	v7 =	vadd.s32 v40, v7  }
0x369: {  	v35 =	vsel vm14, $0x1, v1;
	v60 =	vsel vm10, $0x1, v1;
	v32 =	vld [tilespmem:$0xB66];
	v7 =	vadd.s32 v43, v7  }
0x36a: {  	vm10 =	vle.s32 v17, v3;
	v62 =	vsel vm11, $0x1, v1;
	v34 =	vld [tilespmem:$0xB67];
	v7 =	vadd.s32 v45, v7  }
0x36b: {  	vm11 =	vle.s32 v38, v3;
	vm14 =	vle.s32 v55, v3;
	v40 =	vld [tilespmem:$0xB4F];
	v7 =	vadd.s32 v47, v7  }
0x36c: {  	v38 =	vsel vm11, $0x1, v1;
	v55 =	vsel vm14, $0x1, v1;
	v45 =	vld [tilespmem:$0xB6A];
	v7 =	vadd.s32 v49, v7  }
0x36d: {  	vm15 =	vle.s32 v57, v3;
	v43 =	vld [tilespmem:$0xB69];
	vm9 =	vle.s32 v30, v3;
	v7 =	vadd.s32 v27, v7  }
0x36e: {  	v22 =	vld [tilespmem:$0xB05];
	v57 =	vsel vm4, $0x1, v1;
	v30 =	vsel vm9, $0x1, v1;
	v7 =	vadd.s32 v29, v7  }
0x36f: {  	v59 =	vld [tilespmem:$0xB07];
	vm7 =	vle.s32 v32, v3;
	vm8 =	vle.s32 v34, v3;
	v7 =	vadd.s32 v36, v7  }
0x370: {  	v47 =	vld [tilespmem:$0xB6B];
	vm12 =	vle.s32 v40, v3;
	v40 =	vsel vm7, $0x1, v1;
	v7 =	vadd.s32 v37, v7  }
0x371: {  	v49 =	vld [tilespmem:$0xB6C];
	vm7 =	vle.s32 v53, v10;
	vm11 =	vle.s32 v45, v3;
	v51 =	vadd.s32 v39, v7  }
0x372: {  	v61 =	vld [tilespmem:$0xB08];
	v37 =	vsel vm10, $0x1, v1;
	vm10 =	vle.s32 v43, v3;
	v4 =	vadd.s32 v52, v51  }
0x373: {  	v36 =	vld [tilespmem:$0xB68];
	v43 =	vsel vm11, $0x1, v1;
	v34 =	vsel vm10, $0x1, v1;
	v4 =	vadd.s32 v54, v4  }
0x374: {  	v29 =	vld [tilespmem:$0xB6E];
	vm10 =	vle.s32 v22, v10;
	v52 =	vsel vm12, $0x1, v1;
	v4 =	vadd.s32 v56, v4  }
0x375: {  	v21 =	vld [tilespmem:$0xB04];
	vm12 =	vle.s32 v47, v3;
	v54 =	vsel vm13, $0x1, v1;
	v4 =	vadd.s32 v58, v4  }
0x376: {  	v13 =	vld [tilespmem:$0xB09];
	v45 =	vsel vm12, $0x1, v1;
	vm13 =	vle.s32 v49, v3;
	v4 =	vadd.s32 v60, v4  }
0x377: {  	v63 =	vld [tilespmem:$0xB0A];
	vm12 =	vle.s32 v59, v10;
	v56 =	vsel vm15, $0x1, v1;
	v4 =	vadd.s32 v62, v4  }
0x378: {  	v39 =	vld [tilespmem:$0xB01];
	vm9 =	vle.s32 v36, v3;
	v47 =	vsel vm13, $0x1, v1;
	v4 =	vadd.s32 v31, v4  }
0x379: {  	v51 =	vld [tilespmem:$0xB6D];
	vm15 =	vle.s32 v29, v3;
	vm13 =	vle.s32 v61, v10;
	v4 =	vadd.s32 v33, v4  }
0x37a: {  	v58 =	vld [tilespmem:$0xB06];
	v32 =	vsel vm9, $0x1, v1;
	v36 =	vsel vm15, $0x1, v1;
	v4 =	vadd.s32 v35, v4  }
0x37b: {  	vm9 =	vle.s32 v21, v10;
	v61 =	vsel vm13, $0x1, v1;
	v31 =	vld [tilespmem:$0xB6F];
	v4 =	vadd.s32 v41, v4  }
0x37c: {  	vm15 =	vle.s32 v63, v10;
	v60 =	vsel vm6, $0x1, v1;
	v35 =	vld [tilespmem:$0xB0C];
	v4 =	vadd.s32 v44, v4  }
0x37d: {  	vm6 =	vgt.s32 v18, v10;
	vm2 =	vle.s32 v39, v10;
	v41 =	vld [tilespmem:$0xB09];
	v4 =	vadd.s32 v46, v4  }
0x37e: {  	v62 =	vsel vm8, $0x1, v1;
	vm14 =	vle.s32 v51, v3;
	v33 =	vld [tilespmem:$0xB0B];
	v4 =	vadd.s32 v48, v4  }
0x37f: {  	v29 =	vsel vm2, $0x1, v1;
	vm8 =	vle.s32 v20, v10;
	v44 =	vld [tilespmem:$0xB0D];
	v4 =	vadd.s32 v50, v4  }
0x380: {  	v49 =	vsel vm14, $0x1, v1;
	vm11 =	vle.s32 v58, v10;
	v46 =	vld [tilespmem:$0xB0E];
	v4 =	vadd.s32 v28, v4  }
0x381: {  	v58 =	vsel vm11, $0x1, v1;
	vm4 =	vle.s32 v31, v3;
	v28 =	vld [tilespmem:$0xB24];
	v4 =	vadd.s32 v30, v4  }
0x382: {  	v48 =	vld [tilespmem:$0xB0F];
	vm5 =	vle.s32 v35, v10;
	vm14 =	vle.s32 v41, v10;
	v4 =	vadd.s32 v37, v4  }
0x383: {  	v50 =	vld [tilespmem:$0xB20];
	v4 =	vadd.s32 v38, v4;
	v38 =	vsel vm4, $0x1, v1;
	vm4 =	vle.s32 v33, v10  }
0x384: {  	v37 =	vld [tilespmem:$0xB22];
	v4 =	vadd.s32 v52, v4;
	v52 =	vsel vm6, $0xFFFFFFFF, v1;
	vm6 =	vle.s32 v44, v10  }
0x385: {  	v23 =	vld [tilespmem:$0xB2C];
	v4 =	vadd.s32 v54, v4;
	v19 =	vadd.s32 v29, v52;
	v54 =	vsel vm7, $0x1, v1  }
0x386: {  	v51 =	vld [tilespmem:$0xB21];
	vm7 =	vle.s32 v46, v10;
	vm13 =	vle.s32 v28, v10;
	v4 =	vadd.s32 v55, v4  }
0x387: {  	v63 =	vld [tilespmem:$0xB2E];
	v19 =	vadd.s32 v54, v19;
	v55 =	vsel vm8, $0x1, v1;
	vm8 =	vle.s32 v48, v10  }
0x388: {  	v14 =	vld [tilespmem:$0xB2F];
	v4 =	vadd.s32 v56, v4;
	v19 =	vadd.s32 v55, v19;
	v56 =	vsel vm9, $0x1, v1  }
0x389: {  	v27 =	vld [tilespmem:$0xB23];
	vm9 =	vle.s32 v50, v10;
	vm11 =	vle.s32 v37, v10;
	v4 =	vadd.s32 v57, v4  }
0x38a: {  	v15 =	vld [tilespmem:$0xB65];
	v19 =	vadd.s32 v56, v19;
	v57 =	vsel vm10, $0x1, v1;
	v35 =	vsel vm9, $0x1, v1  }
0x38b: {  	v25 =	vld [tilespmem:$0xB2A];
	vm10 =	vle.s32 v51, v10;
	v50 =	vsel vm11, $0x1, v1;
	vm9 =	vle.s32 v23, v10  }
0x38c: {  	v24 =	vld [tilespmem:$0xB2B];
	vm11 =	vle.s32 v63, v10;
	v4 =	vadd.s32 v5, v4;
	v19 =	vadd.s32 v57, v19  }
0x38d: {  	v26 =	vld [tilespmem:$0xB44];
	v4 =	vadd.s32 v60, v4;
	v19 =	vadd.s32 v58, v19;
	v60 =	vsel vm12, $0x1, v1  }
0x38e: {  	v8 =	vld [tilespmem:$0xB2D];
	vm12 =	vle.s32 v27, v10;
	v4 =	vadd.s32 v40, v4;
	v19 =	vadd.s32 v60, v19  }
0x38f: {  	v17 =	vld [tilespmem:$0xB46];
	v4 =	vadd.s32 v62, v4;
	v19 =	vadd.s32 v61, v19;
	v62 =	vsel vm14, $0x1, v1  }
0x390: {  	v53 =	vld [tilespmem:$0xB26];
	v40 =	vsel vm15, $0x1, v1;
	v4 =	vadd.s32 v32, v4;
	v19 =	vadd.s32 v62, v19  }
0x391: {  	v41 =	vld [tilespmem:$0xB2F];
	v32 =	vsel vm4, $0x1, v1;
	v4 =	vadd.s32 v34, v4;
	v19 =	vadd.s32 v40, v19  }
0x392: {  	v22 =	vld [tilespmem:$0xB29];
	v4 =	vadd.s32 v43, v4;
	v19 =	vadd.s32 v32, v19;
	v43 =	vsel vm5, $0x1, v1  }
0x393: {  	v39 =	vld [tilespmem:$0xB25];
	v4 =	vadd.s32 v45, v4;
	v19 =	vadd.s32 v43, v19;
	v45 =	vsel vm6, $0x1, v1  }
0x394: {  	v59 =	vld [tilespmem:$0xB2B];
	v4 =	vadd.s32 v47, v4;
	v19 =	vadd.s32 v45, v19;
	v47 =	vsel vm7, $0x1, v1  }
0x395: {  	v20 =	vld [tilespmem:$0xB27];
	v37 =	vsel vm12, $0x1, v1;
	v34 =	vsel vm8, $0x1, v1;
	v19 =	vadd.s32 v47, v19  }
0x396: {  	v46 =	vld [tilespmem:$0xB42];
	vm15 =	vle.s32 v53, v10;
	vm12 =	vle.s32 v41, v10;
	v19 =	vadd.s32 v34, v19  }
0x397: {  	v28 =	vld [tilespmem:$0xB48];
	v5 =	vadd.s32 v49, v4;
	v49 =	vsel vm10, $0x1, v1;
	v19 =	vadd.s32 v35, v19  }
0x398: {  	v21 =	vld [tilespmem:$0xB28];
	vm14 =	vle.s32 v39, v10;
	v54 =	vsel vm15, $0x1, v1;
	v19 =	vadd.s32 v49, v19  }
0x399: {  	v31 =	vld [tilespmem:$0xB07];
	v61 =	vsel vm9, $0x1, v1;
	v3 =	vadd.s32 v36, v5;
	v19 =	vadd.s32 v50, v19  }
0x39a: {  	v30 =	vld [tilespmem:$0xB6E];
	v3 =	vadd.s32 v38, v3;
	v38 =	vsel vm13, $0x1, v1;
	v19 =	vadd.s32 v37, v19  }
0x39b: {  	v33 =	vld [tilespmem:$0xB40];
	vm15 =	vle.s32 v46, v10;
	v52 =	vsel vm14, $0x1, v1;
	v19 =	vadd.s32 v38, v19  }
0x39c: {  	v44 =	vld [tilespmem:$0xB41];
	vm9 =	vle.s32 v28, v10;
	vm4 =	vle.s32 v20, v10;
	v19 =	vadd.s32 v52, v19  }
0x39d: {  	v29 =	vld [tilespmem:$0xB03];
	v55 =	vsel vm4, $0x1, v1;
	vm5 =	vle.s32 v21, v10;
	v19 =	vadd.s32 v54, v19  }
0x39e: {  	v48 =	vld [tilespmem:$0xB43];
	v56 =	vsel vm5, $0x1, v1;
	vm6 =	vle.s32 v22, v10;
	v19 =	vadd.s32 v55, v19  }
0x39f: {  	v51 =	vld [tilespmem:$0xB47];
	v57 =	vsel vm6, $0x1, v1;
	vm7 =	vle.s32 v25, v10;
	v19 =	vadd.s32 v56, v19  }
0x3a0: {  	v23 =	vld [tilespmem:$0xB60];
	vm8 =	vle.s32 v59, v10;
	v58 =	vsel vm7, $0x1, v1;
	v19 =	vadd.s32 v57, v19  }
0x3a1: {  	v53 =	vld [tilespmem:$0xB4A];
	vm14 =	vle.s32 v44, v10;
	v60 =	vsel vm8, $0x1, v1;
	v19 =	vadd.s32 v58, v19  }
0x3a2: {  	v63 =	vld [tilespmem:$0xB62];
	v40 =	vsel vm11, $0x1, v1;
	vm10 =	vle.s32 v8, v10;
	v19 =	vadd.s32 v60, v19  }
0x3a3: {  	v20 =	vld [tilespmem:$0xB4B];
	vm4 =	vle.s32 v48, v10;
	v62 =	vsel vm10, $0x1, v1;
	v19 =	vadd.s32 v61, v19  }
0x3a4: {  	v39 =	vld [tilespmem:$0xB49];
	v32 =	vsel vm12, $0x1, v1;
	vm8 =	vle.s32 v51, v10;
	v19 =	vadd.s32 v62, v19  }
0x3a5: {  	vm5 =	vle.s32 v26, v10;
	v36 =	vld [tilespmem:$0xB45];
	vm13 =	vle.s32 v33, v10;
	v19 =	vadd.s32 v40, v19  }
0x3a6: {  	v59 =	vld [tilespmem:$0xB4F];
	vm11 =	vle.s32 v53, v10;
	v43 =	vsel vm13, $0x1, v1;
	v19 =	vadd.s32 v32, v19  }
0x3a7: {  	v41 =	vld [tilespmem:$0xB63];
	v45 =	vsel vm14, $0x1, v1;
	v47 =	vsel vm15, $0x1, v1;
	v19 =	vadd.s32 v43, v19  }
0x3a8: {  	v46 =	vld [tilespmem:$0xB66];
	vm7 =	vle.s32 v17, v10;
	vm12 =	vle.s32 v20, v10;
	v19 =	vadd.s32 v45, v19  }
0x3a9: {  	v21 =	vld [tilespmem:$0xB4C];
	v34 =	vsel vm4, $0x1, v1;
	vm10 =	vle.s32 v39, v10;
	v19 =	vadd.s32 v47, v19  }
0x3aa: {  	v22 =	vld [tilespmem:$0xB4D];
	v35 =	vsel vm5, $0x1, v1;
	vm6 =	vle.s32 v36, v10;
	v19 =	vadd.s32 v34, v19  }
0x3ab: {  	v28 =	vld [tilespmem:$0xB6C];
	vm4 =	vle.s32 v59, v10;
	v49 =	vsel vm6, $0x1, v1;
	v19 =	vadd.s32 v35, v19  }
0x3ac: {  	v25 =	vld [tilespmem:$0xB4E];
	vm5 =	vle.s32 v23, v10;
	v50 =	vsel vm7, $0x1, v1;
	v19 =	vadd.s32 v49, v19  }
0x3ad: {  	v44 =	vld [tilespmem:$0xB65];
	[tilespmem:$0x1FFC0] =	vst v3;
	v3 =	vmov s14;
	v37 =	vsel vm8, $0x1, v1;
	v19 =	vadd.s32 v50, v19  }
0x3ae: {  	v48 =	vld [tilespmem:$0xB67];
	vm13 =	vle.s32 v21, v10;
	v38 =	vsel vm9, $0x1, v1;
	v19 =	vadd.s32 v37, v19  }
0x3af: {  	v51 =	vld [tilespmem:$0xB6B];
	vm14 =	vle.s32 v22, v10;
	v52 =	vsel vm10, $0x1, v1;
	v19 =	vadd.s32 v38, v19  }
0x3b0: {  	v26 =	vld [tilespmem:$0xB68];
	vm0 =	vgt.s32 v3, v42;
	v54 =	vsel vm11, $0x1, v1;
	v53 =	vadd.s32 v52, v19  }
0x3b1: {  	v8 =	vld [tilespmem:$0xB61];
	vm15 =	vle.s32 v25, v10;
	v55 =	vsel vm12, $0x1, v1;
	v9 =	vadd.s32 v54, v53  }
0x3b2: {  	v33 =	vld [tilespmem:$0xB64];
	vm7 =	vle.s32 v63, v10;
	v56 =	vsel vm13, $0x1, v1;
	v9 =	vadd.s32 v55, v9  }
0x3b3: {  	v17 =	vld [tilespmem:$0xB6A];
	vm8 =	vle.s32 v41, v10;
	v57 =	vsel vm14, $0x1, v1;
	v9 =	vadd.s32 v56, v9  }
0x3b4: {  	[tilespmem:$0x1FFF0] =	vst v0;
	v20 =	vld [tilespmem:$0xB6F];
	v0 =	vnsel vm0, $0x5F, v42;
	v58 =	vsel vm15, $0x1, v1;
	v9 =	vadd.s32 v57, v9  }
0x3b5: {  	v39 =	vld [tilespmem:$0xB6D];
	v41 =	vsel vm8, $0x1, v1;
	v60 =	vsel vm4, $0x1, v1;
	v59 =	vadd.s32 v58, v9  }
0x3b6: {  	v5 =	vld [tilespmem:$0xB28];
	vm6 =	vle.s32 v8, v10;
	v61 =	vsel vm5, $0x1, v1;
	v7 =	vadd.s32 v60, v59  }
0x3b7: {  	v23 =	vld [tilespmem:$0xB2A];
	vm9 =	vle.s32 v33, v10;
	v8 =	vsel vm6, $0x1, v1;
	v7 =	vadd.s32 v61, v7  }
0x3b8: {  	v36 =	vld [tilespmem:$0xB69];
	vm10 =	vle.s32 v44, v10;
	v40 =	vsel vm7, $0x1, v1;
	v7 =	vadd.s32 v8, v7  }
0x3b9: {  	v21 =	vld [tilespmem:$0xB00];
	v44 =	vsel vm10, $0x1, v1;
	vm11 =	vle.s32 v46, v10;
	v7 =	vadd.s32 v40, v7  }
0x3ba: {  	v22 =	vld [tilespmem:$0xB01];
	vm6 =	vle.s32 v39, v10;
	v43 =	vsel vm9, $0x1, v1;
	v7 =	vadd.s32 v41, v7  }
0x3bb: {  	v25 =	vld [tilespmem:$0xB02];
	v46 =	vsel vm11, $0x1, v1;
	vm12 =	vle.s32 v48, v10;
	v7 =	vadd.s32 v43, v7  }
0x3bc: {  	v63 =	vld [tilespmem:$0xB06];
	v48 =	vsel vm12, $0x1, v1;
	vm13 =	vle.s32 v26, v10;
	v7 =	vadd.s32 v44, v7  }
0x3bd: {  	v33 =	vld [tilespmem:$0xB21];
	vm14 =	vle.s32 v36, v10;
	vm15 =	vle.s32 v17, v10;
	v7 =	vadd.s32 v46, v7  }
0x3be: {  	v36 =	vld [tilespmem:$0xB0D];
	vm4 =	vle.s32 v51, v10;
	v35 =	vsel vm13, $0x1, v1;
	v7 =	vadd.s32 v48, v7  }
0x3bf: {  	v51 =	vld [tilespmem:$0xB0F];
	vm5 =	vle.s32 v28, v10;
	v37 =	vsel vm14, $0x1, v1;
	v7 =	vadd.s32 v35, v7  }
0x3c0: {  	v62 =	vld [tilespmem:$0xB05];
	vm7 =	vle.s32 v30, v10;
	v50 =	vsel vm15, $0x1, v1;
	v7 =	vadd.s32 v37, v7  }
0x3c1: {  	v32 =	vld [tilespmem:$0xB08];
	v39 =	vsel vm7, $0x1, v1;
	v52 =	vsel vm4, $0x1, v1;
	v7 =	vadd.s32 v50, v7  }
0x3c2: {  	vm9 =	vle.s32 v20, v10;
	v19 =	vld [tilespmem:$0xB04];
	v54 =	vsel vm5, $0x1, v1;
	v7 =	vadd.s32 v52, v7  }
0x3c3: {  	v45 =	vld [tilespmem:$0xB0A];
	v56 =	vsel vm6, $0x1, v1;
	v11 =	vadd.s32 v54, v7;
	v7 =	vor.u32 $0x20, v42  }
0x3c4: {  	v10 =	vsel vm9, $0x1, v1;
	v47 =	vld [tilespmem:$0xB0B];
	v11 =	vadd.s32 v56, v11;
	vm8 =	vlt.s32 v6, v7  }
0x3c5: {  	v49 =	vld [tilespmem:$0xB0C];
	v9 =	vnsel vm0, $0x0, v42;
	v11 =	vadd.s32 v39, v11;
	v12 =	vsel vm8, s31, v7  }
0x3c6: {  	v34 =	vld [tilespmem:$0xB24];
	vm0 =	vgt.s32 v21, v12;
	vm10 =	vle.s32 v22, v12;
	vm11 =	vle.s32 v25, v12  }
0x3c7: {  	v38 =	vld [tilespmem:$0xB0E];
	vm12 =	vle.s32 v29, v12;
	vm13 =	vle.s32 v19, v12;
	vm14 =	vle.s32 v62, v12  }
0x3c8: {  	v53 =	vld [tilespmem:$0xB20];
	vm15 =	vle.s32 v63, v12;
	vm4 =	vle.s32 v31, v12;
	vm5 =	vle.s32 v32, v12  }
0x3c9: {  	v55 =	vld [tilespmem:$0xB22];
	vm6 =	vle.s32 v13, v12;
	vm7 =	vle.s32 v45, v12;
	vm8 =	vle.s32 v47, v12  }
0x3ca: {  	v57 =	vld [tilespmem:$0xB23];
	vm9 =	vle.s32 v49, v12;
	v10 =	vadd.s32 v10, v11;
	v58 =	vsel vm0, $0xFFFFFFFF, v1  }
0x3cb: {  	v59 =	vld [tilespmem:$0xB27];
	v35 =	vsel vm10, $0x1, v1;
	v4 =	vsel vm11, $0x1, v1;
	v60 =	vsel vm12, $0x1, v1  }
0x3cc: {  	v40 =	vld [tilespmem:$0xB25];
	v61 =	vsel vm13, $0x1, v1;
	v62 =	vsel vm14, $0x1, v1;
	v63 =	vsel vm15, $0x1, v1  }
0x3cd: {  	v41 =	vld [tilespmem:$0xB26];
	v42 =	vsel vm4, $0x1, v1;
	v43 =	vsel vm5, $0x1, v1;
	v44 =	vsel vm6, $0x1, v1  }
0x3ce: {  	v28 =	vld [tilespmem:$0xB45];
	v45 =	vsel vm7, $0x1, v1;
	v47 =	vsel vm8, $0x1, v1;
	v49 =	vsel vm9, $0x1, v1  }
0x3cf: {  	v30 =	vld [tilespmem:$0xB48];
	vm10 =	vle.s32 v36, v12;
	vm11 =	vle.s32 v38, v12;
	vm12 =	vle.s32 v51, v12  }
0x3d0: {  	v46 =	vld [tilespmem:$0xB40];
	vm13 =	vle.s32 v53, v12;
	vm14 =	vle.s32 v33, v12;
	vm15 =	vle.s32 v55, v12  }
0x3d1: {  	v48 =	vld [tilespmem:$0xB41];
	vm4 =	vle.s32 v57, v12;
	vm5 =	vle.s32 v34, v12;
	vm6 =	vle.s32 v40, v12  }
0x3d2: {  	v50 =	vld [tilespmem:$0xB42];
	vm7 =	vle.s32 v41, v12;
	vm8 =	vle.s32 v59, v12;
	vm9 =	vle.s32 v5, v12  }
0x3d3: {  	v19 =	vld [tilespmem:$0xB29];
	v22 =	vadd.s32 v35, v58;
	v8 =	vsel vm10, $0x1, v1;
	v37 =	vsel vm11, $0x1, v1  }
0x3d4: {  	v32 =	vld [tilespmem:$0xB2D];
	v51 =	vsel vm12, $0x1, v1;
	v52 =	vsel vm13, $0x1, v1;
	v53 =	vsel vm14, $0x1, v1  }
0x3d5: {  	v13 =	vld [tilespmem:$0xB2E];
	v55 =	vsel vm15, $0x1, v1;
	v56 =	vsel vm4, $0x1, v1;
	v57 =	vsel vm5, $0x1, v1  }
0x3d6: {  	v36 =	vld [tilespmem:$0xB43];
	v39 =	vsel vm6, $0x1, v1;
	v41 =	vsel vm7, $0x1, v1;
	v59 =	vsel vm8, $0x1, v1  }
0x3d7: {  	v38 =	vld [tilespmem:$0xB44];
	v5 =	vsel vm9, $0x1, v1;
	vm11 =	vle.s32 v23, v12;
	vm12 =	vle.s32 v24, v12  }
0x3d8: {  	v33 =	vld [tilespmem:$0xB46];
	vm4 =	vle.s32 v14, v12;
	vm5 =	vle.s32 v46, v12;
	v22 =	vadd.s32 v4, v22  }
0x3d9: {  	v54 =	vld [tilespmem:$0xB47];
	vm6 =	vle.s32 v48, v12;
	vm7 =	vle.s32 v50, v12;
	v22 =	vadd.s32 v60, v22  }
0x3da: {  	v4 =	vld [tilespmem:$0xB2C];
	v46 =	vsel vm5, $0x1, v1;
	v22 =	vadd.s32 v61, v22;
	vm10 =	vle.s32 v19, v12  }
0x3db: {  	v24 =	vld [tilespmem:$0xB60];
	vm14 =	vle.s32 v32, v12;
	vm15 =	vle.s32 v13, v12;
	v22 =	vadd.s32 v62, v22  }
0x3dc: {  	v34 =	vld [tilespmem:$0xB49];
	v61 =	vsel vm10, $0x1, v1;
	v62 =	vsel vm11, $0x1, v1;
	vm8 =	vle.s32 v36, v12  }
0x3dd: {  	v58 =	vld [tilespmem:$0xB4A];
	vm9 =	vle.s32 v38, v12;
	vm10 =	vle.s32 v28, v12;
	vm11 =	vle.s32 v33, v12  }
0x3de: {  	v26 =	vld [tilespmem:$0xB66];
	v22 =	vadd.s32 v63, v22;
	v63 =	vsel vm12, $0x1, v1;
	v27 =	vsel vm9, $0x1, v1  }
0x3df: {  	v40 =	vld [tilespmem:$0xB4B];
	vm12 =	vle.s32 v54, v12;
	v22 =	vadd.s32 v42, v22;
	vm13 =	vle.s32 v4, v12  }
0x3e0: {  	v60 =	vld [tilespmem:$0xB4D];
	vm9 =	vle.s32 v24, v12;
	v22 =	vadd.s32 v43, v22;
	v4 =	vsel vm13, $0x1, v1  }
0x3e1: {  	v48 =	vld [tilespmem:$0xB67];
	v43 =	vsel vm14, $0x1, v1;
	vm13 =	vle.s32 v30, v12;
	vm14 =	vle.s32 v34, v12  }
0x3e2: {  	v42 =	vld [tilespmem:$0xB4C];
	v22 =	vadd.s32 v44, v22;
	v44 =	vsel vm15, $0x1, v1;
	vm15 =	vle.s32 v58, v12  }
0x3e3: {  	v36 =	vld [tilespmem:$0xB69];
	v22 =	vadd.s32 v45, v22;
	v45 =	vsel vm4, $0x1, v1;
	v20 =	vsel vm15, $0x1, v1  }
0x3e4: {  	v23 =	vld [tilespmem:$0xB4F];
	vm4 =	vle.s32 v40, v12;
	vm15 =	vle.s32 v26, v12;
	v22 =	vadd.s32 v47, v22  }
0x3e5: {  	v31 =	vld [tilespmem:$0xB61];
	v47 =	vsel vm6, $0x1, v1;
	v58 =	vsel vm4, $0x1, v1;
	vm6 =	vle.s32 v60, v12  }
0x3e6: {  	v14 =	vld [tilespmem:$0xB64];
	vm4 =	vle.s32 v48, v12;
	v22 =	vadd.s32 v49, v22;
	v49 =	vsel vm7, $0x1, v1  }
0x3e7: {  	v30 =	vld [tilespmem:$0xB6D];
	vm5 =	vle.s32 v42, v12;
	v60 =	vsel vm6, $0x1, v1;
	v22 =	vadd.s32 v8, v22  }
0x3e8: {  	v26 =	vsel vm4, $0x1, v1;
	vm6 =	vle.s32 v36, v12;
	v8 =	vld [tilespmem:$0xB4E];
	v22 =	vadd.s32 v37, v22  }
0x3e9: {  	v13 =	vld [tilespmem:$0xB63];
	v22 =	vadd.s32 v51, v22;
	v51 =	vsel vm8, $0x1, v1;
	vm8 =	vle.s32 v23, v12  }
0x3ea: {  	v50 =	vld [tilespmem:$0xB68];
	v22 =	vadd.s32 v52, v22;
	v52 =	vsel vm10, $0x1, v1;
	vm10 =	vle.s32 v31, v12  }
0x3eb: {  	v35 =	vld [tilespmem:$0xB6A];
	v22 =	vadd.s32 v53, v22;
	v53 =	vsel vm11, $0x1, v1;
	v28 =	vsel vm10, $0x1, v1  }
0x3ec: {  	v32 =	vld [tilespmem:$0xB29];
	vm10 =	vle.s32 v30, v12;
	v22 =	vadd.s32 v55, v22;
	v55 =	vsel vm12, $0x1, v1  }
0x3ed: {  	v33 =	vld [tilespmem:$0xB6B];
	vm7 =	vle.s32 v8, v12;
	v8 =	vlaneseq.u32;
	v22 =	vadd.s32 v56, v22  }
0x3ee: {  	v38 =	vld [tilespmem:$0xB6F];
	vm12 =	vle.s32 v13, v12;
	v56 =	vsel vm13, $0x1, v1;
	v22 =	vadd.s32 v57, v22  }
0x3ef: {  	v40 =	vld [tilespmem:$0xB01];
	v19 =	vsel vm7, $0x1, v1;
	v25 =	vsel vm12, $0x1, v1;
	v22 =	vadd.s32 v39, v22  }
0x3f0: {  	v48 =	vld [tilespmem:$0xB0B];
	vm13 =	vle.s32 v14, v12;
	vm7 =	vle.s32 v35, v12;
	v22 =	vadd.s32 v41, v22  }
0x3f1: {  	v34 =	vld [tilespmem:$0xB6E];
	v11 =	vor.u32 $0x30, v8;
	v14 =	vsel vm10, $0x1, v1;
	v22 =	vadd.s32 v59, v22  }
0x3f2: {  	v57 =	vsel vm14, $0x1, v1;
	vm14 =	vle.s32 v15, v12;
	v39 =	vld [tilespmem:$0xB00];
	v22 =	vadd.s32 v5, v22  }
0x3f3: {  	v23 =	vsel vm7, $0x1, v1;
	vm12 =	vlt.s32 v6, v11;
	v5 =	vld [tilespmem:$0xB62];
	v22 =	vadd.s32 v61, v22  }
0x3f4: {  	v37 =	vld [tilespmem:$0xB6C];
	v21 =	vsel vm14, $0x1, v1;
	v29 =	vsel vm12, s31, v11;
	v22 =	vadd.s32 v62, v22  }
0x3f5: {  	v42 =	vld [tilespmem:$0xB25];
	vm1 =	vle.s32 v40, v29;
	vm12 =	vle.s32 v48, v29;
	v22 =	vadd.s32 v63, v22  }
0x3f6: {  	v30 =	vld [tilespmem:$0xB40];
	v59 =	vsel vm5, $0x1, v1;
	vm5 =	vle.s32 v50, v12;
	v22 =	vadd.s32 v4, v22  }
0x3f7: {  	v61 =	vld [tilespmem:$0xB03];
	v62 =	vsel vm8, $0x1, v1;
	vm8 =	vle.s32 v33, v12;
	v22 =	vadd.s32 v43, v22  }
0x3f8: {  	vm14 =	vgt.s32 v39, v29;
	vm11 =	vle.s32 v5, v12;
	v5 =	vld [tilespmem:$0xB07];
	v22 =	vadd.s32 v44, v22  }
0x3f9: {  	v35 =	vld [tilespmem:$0xB2F];
	v4 =	vsel vm9, $0x1, v1;
	vm9 =	vle.s32 v37, v12;
	v22 =	vadd.s32 v45, v22  }
0x3fa: {  	v17 =	vsel vm8, $0x1, v1;
	v13 =	vsel vm9, $0x1, v1;
	v45 =	vld [tilespmem:$0xB06];
	v22 =	vadd.s32 v46, v22  }
0x3fb: {  	v40 =	vld [tilespmem:$0xB23];
	v24 =	vsel vm11, $0x1, v1;
	vm11 =	vle.s32 v34, v12;
	v22 =	vadd.s32 v47, v22  }
0x3fc: {  	vm4 =	vle.s32 v61, v29;
	v15 =	vsel vm11, $0x1, v1;
	v46 =	vld [tilespmem:$0xB09];
	v22 =	vadd.s32 v49, v22  }
0x3fd: {  	v41 =	vld [tilespmem:$0xB02];
	v61 =	vsel vm4, $0x1, v1;
	vm8 =	vle.s32 v5, v29;
	v22 =	vadd.s32 v51, v22  }
0x3fe: {  	v47 =	vld [tilespmem:$0xB0A];
	v22 =	vadd.s32 v27, v22;
	v27 =	vsel vm13, $0x1, v1;
	vm13 =	vle.s32 v38, v12  }
0x3ff: {  	v44 =	vld [tilespmem:$0xB05];
	vm7 =	vle.s32 v45, v29;
	v45 =	vsel vm8, $0x1, v1;
	v22 =	vadd.s32 v52, v22  }
0x400: {  	vm8 =	vle.s32 v40, v29;
	v52 =	vld [tilespmem:$0xB08];
	v16 =	vsel vm13, $0x1, v1;
	v54 =	vadd.s32 v53, v22  }
0x401: {  	vm10 =	vle.s32 v46, v29;
	v22 =	vsel vm15, $0x1, v1;
	v53 =	vld [tilespmem:$0xB0C];
	v18 =	vadd.s32 v55, v54  }
0x402: {  	vm15 =	vle.s32 v41, v29;
	v41 =	vld [tilespmem:$0xB24];
	v50 =	vsel vm10, $0x1, v1;
	v18 =	vadd.s32 v56, v18  }
0x403: {  	vm11 =	vle.s32 v47, v29;
	vm10 =	vle.s32 v42, v29;
	v54 =	vld [tilespmem:$0xB0D];
	v18 =	vadd.s32 v57, v18  }
0x404: {  	v5 =	vld [tilespmem:$0xB28];
	v51 =	vsel vm11, $0x1, v1;
	v18 =	vadd.s32 v20, v18;
	v20 =	vsel vm6, $0x1, v1  }
0x405: {  	v55 =	vld [tilespmem:$0xB0E];
	vm6 =	vle.s32 v44, v29;
	vm9 =	vle.s32 v52, v29;
	v52 =	vsel vm12, $0x1, v1  }
0x406: {  	v56 =	vld [tilespmem:$0xB0F];
	v18 =	vadd.s32 v58, v18;
	v58 =	vsel vm14, $0xFFFFFFFF, v1;
	v49 =	vsel vm9, $0x1, v1  }
0x407: {  	v40 =	vld [tilespmem:$0xB44];
	vm13 =	vle.s32 v53, v29;
	vm9 =	vle.s32 v41, v29;
	v18 =	vadd.s32 v59, v18  }
0x408: {  	v43 =	vld [tilespmem:$0xB04];
	v59 =	vsel vm1, $0x1, v1;
	v53 =	vsel vm13, $0x1, v1;
	vm14 =	vle.s32 v54, v29  }
0x409: {  	v46 =	vld [tilespmem:$0xB2B];
	vm13 =	vle.s32 v5, v29;
	v18 =	vadd.s32 v60, v18;
	v38 =	vadd.s32 v59, v58  }
0x40a: {  	v37 =	vld [tilespmem:$0xB22];
	v60 =	vsel vm15, $0x1, v1;
	v54 =	vsel vm14, $0x1, v1;
	vm15 =	vle.s32 v55, v29  }
0x40b: {  	v57 =	vld [tilespmem:$0xB20];
	vm4 =	vle.s32 v56, v29;
	v48 =	vsel vm13, $0x1, v1;
	vm14 =	vle.s32 v32, v29  }
0x40c: {  	v44 =	vld [tilespmem:$0xB27];
	vm13 =	vle.s32 v40, v29;
	v18 =	vadd.s32 v19, v18;
	v19 =	vsel vm5, $0x1, v1  }
0x40d: {  	v34 =	vld [tilespmem:$0xB41];
	v38 =	vadd.s32 v60, v38;
	vm5 =	vle.s32 v43, v29;
	v55 =	vsel vm15, $0x1, v1  }
0x40e: {  	v12 =	vld [tilespmem:$0xB21];
	v56 =	vsel vm4, $0x1, v1;
	v60 =	vsel vm8, $0x1, v1;
	vm4 =	vle.s32 v46, v29  }
0x40f: {  	v47 =	vld [tilespmem:$0xB2C];
	vm8 =	vle.s32 v35, v29;
	v63 =	vadd.s32 v62, v18;
	v38 =	vadd.s32 v61, v38  }
0x410: {  	v36 =	vld [tilespmem:$0xB2D];
	v62 =	vsel vm5, $0x1, v1;
	vm5 =	vle.s32 v57, v29;
	v61 =	vsel vm9, $0x1, v1  }
0x411: {  	v33 =	vld [tilespmem:$0xB2E];
	vm12 =	vle.s32 v44, v29;
	vm9 =	vle.s32 v30, v29;
	v18 =	vadd.s32 v4, v63  }
0x412: {  	v42 =	vld [tilespmem:$0xB46];
	v38 =	vadd.s32 v62, v38;
	v63 =	vsel vm6, $0x1, v1;
	v4 =	vsel vm7, $0x1, v1  }
0x413: {  	v43 =	vld [tilespmem:$0xB26];
	v57 =	vsel vm5, $0x1, v1;
	vm6 =	vle.s32 v12, v29;
	vm7 =	vle.s32 v37, v29  }
0x414: {  	v41 =	vld [tilespmem:$0xB45];
	v62 =	vsel vm10, $0x1, v1;
	vm5 =	vle.s32 v47, v29;
	vm10 =	vle.s32 v34, v29  }
0x415: {  	v5 =	vld [tilespmem:$0xB49];
	v38 =	vadd.s32 v63, v38;
	v58 =	vsel vm6, $0x1, v1;
	v59 =	vsel vm7, $0x1, v1  }
0x416: {  	v12 =	vld [tilespmem:$0xB42];
	vm6 =	vle.s32 v36, v29;
	vm7 =	vle.s32 v33, v29;
	v38 =	vadd.s32 v4, v38  }
0x417: {  	v37 =	vld [tilespmem:$0xB43];
	v18 =	vadd.s32 v28, v18;
	v4 =	vsel vm12, $0x1, v1;
	v38 =	vadd.s32 v45, v38  }
0x418: {  	v32 =	vld [tilespmem:$0xB4A];
	v18 =	vadd.s32 v24, v18;
	vm11 =	vle.s32 v43, v29;
	v38 =	vadd.s32 v49, v38  }
0x419: {  	v44 =	vld [tilespmem:$0xB48];
	v18 =	vadd.s32 v25, v18;
	v63 =	vsel vm11, $0x1, v1;
	v38 =	vadd.s32 v50, v38  }
0x41a: {  	v45 =	vld [tilespmem:$0xB2A];
	v49 =	vsel vm14, $0x1, v1;
	vm14 =	vle.s32 v41, v29;
	v38 =	vadd.s32 v51, v38  }
0x41b: {  	v43 =	vld [tilespmem:$0xB47];
	v18 =	vadd.s32 v27, v18;
	vm11 =	vle.s32 v12, v29;
	v38 =	vadd.s32 v52, v38  }
0x41c: {  	v40 =	vld [tilespmem:$0xB65];
	vm12 =	vle.s32 v37, v29;
	v18 =	vadd.s32 v21, v18;
	v38 =	vadd.s32 v53, v38  }
0x41d: {  	v46 =	vld [tilespmem:$0xB4C];
	v51 =	vsel vm4, $0x1, v1;
	v18 =	vadd.s32 v22, v18;
	v38 =	vadd.s32 v54, v38  }
0x41e: {  	v35 =	vld [tilespmem:$0xB60];
	v52 =	vsel vm5, $0x1, v1;
	vm5 =	vle.s32 v44, v29;
	v38 =	vadd.s32 v55, v38  }
0x41f: {  	v30 =	vld [tilespmem:$0xB61];
	v18 =	vadd.s32 v26, v18;
	vm15 =	vle.s32 v45, v29;
	v38 =	vadd.s32 v56, v38  }
0x420: {  	v47 =	vld [tilespmem:$0xB4D];
	v53 =	vsel vm6, $0x1, v1;
	vm4 =	vle.s32 v43, v29;
	v38 =	vadd.s32 v57, v38  }
0x421: {  	v45 =	vld [tilespmem:$0xB4B];
	vm6 =	vle.s32 v5, v29;
	v50 =	vsel vm15, $0x1, v1;
	v38 =	vadd.s32 v58, v38  }
0x422: {  	v36 =	vld [tilespmem:$0xB4E];
	v54 =	vsel vm7, $0x1, v1;
	vm15 =	vle.s32 v42, v29;
	v38 =	vadd.s32 v59, v38  }
0x423: {  	v33 =	vld [tilespmem:$0xB4F];
	vm7 =	vle.s32 v32, v29;
	v55 =	vsel vm8, $0x1, v1;
	v38 =	vadd.s32 v60, v38  }
0x424: {  	v5 =	vld [tilespmem:$0xB6A];
	v56 =	vsel vm9, $0x1, v1;
	vm9 =	vle.s32 v46, v29;
	v38 =	vadd.s32 v61, v38  }
0x425: {  	v34 =	vld [tilespmem:$0xB62];
	v57 =	vsel vm10, $0x1, v1;
	vm10 =	vle.s32 v47, v29;
	v38 =	vadd.s32 v62, v38  }
0x426: {  	v12 =	vld [tilespmem:$0xB63];
	v58 =	vsel vm11, $0x1, v1;
	vm8 =	vle.s32 v45, v29;
	v38 =	vadd.s32 v63, v38  }
0x427: {  	v37 =	vld [tilespmem:$0xB64];
	vm11 =	vle.s32 v36, v29;
	v59 =	vsel vm12, $0x1, v1;
	v38 =	vadd.s32 v4, v38  }
0x428: {  	v47 =	vld [tilespmem:$0xB0B];
	v36 =	vsel vm11, $0x1, v1;
	vm12 =	vle.s32 v33, v29;
	v38 =	vadd.s32 v48, v38  }
0x429: {  	vm11 =	vle.s32 v5, v29;
	v60 =	vsel vm13, $0x1, v1;
	v48 =	vld [tilespmem:$0xB66];
	v38 =	vadd.s32 v49, v38  }
0x42a: {  	v33 =	vsel vm12, $0x1, v1;
	vm13 =	vle.s32 v35, v29;
	v49 =	vld [tilespmem:$0xB67];
	v38 =	vadd.s32 v50, v38  }
0x42b: {  	v61 =	vsel vm14, $0x1, v1;
	v44 =	vsel vm13, $0x1, v1;
	v50 =	vld [tilespmem:$0xB68];
	v38 =	vadd.s32 v51, v38  }
0x42c: {  	vm14 =	vle.s32 v30, v29;
	v62 =	vsel vm15, $0x1, v1;
	v51 =	vld [tilespmem:$0xB69];
	v38 =	vadd.s32 v52, v38  }
0x42d: {  	v42 =	vsel vm14, $0x1, v1;
	vm15 =	vle.s32 v34, v29;
	v52 =	vld [tilespmem:$0xB6B];
	v38 =	vadd.s32 v53, v38  }
0x42e: {  	v63 =	vsel vm4, $0x1, v1;
	vm4 =	vle.s32 v12, v29;
	v53 =	vld [tilespmem:$0xB6C];
	v38 =	vadd.s32 v54, v38  }
0x42f: {  	v45 =	vsel vm15, $0x1, v1;
	v12 =	vor.u32 $0x40, v8;
	v54 =	vld [tilespmem:$0xB6F];
	v38 =	vadd.s32 v55, v38  }
0x430: {  	v4 =	vsel vm5, $0x1, v1;
	vm5 =	vle.s32 v37, v29;
	v55 =	vld [tilespmem:$0xB00];
	v38 =	vadd.s32 v56, v38  }
0x431: {  	v39 =	vsel vm5, $0x1, v1;
	v56 =	vld [tilespmem:$0xB01];
	v38 =	vadd.s32 v57, v38;
	v57 =	vsel vm6, $0x1, v1  }
0x432: {  	vm6 =	vle.s32 v40, v29;
	vm12 =	vle.s32 v52, v29;
	v52 =	vld [tilespmem:$0xB09];
	v38 =	vadd.s32 v58, v38  }
0x433: {  	v43 =	vsel vm6, $0x1, v1;
	vm13 =	vle.s32 v53, v29;
	v53 =	vld [tilespmem:$0xB0A];
	v38 =	vadd.s32 v59, v38  }
0x434: {  	v59 =	vsel vm7, $0x1, v1;
	vm7 =	vle.s32 v48, v29;
	v48 =	vld [tilespmem:$0xB05];
	v30 =	vsel vm13, $0x1, v1  }
0x435: {  	v38 =	vadd.s32 v60, v38;
	v60 =	vsel vm8, $0x1, v1;
	vm8 =	vle.s32 v49, v29;
	v49 =	vld [tilespmem:$0xB06]  }
0x436: {  	vm0 =	vle.s32 v54, v29;
	v34 =	vsel vm7, $0x1, v1;
	v38 =	vadd.s32 v61, v38;
	v61 =	vld [tilespmem:$0xB6D]  }
0x437: {  	v38 =	vadd.s32 v62, v38;
	v62 =	vsel vm9, $0x1, v1;
	vm9 =	vle.s32 v50, v29;
	v50 =	vld [tilespmem:$0xB07]  }
0x438: {  	v35 =	vsel vm8, $0x1, v1;
	v38 =	vadd.s32 v63, v38;
	v63 =	vld [tilespmem:$0xB6E];
	v40 =	vsel vm9, $0x1, v1  }
0x439: {  	v38 =	vadd.s32 v4, v38;
	v4 =	vsel vm10, $0x1, v1;
	vm10 =	vle.s32 v51, v29;
	v51 =	vld [tilespmem:$0xB08]  }
0x43a: {  	v58 =	vadd.s32 v57, v38;
	v57 =	vld [tilespmem:$0xB02];
	v38 =	vsel vm4, $0x1, v1;
	vm4 =	vlt.s32 v6, v12  }
0x43b: {  	v32 =	vadd.s32 v59, v58;
	v58 =	vld [tilespmem:$0xB03];
	vm14 =	vle.s32 v61, v29;
	v46 =	vsel vm4, s31, v12  }
0x43c: {  	v59 =	vld [tilespmem:$0xB04];
	v32 =	vadd.s32 v60, v32;
	v37 =	vsel vm14, $0x1, v1;
	vm5 =	vgt.s32 v55, v46  }
0x43d: {  	v60 =	vld [tilespmem:$0xB0C];
	vm2 =	vle.s32 v56, v46;
	vm9 =	vle.s32 v48, v46;
	vm13 =	vle.s32 v52, v46  }
0x43e: {  	v56 =	vld [tilespmem:$0xB0E];
	vm14 =	vle.s32 v53, v46;
	v32 =	vadd.s32 v62, v32;
	vm15 =	vle.s32 v63, v29  }
0x43f: {  	v48 =	vld [tilespmem:$0xB21];
	v5 =	vsel vm5, $0xFFFFFFFF, v1;
	v61 =	vsel vm2, $0x1, v1;
	v32 =	vadd.s32 v4, v32  }
0x440: {  	v52 =	vld [tilespmem:$0xB25];
	v31 =	vsel vm15, $0x1, v1;
	v54 =	vadd.s32 v61, v5;
	v5 =	vsel vm9, $0x1, v1  }
0x441: {  	v53 =	vld [tilespmem:$0xB26];
	vm15 =	vle.s32 v47, v46;
	v32 =	vadd.s32 v36, v32;
	v36 =	vsel vm12, $0x1, v1  }
0x442: {  	v29 =	vld [tilespmem:$0xB0D];
	vm6 =	vle.s32 v57, v46;
	vm12 =	vle.s32 v51, v46;
	v41 =	vadd.s32 v33, v32  }
0x443: {  	v47 =	vld [tilespmem:$0xB27];
	v32 =	vsel vm10, $0x1, v1;
	v33 =	vsel vm11, $0x1, v1;
	v62 =	vsel vm6, $0x1, v1  }
0x444: {  	v57 =	vld [tilespmem:$0xB0F];
	vm7 =	vle.s32 v58, v46;
	vm8 =	vle.s32 v59, v46;
	vm10 =	vle.s32 v49, v46  }
0x445: {  	v51 =	vld [tilespmem:$0xB24];
	vm11 =	vle.s32 v50, v46;
	v54 =	vadd.s32 v62, v54;
	v63 =	vsel vm7, $0x1, v1  }
0x446: {  	v58 =	vld [tilespmem:$0xB20];
	v4 =	vsel vm8, $0x1, v1;
	v59 =	vsel vm10, $0x1, v1;
	v61 =	vsel vm11, $0x1, v1  }
0x447: {  	v49 =	vld [tilespmem:$0xB22];
	v62 =	vsel vm12, $0x1, v1;
	vm4 =	vle.s32 v60, v46;
	vm6 =	vle.s32 v56, v46  }
0x448: {  	v50 =	vld [tilespmem:$0xB23];
	vm9 =	vle.s32 v48, v46;
	v41 =	vadd.s32 v44, v41;
	v54 =	vadd.s32 v63, v54  }
0x449: {  	v56 =	vld [tilespmem:$0xB2A];
	v63 =	vsel vm13, $0x1, v1;
	v60 =	vsel vm4, $0x1, v1;
	vm5 =	vle.s32 v29, v46  }
0x44a: {  	v29 =	vld [tilespmem:$0xB29];
	vm13 =	vle.s32 v52, v46;
	v54 =	vadd.s32 v4, v54;
	v4 =	vsel vm14, $0x1, v1  }
0x44b: {  	v48 =	vld [tilespmem:$0xB2D];
	vm14 =	vle.s32 v53, v46;
	v54 =	vadd.s32 v5, v54;
	v5 =	vsel vm15, $0x1, v1  }
0x44c: {  	vm7 =	vle.s32 v57, v46;
	v57 =	vld [tilespmem:$0xB2B];
	vm12 =	vle.s32 v51, v46;
	vm15 =	vle.s32 v47, v46  }
0x44d: {  	v54 =	vadd.s32 v59, v54;
	v59 =	vld [tilespmem:$0xB28];
	vm8 =	vle.s32 v58, v46;
	vm10 =	vle.s32 v49, v46  }
0x44e: {  	v58 =	vld [tilespmem:$0xB2C];
	vm11 =	vle.s32 v50, v46;
	v54 =	vadd.s32 v61, v54;
	v61 =	vsel vm5, $0x1, v1  }
0x44f: {  	v49 =	vld [tilespmem:$0xB2E];
	v54 =	vadd.s32 v62, v54;
	v62 =	vsel vm6, $0x1, v1;
	vm5 =	vle.s32 v29, v46  }
0x450: {  	v50 =	vld [tilespmem:$0xB2F];
	vm6 =	vle.s32 v56, v46;
	v54 =	vadd.s32 v63, v54;
	v63 =	vsel vm7, $0x1, v1  }
0x451: {  	v51 =	vld [tilespmem:$0xB40];
	v54 =	vadd.s32 v4, v54;
	v4 =	vsel vm8, $0x1, v1;
	vm7 =	vle.s32 v57, v46  }
0x452: {  	v52 =	vld [tilespmem:$0xB41];
	v54 =	vadd.s32 v5, v54;
	v5 =	vsel vm9, $0x1, v1;
	vm4 =	vle.s32 v59, v46  }
0x453: {  	v53 =	vld [tilespmem:$0xB42];
	vm8 =	vle.s32 v58, v46;
	vm9 =	vle.s32 v48, v46;
	v54 =	vadd.s32 v60, v54  }
0x454: {  	v47 =	vld [tilespmem:$0xB43];
	v60 =	vsel vm10, $0x1, v1;
	vm10 =	vle.s32 v49, v46;
	v54 =	vadd.s32 v61, v54  }
0x455: {  	v59 =	vld [tilespmem:$0xB44];
	v61 =	vsel vm11, $0x1, v1;
	vm11 =	vle.s32 v50, v46;
	v54 =	vadd.s32 v62, v54  }
0x456: {  	v29 =	vld [tilespmem:$0xB45];
	v62 =	vsel vm12, $0x1, v1;
	vm12 =	vle.s32 v51, v46;
	v54 =	vadd.s32 v63, v54  }
0x457: {  	v56 =	vld [tilespmem:$0xB46];
	v63 =	vsel vm13, $0x1, v1;
	vm13 =	vle.s32 v52, v46;
	v54 =	vadd.s32 v4, v54  }
0x458: {  	v57 =	vld [tilespmem:$0xB47];
	v4 =	vsel vm14, $0x1, v1;
	vm14 =	vle.s32 v53, v46;
	v54 =	vadd.s32 v5, v54  }
0x459: {  	v58 =	vld [tilespmem:$0xB48];
	v5 =	vsel vm15, $0x1, v1;
	vm15 =	vle.s32 v47, v46;
	v54 =	vadd.s32 v60, v54  }
0x45a: {  	v48 =	vld [tilespmem:$0xB49];
	v60 =	vsel vm4, $0x1, v1;
	vm4 =	vle.s32 v59, v46;
	v54 =	vadd.s32 v61, v54  }
0x45b: {  	v49 =	vld [tilespmem:$0xB4A];
	v61 =	vsel vm5, $0x1, v1;
	vm5 =	vle.s32 v29, v46;
	v54 =	vadd.s32 v62, v54  }
0x45c: {  	v50 =	vld [tilespmem:$0xB4B];
	v62 =	vsel vm6, $0x1, v1;
	vm6 =	vle.s32 v56, v46;
	v54 =	vadd.s32 v63, v54  }
0x45d: {  	v51 =	vld [tilespmem:$0xB4C];
	v63 =	vsel vm7, $0x1, v1;
	vm7 =	vle.s32 v57, v46;
	v54 =	vadd.s32 v4, v54  }
0x45e: {  	v52 =	vld [tilespmem:$0xB4D];
	v4 =	vsel vm8, $0x1, v1;
	vm8 =	vle.s32 v58, v46;
	v54 =	vadd.s32 v5, v54  }
0x45f: {  	v53 =	vld [tilespmem:$0xB4E];
	v5 =	vsel vm9, $0x1, v1;
	vm9 =	vle.s32 v48, v46;
	v54 =	vadd.s32 v60, v54  }
0x460: {  	v47 =	vld [tilespmem:$0xB4F];
	v60 =	vsel vm10, $0x1, v1;
	vm10 =	vle.s32 v49, v46;
	v54 =	vadd.s32 v61, v54  }
0x461: {  	v49 =	vld [tilespmem:$0xB67];
	v61 =	vsel vm11, $0x1, v1;
	vm11 =	vle.s32 v50, v46;
	v50 =	vsel vm10, $0x1, v1  }
0x462: {  	v59 =	vld [tilespmem:$0xB60];
	v54 =	vadd.s32 v62, v54;
	v62 =	vsel vm12, $0x1, v1;
	v55 =	vsel vm11, $0x1, v1  }
0x463: {  	v29 =	vld [tilespmem:$0xB61];
	vm12 =	vle.s32 v51, v46;
	v54 =	vadd.s32 v63, v54;
	v63 =	vsel vm13, $0x1, v1  }
0x464: {  	v51 =	vld [tilespmem:$0xB68];
	vm13 =	vle.s32 v52, v46;
	v54 =	vadd.s32 v4, v54;
	v4 =	vsel vm14, $0x1, v1  }
0x465: {  	v56 =	vld [tilespmem:$0xB62];
	vm14 =	vle.s32 v53, v46;
	v53 =	vsel vm13, $0x1, v1;
	v54 =	vadd.s32 v5, v54  }
0x466: {  	v57 =	vld [tilespmem:$0xB63];
	v5 =	vsel vm15, $0x1, v1;
	vm15 =	vle.s32 v47, v46;
	vm11 =	vle.s32 v49, v46  }
0x467: {  	[tilespmem:$0x1FFD0] =	vst v0;
	v58 =	vld [tilespmem:$0xB64];
	v54 =	vadd.s32 v60, v54;
	v60 =	vsel vm4, $0x1, v1;
	v0 =	vsel vm15, $0x1, v1  }
0x468: {  	v47 =	vld [tilespmem:$0xB6A];
	vm4 =	vle.s32 v59, v46;
	v54 =	vadd.s32 v61, v54;
	v61 =	vsel vm5, $0x1, v1  }
0x469: {  	v48 =	vld [tilespmem:$0xB65];
	vm5 =	vle.s32 v29, v46;
	v59 =	vsel vm4, $0x1, v1;
	vm3 =	vle.s32 v51, v46  }
0x46a: {  	[tilespmem:$0x1FFE0] =	vst v3;
	v49 =	vld [tilespmem:$0xB6F];
	v54 =	vadd.s32 v62, v54;
	v62 =	vsel vm6, $0x1, v1;
	v3 =	vsel vm5, $0x1, v1  }
0x46b: {  	v29 =	vld [tilespmem:$0xB6B];
	vm6 =	vle.s32 v56, v46;
	v54 =	vadd.s32 v63, v54;
	v63 =	vsel vm7, $0x1, v1  }
0x46c: {  	vm7 =	vle.s32 v57, v46;
	v54 =	vadd.s32 v4, v54;
	v4 =	vsel vm8, $0x1, v1  }
0x46d: {  	v52 =	vld [tilespmem:$0xB69];
	vm8 =	vle.s32 v58, v46;
	v58 =	vsel vm7, $0x1, v1;
	vm13 =	vle.s32 v47, v46  }
0x46e: {  	v57 =	vld [tilespmem:$0xB6D];
	v47 =	vsel vm11, $0x1, v1;
	v54 =	vadd.s32 v5, v54;
	v5 =	vsel vm9, $0x1, v1  }
0x46f: {  	v56 =	vld [tilespmem:$0xB6C];
	vm9 =	vle.s32 v48, v46;
	v54 =	vadd.s32 v60, v54;
	v60 =	vsel vm0, $0x1, v1  }
0x470: {  	v51 =	vsel vm9, $0x1, v1;
	vm4 =	vle.s32 v29, v46;
	vm0 =	vle.s32 v49, v46  }
0x471: {  	v48 =	vld [tilespmem:$0xB6E];
	v29 =	vor.u32 $0x50, v8;
	v8 =	vadd.s32 v42, v41;
	v54 =	vadd.s32 v61, v54  }
0x472: {  	v54 =	vadd.s32 v62, v54;
	v62 =	vsel vm12, $0x1, v1;
	vm12 =	vle.s32 v52, v46  }
0x473: {  	v61 =	vld [tilespmem:$0xB66];
	vm5 =	vle.s32 v57, v46;
	v57 =	vsel vm13, $0x1, v1;
	v54 =	vadd.s32 v63, v54  }
0x474: {  	v63 =	vsel vm14, $0x1, v1;
	vm14 =	vle.s32 v56, v46;
	v56 =	vsel vm12, $0x1, v1  }
0x475: {  	v26 =	vld [tilespmem:$0xB01];
	v49 =	vsel vm5, $0x1, v1;
	v54 =	vadd.s32 v4, v54;
	v4 =	vsel vm6, $0x1, v1  }
0x476: {  	v27 =	vld [tilespmem:$0xB02];
	vm15 =	vle.s32 v48, v46;
	v48 =	vsel vm4, $0x1, v1;
	vm6 =	vlt.s32 v6, v29  }
0x477: {  	v54 =	vadd.s32 v5, v54;
	v5 =	vsel vm3, $0x1, v1;
	v6 =	vsel vm6, s31, v29  }
0x478: {  	v28 =	vld [tilespmem:$0xB03];
	vm10 =	vle.s32 v61, v46;
	v61 =	vsel vm8, $0x1, v1;
	v54 =	vadd.s32 v50, v54  }
0x479: {  	v46 =	vsel vm14, $0x1, v1;
	v50 =	vadd.s32 v55, v54;
	v54 =	vadd.s32 v45, v8  }
0x47a: {  	vm8 =	vle.s32 v26, v6;
	v55 =	vadd.s32 v62, v50;
	v24 =	vadd.s32 v38, v54  }
0x47b: {  	vm9 =	vle.s32 v27, v6;
	v62 =	vadd.s32 v53, v55;
	v24 =	vadd.s32 v39, v24  }
0x47c: {  	v52 =	vsel vm10, $0x1, v1;
	v39 =	vld [tilespmem:$0xB0B];
	v25 =	vadd.s32 v63, v62;
	v8 =	vadd.s32 v43, v24  }
0x47d: {  	v44 =	vld [tilespmem:$0xB0D];
	vm10 =	vle.s32 v28, v6;
	v0 =	vadd.s32 v0, v25;
	v21 =	vadd.s32 v34, v8  }
0x47e: {  	v0 =	vadd.s32 v59, v0;
	v21 =	vadd.s32 v35, v21;
	v35 =	vsel vm10, $0x1, v1  }
0x47f: {  	v0 =	vadd.s32 v3, v0;
	v3 =	vadd.s32 v19, v18;
	v22 =	vadd.s32 v40, v21  }
0x480: {  	v0 =	vadd.s32 v4, v0;
	v3 =	vadd.s32 v20, v3;
	v24 =	vadd.s32 v32, v22  }
0x481: {  	v32 =	vsel vm8, $0x1, v1;
	vm6 =	vle.s32 v39, v6;
	v0 =	vadd.s32 v58, v0  }
0x482: {  	vm8 =	vle.s32 v44, v6;
	v3 =	vadd.s32 v23, v3;
	v0 =	vadd.s32 v61, v0  }
0x483: {  	v62 =	vld [tilespmem:$0xB27];
	v4 =	vadd.s32 v33, v24;
	v3 =	vadd.s32 v17, v3;
	v0 =	vadd.s32 v51, v0  }
0x484: {  	v25 =	vld [tilespmem:$0xB00];
	v50 =	vsel vm6, $0x1, v1;
	v3 =	vadd.s32 v13, v3;
	v0 =	vadd.s32 v52, v0  }
0x485: {  	v41 =	vld [tilespmem:$0xB0C];
	v54 =	vsel vm8, $0x1, v1;
	v3 =	vadd.s32 v14, v3;
	v0 =	vadd.s32 v47, v0  }
0x486: {  	v4 =	vadd.s32 v36, v4;
	v3 =	vadd.s32 v15, v3;
	v0 =	vadd.s32 v5, v0  }
0x487: {  	v4 =	vadd.s32 v30, v4;
	v14 =	vadd.s32 v16, v3;
	v3 =	vld [tilespmem:$0xB04];
	v0 =	vadd.s32 v56, v0  }
0x488: {  	vm6 =	vle.s32 v62, v6;
	v30 =	vld [tilespmem:$0xB05];
	v4 =	vadd.s32 v37, v4;
	v0 =	vadd.s32 v57, v0  }
0x489: {  	vm7 =	vgt.s32 v25, v6;
	v4 =	vadd.s32 v31, v4;
	v31 =	vld [tilespmem:$0xB06];
	v0 =	vadd.s32 v48, v0  }
0x48a: {  	v33 =	vld [tilespmem:$0xB07];
	v17 =	vsel vm7, $0xFFFFFFFF, v1;
	vm7 =	vle.s32 v41, v6;
	v0 =	vadd.s32 v46, v0  }
0x48b: {  	v34 =	vld [tilespmem:$0xB08];
	v17 =	vadd.s32 v32, v17;
	v16 =	vadd.s32 v49, v0;
	v0 =	vsel vm9, $0x1, v1  }
0x48c: {  	v15 =	vsel vm15, $0x1, v1;
	vm11 =	vle.s32 v3, v6;
	v3 =	vld [tilespmem:$0xB09];
	v0 =	vadd.s32 v0, v17  }
0x48d: {  	v37 =	vld [tilespmem:$0xB0A];
	vm12 =	vle.s32 v30, v6;
	v36 =	vsel vm11, $0x1, v1;
	v0 =	vadd.s32 v35, v0  }
0x48e: {  	v44 =	vld [tilespmem:$0xB43];
	v38 =	vsel vm12, $0x1, v1;
	vm13 =	vle.s32 v31, v6;
	v0 =	vadd.s32 v36, v0  }
0x48f: {  	v24 =	vld [tilespmem:$0xB29];
	vm14 =	vle.s32 v33, v6;
	v40 =	vsel vm13, $0x1, v1;
	v0 =	vadd.s32 v38, v0  }
0x490: {  	v51 =	vld [tilespmem:$0xB21];
	vm15 =	vle.s32 v34, v6;
	v43 =	vsel vm14, $0x1, v1;
	v0 =	vadd.s32 v40, v0  }
0x491: {  	v45 =	vsel vm15, $0x1, v1;
	vm4 =	vle.s32 v3, v6;
	v3 =	vld [tilespmem:$0xB0E];
	v0 =	vadd.s32 v43, v0  }
0x492: {  	v47 =	vld [tilespmem:$0xB0F];
	vm5 =	vle.s32 v37, v6;
	v46 =	vsel vm4, $0x1, v1;
	v0 =	vadd.s32 v45, v0  }
0x493: {  	v52 =	vsel vm7, $0x1, v1;
	v48 =	vsel vm5, $0x1, v1;
	v49 =	vld [tilespmem:$0xB20];
	v0 =	vadd.s32 v46, v0  }
0x494: {  	v53 =	vld [tilespmem:$0xB22];
	v32 =	vsel vm6, $0x1, v1;
	vm6 =	vle.s32 v44, v6;
	v0 =	vadd.s32 v48, v0  }
0x495: {  	v13 =	vadd.s32 v60, v4;
	v60 =	vld [tilespmem:$0xB26];
	vm8 =	vle.s32 v24, v6;
	v0 =	vadd.s32 v50, v0  }
0x496: {  	vm12 =	vle.s32 v51, v6;
	vm9 =	vle.s32 v3, v6;
	v3 =	vld [tilespmem:$0xB23];
	v0 =	vadd.s32 v52, v0  }
0x497: {  	v56 =	vld [tilespmem:$0xB24];
	vm10 =	vle.s32 v47, v6;
	v55 =	vsel vm9, $0x1, v1;
	v0 =	vadd.s32 v54, v0  }
0x498: {  	v58 =	vld [tilespmem:$0xB25];
	v57 =	vsel vm10, $0x1, v1;
	vm11 =	vle.s32 v49, v6;
	v0 =	vadd.s32 v55, v0  }
0x499: {  	v28 =	vld [tilespmem:$0xB2B];
	v61 =	vsel vm12, $0x1, v1;
	v59 =	vsel vm11, $0x1, v1;
	v0 =	vadd.s32 v57, v0  }
0x49a: {  	v34 =	vld [tilespmem:$0xB2E];
	vm13 =	vle.s32 v53, v6;
	vm5 =	vle.s32 v60, v6;
	v0 =	vadd.s32 v59, v0  }
0x49b: {  	v63 =	vsel vm13, $0x1, v1;
	vm14 =	vle.s32 v3, v6;
	v3 =	vld [tilespmem:$0xB28];
	v0 =	vadd.s32 v61, v0  }
0x49c: {  	v26 =	vld [tilespmem:$0xB2A];
	vm15 =	vle.s32 v56, v6;
	v8 =	vsel vm14, $0x1, v1;
	v0 =	vadd.s32 v63, v0  }
0x49d: {  	v31 =	vld [tilespmem:$0xB2C];
	v25 =	vsel vm15, $0x1, v1;
	vm4 =	vle.s32 v58, v6;
	v0 =	vadd.s32 v8, v0  }
0x49e: {  	vm10 =	vle.s32 v28, v6;
	v53 =	vld [tilespmem:$0xB48];
	v27 =	vsel vm4, $0x1, v1;
	v0 =	vadd.s32 v25, v0  }
0x49f: {  	v30 =	vsel vm5, $0x1, v1;
	v39 =	vsel vm10, $0x1, v1;
	v38 =	vld [tilespmem:$0xB40];
	v0 =	vadd.s32 v27, v0  }
0x4a0: {  	vm13 =	vle.s32 v34, v6;
	vm7 =	vle.s32 v3, v6;
	v3 =	vld [tilespmem:$0xB2D];
	v0 =	vadd.s32 v30, v0  }
0x4a1: {  	v35 =	vsel vm8, $0x1, v1;
	v36 =	vld [tilespmem:$0xB2F];
	v33 =	vsel vm7, $0x1, v1;
	v0 =	vadd.s32 v32, v0  }
0x4a2: {  	v40 =	vld [tilespmem:$0xB41];
	vm11 =	vle.s32 v31, v6;
	vm9 =	vle.s32 v26, v6;
	v0 =	vadd.s32 v33, v0  }
0x4a3: {  	v62 =	vld [tilespmem:$0xB4D];
	v41 =	vsel vm11, $0x1, v1;
	v37 =	vsel vm9, $0x1, v1;
	v0 =	vadd.s32 v35, v0  }
0x4a4: {  	v45 =	vsel vm13, $0x1, v1;
	vm11 =	vle.s32 v53, v6;
	v48 =	vld [tilespmem:$0xB45];
	v0 =	vadd.s32 v37, v0  }
0x4a5: {  	vm15 =	vle.s32 v38, v6;
	vm12 =	vle.s32 v3, v6;
	v3 =	vld [tilespmem:$0xB42];
	v0 =	vadd.s32 v39, v0  }
0x4a6: {  	v46 =	vld [tilespmem:$0xB44];
	v49 =	vsel vm15, $0x1, v1;
	v43 =	vsel vm12, $0x1, v1;
	v0 =	vadd.s32 v41, v0  }
0x4a7: {  	vm4 =	vle.s32 v40, v6;
	v50 =	vld [tilespmem:$0xB46];
	vm14 =	vle.s32 v36, v6;
	v0 =	vadd.s32 v43, v0  }
0x4a8: {  	v31 =	vld [tilespmem:$0xB62];
	v51 =	vsel vm4, $0x1, v1;
	v47 =	vsel vm14, $0x1, v1;
	v0 =	vadd.s32 v45, v0  }
0x4a9: {  	vm4 =	vle.s32 v62, v6;
	v54 =	vsel vm6, $0x1, v1;
	v57 =	vld [tilespmem:$0xB4A];
	v0 =	vadd.s32 v47, v0  }
0x4aa: {  	vm8 =	vle.s32 v48, v6;
	vm5 =	vle.s32 v3, v6;
	v3 =	vld [tilespmem:$0xB47];
	v0 =	vadd.s32 v49, v0  }
0x4ab: {  	v55 =	vld [tilespmem:$0xB49];
	v58 =	vsel vm8, $0x1, v1;
	v52 =	vsel vm5, $0x1, v1;
	v0 =	vadd.s32 v51, v0  }
0x4ac: {  	vm9 =	vle.s32 v50, v6;
	v59 =	vld [tilespmem:$0xB4B];
	vm7 =	vle.s32 v46, v6;
	v0 =	vadd.s32 v52, v0  }
0x4ad: {  	v53 =	vld [tilespmem:$0x1FFE0];
	v60 =	vsel vm9, $0x1, v1;
	v56 =	vsel vm7, $0x1, v1;
	v0 =	vadd.s32 v54, v0  }
0x4ae: {  	v40 =	vld [tilespmem:$0xB67];
	vm9 =	vle.s32 v31, v6;
	v63 =	vsel vm11, $0x1, v1;
	v0 =	vadd.s32 v56, v0  }
0x4af: {  	vm13 =	vle.s32 v57, v6;
	vm10 =	vle.s32 v3, v6;
	v3 =	vld [tilespmem:$0xB4C];
	v0 =	vadd.s32 v58, v0  }
0x4b0: {  	v8 =	vld [tilespmem:$0xB4E];
	v26 =	vsel vm13, $0x1, v1;
	v61 =	vsel vm10, $0x1, v1;
	v0 =	vadd.s32 v60, v0  }
0x4b1: {  	v25 =	vld [tilespmem:$0xB4F];
	vm14 =	vle.s32 v59, v6;
	vm12 =	vle.s32 v55, v6;
	v0 =	vadd.s32 v61, v0  }
0x4b2: {  	v27 =	vld [tilespmem:$0xB60];
	v59 =	vsel vm0, $0x1, v1;
	v24 =	vsel vm12, $0x1, v1;
	v0 =	vadd.s32 v63, v0  }
0x4b3: {  	v28 =	vsel vm14, $0x1, v1;
	vm14 =	vle.s32 v40, v6;
	v33 =	vld [tilespmem:$0xB63];
	v0 =	vadd.s32 v24, v0  }
0x4b4: {  	v32 =	vsel vm4, $0x1, v1;
	vm15 =	vle.s32 v3, v6;
	v3 =	vld [tilespmem:$0xB61];
	v0 =	vadd.s32 v26, v0  }
0x4b5: {  	v48 =	vsel vm14, $0x1, v1;
	v35 =	vld [tilespmem:$0xB64];
	v30 =	vsel vm15, $0x1, v1;
	v0 =	vadd.s32 v28, v0  }
0x4b6: {  	vm6 =	vle.s32 v25, v6;
	v37 =	vld [tilespmem:$0xB65];
	vm5 =	vle.s32 v8, v6;
	v0 =	vadd.s32 v30, v0  }
0x4b7: {  	v36 =	vsel vm6, $0x1, v1;
	v55 =	vld [tilespmem:$0xB6C];
	v34 =	vsel vm5, $0x1, v1;
	v0 =	vadd.s32 v32, v0  }
0x4b8: {  	vm7 =	vle.s32 v27, v6;
	vm6 =	vgt.s32 v53, v7;
	v43 =	vld [tilespmem:$0xB68];
	v0 =	vadd.s32 v34, v0  }
0x4b9: {  	v38 =	vsel vm7, $0x1, v1;
	vm8 =	vle.s32 v3, v6;
	v3 =	vld [tilespmem:$0xB66];
	v0 =	vadd.s32 v36, v0  }
0x4ba: {  	v41 =	vsel vm9, $0x1, v1;
	v45 =	vld [tilespmem:$0xB69];
	v39 =	vsel vm8, $0x1, v1;
	v0 =	vadd.s32 v38, v0  }
0x4bb: {  	vm11 =	vle.s32 v35, v6;
	v47 =	vld [tilespmem:$0x1FFC0];
	vm10 =	vle.s32 v33, v6;
	v0 =	vadd.s32 v39, v0  }
0x4bc: {  	vm12 =	vle.s32 v37, v6;
	v54 =	vld [tilespmem:$0x1FFF0];
	v44 =	vsel vm10, $0x1, v1;
	v0 =	vadd.s32 v41, v0  }
0x4bd: {  	[tilespmem:$0x960] =	vst v9;
	v46 =	vsel vm11, $0x1, v1;
	v5 =	vsel vm12, $0x1, v1;
	v49 =	vld [tilespmem:$0xB6A];
	v0 =	vadd.s32 v44, v0  }
0x4be: {  	[tilespmem:$0x910] =	vst v10;
	vm9 =	vle.s32 v55, v6;
	vm13 =	vle.s32 v3, v6;
	v0 =	vadd.s32 v46, v0  }
0x4bf: {  	[tilespmem:$0x920] =	vst v14;
	v50 =	vld [tilespmem:$0xB6B];
	vm4 =	vle.s32 v45, v6;
	v3 =	vsel vm13, $0x1, v1;
	v0 =	vadd.s32 v5, v0  }
0x4c0: {  	[tilespmem:$0x930] =	vst v13;
	v52 =	vsel vm4, $0x1, v1;
	vm15 =	vle.s32 v43, v6;
	v0 =	vadd.s32 v3, v0  }
0x4c1: {  	[tilespmem:$0xA20] =	vst v53;
	v51 =	vld [tilespmem:$0x1FFD0];
	vm5 =	vgt.s32 v53, v54;
	v3 =	vsel vm15, $0x1, v1;
	v0 =	vadd.s32 v48, v0  }
0x4c2: {  	v57 =	vld [tilespmem:$0xB6D];
	[tilespmem:$0x900] =	vst v47;
	vm7 =	vle.s32 v49, v6;
	v0 =	vadd.s32 v3, v0;
	v3 =	vnsel vm5, $0x0, v54  }
0x4c3: {  	v56 =	vadd.s32 v15, v16;
	v58 =	vld [tilespmem:$0xB6E];
	v60 =	vsel vm7, $0x1, v1;
	[tilespmem:$0x970] =	vst v3;
	v3 =	vnsel vm5, $0x5F, v54  }
0x4c4: {  	v61 =	vld [tilespmem:$0xB6F];
	vm8 =	vle.s32 v50, v6;
	v0 =	vadd.s32 v52, v0;
	[tilespmem:$0x9D0] =	vst v3;
	v3 =	vnsel vm6, $0x0, v7  }
0x4c5: {  	v62 =	vadd.s32 v59, v56;
	v0 =	vadd.s32 v60, v0;
	[tilespmem:$0x980] =	vst v3;
	v3 =	vsel vm8, $0x1, v1  }
0x4c6: {  	[tilespmem:$0x9C0] =	vst v51;
	vm10 =	vgt.s32 v53, v11;
	v0 =	vadd.s32 v3, v0;
	v3 =	vsel vm9, $0x1, v1  }
0x4c7: {  	vm11 =	vle.s32 v57, v6;
	[tilespmem:$0x940] =	vst v62;
	v0 =	vadd.s32 v3, v0;
	v3 =	vnsel vm10, $0x0, v11  }
0x4c8: {  	vm12 =	vle.s32 v58, v6;
	vm13 =	vgt.s32 v53, v12;
	[tilespmem:$0x990] =	vst v3;
	v3 =	vnsel vm10, $0x5F, v11  }
0x4c9: {  	vm14 =	vle.s32 v61, v6;
	v63 =	vnsel vm13, $0x5F, v12;
	[tilespmem:$0x9F0] =	vst v3;
	v3 =	vsel vm11, $0x1, v1  }
0x4ca: {  	v5 =	vsel vm12, $0x1, v1;
	[tilespmem:$0xA00] =	vst v63;
	v0 =	vadd.s32 v3, v0;
	v3 =	vnsel vm13, $0x0, v12  }
0x4cb: {  	v7 =	vnsel vm6, $0x5F, v7;
	[tilespmem:$0x9A0] =	vst v3;
	v0 =	vadd.s32 v5, v0;
	v3 =	vsel vm14, $0x1, v1  }
0x4cc: {  	vm15 =	vgt.s32 v53, v29;
	[tilespmem:$0x9E0] =	vst v7;
	v0 =	vadd.s32 v3, v0  }
0x4cd: {  	[tilespmem:$0x950] =	vst v0;
	v0 =	vnsel vm15, $0x0, v29  }
0x4ce: {  	[tilespmem:$0x9B0] =	vst v0;
	v0 =	vnsel vm15, $0x5F, v29  }
.Ltmp19:
0x4cf: {  	s22 =	rddreg [dreg:$0x3];
	s31 =	simm.s32 $0x900;
	[tilespmem:$0xA10] =	vst v0;
	(pc) =	sbr.rel .LBB2_35-.Ltmp19, $4  }
0x4d0: {  	[hbm4b:s22+s4] =	stream.linear.scatter [tilespmem:s31], [sflag:$0x3], $0x180, $0x38;
	[tilespmem:$0x10CC0] =	vst v63  }
0x4d1: {  	_ =	swait.ge [sflag:s2], $0x180  }
0x4d2: {  	[sflag:s2] =	ssyncset.done $0x0  }
0x4d3: {  	v42 =	vlaneseq.u32;
	[sflag:s2] =	ssyncadd.s32 $0xFFFFFE80  }
.LBB2_36:
0x4d4: {  	_ =	sfence.sel $0x180000  }
0x4d5: {  	[bflag:$0x0] =	sbarrier.arrive $0xFFFF  }
0x4d6: {  	_ =	strace $0x90000047  }
0x4d7: {  	s0 =	stileid.u32;
	[bflag:$0x2] =	sbarrier.arrive $0xFFFF  }
0x4d8: {  	p0 =	sne.s32 s0, $0x0;
	s0 =	rddreg [dreg:$0x5]  }
0x4d9: {  	s0 =	sadd.s32 @!p0 $0x100000, s0  }
0x4da: {  	[sflag:s0] =	ssyncadd.tile.s32 @!p0 $0x1;
	_ =	shalt  }
.Lfunc_end2:
_tile_overlayer_lowered:
.L_overlay_start_2:
0x4db: {  	(tag) =	ssettag $0x2  }
0x4dc: {  	s0 =	rddreg [dreg:$0x0];
	s2 =	stileid.u32  }
0x4dd: {  	s1 =	rddreg [dreg:$0x1];
	p0 =	sne.s32 s2, $0x0  }
0x4de: {  	s3 =	rddreg [dreg:$0x2];
	[bflag:$0x3] =	sbarrier.arrive $0xFFFF;
	s2 =	simm.s32 @!p0 $0x1C03  }
0x4df: {  	[timem:s3], [sflag:s2] =	dma.local @!p0 [hbm:s0], s1  }
0x4e0: {  	s0 =	simm.s32 @!p0 $0x3  }
0x4e1: {  	_ =	swait.ge @!p0 [sflag:s0], s1  }
0x4e2: {  	s1 =	ssub.s32 @!p0 $0x0, s1;
	[sflag:s0] =	ssyncset.done @!p0 $0x0  }
0x4e3: {  	[sflag:s0] =	ssyncadd.s32 @!p0 s1  }
0x4e4: {  	[bflag:$0x3] =	sbarrier.arrive $0xFFFF  }
0x4e5: {  	_ =	shalt  }

// kernel: kernel.8.cloned.1.call-start
scs
__scs_entry_jumppad:
0x0: {  	(pc) =	sbr.rel $0x88, $3  }
0x1: {  	(tag) =	ssettag $0x0;
	lr =	simm.s32 $0x1  }
0x2: {  	[smem:$0x3F9D] =	sst lr;
	_ =	strace $0xD0000000  }
0x3: {  	_ = 	snop  }
0x4: {  	_ = 	snop  }
0x5: {  	_ = 	snop  }
0x6: {  	_ = 	snop  }
0x7: {  	_ = 	snop  }
__scs_overlays_trampoline_lowered:
0x8: {  	[smem:$0x3FAC] =	sst s0  }
0x9: {  	[smem:$0x3FAD] =	sst s1  }
0xa: {  	[smem:$0x3FAE] =	sst s2  }
0xb: {  	[smem:$0x3FAF] =	sst s3  }
0xc: {  	[smem:$0x3FB0] =	sst s4  }
0xd: {  	[smem:$0x3FB1] =	sst s5  }
0xe: {  	[smem:$0x3FB2] =	sst s6  }
0xf: {  	[smem:$0x3FB3] =	sst s7  }
0x10: {  	[smem:$0x3FB4] =	sst s8  }
0x11: {  	[smem:$0x3FB5] =	sst s9;
	s0 =	simm.s32 @!p0 $0x0  }
0x12: {  	s1 =	sld [smem:$0x3F9B];
	s0 =	simm.s32 @p0 $0x1  }
0x13: {  	[smem:$0x3FB6] =	sst s0;
	s0 =	simm.s32 @!p1 $0x0  }
0x14: {  	s2 =	sld [smem:$0x3F9A];
	s0 =	simm.s32 @p1 $0x1  }
0x15: {  	[smem:$0x3FB7] =	sst s0;
	s0 =	simm.s32 @!p2 $0x0  }
0x16: {  	s3 =	sld [smem:$0x3FDB];
	s0 =	simm.s32 @p2 $0x1  }
0x17: {  	s4 =	simm.s32 $0x1BF5;
	[smem:$0x3FB9] =	sst s0  }
0x18: {  	s0 =	sld [smem:$0x3F9C];
	_ =	swait.ge [sflag:s4], $0x0  }
0x19: {  	s7 =	sld [smem:$0x3F9D]  }
0x1a: {  	s8 =	sadd.s32 $0xFFFFE003, lr  }
0x1b: {  	s9 =	sadd.s32 $0xFFFFFEF7, lr;
	s5 =	simm.s32 $0xFFFFFFFF;
	p2 =	slt.u32 s8, $0xFFFFF086  }
0x1c: {  	p1 =	slt.u32 s9, $0xF7A;
	s5 =	simm.s32 @!p2 $0x0  }
0x1d: {  	s5 =	simm.s32 @p1 $0x1;
	p0 =	seq.s32 s7, s2  }
0x1e: {  	s7 =	smul.u32 @!p0 $0xF7A, s2;
	p2 =	seq.s32 @!p0 s5, $0x0  }
0x1f: {  	s9 =	smul.u32 $0xF7A, s1;
	s8 =	simm.s32 @!p0 $0x1BF5;
	p2 =	por !p2, p0  }
0x20: {  	[sflag:s8] =	ssyncset.s32 @!p0 $0xFFFFF086;
	s6 =	sadd.s32 @!p0 s3, s7;
	s7 =	simm.s32 @!p0 $0x108  }
0x21: {  	s3 =	sadd.s32 s3, s9;
	s6 =	sadd.s32 @!p0 $0x88, s6;
	s7 =	simm.s32 @p2 $0x1082  }
0x22: {  	[simem:s7], [sflag:s8] =	dma.local @!p0 [hbm:s6], $0xF7A  }
0x23: {  	s9 =	sor.u32 $0xD0000000, s2;
	s6 =	simm.s32 $0x108;
	_ =	swait.ge @!p0 [sflag:s8], $0x0  }
0x24: {  	s3 =	sadd.s32 $0x88, s3;
	s6 =	simm.s32 @!p1 $0x1082;
	[sflag:s4] =	ssyncset.s32 $0xFFFFF086  }
0x25: {  	[simem:s6], [sflag:s4] =	dma.local [hbm:s3], $0xF7A  }
0x26: {  	[smem:$0x3F9D] =	sst s1;
	(tag) =	ssettag s2;
	_ =	strace s9  }
0x27: {  	s1 =	sld [smem:$0x3FAD]  }
0x28: {  	s2 =	sld [smem:$0x3FAE]  }
0x29: {  	s4 =	sld [smem:$0x3FB0]  }
0x2a: {  	p0 =	seq.s32 s5, $0x0;
	s5 =	sld [smem:$0x3FB1]  }
0x2b: {  	s6 =	sld [smem:$0x3FB2]  }
0x2c: {  	s7 =	sld [smem:$0x3FB3]  }
0x2d: {  	s3 =	simm.s32 $0x108;
	s8 =	sld [smem:$0x3FB4]  }
0x2e: {  	s3 =	simm.s32 @!p0 $0x1082;
	s9 =	sld [smem:$0x3FB5]  }
0x2f: {  	lr =	sadd.s32 s0, s3;
	s0 =	sld [smem:$0x3FAC]  }
0x30: {  	s3 =	sld [smem:$0x3FAF]  }
0x31: {  	[smem:$0x3FB8] =	sst s10  }
0x32: {  	s10 =	sld [smem:$0x3FB6];
	_ =	sdelay $0x3  }
0x33: {  	p0 =	seq.s32 s10, $0x1;
	s10 =	sld [smem:$0x3FB8];
	_ =	sdelay $0x3  }
0x34: {  	[smem:$0x3FB8] =	sst s10  }
0x35: {  	s10 =	sld [smem:$0x3FB7];
	_ =	sdelay $0x3  }
0x36: {  	p1 =	seq.s32 s10, $0x1;
	s10 =	sld [smem:$0x3FB8];
	_ =	sdelay $0x3  }
0x37: {  	[smem:$0x3FB8] =	sst s10  }
0x38: {  	s10 =	sld [smem:$0x3FB9]  }
0x39: {  	_ = 	snop;
	(pc) =	sbr.ind lr, $3  }
0x3a: {  	_ = 	snop  }
0x3b: {  	_ = 	snop  }
0x3c: {  	p2 =	seq.s32 s10, $0x1;
	s10 =	sld [smem:$0x3FB8]  }
0x3d: {  	_ =	shalt  }
0x3e: {  	_ =	shalt  }
0x3f: {  	_ =	shalt  }
0x40: {  	_ =	shalt  }
0x41: {  	_ =	shalt  }
0x42: {  	_ =	shalt  }
0x43: {  	_ =	shalt  }
0x44: {  	_ =	shalt  }
0x45: {  	_ =	shalt  }
0x46: {  	_ =	shalt  }
0x47: {  	_ =	shalt  }
0x48: {  	_ =	shalt  }
0x49: {  	_ =	shalt  }
0x4a: {  	_ =	shalt  }
0x4b: {  	_ =	shalt  }
0x4c: {  	_ =	shalt  }
0x4d: {  	_ =	shalt  }
0x4e: {  	_ =	shalt  }
0x4f: {  	_ =	shalt  }
0x50: {  	_ =	shalt  }
0x51: {  	_ =	shalt  }
0x52: {  	_ =	shalt  }
0x53: {  	_ =	shalt  }
0x54: {  	_ =	shalt  }
0x55: {  	_ =	shalt  }
0x56: {  	_ =	shalt  }
0x57: {  	_ =	shalt  }
0x58: {  	_ =	shalt  }
0x59: {  	_ =	shalt  }
0x5a: {  	_ =	shalt  }
0x5b: {  	_ =	shalt  }
0x5c: {  	_ =	shalt  }
0x5d: {  	_ =	shalt  }
0x5e: {  	_ =	shalt  }
0x5f: {  	_ =	shalt  }
0x60: {  	_ =	shalt  }
0x61: {  	_ =	shalt  }
0x62: {  	_ =	shalt  }
0x63: {  	_ =	shalt  }
0x64: {  	_ =	shalt  }
0x65: {  	_ =	shalt  }
0x66: {  	_ =	shalt  }
0x67: {  	_ =	shalt  }
0x68: {  	_ =	shalt  }
0x69: {  	_ =	shalt  }
0x6a: {  	_ =	shalt  }
0x6b: {  	_ =	shalt  }
0x6c: {  	_ =	shalt  }
0x6d: {  	_ =	shalt  }
0x6e: {  	_ =	shalt  }
0x6f: {  	_ =	shalt  }
0x70: {  	_ =	shalt  }
0x71: {  	_ =	shalt  }
0x72: {  	_ =	shalt  }
0x73: {  	_ =	shalt  }
0x74: {  	_ =	shalt  }
0x75: {  	_ =	shalt  }
0x76: {  	_ =	shalt  }
0x77: {  	_ =	shalt  }
0x78: {  	_ =	shalt  }
0x79: {  	_ =	shalt  }
0x7a: {  	_ =	shalt  }
0x7b: {  	_ =	shalt  }
0x7c: {  	_ =	shalt  }
0x7d: {  	_ =	shalt  }
0x7e: {  	_ =	shalt  }
0x7f: {  	_ =	shalt  }
0x80: {  	_ =	shalt  }
0x81: {  	_ =	shalt  }
0x82: {  	_ =	shalt  }
0x83: {  	_ =	shalt  }
0x84: {  	_ =	shalt  }
0x85: {  	_ =	shalt  }
0x86: {  	_ =	shalt  }
0x87: {  	_ =	shalt  }
.Lfunc_end0:
.L_simem_size_0:
called_computation.1_lowered:
.L_overlay_start_0:
0x88: {  	s2 =	sld [smem:$0x3FD9]  }
0x89: {  	s3 =	sld [smem:$0x3FFE];
	_ =	sdelay $0x1  }
0x8a: {  	s1 =	srdreg.scid  }
0x8b: {  	s0 =	sand.u32 $0x1, s1  }
0x8c: {  	s17 =	sshll.u32 s0, $0xA;
	s2 =	sadd.s32 s3, s2  }
0x8d: {  	s2 =	sadd.s32 s2, s17  }
0x8e: {  	[smem:$0x3FC4] =	sst s2  }
0x8f: {  	_ = 	snop  }
0x90: {  	s2 =	sld [smem:$0x3FD0];
	(tm) =	ssettm $0x1  }
0x91: {  	s18 =	sld [smem:$0x3FFB];
	_ =	sdelay $0x3  }
0x92: {  	_ =	strace s18  }
0x93: {  	s3 =	sld [smem:$0x3FFC];
	_ =	sdelay $0x3  }
0x94: {  	_ =	strace s3  }
0x95: {  	s3 =	sld [smem:$0x3FFD];
	_ =	sdelay $0x3  }
0x96: {  	_ =	strace s3  }
0x97: {  	_ =	strace $0x8FFFFFFF  }
0x98: {  	s19 =	sld [smem:$0x3FDB];
	_ =	sdelay $0x1  }
0x99: {  	s4 =	simm.s32 $_scs_section_size  }
0x9a: {  	s5 =	simm.s32 $_size__tile_overlayer_lowered;
	s6 =	simm.s32 $_tile_overlayer_lowered  }
0x9b: {  	s22 =	simm.s32 $0x1BFF;
	s21 =	sshll.u32 s6, $0x1;
	s3 =	sadd.s32 s4, s19  }
0x9c: {  	s7 =	simm.s32 $0x0;
	s20 =	sshll.u32 s5, $0x1;
	s5 =	sadd.s32 s21, s3  }
0x9d: {  	[timem:s7], [sflag:s22] =	dma.local [hbm:s5], s20  }
0x9e: {  	_ =	swait.ge [sflag:s22], s20  }
0x9f: {  	s4 =	ssub.s32 $0x0, s20;
	[sflag:s22] =	ssyncset.done $0x0  }
0xa0: {  	[sflag:s22] =	ssyncadd.s32 s4;
	_ =	sdelay $0x1  }
0xa1: {  	s23 =	simm.s32 $0x1B8B  }
0xa2: {  	_ =	swait.ge [sflag:s23], $0x1  }
0xa3: {  	[sflag:s23] =	ssyncset.done $0x0  }
0xa4: {  	s25 =	simm.s32 $0x1B8E;
	s24 =	sld [smem:$0x3FFE];
	[sflag:s23] =	ssyncadd.s32 $0xFFFFFFFF  }
0xa5: {  	s26 =	simm.s32 $execute0_lowered;
	[smem:$0x3FD2] =	sst s25  }
0xa6: {  	s5 =	sshll.u32 s26, $0x1;
	_ =	strace $0x80000049;
	[dreg:$0x1] =	wrdreg $0xFFFFFFFF  }
0xa7: {  	s28 =	simm.s32 $_size_execute0_lowered;
	s3 =	sadd.s32 s3, s5;
	[dreg:$0x0] =	wrdreg $0x0  }
0xa8: {  	s5 =	sshll.u32 s28, $0x1;
	[dreg:$0x2] =	wrdreg s3  }
0xa9: {  	[dreg:$0x3] =	wrdreg s5  }
0xaa: {  	[dreg:$0x4] =	wrdreg $0xC0  }
0xab: {  	_ =	task [dreg:s7], $0x5FFFF  }
0xac: {  	[dreg:$0x1] =	wrdreg $0xFFFFFFFF  }
0xad: {  	[dreg:$0x0] =	wrdreg $0x60  }
0xae: {  	[dreg:$0x2] =	wrdreg s24  }
0xaf: {  	[dreg:$0x3] =	wrdreg s2  }
0xb0: {  	[dreg:$0x4] =	wrdreg $0x9  }
0xb1: {  	_ =	task.clear_ibuf [dreg:s7], $0x5FFFF;
	_ =	strace $0x90000049  }
0xb2: {  	s29 =	simm.s32 $0x9;
	_ =	strace $0x8000004B  }
0xb3: {  	_ =	swait.ge [sflag:s29], $0x1  }
0xb4: {  	[sflag:s29] =	ssyncadd.s32 $0xFFFFFFFF  }
0xb5: {  	_ =	strace $0x9000004B  }
0xb6: {  	_ =	sfence  }
0xb7: {  	s30 =	sld [smem:$0x0];
	_ =	sdelay $0x2  }
0xb8: {  	s31 =	sshll.u32 s1, $0xD;
	s1 =	sshrl.u32 s1, $0x2  }
0xb9: {  	s3 =	sand.u32 $0x4000, s31;
	s1 =	sadd.s32 s1, s30  }
0xba: {  	s0 =	sor.u32 s3, s0;
	s1 =	sshll.u32 s1, $0x11  }
0xbb: {  	s0 =	sor.u32 s1, s0  }
0xbc: {  	s0 =	sadd.s32 $0x8F2B, s0  }
0xbd: {  	[sflag:s0] =	ssyncadd.remote.s32 $0x1  }
0xbe: {  	_ =	sfence.sel $0xFFFF  }
0xbf: {  	[dreg:$0x0] =	wrdreg $0xFFFFFFFF;
	(pc) =	sbr.abs _section_cstart, $3  }
0xc0: {  	[dreg:$0x1] =	wrdreg $0xFFFFFFFF  }
0xc1: {  	_ =	task.clear_ibuf [dreg:s7], $0x2FFFF;
	_ =	strace $0x9FFFFFFF  }
0xc2: {  	(tm) =	ssettm $0x7FFFFFFF  }
0xc3: {  	_ =	shalt  }
tec
execute0_lowered:
.L_overlay_start_1:
0x0: {  	(tag) =	ssettag $0x1  }
0x1: {  	s0 =	rddreg [dreg:$0x0]  }
0x2: {  	s1 =	rddreg [dreg:$0x1];
	s2 =	simm.s32 $0x0;
	s3 =	srdreg.scid  }
0x3: {  	s5 =	stileid.u32;
	s28 =	simm.s32 $0x2900;
	s29 =	simm.s32 $0x3100  }
0x4: {  	s30 =	simm.s32 $0x3900;
	s31 =	simm.s32 $0x4100;
	s11 =	simm.s32 $0x6100  }
0x5: {  	s12 =	simm.s32 $0x6900;
	s13 =	simm.s32 $0x7100;
	[smem:$0x7FF] =	sst s2  }
0x6: {  	s4 =	sand.u32 $0x1, s3;
	s3 =	sadd.s32 $0x181200, s0;
	s5 =	sshll.u32 s5, $0x8  }
0x7: {  	s7 =	sadd.s32 $0x181000, s0;
	s6 =	sshll.u32 s4, $0x7;
	s4 =	ssub.s32 $0x2, s4  }
0x8: {  	_ =	strace $0x8000004A;
	s5 =	sor.u32 s6, s5;
	s14 =	sshrl.u32 s4, $0x1  }
0x9: {  	s8 =	sshrl.u32 s5, $0x3;
	s9 =	sor.u32 $0x20, s5;
	s10 =	ssub.s32 s4, s14  }
0xa: {  	s18 =	sshll.u32 s5, $0x7;
	s19 =	sor.u32 $0x40, s5;
	s4 =	sadd.s32 $0x181300, s0  }
0xb: {  	s5 =	sor.u32 $0x60, s5;
	s14 =	simm.s32 $0x7900;
	s15 =	sadd.s32 s7, s8  }
0xc: {  	s16 =	sshrl.u32 s9, $0x3;
	s6 =	sadd.s32 s1, s18;
	s20 =	sshrl.u32 s19, $0x3  }
0xd: {  	s9 =	sshll.u32 s9, $0x7;
	s22 =	sshrl.u32 s5, $0x3;
	s24 =	sshll.u32 s19, $0x7  }
0xe: {  	s26 =	sshll.u32 s5, $0x7;
	s5 =	sadd.s32 $0x181400, s0;
	s8 =	simm.s32 $0x3  }
0xf: {  	s19 =	simm.s32 $0x1;
	s18 =	simm.s32 $0x9900;
	[dreg:$0x3] =	wrdreg s15  }
0x10: {  	s17 =	sadd.s32 s7, s16;
	[dreg:$0x5] =	wrdreg s6;
	s6 =	sadd.s32 s7, s20  }
0x11: {  	s21 =	sadd.s32 s1, s9;
	s23 =	sadd.s32 s7, s22;
	s25 =	sadd.s32 s1, s24  }
0x12: {  	s1 =	sadd.s32 s1, s26;
	s7 =	smax.u32 s10, $0x1;
	[dreg:$0x4] =	wrdreg s17  }
0x13: {  	s20 =	simm.s32 $0x2;
	s26 =	simm.s32 $0x100;
	[dreg:$0x6] =	wrdreg s6  }
0x14: {  	s22 =	simm.s32 $0x900;
	s24 =	simm.s32 $0x1900;
	[dreg:$0x7] =	wrdreg s21  }
0x15: {  	s9 =	simm.s32 $0x4900;
	s10 =	simm.s32 $0x5900;
	[dreg:$0x8] =	wrdreg s23  }
0x16: {  	v2 =	vlaneseq.u32;
	s15 =	simm.s32 $0x80;
	s16 =	simm.s32 $0x8900;
	[dreg:$0x9] =	wrdreg s25  }
0x17: {  	vm0 =	vmmov $0xffff;
	v1 =	vshrl.u32 v2, $0x3;
	s6 =	sadd.s32 $0x181500, s0;
	[dreg:$0xa] =	wrdreg s1;
	s23 =	simm.s32 $0x1100  }
0x18: {  	v0 =	vand.u32 $0x7, v2;
	v2 =	vor.u32 $0x8, v2;
	v1 =	vmul.u32 $0x8, v1;
	s25 =	simm.s32 $0x2100;
	s0 =	simm.s32 $0x8100;
	s17 =	simm.s32 $0x9100  }
.LBB2_1:
0x19: {  	s21 =	rddreg [dreg:$0x3]  }
0x1a: {  	[tilespmem:s2], [sflag:$0x3] =	stream.linear.gather [hbm4b:s21+s2], $0x20, $0x38;
	[tilespmem:$0x10100] =	vst v63  }
0x1b: {  	_ =	swait.ge [sflag:s8], $0x20  }
0x1c: {  	[sflag:s8] =	ssyncset.done $0x0  }
0x1d: {  	[sflag:s8] =	ssyncadd.s32 $0xFFFFFFE0  }
0x1e: {  	v3 =	vld [tilespmem:$0x0];
	_ =	sdelay $0x4  }
0x1f: {  	v4 =	vshll.u32 v3, $0x3  }
0x20: {  	v3 =	vand.u32 $0x7, v3;
	v4 =	vand.u32 $0xFFFFFFC0, v4  }
0x21: {  	v3 =	vor.u32 v3, v4  }
0x22: {  	v4 =	vperm.xlane v3, v0;
	_ =	sdelay $0x1  }
0x23: {  	v4 =	vadd.s32 v1, v4;
	_ =	sdelay $0x4  }
0x24: {  	[tilespmem:s26], [sflag:$0x1] =	stream.indirect_vreg.gather [hbm4b:s3+s2], $0x80, v4, vm0, $0xb8;
	[tilespmem:$0x10100] =	vst v63  }
0x25: {  	v3 =	vperm.xlane v3, v2  }
0x26: {  	[tilespmem:s22], [sflag:$0x1] =	stream.indirect_vreg.gather [hbm4b:s4+s2], $0x80, v4, vm0, $0xb8;
	[tilespmem:$0x10100] =	vst v63  }
0x27: {  	v3 =	vadd.s32 v1, v3  }
0x28: {  	[tilespmem:s23], [sflag:$0x1] =	stream.indirect_vreg.gather [hbm4b:s5+s2], $0x80, v4, vm0, $0xb8;
	[tilespmem:$0x10100] =	vst v63  }
0x29: {  	_ = 	snop  }
0x2a: {  	[tilespmem:s24], [sflag:$0x1] =	stream.indirect_vreg.gather [hbm4b:s6+s2], $0x80, v4, vm0, $0xb8;
	[tilespmem:$0x10100] =	vst v63  }
0x2b: {  	_ = 	snop  }
0x2c: {  	[tilespmem:s25], [sflag:$0x1] =	stream.indirect_vreg.gather [hbm4b:s3+s2], $0x80, v3, vm0, $0xb8;
	[tilespmem:$0x10100] =	vst v63  }
0x2d: {  	_ = 	snop  }
0x2e: {  	[tilespmem:s28], [sflag:$0x1] =	stream.indirect_vreg.gather [hbm4b:s4+s2], $0x80, v3, vm0, $0xb8;
	[tilespmem:$0x10100] =	vst v63  }
0x2f: {  	_ = 	snop  }
0x30: {  	[tilespmem:s29], [sflag:$0x1] =	stream.indirect_vreg.gather [hbm4b:s5+s2], $0x80, v3, vm0, $0xb8;
	[tilespmem:$0x10100] =	vst v63  }
0x31: {  	_ = 	snop  }
0x32: {  	[tilespmem:s30], [sflag:$0x1] =	stream.indirect_vreg.gather [hbm4b:s6+s2], $0x80, v3, vm0, $0xb8;
	[tilespmem:$0x10100] =	vst v63  }
0x33: {  	v3 =	vld [tilespmem:$0x10];
	_ =	sdelay $0x4  }
0x34: {  	v57 =	vshll.u32 v3, $0x3  }
0x35: {  	v3 =	vand.u32 $0x7, v3;
	v4 =	vand.u32 $0xFFFFFFC0, v57  }
0x36: {  	v3 =	vor.u32 v3, v4  }
0x37: {  	v4 =	vperm.xlane v3, v0;
	_ =	sdelay $0x1  }
0x38: {  	v4 =	vadd.s32 v1, v4;
	_ =	sdelay $0x4  }
0x39: {  	[tilespmem:s31], [sflag:$0x1] =	stream.indirect_vreg.gather [hbm4b:s3+s2], $0x80, v4, vm0, $0xb8;
	[tilespmem:$0x10100] =	vst v63  }
0x3a: {  	v3 =	vperm.xlane v3, v2  }
0x3b: {  	[tilespmem:s9], [sflag:$0x1] =	stream.indirect_vreg.gather [hbm4b:s4+s2], $0x80, v4, vm0, $0xb8;
	[tilespmem:$0x10100] =	vst v63  }
0x3c: {  	s1 =	simm.s32 $0x5100;
	v3 =	vadd.s32 v1, v3  }
0x3d: {  	[tilespmem:s1], [sflag:$0x1] =	stream.indirect_vreg.gather [hbm4b:s5+s2], $0x80, v4, vm0, $0xb8;
	[tilespmem:$0x10100] =	vst v63  }
0x3e: {  	_ = 	snop  }
0x3f: {  	[tilespmem:s10], [sflag:$0x1] =	stream.indirect_vreg.gather [hbm4b:s6+s2], $0x80, v4, vm0, $0xb8;
	[tilespmem:$0x10100] =	vst v63  }
0x40: {  	_ = 	snop  }
0x41: {  	[tilespmem:s11], [sflag:$0x1] =	stream.indirect_vreg.gather [hbm4b:s3+s2], $0x80, v3, vm0, $0xb8;
	[tilespmem:$0x10100] =	vst v63  }
0x42: {  	_ = 	snop  }
0x43: {  	[tilespmem:s12], [sflag:$0x1] =	stream.indirect_vreg.gather [hbm4b:s4+s2], $0x80, v3, vm0, $0xb8;
	[tilespmem:$0x10100] =	vst v63  }
0x44: {  	_ = 	snop  }
0x45: {  	[tilespmem:s13], [sflag:$0x1] =	stream.indirect_vreg.gather [hbm4b:s5+s2], $0x80, v3, vm0, $0xb8;
	[tilespmem:$0x10100] =	vst v63  }
0x46: {  	_ = 	snop  }
0x47: {  	[tilespmem:s14], [sflag:$0x1] =	stream.indirect_vreg.gather [hbm4b:s6+s2], $0x80, v3, vm0, $0xb8;
	[tilespmem:$0x10100] =	vst v63  }
0x48: {  	s21 =	rddreg [dreg:$0x4]  }
0x49: {  	[tilespmem:s15], [sflag:$0x3] =	stream.linear.gather [hbm4b:s21+s2], $0x20, $0x38;
	[tilespmem:$0x10100] =	vst v63  }
0x4a: {  	_ =	swait.ge [sflag:s8], $0x20  }
0x4b: {  	[sflag:s8] =	ssyncset.done $0x0  }
0x4c: {  	[sflag:s8] =	ssyncadd.s32 $0xFFFFFFE0  }
0x4d: {  	v3 =	vld [tilespmem:$0x80];
	_ =	sdelay $0x4  }
0x4e: {  	v58 =	vshll.u32 v3, $0x3  }
0x4f: {  	v3 =	vand.u32 $0x7, v3;
	v4 =	vand.u32 $0xFFFFFFC0, v58  }
0x50: {  	v3 =	vor.u32 v3, v4  }
0x51: {  	v4 =	vperm.xlane v3, v0;
	_ =	sdelay $0x1  }
0x52: {  	v4 =	vadd.s32 v1, v4;
	_ =	sdelay $0x4  }
0x53: {  	[tilespmem:s0], [sflag:$0x2] =	stream.indirect_vreg.gather [hbm4b:s3+s2], $0x80, v4, vm0, $0xb8;
	[tilespmem:$0x10100] =	vst v63  }
0x54: {  	v3 =	vperm.xlane v3, v2  }
0x55: {  	[tilespmem:s16], [sflag:$0x2] =	stream.indirect_vreg.gather [hbm4b:s4+s2], $0x80, v4, vm0, $0xb8;
	[tilespmem:$0x10100] =	vst v63  }
0x56: {  	v3 =	vadd.s32 v1, v3  }
0x57: {  	[tilespmem:s17], [sflag:$0x2] =	stream.indirect_vreg.gather [hbm4b:s5+s2], $0x80, v4, vm0, $0xb8;
	[tilespmem:$0x10100] =	vst v63  }
0x58: {  	_ = 	snop  }
0x59: {  	[tilespmem:s18], [sflag:$0x2] =	stream.indirect_vreg.gather [hbm4b:s6+s2], $0x80, v4, vm0, $0xb8;
	[tilespmem:$0x10100] =	vst v63  }
0x5a: {  	s21 =	simm.s32 $0xA100  }
0x5b: {  	[tilespmem:s21], [sflag:$0x2] =	stream.indirect_vreg.gather [hbm4b:s3+s2], $0x80, v3, vm0, $0xb8;
	[tilespmem:$0x10100] =	vst v63  }
0x5c: {  	s21 =	simm.s32 $0xA900  }
0x5d: {  	[tilespmem:s21], [sflag:$0x2] =	stream.indirect_vreg.gather [hbm4b:s4+s2], $0x80, v3, vm0, $0xb8;
	[tilespmem:$0x10100] =	vst v63  }
0x5e: {  	s21 =	simm.s32 $0xB100  }
0x5f: {  	[tilespmem:s21], [sflag:$0x2] =	stream.indirect_vreg.gather [hbm4b:s5+s2], $0x80, v3, vm0, $0xb8;
	[tilespmem:$0x10100] =	vst v63  }
0x60: {  	s21 =	simm.s32 $0xB900  }
0x61: {  	[tilespmem:s21], [sflag:$0x2] =	stream.indirect_vreg.gather [hbm4b:s6+s2], $0x80, v3, vm0, $0xb8;
	[tilespmem:$0x10100] =	vst v63  }
0x62: {  	v3 =	vld [tilespmem:$0x90];
	_ =	sdelay $0x4  }
0x63: {  	v59 =	vshll.u32 v3, $0x3  }
0x64: {  	v3 =	vand.u32 $0x7, v3;
	v4 =	vand.u32 $0xFFFFFFC0, v59  }
0x65: {  	v3 =	vor.u32 v3, v4  }
0x66: {  	v4 =	vperm.xlane v3, v0;
	_ =	sdelay $0x1  }
0x67: {  	v4 =	vadd.s32 v1, v4;
	_ =	sdelay $0x3  }
0x68: {  	s21 =	simm.s32 $0xC100  }
0x69: {  	[tilespmem:s21], [sflag:$0x2] =	stream.indirect_vreg.gather [hbm4b:s3+s2], $0x80, v4, vm0, $0xb8;
	[tilespmem:$0x10100] =	vst v63  }
0x6a: {  	v3 =	vperm.xlane v3, v2;
	s21 =	simm.s32 $0xC900  }
0x6b: {  	[tilespmem:s21], [sflag:$0x2] =	stream.indirect_vreg.gather [hbm4b:s4+s2], $0x80, v4, vm0, $0xb8;
	[tilespmem:$0x10100] =	vst v63  }
0x6c: {  	v3 =	vadd.s32 v1, v3;
	s21 =	simm.s32 $0xD100  }
0x6d: {  	[tilespmem:s21], [sflag:$0x2] =	stream.indirect_vreg.gather [hbm4b:s5+s2], $0x80, v4, vm0, $0xb8;
	[tilespmem:$0x10100] =	vst v63  }
0x6e: {  	s21 =	simm.s32 $0xD900  }
0x6f: {  	[tilespmem:s21], [sflag:$0x2] =	stream.indirect_vreg.gather [hbm4b:s6+s2], $0x80, v4, vm0, $0xb8;
	[tilespmem:$0x10100] =	vst v63  }
0x70: {  	s21 =	simm.s32 $0xE100  }
0x71: {  	[tilespmem:s21], [sflag:$0x2] =	stream.indirect_vreg.gather [hbm4b:s3+s2], $0x80, v3, vm0, $0xb8;
	[tilespmem:$0x10100] =	vst v63  }
0x72: {  	s21 =	simm.s32 $0xE900  }
0x73: {  	[tilespmem:s21], [sflag:$0x2] =	stream.indirect_vreg.gather [hbm4b:s4+s2], $0x80, v3, vm0, $0xb8;
	[tilespmem:$0x10100] =	vst v63  }
0x74: {  	s21 =	simm.s32 $0xF100  }
0x75: {  	[tilespmem:s21], [sflag:$0x2] =	stream.indirect_vreg.gather [hbm4b:s5+s2], $0x80, v3, vm0, $0xb8;
	[tilespmem:$0x10100] =	vst v63  }
0x76: {  	s21 =	simm.s32 $0xF900  }
0x77: {  	[tilespmem:s21], [sflag:$0x2] =	stream.indirect_vreg.gather [hbm4b:s6+s2], $0x80, v3, vm0, $0xb8;
	[tilespmem:$0x10100] =	vst v63  }
0x78: {  	_ =	swait.ge [sflag:s19], $0x8000  }
0x79: {  	[sflag:s19] =	ssyncset.done $0x0  }
0x7a: {  	s21 =	rddreg [dreg:$0x5];
	[sflag:s19] =	ssyncadd.s32 $0xFFFF8000  }
0x7b: {  	[hbm4b:s21+s2] =	stream.linear.scatter [tilespmem:s26], [sflag:$0x3], $0x8000, $0x38;
	[tilespmem:$0x10100] =	vst v63  }
0x7c: {  	_ =	swait.ge [sflag:s8], $0x8000  }
0x7d: {  	[sflag:s8] =	ssyncset.done $0x0  }
0x7e: {  	s21 =	rddreg [dreg:$0x6];
	[sflag:s8] =	ssyncadd.s32 $0xFFFF8000  }
0x7f: {  	[tilespmem:s2], [sflag:$0x3] =	stream.linear.gather [hbm4b:s21+s2], $0x20, $0x38;
	[tilespmem:$0x10100] =	vst v63  }
0x80: {  	_ =	swait.ge [sflag:s8], $0x20  }
0x81: {  	[sflag:s8] =	ssyncset.done $0x0  }
0x82: {  	[sflag:s8] =	ssyncadd.s32 $0xFFFFFFE0  }
0x83: {  	v3 =	vld [tilespmem:$0x0];
	_ =	sdelay $0x4  }
0x84: {  	v60 =	vshll.u32 v3, $0x3  }
0x85: {  	v3 =	vand.u32 $0x7, v3;
	v4 =	vand.u32 $0xFFFFFFC0, v60  }
0x86: {  	v3 =	vor.u32 v3, v4  }
0x87: {  	v4 =	vperm.xlane v3, v0;
	_ =	sdelay $0x1  }
0x88: {  	v4 =	vadd.s32 v1, v4;
	_ =	sdelay $0x4  }
0x89: {  	[tilespmem:s26], [sflag:$0x1] =	stream.indirect_vreg.gather [hbm4b:s3+s2], $0x80, v4, vm0, $0xb8;
	[tilespmem:$0x10100] =	vst v63  }
0x8a: {  	v3 =	vperm.xlane v3, v2  }
0x8b: {  	[tilespmem:s22], [sflag:$0x1] =	stream.indirect_vreg.gather [hbm4b:s4+s2], $0x80, v4, vm0, $0xb8;
	[tilespmem:$0x10100] =	vst v63  }
0x8c: {  	v3 =	vadd.s32 v1, v3  }
0x8d: {  	[tilespmem:s23], [sflag:$0x1] =	stream.indirect_vreg.gather [hbm4b:s5+s2], $0x80, v4, vm0, $0xb8;
	[tilespmem:$0x10100] =	vst v63  }
0x8e: {  	_ = 	snop  }
0x8f: {  	[tilespmem:s24], [sflag:$0x1] =	stream.indirect_vreg.gather [hbm4b:s6+s2], $0x80, v4, vm0, $0xb8;
	[tilespmem:$0x10100] =	vst v63  }
0x90: {  	_ = 	snop  }
0x91: {  	[tilespmem:s25], [sflag:$0x1] =	stream.indirect_vreg.gather [hbm4b:s3+s2], $0x80, v3, vm0, $0xb8;
	[tilespmem:$0x10100] =	vst v63  }
0x92: {  	_ = 	snop  }
0x93: {  	[tilespmem:s28], [sflag:$0x1] =	stream.indirect_vreg.gather [hbm4b:s4+s2], $0x80, v3, vm0, $0xb8;
	[tilespmem:$0x10100] =	vst v63  }
0x94: {  	_ = 	snop  }
0x95: {  	[tilespmem:s29], [sflag:$0x1] =	stream.indirect_vreg.gather [hbm4b:s5+s2], $0x80, v3, vm0, $0xb8;
	[tilespmem:$0x10100] =	vst v63  }
0x96: {  	_ = 	snop  }
0x97: {  	[tilespmem:s30], [sflag:$0x1] =	stream.indirect_vreg.gather [hbm4b:s6+s2], $0x80, v3, vm0, $0xb8;
	[tilespmem:$0x10100] =	vst v63  }
0x98: {  	v3 =	vld [tilespmem:$0x10];
	_ =	sdelay $0x4  }
0x99: {  	v61 =	vshll.u32 v3, $0x3  }
0x9a: {  	v3 =	vand.u32 $0x7, v3;
	v4 =	vand.u32 $0xFFFFFFC0, v61  }
0x9b: {  	v3 =	vor.u32 v3, v4  }
0x9c: {  	v4 =	vperm.xlane v3, v0;
	_ =	sdelay $0x1  }
0x9d: {  	v4 =	vadd.s32 v1, v4;
	_ =	sdelay $0x4  }
0x9e: {  	[tilespmem:s31], [sflag:$0x1] =	stream.indirect_vreg.gather [hbm4b:s3+s2], $0x80, v4, vm0, $0xb8;
	[tilespmem:$0x10100] =	vst v63  }
0x9f: {  	v3 =	vperm.xlane v3, v2  }
0xa0: {  	[tilespmem:s9], [sflag:$0x1] =	stream.indirect_vreg.gather [hbm4b:s4+s2], $0x80, v4, vm0, $0xb8;
	[tilespmem:$0x10100] =	vst v63  }
0xa1: {  	v3 =	vadd.s32 v1, v3  }
0xa2: {  	[tilespmem:s1], [sflag:$0x1] =	stream.indirect_vreg.gather [hbm4b:s5+s2], $0x80, v4, vm0, $0xb8;
	[tilespmem:$0x10100] =	vst v63  }
0xa3: {  	_ = 	snop  }
0xa4: {  	[tilespmem:s10], [sflag:$0x1] =	stream.indirect_vreg.gather [hbm4b:s6+s2], $0x80, v4, vm0, $0xb8;
	[tilespmem:$0x10100] =	vst v63  }
0xa5: {  	_ = 	snop  }
0xa6: {  	[tilespmem:s11], [sflag:$0x1] =	stream.indirect_vreg.gather [hbm4b:s3+s2], $0x80, v3, vm0, $0xb8;
	[tilespmem:$0x10100] =	vst v63  }
0xa7: {  	_ = 	snop  }
0xa8: {  	[tilespmem:s12], [sflag:$0x1] =	stream.indirect_vreg.gather [hbm4b:s4+s2], $0x80, v3, vm0, $0xb8;
	[tilespmem:$0x10100] =	vst v63  }
0xa9: {  	_ = 	snop  }
0xaa: {  	[tilespmem:s13], [sflag:$0x1] =	stream.indirect_vreg.gather [hbm4b:s5+s2], $0x80, v3, vm0, $0xb8;
	[tilespmem:$0x10100] =	vst v63  }
0xab: {  	_ = 	snop  }
0xac: {  	[tilespmem:s14], [sflag:$0x1] =	stream.indirect_vreg.gather [hbm4b:s6+s2], $0x80, v3, vm0, $0xb8;
	[tilespmem:$0x10100] =	vst v63  }
0xad: {  	_ =	swait.ge [sflag:s20], $0x8000  }
0xae: {  	[sflag:s20] =	ssyncset.done $0x0  }
0xaf: {  	s1 =	rddreg [dreg:$0x7];
	[sflag:s20] =	ssyncadd.s32 $0xFFFF8000  }
0xb0: {  	[hbm4b:s1+s2] =	stream.linear.scatter [tilespmem:s0], [sflag:$0x3], $0x8000, $0x38;
	[tilespmem:$0x10100] =	vst v63  }
0xb1: {  	_ =	swait.ge [sflag:s8], $0x8000  }
0xb2: {  	[sflag:s8] =	ssyncset.done $0x0  }
0xb3: {  	s1 =	rddreg [dreg:$0x8];
	[sflag:s8] =	ssyncadd.s32 $0xFFFF8000  }
0xb4: {  	[tilespmem:s15], [sflag:$0x3] =	stream.linear.gather [hbm4b:s1+s2], $0x20, $0x38;
	[tilespmem:$0x10100] =	vst v63  }
0xb5: {  	_ =	swait.ge [sflag:s8], $0x20  }
0xb6: {  	[sflag:s8] =	ssyncset.done $0x0  }
0xb7: {  	[sflag:s8] =	ssyncadd.s32 $0xFFFFFFE0  }
0xb8: {  	v3 =	vld [tilespmem:$0x80];
	_ =	sdelay $0x4  }
0xb9: {  	v62 =	vshll.u32 v3, $0x3  }
0xba: {  	v3 =	vand.u32 $0x7, v3;
	v4 =	vand.u32 $0xFFFFFFC0, v62  }
0xbb: {  	v3 =	vor.u32 v3, v4  }
0xbc: {  	v4 =	vperm.xlane v3, v0;
	_ =	sdelay $0x1  }
0xbd: {  	v4 =	vadd.s32 v1, v4;
	_ =	sdelay $0x4  }
0xbe: {  	[tilespmem:s0], [sflag:$0x2] =	stream.indirect_vreg.gather [hbm4b:s3+s2], $0x80, v4, vm0, $0xb8;
	[tilespmem:$0x10100] =	vst v63  }
0xbf: {  	v3 =	vperm.xlane v3, v2  }
0xc0: {  	[tilespmem:s16], [sflag:$0x2] =	stream.indirect_vreg.gather [hbm4b:s4+s2], $0x80, v4, vm0, $0xb8;
	[tilespmem:$0x10100] =	vst v63  }
0xc1: {  	v3 =	vadd.s32 v1, v3  }
0xc2: {  	[tilespmem:s17], [sflag:$0x2] =	stream.indirect_vreg.gather [hbm4b:s5+s2], $0x80, v4, vm0, $0xb8;
	[tilespmem:$0x10100] =	vst v63  }
0xc3: {  	_ = 	snop  }
0xc4: {  	[tilespmem:s18], [sflag:$0x2] =	stream.indirect_vreg.gather [hbm4b:s6+s2], $0x80, v4, vm0, $0xb8;
	[tilespmem:$0x10100] =	vst v63  }
0xc5: {  	s21 =	simm.s32 $0xA100  }
0xc6: {  	[tilespmem:s21], [sflag:$0x2] =	stream.indirect_vreg.gather [hbm4b:s3+s2], $0x80, v3, vm0, $0xb8;
	[tilespmem:$0x10100] =	vst v63  }
0xc7: {  	s21 =	simm.s32 $0xA900  }
0xc8: {  	[tilespmem:s21], [sflag:$0x2] =	stream.indirect_vreg.gather [hbm4b:s4+s2], $0x80, v3, vm0, $0xb8;
	[tilespmem:$0x10100] =	vst v63  }
0xc9: {  	s21 =	simm.s32 $0xB100  }
0xca: {  	[tilespmem:s21], [sflag:$0x2] =	stream.indirect_vreg.gather [hbm4b:s5+s2], $0x80, v3, vm0, $0xb8;
	[tilespmem:$0x10100] =	vst v63  }
0xcb: {  	s21 =	simm.s32 $0xB900  }
0xcc: {  	[tilespmem:s21], [sflag:$0x2] =	stream.indirect_vreg.gather [hbm4b:s6+s2], $0x80, v3, vm0, $0xb8;
	[tilespmem:$0x10100] =	vst v63  }
0xcd: {  	v3 =	vld [tilespmem:$0x90];
	_ =	sdelay $0x4  }
0xce: {  	v63 =	vshll.u32 v3, $0x3  }
0xcf: {  	v3 =	vand.u32 $0x7, v3;
	v4 =	vand.u32 $0xFFFFFFC0, v63  }
0xd0: {  	v3 =	vor.u32 v3, v4  }
0xd1: {  	v4 =	vperm.xlane v3, v0;
	_ =	sdelay $0x1  }
0xd2: {  	v4 =	vadd.s32 v1, v4;
	_ =	sdelay $0x3  }
0xd3: {  	s21 =	simm.s32 $0xC100  }
0xd4: {  	[tilespmem:s21], [sflag:$0x2] =	stream.indirect_vreg.gather [hbm4b:s3+s2], $0x80, v4, vm0, $0xb8;
	[tilespmem:$0x10100] =	vst v63  }
0xd5: {  	v3 =	vperm.xlane v3, v2;
	s21 =	simm.s32 $0xC900  }
0xd6: {  	[tilespmem:s21], [sflag:$0x2] =	stream.indirect_vreg.gather [hbm4b:s4+s2], $0x80, v4, vm0, $0xb8;
	[tilespmem:$0x10100] =	vst v63  }
0xd7: {  	v3 =	vadd.s32 v1, v3;
	s21 =	simm.s32 $0xD100  }
0xd8: {  	[tilespmem:s21], [sflag:$0x2] =	stream.indirect_vreg.gather [hbm4b:s5+s2], $0x80, v4, vm0, $0xb8;
	[tilespmem:$0x10100] =	vst v63  }
0xd9: {  	s21 =	simm.s32 $0xD900  }
0xda: {  	[tilespmem:s21], [sflag:$0x2] =	stream.indirect_vreg.gather [hbm4b:s6+s2], $0x80, v4, vm0, $0xb8;
	[tilespmem:$0x10100] =	vst v63  }
0xdb: {  	s21 =	simm.s32 $0xE100  }
0xdc: {  	[tilespmem:s21], [sflag:$0x2] =	stream.indirect_vreg.gather [hbm4b:s3+s2], $0x80, v3, vm0, $0xb8;
	[tilespmem:$0x10100] =	vst v63  }
0xdd: {  	s21 =	simm.s32 $0xE900  }
0xde: {  	[tilespmem:s21], [sflag:$0x2] =	stream.indirect_vreg.gather [hbm4b:s4+s2], $0x80, v3, vm0, $0xb8;
	[tilespmem:$0x10100] =	vst v63  }
0xdf: {  	s21 =	simm.s32 $0xF100  }
0xe0: {  	[tilespmem:s21], [sflag:$0x2] =	stream.indirect_vreg.gather [hbm4b:s5+s2], $0x80, v3, vm0, $0xb8;
	[tilespmem:$0x10100] =	vst v63  }
0xe1: {  	s21 =	simm.s32 $0xF900  }
0xe2: {  	[tilespmem:s21], [sflag:$0x2] =	stream.indirect_vreg.gather [hbm4b:s6+s2], $0x80, v3, vm0, $0xb8;
	[tilespmem:$0x10100] =	vst v63  }
0xe3: {  	_ =	swait.ge [sflag:s19], $0x8000  }
0xe4: {  	[sflag:s19] =	ssyncset.done $0x0  }
0xe5: {  	s1 =	rddreg [dreg:$0x9];
	[sflag:s19] =	ssyncadd.s32 $0xFFFF8000  }
0xe6: {  	[hbm4b:s1+s2] =	stream.linear.scatter [tilespmem:s26], [sflag:$0x3], $0x8000, $0x38;
	[tilespmem:$0x10100] =	vst v63  }
0xe7: {  	_ =	swait.ge [sflag:s8], $0x8000  }
0xe8: {  	[sflag:s8] =	ssyncset.done $0x0  }
0xe9: {  	[sflag:s8] =	ssyncadd.s32 $0xFFFF8000  }
0xea: {  	_ =	swait.ge [sflag:s20], $0x8000  }
0xeb: {  	p0 =	sne.s32 s7, $0x1;
	[sflag:s20] =	ssyncset.done $0x0  }
.Ltmp0:
0xec: {  	s1 =	rddreg [dreg:$0xa];
	[sflag:s20] =	ssyncadd.s32 $0xFFFF8000;
	(pc) =	sbr.rel @p0 .LBB2_1-.Ltmp0, $4  }
0xed: {  	[hbm4b:s1+s2] =	stream.linear.scatter [tilespmem:s0], [sflag:$0x3], $0x8000, $0x38;
	[tilespmem:$0x10100] =	vst v63  }
0xee: {  	_ =	swait.ge [sflag:s8], $0x8000  }
0xef: {  	[sflag:s8] =	ssyncset.done $0x0  }
0xf0: {  	s7 =	sadd.s32 $0xFFFFFFFF, s7;
	[sflag:s8] =	ssyncadd.s32 $0xFFFF8000  }
0xf1: {  	_ =	sfence.sel $0x180000  }
0xf2: {  	[bflag:$0x0] =	sbarrier.arrive $0xFFFF  }
0xf3: {  	_ =	strace $0x9000004A  }
0xf4: {  	s0 =	stileid.u32;
	[bflag:$0x2] =	sbarrier.arrive $0xFFFF  }
0xf5: {  	p0 =	sne.s32 s0, $0x0;
	s0 =	rddreg [dreg:$0x2]  }
0xf6: {  	s0 =	sadd.s32 @!p0 $0x100000, s0  }
0xf7: {  	[sflag:s0] =	ssyncadd.tile.s32 @!p0 $0x1;
	_ =	shalt  }
.Lfunc_end2:
_tile_overlayer_lowered:
.L_overlay_start_2:
0xf8: {  	(tag) =	ssettag $0x2  }
0xf9: {  	s0 =	rddreg [dreg:$0x0];
	s2 =	stileid.u32  }
0xfa: {  	s1 =	rddreg [dreg:$0x1];
	p0 =	sne.s32 s2, $0x0  }
0xfb: {  	s3 =	rddreg [dreg:$0x2];
	[bflag:$0x3] =	sbarrier.arrive $0xFFFF;
	s2 =	simm.s32 @!p0 $0x1C03  }
0xfc: {  	[timem:s3], [sflag:s2] =	dma.local @!p0 [hbm:s0], s1  }
0xfd: {  	s0 =	simm.s32 @!p0 $0x3  }
0xfe: {  	_ =	swait.ge @!p0 [sflag:s0], s1  }
0xff: {  	s1 =	ssub.s32 @!p0 $0x0, s1;
	[sflag:s0] =	ssyncset.done @!p0 $0x0  }
0x100: {  	[sflag:s0] =	ssyncadd.s32 @!p0 s1  }
0x101: {  	[bflag:$0x3] =	sbarrier.arrive $0xFFFF  }
0x102: {  	_ =	shalt  }

</sc_bundles>
